<compile_context>
chip_gen: v7x
topology: tpu7x:2x2x1
jax: 0.10.2.dev20260603
libtpu: 0.0.44.dev20260713+nightly
codegen_flags: <defaults>
</compile_context>

<pallas_src>
import functools
import math

import jax
import jax.numpy as jnp
from jax import lax
from jax.experimental import pallas as pl
from jax.experimental.pallas import tpu as pltpu
from jax.experimental.pallas import tpu_sc as plsc

B, N1, N2 = 4, 4096, 4096
TI = 2048
NBLK = N1 // TI
BN1 = B * N1


def _acos01(x):
    p = jnp.float32(-0.0012624911)
    for c in (0.0066700901, -0.0170881256, 0.0308918810, -0.0501743046,
              0.0889789874, -0.2145988016, 1.5707963050):
        p = p * x + jnp.float32(c)
    return p * jnp.sqrt(jnp.maximum(1.0 - x, 0.0))


def _nn_body(x1_ref, x2_ref, x2t_ref, idx_ref):
    b = pl.program_id(0)
    x1 = x1_ref[0, 0]
    x2 = x2_ref[0]

    dotsm2 = jax.lax.dot_general(
        x1 * -2.0, x2, (((1,), (1,)), ((), ())), preferred_element_type=jnp.float32
    )
    r0 = x2t_ref[0, 0:1, :]
    r1 = x2t_ref[0, 1:2, :]
    r2 = x2t_ref[0, 2:3, :]
    sq1 = jnp.sum(x1 * x1, axis=1, keepdims=True)
    sq2 = (r0 * r0 + r1 * r1) + r2 * r2

    CH = 128
    d0 = (sq1 + sq2[:, 0:CH]) + dotsm2[:, 0:CH]
    runv = d0
    runi = jnp.zeros((TI, CH), jnp.int32)
    for g in range(1, N2 // CH):
        dg = (sq1 + sq2[:, g * CH:(g + 1) * CH]) + dotsm2[:, g * CH:(g + 1) * CH]
        c = dg < runv
        runv = jnp.where(c, dg, runv)
        runi = jnp.where(c, jnp.int32(g), runi)

    lane = lax.broadcasted_iota(jnp.int32, (TI, CH), 1)
    jfull = runi * CH + lane
    dmin = jnp.min(runv, axis=1, keepdims=True)
    idx = jnp.min(jnp.where(runv <= dmin, jfull, N2), axis=1, keepdims=True)
    idx_ref[0, 0] = idx + b * N2


def _finish_body(xn_ref, g6_ref, dist_ref, ang_ref):
    x1t_ref = xn_ref
    x10 = x1t_ref[0:1, 0:BN1]
    x11 = x1t_ref[1:2, 0:BN1]
    x12 = x1t_ref[2:3, 0:BN1]
    p0 = g6_ref[0:1, :]
    p1 = g6_ref[1:2, :]
    p2 = g6_ref[2:3, :]
    g0 = g6_ref[3:4, :]
    g1 = g6_ref[4:5, :]
    g2 = g6_ref[5:6, :]

    d0, d1, d2 = x10 - p0, x11 - p1, x12 - p2
    dist_ref[0:1, :] = (d0 * d0 + d1 * d1) + d2 * d2

    m0 = xn_ref[0:1, BN1:2 * BN1]
    m1 = xn_ref[1:2, BN1:2 * BN1]
    m2 = xn_ref[2:3, BN1:2 * BN1]
    n1n = jnp.sqrt((m0 * m0 + m1 * m1) + m2 * m2)
    inv1 = 1.0 / jnp.maximum(n1n, 1e-12)
    n2n = jnp.sqrt((g0 * g0 + g1 * g1) + g2 * g2)
    inv2 = 1.0 / jnp.maximum(n2n, 1e-12)
    dotn = (m0 * g0 + m1 * g1) + m2 * g2
    cosang = jnp.abs(dotn * inv1 * inv2)
    angle = _acos01(jnp.clip(cosang, 0.0, 1.0)) * (180.0 / math.pi)
    ang_ref[0:1, :] = angle


def _make_sc_gather():
    info = plsc.get_sparse_core_info()
    NC, NS, L = info.num_cores, info.num_subcores, info.num_lanes
    NW = NC * NS
    b_per_w = BN1 // NW
    nchunk = b_per_w // L
    mesh = plsc.VectorSubcoreMesh(core_axis_name="c", subcore_axis_name="s")

    @functools.partial(
        pl.kernel, mesh=mesh,
        compiler_params=pltpu.CompilerParams(needs_layout_passes=False),
        out_type=jax.ShapeDtypeStruct((6, BN1), jnp.float32),
        scratch_types=[
            pltpu.VMEM((b_per_w,), jnp.int32),
            pltpu.VMEM((6, b_per_w), jnp.int32),
            pltpu.VMEM((6, b_per_w), jnp.float32),
            pltpu.SemaphoreType.DMA,
        ],
    )
    def gather_k(table_hbm, idx_hbm, out_hbm, idx_v, fvk_v, out_v, sem):
        wid = lax.axis_index("s") * NC + lax.axis_index("c")
        base = wid * b_per_w
        pltpu.sync_copy(idx_hbm.at[pl.ds(base, b_per_w)], idx_v)
        for c in range(nchunk):
            iv = idx_v[pl.ds(c * L, L)]
            fv = iv * 6
            for k in range(6):
                fvk_v[k, pl.ds(c * L, L)] = fv + k
        W = 128
        copies = []
        for k in range(6):
            for w in range(b_per_w // W):
                copies.append(pltpu.async_copy(
                    table_hbm.at[fvk_v.at[k, pl.ds(w * W, W)]],
                    out_v.at[k, pl.ds(w * W, W)],
                    sem,
                ))
        for cp in copies:
            cp.wait()
        for k in range(6):
            pltpu.sync_copy(out_v.at[k], out_hbm.at[k, pl.ds(base, b_per_w)])

    return gather_k


_sc_gather = _make_sc_gather()


def kernel(xyz1, xyz2, normal_rebuild, normal_gt):
    x1r = xyz1.reshape(B, NBLK, TI, 3)
    x2t = jnp.transpose(xyz2, (0, 2, 1))

    idxg = pl.pallas_call(
        _nn_body,
        grid=(B, NBLK),
        in_specs=[
            pl.BlockSpec((1, 1, TI, 3), lambda b, i: (b, i, 0, 0)),
            pl.BlockSpec((1, N2, 3), lambda b, i: (b, 0, 0)),
            pl.BlockSpec((1, 3, N2), lambda b, i: (b, 0, 0)),
        ],
        out_specs=pl.BlockSpec((1, 1, TI, 1), lambda b, i: (b, i, 0, 0)),
        out_shape=jax.ShapeDtypeStruct((B, NBLK, TI, 1), jnp.int32),
    )(x1r, xyz2, x2t)

    table = jnp.concatenate([xyz2, normal_gt], axis=2).reshape(B * N2 * 6)
    g6 = _sc_gather(table, idxg.reshape(BN1))

    xn = jnp.transpose(
        jnp.concatenate(
            [xyz1.reshape(BN1, 3), normal_rebuild.reshape(BN1, 3)], axis=0
        ),
        (1, 0),
    )

    dist, ang = pl.pallas_call(
        _finish_body,
        grid=(1,),
        in_specs=[
            pl.BlockSpec((3, 2 * BN1), lambda i: (0, 0)),
            pl.BlockSpec((6, BN1), lambda i: (0, 0)),
        ],
        out_specs=(
            pl.BlockSpec((1, BN1), lambda i: (0, 0)),
            pl.BlockSpec((1, BN1), lambda i: (0, 0)),
        ),
        out_shape=(
            jax.ShapeDtypeStruct((1, BN1), jnp.float32),
            jax.ShapeDtypeStruct((1, BN1), jnp.float32),
        ),
    )(xn, g6)

    return (
        jnp.transpose(g6[0:3, :], (1, 0)).reshape(B, N1, 3),
        jnp.transpose(g6[3:6, :], (1, 0)).reshape(B, N1, 3),
        dist.reshape(B, N1),
        ang.reshape(B, N1),
    )

# --- scband reference (transcript-rebuilt; emitter-appended) ---
"""Pipeline reference for scband-chamfer-distance-l2-withnormal-visual-55482387530092 (READ-ONLY COPY).

The authoritative reference and input builder live on the scoring server;
editing this copy changes nothing except your own understanding.
"""

import math
import jax
import jax.numpy as jnp
import numpy as np

B, N1, N2 = 4, 4096, 4096


def setup_inputs(seed: int = 0) -> dict:
    key = jax.random.key(seed)
    k1, k2, k3, k4 = jax.random.split(key, 4)
    xyz1 = jax.random.normal(k1, (B, N1, 3), dtype=jnp.float32)
    xyz2 = jax.random.normal(k2, (B, N2, 3), dtype=jnp.float32)
    normal_rebuild = jax.random.normal(k3, (B, N1, 3), dtype=jnp.float32)
    normal_gt = jax.random.normal(k4, (B, N2, 3), dtype=jnp.float32)
    return {"xyz1": xyz1, "xyz2": xyz2, "normal_rebuild": normal_rebuild, "normal_gt": normal_gt}


def _nn_idx(x1, x2):
    # brute-force nearest neighbor: idx1[b, i] = argmin_j ||x1[b,i] - x2[b,j]||^2
    sq1 = jnp.sum(x1 * x1, axis=-1)[:, :, None]
    sq2 = jnp.sum(x2 * x2, axis=-1)[:, None, :]
    dots = jnp.einsum("bnd,bmd->bnm", x1, x2)
    d = sq1 + sq2 - 2.0 * dots
    return jnp.argmin(d, axis=2)


def _normalize(x, eps=1e-12):
    # matches torch.nn.functional.normalize(x, dim=2)
    n = jnp.sqrt(jnp.sum(x * x, axis=2, keepdims=True))
    return x / jnp.maximum(n, eps)


def reference(xyz1, xyz2, normal_rebuild, normal_gt):
    idx1 = _nn_idx(xyz1, xyz2)  # int indices into xyz2 / normal_gt, per query point
    idx_e = jnp.broadcast_to(idx1[:, :, None], (xyz1.shape[0], xyz1.shape[1], 3))
    # gather nearest GT points (torch.gather along dim=1)
    nearest_gt_points = jnp.take_along_axis(xyz2, idx_e, axis=1)
    point_dist = jnp.sum((xyz1 - nearest_gt_points) ** 2, axis=2)
    # gather nearest GT normals
    nearest_gt_normal = jnp.take_along_axis(normal_gt, idx_e, axis=1)
    # unoriented included angle in degrees
    n1 = _normalize(normal_rebuild)
    n2 = _normalize(nearest_gt_normal)
    cosang = jnp.abs(jnp.sum(n1 * n2, axis=-1))
    angle = jnp.arccos(jnp.clip(cosang, 0.0, 1.0)) / math.pi * 180.0
    return (nearest_gt_points, nearest_gt_normal, point_dist, angle)

if __name__ == "__main__":
    import jax
    _d = setup_inputs()
    print(jax.jit(kernel)(*tuple(_d.values())))

</pallas_src>

<mosaic_0001>
#map = affine_map<(d0, d1) -> (0)>
#map1 = affine_map<(d0, d1) -> (0, 0)>
module attributes {stable_mosaic.version = 14 : i64} {
  func.func @gather_k(%arg0: i32, %arg1: i32, %arg2: memref<98304xf32, #tpu.memory_space<hbm>>, %arg3: memref<16384xi32, #tpu.memory_space<hbm>>, %arg4: memref<6x16384xf32, #tpu.memory_space<hbm>>, %arg5: memref<512xi32, #tpu.memory_space<vmem>>, %arg6: memref<6x512xi32, #tpu.memory_space<vmem>>, %arg7: memref<6x512xf32, #tpu.memory_space<vmem>>, %arg8: memref<!tpu.dma_semaphore, #tpu.memory_space<semaphore_mem>>) attributes {dimension_semantics = [#tpu.dimension_semantics<core_parallel>, #tpu.dimension_semantics<subcore_parallel>], iteration_bounds = array<i64: 2, 16>, scalar_prefetch = 0 : i64, scratch_operands = 4 : i64, tpu.core_type = #tpu.core_type<sc_vector_subcore>, window_params = [{transform_indices = #map}, {transform_indices = #map}, {transform_indices = #map1}]} {
    %mul3A = arith.constant 2 : i32
    %mul3A_0 = arith.muli %arg1, %mul3A : i32
    %add3A = arith.addi %mul3A_0, %arg0 : i32
    %mul3A_1 = arith.constant 512 : i32
    %mul3A_2 = arith.muli %add3A, %mul3A_1 : i32
    "tpu.region"() ({
      %run_scoped3A_1994 = tpu.sem_alloc : memref<!tpu.dma_semaphore, #tpu.memory_space<semaphore_mem>>
      %dma_start3A_1995 = tpu.memref_slice %arg3[%mul3A_2] : memref<16384xi32, #tpu.memory_space<hbm>> -> memref<512xi32, #tpu.memory_space<hbm>>
      %dma_start3A_1996 = tpu.memref_slice %arg3[%mul3A_2] : memref<16384xi32, #tpu.memory_space<hbm>> -> memref<512xi32, #tpu.memory_space<hbm>>
      tpu.enqueue_dma source(%dma_start3A_1996 : memref<512xi32, #tpu.memory_space<hbm>>) target(%arg5 : memref<512xi32, #tpu.memory_space<vmem>>) target_semaphore(%run_scoped3A_1994 : memref<!tpu.dma_semaphore, #tpu.memory_space<semaphore_mem>>)
      %dma_wait3A_1997 = tpu.memref_slice %arg3[%mul3A_2] : memref<16384xi32, #tpu.memory_space<hbm>> -> memref<512xi32, #tpu.memory_space<hbm>>
      %dma_wait3A_1998 = tpu.memref_slice %arg3[%mul3A_2] : memref<16384xi32, #tpu.memory_space<hbm>> -> memref<512xi32, #tpu.memory_space<hbm>>
      tpu.wait_dma2 semaphore(%run_scoped3A_1994 : memref<!tpu.dma_semaphore, #tpu.memory_space<semaphore_mem>>) src(%dma_wait3A_1998 : memref<512xi32, #tpu.memory_space<hbm>>) dst(%arg5 : memref<512xi32, #tpu.memory_space<vmem>>)
      tpu.yield
    }) : () -> ()
    %get3A = arith.constant 0 : index
    %get3A_3 = tpu.vector_load %arg5[%get3A] {strides = array<i32>} : memref<512xi32, #tpu.memory_space<vmem>>, vector<16xi32>,
    %mul3A_4 = arith.constant 6 : i32
    %mul3A_5 = vector.broadcast %mul3A_4 : i32 to vector<16xi32>
    %mul3A_6 = arith.muli %get3A_3, %mul3A_5 : vector<16xi32>
    %add3A_7 = arith.constant 0 : i32
    %add3A_8 = vector.broadcast %add3A_7 : i32 to vector<16xi32>
    %add3A_9 = arith.addi %mul3A_6, %add3A_8 : vector<16xi32>
    %swap3A = arith.constant 0 : i32
    %swap3A_10 = arith.index_cast %swap3A : i32 to index
    %swap3A_11 = arith.constant 0 : index
    %swap3A_12 = tpu.vector_load %arg6[%swap3A_10, %swap3A_11] {strides = array<i32>} : memref<6x512xi32, #tpu.memory_space<vmem>>, vector<16xi32>,
    tpu.vector_store %arg6[%swap3A_10, %swap3A_11], %add3A_9 {strides = array<i32>} : memref<6x512xi32, #tpu.memory_space<vmem>>, vector<16xi32>,
    %add3A_13 = arith.constant 1 : i32
    %add3A_14 = vector.broadcast %add3A_13 : i32 to vector<16xi32>
    %add3A_15 = arith.addi %mul3A_6, %add3A_14 : vector<16xi32>
    %swap3A_16 = arith.constant 1 : i32
    %swap3A_17 = arith.index_cast %swap3A_16 : i32 to index
    %swap3A_18 = arith.constant 0 : index
    %swap3A_19 = tpu.vector_load %arg6[%swap3A_17, %swap3A_18] {strides = array<i32>} : memref<6x512xi32, #tpu.memory_space<vmem>>, vector<16xi32>,
    tpu.vector_store %arg6[%swap3A_17, %swap3A_18], %add3A_15 {strides = array<i32>} : memref<6x512xi32, #tpu.memory_space<vmem>>, vector<16xi32>,
    %add3A_20 = arith.constant 2 : i32
    %add3A_21 = vector.broadcast %add3A_20 : i32 to vector<16xi32>
    %add3A_22 = arith.addi %mul3A_6, %add3A_21 : vector<16xi32>
    %swap3A_23 = arith.constant 2 : i32
    %swap3A_24 = arith.index_cast %swap3A_23 : i32 to index
    %swap3A_25 = arith.constant 0 : index
    %swap3A_26 = tpu.vector_load %arg6[%swap3A_24, %swap3A_25] {strides = array<i32>} : memref<6x512xi32, #tpu.memory_space<vmem>>, vector<16xi32>,
    tpu.vector_store %arg6[%swap3A_24, %swap3A_25], %add3A_22 {strides = array<i32>} : memref<6x512xi32, #tpu.memory_space<vmem>>, vector<16xi32>,
    %add3A_27 = arith.constant 3 : i32
    %add3A_28 = vector.broadcast %add3A_27 : i32 to vector<16xi32>
    %add3A_29 = arith.addi %mul3A_6, %add3A_28 : vector<16xi32>
    %swap3A_30 = arith.constant 3 : i32
    %swap3A_31 = arith.index_cast %swap3A_30 : i32 to index
    %swap3A_32 = arith.constant 0 : index
    %swap3A_33 = tpu.vector_load %arg6[%swap3A_31, %swap3A_32] {strides = array<i32>} : memref<6x512xi32, #tpu.memory_space<vmem>>, vector<16xi32>,
    tpu.vector_store %arg6[%swap3A_31, %swap3A_32], %add3A_29 {strides = array<i32>} : memref<6x512xi32, #tpu.memory_space<vmem>>, vector<16xi32>,
    %add3A_34 = arith.constant 4 : i32
    %add3A_35 = vector.broadcast %add3A_34 : i32 to vector<16xi32>
    %add3A_36 = arith.addi %mul3A_6, %add3A_35 : vector<16xi32>
    %swap3A_37 = arith.constant 4 : i32
    %swap3A_38 = arith.index_cast %swap3A_37 : i32 to index
    %swap3A_39 = arith.constant 0 : index
    %swap3A_40 = tpu.vector_load %arg6[%swap3A_38, %swap3A_39] {strides = array<i32>} : memref<6x512xi32, #tpu.memory_space<vmem>>, vector<16xi32>,
    tpu.vector_store %arg6[%swap3A_38, %swap3A_39], %add3A_36 {strides = array<i32>} : memref<6x512xi32, #tpu.memory_space<vmem>>, vector<16xi32>,
    %add3A_41 = arith.constant 5 : i32
    %add3A_42 = vector.broadcast %add3A_41 : i32 to vector<16xi32>
    %add3A_43 = arith.addi %mul3A_6, %add3A_42 : vector<16xi32>
    %swap3A_44 = arith.constant 5 : i32
    %swap3A_45 = arith.index_cast %swap3A_44 : i32 to index
    %swap3A_46 = arith.constant 0 : index
    %swap3A_47 = tpu.vector_load %arg6[%swap3A_45, %swap3A_46] {strides = array<i32>} : memref<6x512xi32, #tpu.memory_space<vmem>>, vector<16xi32>,
    tpu.vector_store %arg6[%swap3A_45, %swap3A_46], %add3A_43 {strides = array<i32>} : memref<6x512xi32, #tpu.memory_space<vmem>>, vector<16xi32>,
    %get3A_48 = arith.constant 16 : index
    %get3A_49 = tpu.vector_load %arg5[%get3A_48] {strides = array<i32>} : memref<512xi32, #tpu.memory_space<vmem>>, vector<16xi32>,
    %mul3A_50 = arith.constant 6 : i32
    %mul3A_51 = vector.broadcast %mul3A_50 : i32 to vector<16xi32>
    %mul3A_52 = arith.muli %get3A_49, %mul3A_51 : vector<16xi32>
    %add3A_53 = arith.constant 0 : i32
    %add3A_54 = vector.broadcast %add3A_53 : i32 to vector<16xi32>
    %add3A_55 = arith.addi %mul3A_52, %add3A_54 : vector<16xi32>
    %swap3A_56 = arith.constant 0 : i32
    %swap3A_57 = arith.index_cast %swap3A_56 : i32 to index
    %swap3A_58 = arith.constant 16 : index
    %swap3A_59 = tpu.vector_load %arg6[%swap3A_57, %swap3A_58] {strides = array<i32>} : memref<6x512xi32, #tpu.memory_space<vmem>>, vector<16xi32>,
    tpu.vector_store %arg6[%swap3A_57, %swap3A_58], %add3A_55 {strides = array<i32>} : memref<6x512xi32, #tpu.memory_space<vmem>>, vector<16xi32>,
    %add3A_60 = arith.constant 1 : i32
    %add3A_61 = vector.broadcast %add3A_60 : i32 to vector<16xi32>
    %add3A_62 = arith.addi %mul3A_52, %add3A_61 : vector<16xi32>
    %swap3A_63 = arith.constant 1 : i32
    %swap3A_64 = arith.index_cast %swap3A_63 : i32 to index
    %swap3A_65 = arith.constant 16 : index
    %swap3A_66 = tpu.vector_load %arg6[%swap3A_64, %swap3A_65] {strides = array<i32>} : memref<6x512xi32, #tpu.memory_space<vmem>>, vector<16xi32>,
    tpu.vector_store %arg6[%swap3A_64, %swap3A_65], %add3A_62 {strides = array<i32>} : memref<6x512xi32, #tpu.memory_space<vmem>>, vector<16xi32>,
    %add3A_67 = arith.constant 2 : i32
    %add3A_68 = vector.broadcast %add3A_67 : i32 to vector<16xi32>
    %add3A_69 = arith.addi %mul3A_52, %add3A_68 : vector<16xi32>
    %swap3A_70 = arith.constant 2 : i32
    %swap3A_71 = arith.index_cast %swap3A_70 : i32 to index
    %swap3A_72 = arith.constant 16 : index
    %swap3A_73 = tpu.vector_load %arg6[%swap3A_71, %swap3A_72] {strides = array<i32>} : memref<6x512xi32, #tpu.memory_space<vmem>>, vector<16xi32>,
    tpu.vector_store %arg6[%swap3A_71, %swap3A_72], %add3A_69 {strides = array<i32>} : memref<6x512xi32, #tpu.memory_space<vmem>>, vector<16xi32>,
    %add3A_74 = arith.constant 3 : i32
    %add3A_75 = vector.broadcast %add3A_74 : i32 to vector<16xi32>
    %add3A_76 = arith.addi %mul3A_52, %add3A_75 : vector<16xi32>
    %swap3A_77 = arith.constant 3 : i32
    %swap3A_78 = arith.index_cast %swap3A_77 : i32 to index
    %swap3A_79 = arith.constant 16 : index
    %swap3A_80 = tpu.vector_load %arg6[%swap3A_78, %swap3A_79] {strides = array<i32>} : memref<6x512xi32, #tpu.memory_space<vmem>>, vector<16xi32>,
    tpu.vector_store %arg6[%swap3A_78, %swap3A_79], %add3A_76 {strides = array<i32>} : memref<6x512xi32, #tpu.memory_space<vmem>>, vector<16xi32>,
    %add3A_81 = arith.constant 4 : i32
    %add3A_82 = vector.broadcast %add3A_81 : i32 to vector<16xi32>
    %add3A_83 = arith.addi %mul3A_52, %add3A_82 : vector<16xi32>
    %swap3A_84 = arith.constant 4 : i32
    %swap3A_85 = arith.index_cast %swap3A_84 : i32 to index
    %swap3A_86 = arith.constant 16 : index
    %swap3A_87 = tpu.vector_load %arg6[%swap3A_85, %swap3A_86] {strides = array<i32>} : memref<6x512xi32, #tpu.memory_space<vmem>>, vector<16xi32>,
    tpu.vector_store %arg6[%swap3A_85, %swap3A_86], %add3A_83 {strides = array<i32>} : memref<6x512xi32, #tpu.memory_space<vmem>>, vector<16xi32>,
    %add3A_88 = arith.constant 5 : i32
    %add3A_89 = vector.broadcast %add3A_88 : i32 to vector<16xi32>
    %add3A_90 = arith.addi %mul3A_52, %add3A_89 : vector<16xi32>
    %swap3A_91 = arith.constant 5 : i32
    %swap3A_92 = arith.index_cast %swap3A_91 : i32 to index
    %swap3A_93 = arith.constant 16 : index
    %swap3A_94 = tpu.vector_load %arg6[%swap3A_92, %swap3A_93] {strides = array<i32>} : memref<6x512xi32, #tpu.memory_space<vmem>>, vector<16xi32>,
    tpu.vector_store %arg6[%swap3A_92, %swap3A_93], %add3A_90 {strides = array<i32>} : memref<6x512xi32, #tpu.memory_space<vmem>>, vector<16xi32>,
    %get3A_95 = arith.constant 32 : index
    %get3A_96 = tpu.vector_load %arg5[%get3A_95] {strides = array<i32>} : memref<512xi32, #tpu.memory_space<vmem>>, vector<16xi32>,
    %mul3A_97 = arith.constant 6 : i32
    %mul3A_98 = vector.broadcast %mul3A_97 : i32 to vector<16xi32>
    %mul3A_99 = arith.muli %get3A_96, %mul3A_98 : vector<16xi32>
    %add3A_100 = arith.constant 0 : i32
    %add3A_101 = vector.broadcast %add3A_100 : i32 to vector<16xi32>
    %add3A_102 = arith.addi %mul3A_99, %add3A_101 : vector<16xi32>
    %swap3A_103 = arith.constant 0 : i32
    %swap3A_104 = arith.index_cast %swap3A_103 : i32 to index
    %swap3A_105 = arith.constant 32 : index
    %swap3A_106 = tpu.vector_load %arg6[%swap3A_104, %swap3A_105] {strides = array<i32>} : memref<6x512xi32, #tpu.memory_space<vmem>>, vector<16xi32>,
    tpu.vector_store %arg6[%swap3A_104, %swap3A_105], %add3A_102 {strides = array<i32>} : memref<6x512xi32, #tpu.memory_space<vmem>>, vector<16xi32>,
    %add3A_107 = arith.constant 1 : i32
    %add3A_108 = vector.broadcast %add3A_107 : i32 to vector<16xi32>
    %add3A_109 = arith.addi %mul3A_99, %add3A_108 : vector<16xi32>
    %swap3A_110 = arith.constant 1 : i32
    %swap3A_111 = arith.index_cast %swap3A_110 : i32 to index
    %swap3A_112 = arith.constant 32 : index
    %swap3A_113 = tpu.vector_load %arg6[%swap3A_111, %swap3A_112] {strides = array<i32>} : memref<6x512xi32, #tpu.memory_space<vmem>>, vector<16xi32>,
    tpu.vector_store %arg6[%swap3A_111, %swap3A_112], %add3A_109 {strides = array<i32>} : memref<6x512xi32, #tpu.memory_space<vmem>>, vector<16xi32>,
    %add3A_114 = arith.constant 2 : i32
    %add3A_115 = vector.broadcast %add3A_114 : i32 to vector<16xi32>
    %add3A_116 = arith.addi %mul3A_99, %add3A_115 : vector<16xi32>
    %swap3A_117 = arith.constant 2 : i32
    %swap3A_118 = arith.index_cast %swap3A_117 : i32 to index
    %swap3A_119 = arith.constant 32 : index
    %swap3A_120 = tpu.vector_load %arg6[%swap3A_118, %swap3A_119] {strides = array<i32>} : memref<6x512xi32, #tpu.memory_space<vmem>>, vector<16xi32>,
    tpu.vector_store %arg6[%swap3A_118, %swap3A_119], %add3A_116 {strides = array<i32>} : memref<6x512xi32, #tpu.memory_space<vmem>>, vector<16xi32>,
    %add3A_121 = arith.constant 3 : i32
    %add3A_122 = vector.broadcast %add3A_121 : i32 to vector<16xi32>
    %add3A_123 = arith.addi %mul3A_99, %add3A_122 : vector<16xi32>
    %swap3A_124 = arith.constant 3 : i32
    %swap3A_125 = arith.index_cast %swap3A_124 : i32 to index
    %swap3A_126 = arith.constant 32 : index
    %swap3A_127 = tpu.vector_load %arg6[%swap3A_125, %swap3A_126] {strides = array<i32>} : memref<6x512xi32, #tpu.memory_space<vmem>>, vector<16xi32>,
    tpu.vector_store %arg6[%swap3A_125, %swap3A_126], %add3A_123 {strides = array<i32>} : memref<6x512xi32, #tpu.memory_space<vmem>>, vector<16xi32>,
    %add3A_128 = arith.constant 4 : i32
    %add3A_129 = vector.broadcast %add3A_128 : i32 to vector<16xi32>
    %add3A_130 = arith.addi %mul3A_99, %add3A_129 : vector<16xi32>
    %swap3A_131 = arith.constant 4 : i32
    %swap3A_132 = arith.index_cast %swap3A_131 : i32 to index
    %swap3A_133 = arith.constant 32 : index
    %swap3A_134 = tpu.vector_load %arg6[%swap3A_132, %swap3A_133] {strides = array<i32>} : memref<6x512xi32, #tpu.memory_space<vmem>>, vector<16xi32>,
    tpu.vector_store %arg6[%swap3A_132, %swap3A_133], %add3A_130 {strides = array<i32>} : memref<6x512xi32, #tpu.memory_space<vmem>>, vector<16xi32>,
    %add3A_135 = arith.constant 5 : i32
    %add3A_136 = vector.broadcast %add3A_135 : i32 to vector<16xi32>
    %add3A_137 = arith.addi %mul3A_99, %add3A_136 : vector<16xi32>
    %swap3A_138 = arith.constant 5 : i32
    %swap3A_139 = arith.index_cast %swap3A_138 : i32 to index
    %swap3A_140 = arith.constant 32 : index
    %swap3A_141 = tpu.vector_load %arg6[%swap3A_139, %swap3A_140] {strides = array<i32>} : memref<6x512xi32, #tpu.memory_space<vmem>>, vector<16xi32>,
    tpu.vector_store %arg6[%swap3A_139, %swap3A_140], %add3A_137 {strides = array<i32>} : memref<6x512xi32, #tpu.memory_space<vmem>>, vector<16xi32>,
    %get3A_142 = arith.constant 48 : index
    %get3A_143 = tpu.vector_load %arg5[%get3A_142] {strides = array<i32>} : memref<512xi32, #tpu.memory_space<vmem>>, vector<16xi32>,
    %mul3A_144 = arith.constant 6 : i32
    %mul3A_145 = vector.broadcast %mul3A_144 : i32 to vector<16xi32>
    %mul3A_146 = arith.muli %get3A_143, %mul3A_145 : vector<16xi32>
    %add3A_147 = arith.constant 0 : i32
    %add3A_148 = vector.broadcast %add3A_147 : i32 to vector<16xi32>
    %add3A_149 = arith.addi %mul3A_146, %add3A_148 : vector<16xi32>
    %swap3A_150 = arith.constant 0 : i32
    %swap3A_151 = arith.index_cast %swap3A_150 : i32 to index
    %swap3A_152 = arith.constant 48 : index
    %swap3A_153 = tpu.vector_load %arg6[%swap3A_151, %swap3A_152] {strides = array<i32>} : memref<6x512xi32, #tpu.memory_space<vmem>>, vector<16xi32>,
    tpu.vector_store %arg6[%swap3A_151, %swap3A_152], %add3A_149 {strides = array<i32>} : memref<6x512xi32, #tpu.memory_space<vmem>>, vector<16xi32>,
    %add3A_154 = arith.constant 1 : i32
    %add3A_155 = vector.broadcast %add3A_154 : i32 to vector<16xi32>
    %add3A_156 = arith.addi %mul3A_146, %add3A_155 : vector<16xi32>
    %swap3A_157 = arith.constant 1 : i32
    %swap3A_158 = arith.index_cast %swap3A_157 : i32 to index
    %swap3A_159 = arith.constant 48 : index
    %swap3A_160 = tpu.vector_load %arg6[%swap3A_158, %swap3A_159] {strides = array<i32>} : memref<6x512xi32, #tpu.memory_space<vmem>>, vector<16xi32>,
    tpu.vector_store %arg6[%swap3A_158, %swap3A_159], %add3A_156 {strides = array<i32>} : memref<6x512xi32, #tpu.memory_space<vmem>>, vector<16xi32>,
    %add3A_161 = arith.constant 2 : i32
    %add3A_162 = vector.broadcast %add3A_161 : i32 to vector<16xi32>
    %add3A_163 = arith.addi %mul3A_146, %add3A_162 : vector<16xi32>
    %swap3A_164 = arith.constant 2 : i32
    %swap3A_165 = arith.index_cast %swap3A_164 : i32 to index
    %swap3A_166 = arith.constant 48 : index
    %swap3A_167 = tpu.vector_load %arg6[%swap3A_165, %swap3A_166] {strides = array<i32>} : memref<6x512xi32, #tpu.memory_space<vmem>>, vector<16xi32>,
    tpu.vector_store %arg6[%swap3A_165, %swap3A_166], %add3A_163 {strides = array<i32>} : memref<6x512xi32, #tpu.memory_space<vmem>>, vector<16xi32>,
    %add3A_168 = arith.constant 3 : i32
    %add3A_169 = vector.broadcast %add3A_168 : i32 to vector<16xi32>
    %add3A_170 = arith.addi %mul3A_146, %add3A_169 : vector<16xi32>
    %swap3A_171 = arith.constant 3 : i32
    %swap3A_172 = arith.index_cast %swap3A_171 : i32 to index
    %swap3A_173 = arith.constant 48 : index
    %swap3A_174 = tpu.vector_load %arg6[%swap3A_172, %swap3A_173] {strides = array<i32>} : memref<6x512xi32, #tpu.memory_space<vmem>>, vector<16xi32>,
    tpu.vector_store %arg6[%swap3A_172, %swap3A_173], %add3A_170 {strides = array<i32>} : memref<6x512xi32, #tpu.memory_space<vmem>>, vector<16xi32>,
    %add3A_175 = arith.constant 4 : i32
    %add3A_176 = vector.broadcast %add3A_175 : i32 to vector<16xi32>
    %add3A_177 = arith.addi %mul3A_146, %add3A_176 : vector<16xi32>
    %swap3A_178 = arith.constant 4 : i32
    %swap3A_179 = arith.index_cast %swap3A_178 : i32 to index
    %swap3A_180 = arith.constant 48 : index
    %swap3A_181 = tpu.vector_load %arg6[%swap3A_179, %swap3A_180] {strides = array<i32>} : memref<6x512xi32, #tpu.memory_space<vmem>>, vector<16xi32>,
    tpu.vector_store %arg6[%swap3A_179, %swap3A_180], %add3A_177 {strides = array<i32>} : memref<6x512xi32, #tpu.memory_space<vmem>>, vector<16xi32>,
    %add3A_182 = arith.constant 5 : i32
    %add3A_183 = vector.broadcast %add3A_182 : i32 to vector<16xi32>
    %add3A_184 = arith.addi %mul3A_146, %add3A_183 : vector<16xi32>
    %swap3A_185 = arith.constant 5 : i32
    %swap3A_186 = arith.index_cast %swap3A_185 : i32 to index
    %swap3A_187 = arith.constant 48 : index
    %swap3A_188 = tpu.vector_load %arg6[%swap3A_186, %swap3A_187] {strides = array<i32>} : memref<6x512xi32, #tpu.memory_space<vmem>>, vector<16xi32>,
    tpu.vector_store %arg6[%swap3A_186, %swap3A_187], %add3A_184 {strides = array<i32>} : memref<6x512xi32, #tpu.memory_space<vmem>>, vector<16xi32>,
    %get3A_189 = arith.constant 64 : index
    %get3A_190 = tpu.vector_load %arg5[%get3A_189] {strides = array<i32>} : memref<512xi32, #tpu.memory_space<vmem>>, vector<16xi32>,
    %mul3A_191 = arith.constant 6 : i32
    %mul3A_192 = vector.broadcast %mul3A_191 : i32 to vector<16xi32>
    %mul3A_193 = arith.muli %get3A_190, %mul3A_192 : vector<16xi32>
    %add3A_194 = arith.constant 0 : i32
    %add3A_195 = vector.broadcast %add3A_194 : i32 to vector<16xi32>
    %add3A_196 = arith.addi %mul3A_193, %add3A_195 : vector<16xi32>
    %swap3A_197 = arith.constant 0 : i32
    %swap3A_198 = arith.index_cast %swap3A_197 : i32 to index
    %swap3A_199 = arith.constant 64 : index
    %swap3A_200 = tpu.vector_load %arg6[%swap3A_198, %swap3A_199] {strides = array<i32>} : memref<6x512xi32, #tpu.memory_space<vmem>>, vector<16xi32>,
    tpu.vector_store %arg6[%swap3A_198, %swap3A_199], %add3A_196 {strides = array<i32>} : memref<6x512xi32, #tpu.memory_space<vmem>>, vector<16xi32>,
    %add3A_201 = arith.constant 1 : i32
    %add3A_202 = vector.broadcast %add3A_201 : i32 to vector<16xi32>
    %add3A_203 = arith.addi %mul3A_193, %add3A_202 : vector<16xi32>
    %swap3A_204 = arith.constant 1 : i32
    %swap3A_205 = arith.index_cast %swap3A_204 : i32 to index
    %swap3A_206 = arith.constant 64 : index
    %swap3A_207 = tpu.vector_load %arg6[%swap3A_205, %swap3A_206] {strides = array<i32>} : memref<6x512xi32, #tpu.memory_space<vmem>>, vector<16xi32>,
    tpu.vector_store %arg6[%swap3A_205, %swap3A_206], %add3A_203 {strides = array<i32>} : memref<6x512xi32, #tpu.memory_space<vmem>>, vector<16xi32>,
    %add3A_208 = arith.constant 2 : i32
    %add3A_209 = vector.broadcast %add3A_208 : i32 to vector<16xi32>
    %add3A_210 = arith.addi %mul3A_193, %add3A_209 : vector<16xi32>
    %swap3A_211 = arith.constant 2 : i32
    %swap3A_212 = arith.index_cast %swap3A_211 : i32 to index
    %swap3A_213 = arith.constant 64 : index
    %swap3A_214 = tpu.vector_load %arg6[%swap3A_212, %swap3A_213] {strides = array<i32>} : memref<6x512xi32, #tpu.memory_space<vmem>>, vector<16xi32>,
    tpu.vector_store %arg6[%swap3A_212, %swap3A_213], %add3A_210 {strides = array<i32>} : memref<6x512xi32, #tpu.memory_space<vmem>>, vector<16xi32>,
    %add3A_215 = arith.constant 3 : i32
    %add3A_216 = vector.broadcast %add3A_215 : i32 to vector<16xi32>
    %add3A_217 = arith.addi %mul3A_193, %add3A_216 : vector<16xi32>
    %swap3A_218 = arith.constant 3 : i32
    %swap3A_219 = arith.index_cast %swap3A_218 : i32 to index
    %swap3A_220 = arith.constant 64 : index
    %swap3A_221 = tpu.vector_load %arg6[%swap3A_219, %swap3A_220] {strides = array<i32>} : memref<6x512xi32, #tpu.memory_space<vmem>>, vector<16xi32>,
    tpu.vector_store %arg6[%swap3A_219, %swap3A_220], %add3A_217 {strides = array<i32>} : memref<6x512xi32, #tpu.memory_space<vmem>>, vector<16xi32>,
    %add3A_222 = arith.constant 4 : i32
    %add3A_223 = vector.broadcast %add3A_222 : i32 to vector<16xi32>
    %add3A_224 = arith.addi %mul3A_193, %add3A_223 : vector<16xi32>
    %swap3A_225 = arith.constant 4 : i32
    %swap3A_226 = arith.index_cast %swap3A_225 : i32 to index
    %swap3A_227 = arith.constant 64 : index
    %swap3A_228 = tpu.vector_load %arg6[%swap3A_226, %swap3A_227] {strides = array<i32>} : memref<6x512xi32, #tpu.memory_space<vmem>>, vector<16xi32>,
    tpu.vector_store %arg6[%swap3A_226, %swap3A_227], %add3A_224 {strides = array<i32>} : memref<6x512xi32, #tpu.memory_space<vmem>>, vector<16xi32>,
    %add3A_229 = arith.constant 5 : i32
    %add3A_230 = vector.broadcast %add3A_229 : i32 to vector<16xi32>
    %add3A_231 = arith.addi %mul3A_193, %add3A_230 : vector<16xi32>
    %swap3A_232 = arith.constant 5 : i32
    %swap3A_233 = arith.index_cast %swap3A_232 : i32 to index
    %swap3A_234 = arith.constant 64 : index
    %swap3A_235 = tpu.vector_load %arg6[%swap3A_233, %swap3A_234] {strides = array<i32>} : memref<6x512xi32, #tpu.memory_space<vmem>>, vector<16xi32>,
    tpu.vector_store %arg6[%swap3A_233, %swap3A_234], %add3A_231 {strides = array<i32>} : memref<6x512xi32, #tpu.memory_space<vmem>>, vector<16xi32>,
    %get3A_236 = arith.constant 80 : index
    %get3A_237 = tpu.vector_load %arg5[%get3A_236] {strides = array<i32>} : memref<512xi32, #tpu.memory_space<vmem>>, vector<16xi32>,
    %mul3A_238 = arith.constant 6 : i32
    %mul3A_239 = vector.broadcast %mul3A_238 : i32 to vector<16xi32>
    %mul3A_240 = arith.muli %get3A_237, %mul3A_239 : vector<16xi32>
    %add3A_241 = arith.constant 0 : i32
    %add3A_242 = vector.broadcast %add3A_241 : i32 to vector<16xi32>
    %add3A_243 = arith.addi %mul3A_240, %add3A_242 : vector<16xi32>
    %swap3A_244 = arith.constant 0 : i32
    %swap3A_245 = arith.index_cast %swap3A_244 : i32 to index
    %swap3A_246 = arith.constant 80 : index
    %swap3A_247 = tpu.vector_load %arg6[%swap3A_245, %swap3A_246] {strides = array<i32>} : memref<6x512xi32, #tpu.memory_space<vmem>>, vector<16xi32>,
    tpu.vector_store %arg6[%swap3A_245, %swap3A_246], %add3A_243 {strides = array<i32>} : memref<6x512xi32, #tpu.memory_space<vmem>>, vector<16xi32>,
    %add3A_248 = arith.constant 1 : i32
    %add3A_249 = vector.broadcast %add3A_248 : i32 to vector<16xi32>
    %add3A_250 = arith.addi %mul3A_240, %add3A_249 : vector<16xi32>
    %swap3A_251 = arith.constant 1 : i32
    %swap3A_252 = arith.index_cast %swap3A_251 : i32 to index
    %swap3A_253 = arith.constant 80 : index
    %swap3A_254 = tpu.vector_load %arg6[%swap3A_252, %swap3A_253] {strides = array<i32>} : memref<6x512xi32, #tpu.memory_space<vmem>>, vector<16xi32>,
    tpu.vector_store %arg6[%swap3A_252, %swap3A_253], %add3A_250 {strides = array<i32>} : memref<6x512xi32, #tpu.memory_space<vmem>>, vector<16xi32>,
    %add3A_255 = arith.constant 2 : i32
    %add3A_256 = vector.broadcast %add3A_255 : i32 to vector<16xi32>
    %add3A_257 = arith.addi %mul3A_240, %add3A_256 : vector<16xi32>
    %swap3A_258 = arith.constant 2 : i32
    %swap3A_259 = arith.index_cast %swap3A_258 : i32 to index
    %swap3A_260 = arith.constant 80 : index
    %swap3A_261 = tpu.vector_load %arg6[%swap3A_259, %swap3A_260] {strides = array<i32>} : memref<6x512xi32, #tpu.memory_space<vmem>>, vector<16xi32>,
    tpu.vector_store %arg6[%swap3A_259, %swap3A_260], %add3A_257 {strides = array<i32>} : memref<6x512xi32, #tpu.memory_space<vmem>>, vector<16xi32>,
    %add3A_262 = arith.constant 3 : i32
    %add3A_263 = vector.broadcast %add3A_262 : i32 to vector<16xi32>
    %add3A_264 = arith.addi %mul3A_240, %add3A_263 : vector<16xi32>
    %swap3A_265 = arith.constant 3 : i32
    %swap3A_266 = arith.index_cast %swap3A_265 : i32 to index
    %swap3A_267 = arith.constant 80 : index
    %swap3A_268 = tpu.vector_load %arg6[%swap3A_266, %swap3A_267] {strides = array<i32>} : memref<6x512xi32, #tpu.memory_space<vmem>>, vector<16xi32>,
    tpu.vector_store %arg6[%swap3A_266, %swap3A_267], %add3A_264 {strides = array<i32>} : memref<6x512xi32, #tpu.memory_space<vmem>>, vector<16xi32>,
    %add3A_269 = arith.constant 4 : i32
    %add3A_270 = vector.broadcast %add3A_269 : i32 to vector<16xi32>
    %add3A_271 = arith.addi %mul3A_240, %add3A_270 : vector<16xi32>
    %swap3A_272 = arith.constant 4 : i32
    %swap3A_273 = arith.index_cast %swap3A_272 : i32 to index
    %swap3A_274 = arith.constant 80 : index
    %swap3A_275 = tpu.vector_load %arg6[%swap3A_273, %swap3A_274] {strides = array<i32>} : memref<6x512xi32, #tpu.memory_space<vmem>>, vector<16xi32>,
    tpu.vector_store %arg6[%swap3A_273, %swap3A_274], %add3A_271 {strides = array<i32>} : memref<6x512xi32, #tpu.memory_space<vmem>>, vector<16xi32>,
    %add3A_276 = arith.constant 5 : i32
    %add3A_277 = vector.broadcast %add3A_276 : i32 to vector<16xi32>
    %add3A_278 = arith.addi %mul3A_240, %add3A_277 : vector<16xi32>
    %swap3A_279 = arith.constant 5 : i32
    %swap3A_280 = arith.index_cast %swap3A_279 : i32 to index
    %swap3A_281 = arith.constant 80 : index
    %swap3A_282 = tpu.vector_load %arg6[%swap3A_280, %swap3A_281] {strides = array<i32>} : memref<6x512xi32, #tpu.memory_space<vmem>>, vector<16xi32>,
    tpu.vector_store %arg6[%swap3A_280, %swap3A_281], %add3A_278 {strides = array<i32>} : memref<6x512xi32, #tpu.memory_space<vmem>>, vector<16xi32>,
    %get3A_283 = arith.constant 96 : index
    %get3A_284 = tpu.vector_load %arg5[%get3A_283] {strides = array<i32>} : memref<512xi32, #tpu.memory_space<vmem>>, vector<16xi32>,
    %mul3A_285 = arith.constant 6 : i32
    %mul3A_286 = vector.broadcast %mul3A_285 : i32 to vector<16xi32>
    %mul3A_287 = arith.muli %get3A_284, %mul3A_286 : vector<16xi32>
    %add3A_288 = arith.constant 0 : i32
    %add3A_289 = vector.broadcast %add3A_288 : i32 to vector<16xi32>
    %add3A_290 = arith.addi %mul3A_287, %add3A_289 : vector<16xi32>
    %swap3A_291 = arith.constant 0 : i32
    %swap3A_292 = arith.index_cast %swap3A_291 : i32 to index
    %swap3A_293 = arith.constant 96 : index
    %swap3A_294 = tpu.vector_load %arg6[%swap3A_292, %swap3A_293] {strides = array<i32>} : memref<6x512xi32, #tpu.memory_space<vmem>>, vector<16xi32>,
    tpu.vector_store %arg6[%swap3A_292, %swap3A_293], %add3A_290 {strides = array<i32>} : memref<6x512xi32, #tpu.memory_space<vmem>>, vector<16xi32>,
    %add3A_295 = arith.constant 1 : i32
    %add3A_296 = vector.broadcast %add3A_295 : i32 to vector<16xi32>
    %add3A_297 = arith.addi %mul3A_287, %add3A_296 : vector<16xi32>
    %swap3A_298 = arith.constant 1 : i32
    %swap3A_299 = arith.index_cast %swap3A_298 : i32 to index
    %swap3A_300 = arith.constant 96 : index
    %swap3A_301 = tpu.vector_load %arg6[%swap3A_299, %swap3A_300] {strides = array<i32>} : memref<6x512xi32, #tpu.memory_space<vmem>>, vector<16xi32>,
    tpu.vector_store %arg6[%swap3A_299, %swap3A_300], %add3A_297 {strides = array<i32>} : memref<6x512xi32, #tpu.memory_space<vmem>>, vector<16xi32>,
    %add3A_302 = arith.constant 2 : i32
    %add3A_303 = vector.broadcast %add3A_302 : i32 to vector<16xi32>
    %add3A_304 = arith.addi %mul3A_287, %add3A_303 : vector<16xi32>
    %swap3A_305 = arith.constant 2 : i32
    %swap3A_306 = arith.index_cast %swap3A_305 : i32 to index
    %swap3A_307 = arith.constant 96 : index
    %swap3A_308 = tpu.vector_load %arg6[%swap3A_306, %swap3A_307] {strides = array<i32>} : memref<6x512xi32, #tpu.memory_space<vmem>>, vector<16xi32>,
    tpu.vector_store %arg6[%swap3A_306, %swap3A_307], %add3A_304 {strides = array<i32>} : memref<6x512xi32, #tpu.memory_space<vmem>>, vector<16xi32>,
    %add3A_309 = arith.constant 3 : i32
    %add3A_310 = vector.broadcast %add3A_309 : i32 to vector<16xi32>
    %add3A_311 = arith.addi %mul3A_287, %add3A_310 : vector<16xi32>
    %swap3A_312 = arith.constant 3 : i32
    %swap3A_313 = arith.index_cast %swap3A_312 : i32 to index
    %swap3A_314 = arith.constant 96 : index
    %swap3A_315 = tpu.vector_load %arg6[%swap3A_313, %swap3A_314] {strides = array<i32>} : memref<6x512xi32, #tpu.memory_space<vmem>>, vector<16xi32>,
    tpu.vector_store %arg6[%swap3A_313, %swap3A_314], %add3A_311 {strides = array<i32>} : memref<6x512xi32, #tpu.memory_space<vmem>>, vector<16xi32>,
    %add3A_316 = arith.constant 4 : i32
    %add3A_317 = vector.broadcast %add3A_316 : i32 to vector<16xi32>
    %add3A_318 = arith.addi %mul3A_287, %add3A_317 : vector<16xi32>
    %swap3A_319 = arith.constant 4 : i32
    %swap3A_320 = arith.index_cast %swap3A_319 : i32 to index
    %swap3A_321 = arith.constant 96 : index
    %swap3A_322 = tpu.vector_load %arg6[%swap3A_320, %swap3A_321] {strides = array<i32>} : memref<6x512xi32, #tpu.memory_space<vmem>>, vector<16xi32>,
    tpu.vector_store %arg6[%swap3A_320, %swap3A_321], %add3A_318 {strides = array<i32>} : memref<6x512xi32, #tpu.memory_space<vmem>>, vector<16xi32>,
    %add3A_323 = arith.constant 5 : i32
    %add3A_324 = vector.broadcast %add3A_323 : i32 to vector<16xi32>
    %add3A_325 = arith.addi %mul3A_287, %add3A_324 : vector<16xi32>
    %swap3A_326 = arith.constant 5 : i32
    %swap3A_327 = arith.index_cast %swap3A_326 : i32 to index
    %swap3A_328 = arith.constant 96 : index
    %swap3A_329 = tpu.vector_load %arg6[%swap3A_327, %swap3A_328] {strides = array<i32>} : memref<6x512xi32, #tpu.memory_space<vmem>>, vector<16xi32>,
    tpu.vector_store %arg6[%swap3A_327, %swap3A_328], %add3A_325 {strides = array<i32>} : memref<6x512xi32, #tpu.memory_space<vmem>>, vector<16xi32>,
    %get3A_330 = arith.constant 112 : index
    %get3A_331 = tpu.vector_load %arg5[%get3A_330] {strides = array<i32>} : memref<512xi32, #tpu.memory_space<vmem>>, vector<16xi32>,
    %mul3A_332 = arith.constant 6 : i32
    %mul3A_333 = vector.broadcast %mul3A_332 : i32 to vector<16xi32>
    %mul3A_334 = arith.muli %get3A_331, %mul3A_333 : vector<16xi32>
    %add3A_335 = arith.constant 0 : i32
    %add3A_336 = vector.broadcast %add3A_335 : i32 to vector<16xi32>
    %add3A_337 = arith.addi %mul3A_334, %add3A_336 : vector<16xi32>
    %swap3A_338 = arith.constant 0 : i32
    %swap3A_339 = arith.index_cast %swap3A_338 : i32 to index
    %swap3A_340 = arith.constant 112 : index
    %swap3A_341 = tpu.vector_load %arg6[%swap3A_339, %swap3A_340] {strides = array<i32>} : memref<6x512xi32, #tpu.memory_space<vmem>>, vector<16xi32>,
    tpu.vector_store %arg6[%swap3A_339, %swap3A_340], %add3A_337 {strides = array<i32>} : memref<6x512xi32, #tpu.memory_space<vmem>>, vector<16xi32>,
    %add3A_342 = arith.constant 1 : i32
    %add3A_343 = vector.broadcast %add3A_342 : i32 to vector<16xi32>
    %add3A_344 = arith.addi %mul3A_334, %add3A_343 : vector<16xi32>
    %swap3A_345 = arith.constant 1 : i32
    %swap3A_346 = arith.index_cast %swap3A_345 : i32 to index
    %swap3A_347 = arith.constant 112 : index
    %swap3A_348 = tpu.vector_load %arg6[%swap3A_346, %swap3A_347] {strides = array<i32>} : memref<6x512xi32, #tpu.memory_space<vmem>>, vector<16xi32>,
    tpu.vector_store %arg6[%swap3A_346, %swap3A_347], %add3A_344 {strides = array<i32>} : memref<6x512xi32, #tpu.memory_space<vmem>>, vector<16xi32>,
    %add3A_349 = arith.constant 2 : i32
    %add3A_350 = vector.broadcast %add3A_349 : i32 to vector<16xi32>
    %add3A_351 = arith.addi %mul3A_334, %add3A_350 : vector<16xi32>
    %swap3A_352 = arith.constant 2 : i32
    %swap3A_353 = arith.index_cast %swap3A_352 : i32 to index
    %swap3A_354 = arith.constant 112 : index
    %swap3A_355 = tpu.vector_load %arg6[%swap3A_353, %swap3A_354] {strides = array<i32>} : memref<6x512xi32, #tpu.memory_space<vmem>>, vector<16xi32>,
    tpu.vector_store %arg6[%swap3A_353, %swap3A_354], %add3A_351 {strides = array<i32>} : memref<6x512xi32, #tpu.memory_space<vmem>>, vector<16xi32>,
    %add3A_356 = arith.constant 3 : i32
    %add3A_357 = vector.broadcast %add3A_356 : i32 to vector<16xi32>
    %add3A_358 = arith.addi %mul3A_334, %add3A_357 : vector<16xi32>
    %swap3A_359 = arith.constant 3 : i32
    %swap3A_360 = arith.index_cast %swap3A_359 : i32 to index
    %swap3A_361 = arith.constant 112 : index
    %swap3A_362 = tpu.vector_load %arg6[%swap3A_360, %swap3A_361] {strides = array<i32>} : memref<6x512xi32, #tpu.memory_space<vmem>>, vector<16xi32>,
    tpu.vector_store %arg6[%swap3A_360, %swap3A_361], %add3A_358 {strides = array<i32>} : memref<6x512xi32, #tpu.memory_space<vmem>>, vector<16xi32>,
    %add3A_363 = arith.constant 4 : i32
    %add3A_364 = vector.broadcast %add3A_363 : i32 to vector<16xi32>
    %add3A_365 = arith.addi %mul3A_334, %add3A_364 : vector<16xi32>
    %swap3A_366 = arith.constant 4 : i32
    %swap3A_367 = arith.index_cast %swap3A_366 : i32 to index
    %swap3A_368 = arith.constant 112 : index
    %swap3A_369 = tpu.vector_load %arg6[%swap3A_367, %swap3A_368] {strides = array<i32>} : memref<6x512xi32, #tpu.memory_space<vmem>>, vector<16xi32>,
    tpu.vector_store %arg6[%swap3A_367, %swap3A_368], %add3A_365 {strides = array<i32>} : memref<6x512xi32, #tpu.memory_space<vmem>>, vector<16xi32>,
    %add3A_370 = arith.constant 5 : i32
    %add3A_371 = vector.broadcast %add3A_370 : i32 to vector<16xi32>
    %add3A_372 = arith.addi %mul3A_334, %add3A_371 : vector<16xi32>
    %swap3A_373 = arith.constant 5 : i32
    %swap3A_374 = arith.index_cast %swap3A_373 : i32 to index
    %swap3A_375 = arith.constant 112 : index
    %swap3A_376 = tpu.vector_load %arg6[%swap3A_374, %swap3A_375] {strides = array<i32>} : memref<6x512xi32, #tpu.memory_space<vmem>>, vector<16xi32>,
    tpu.vector_store %arg6[%swap3A_374, %swap3A_375], %add3A_372 {strides = array<i32>} : memref<6x512xi32, #tpu.memory_space<vmem>>, vector<16xi32>,
    %get3A_377 = arith.constant 128 : index
    %get3A_378 = tpu.vector_load %arg5[%get3A_377] {strides = array<i32>} : memref<512xi32, #tpu.memory_space<vmem>>, vector<16xi32>,
    %mul3A_379 = arith.constant 6 : i32
    %mul3A_380 = vector.broadcast %mul3A_379 : i32 to vector<16xi32>
    %mul3A_381 = arith.muli %get3A_378, %mul3A_380 : vector<16xi32>
    %add3A_382 = arith.constant 0 : i32
    %add3A_383 = vector.broadcast %add3A_382 : i32 to vector<16xi32>
    %add3A_384 = arith.addi %mul3A_381, %add3A_383 : vector<16xi32>
    %swap3A_385 = arith.constant 0 : i32
    %swap3A_386 = arith.index_cast %swap3A_385 : i32 to index
    %swap3A_387 = arith.constant 128 : index
    %swap3A_388 = tpu.vector_load %arg6[%swap3A_386, %swap3A_387] {strides = array<i32>} : memref<6x512xi32, #tpu.memory_space<vmem>>, vector<16xi32>,
    tpu.vector_store %arg6[%swap3A_386, %swap3A_387], %add3A_384 {strides = array<i32>} : memref<6x512xi32, #tpu.memory_space<vmem>>, vector<16xi32>,
    %add3A_389 = arith.constant 1 : i32
    %add3A_390 = vector.broadcast %add3A_389 : i32 to vector<16xi32>
    %add3A_391 = arith.addi %mul3A_381, %add3A_390 : vector<16xi32>
    %swap3A_392 = arith.constant 1 : i32
    %swap3A_393 = arith.index_cast %swap3A_392 : i32 to index
    %swap3A_394 = arith.constant 128 : index
    %swap3A_395 = tpu.vector_load %arg6[%swap3A_393, %swap3A_394] {strides = array<i32>} : memref<6x512xi32, #tpu.memory_space<vmem>>, vector<16xi32>,
    tpu.vector_store %arg6[%swap3A_393, %swap3A_394], %add3A_391 {strides = array<i32>} : memref<6x512xi32, #tpu.memory_space<vmem>>, vector<16xi32>,
    %add3A_396 = arith.constant 2 : i32
    %add3A_397 = vector.broadcast %add3A_396 : i32 to vector<16xi32>
    %add3A_398 = arith.addi %mul3A_381, %add3A_397 : vector<16xi32>
    %swap3A_399 = arith.constant 2 : i32
    %swap3A_400 = arith.index_cast %swap3A_399 : i32 to index
    %swap3A_401 = arith.constant 128 : index
    %swap3A_402 = tpu.vector_load %arg6[%swap3A_400, %swap3A_401] {strides = array<i32>} : memref<6x512xi32, #tpu.memory_space<vmem>>, vector<16xi32>,
    tpu.vector_store %arg6[%swap3A_400, %swap3A_401], %add3A_398 {strides = array<i32>} : memref<6x512xi32, #tpu.memory_space<vmem>>, vector<16xi32>,
    %add3A_403 = arith.constant 3 : i32
    %add3A_404 = vector.broadcast %add3A_403 : i32 to vector<16xi32>
    %add3A_405 = arith.addi %mul3A_381, %add3A_404 : vector<16xi32>
    %swap3A_406 = arith.constant 3 : i32
    %swap3A_407 = arith.index_cast %swap3A_406 : i32 to index
    %swap3A_408 = arith.constant 128 : index
    %swap3A_409 = tpu.vector_load %arg6[%swap3A_407, %swap3A_408] {strides = array<i32>} : memref<6x512xi32, #tpu.memory_space<vmem>>, vector<16xi32>,
    tpu.vector_store %arg6[%swap3A_407, %swap3A_408], %add3A_405 {strides = array<i32>} : memref<6x512xi32, #tpu.memory_space<vmem>>, vector<16xi32>,
    %add3A_410 = arith.constant 4 : i32
    %add3A_411 = vector.broadcast %add3A_410 : i32 to vector<16xi32>
    %add3A_412 = arith.addi %mul3A_381, %add3A_411 : vector<16xi32>
    %swap3A_413 = arith.constant 4 : i32
    %swap3A_414 = arith.index_cast %swap3A_413 : i32 to index
    %swap3A_415 = arith.constant 128 : index
    %swap3A_416 = tpu.vector_load %arg6[%swap3A_414, %swap3A_415] {strides = array<i32>} : memref<6x512xi32, #tpu.memory_space<vmem>>, vector<16xi32>,
    tpu.vector_store %arg6[%swap3A_414, %swap3A_415], %add3A_412 {strides = array<i32>} : memref<6x512xi32, #tpu.memory_space<vmem>>, vector<16xi32>,
    %add3A_417 = arith.constant 5 : i32
    %add3A_418 = vector.broadcast %add3A_417 : i32 to vector<16xi32>
    %add3A_419 = arith.addi %mul3A_381, %add3A_418 : vector<16xi32>
    %swap3A_420 = arith.constant 5 : i32
    %swap3A_421 = arith.index_cast %swap3A_420 : i32 to index
    %swap3A_422 = arith.constant 128 : index
    %swap3A_423 = tpu.vector_load %arg6[%swap3A_421, %swap3A_422] {strides = array<i32>} : memref<6x512xi32, #tpu.memory_space<vmem>>, vector<16xi32>,
    tpu.vector_store %arg6[%swap3A_421, %swap3A_422], %add3A_419 {strides = array<i32>} : memref<6x512xi32, #tpu.memory_space<vmem>>, vector<16xi32>,
    %get3A_424 = arith.constant 144 : index
    %get3A_425 = tpu.vector_load %arg5[%get3A_424] {strides = array<i32>} : memref<512xi32, #tpu.memory_space<vmem>>, vector<16xi32>,
    %mul3A_426 = arith.constant 6 : i32
    %mul3A_427 = vector.broadcast %mul3A_426 : i32 to vector<16xi32>
    %mul3A_428 = arith.muli %get3A_425, %mul3A_427 : vector<16xi32>
    %add3A_429 = arith.constant 0 : i32
    %add3A_430 = vector.broadcast %add3A_429 : i32 to vector<16xi32>
    %add3A_431 = arith.addi %mul3A_428, %add3A_430 : vector<16xi32>
    %swap3A_432 = arith.constant 0 : i32
    %swap3A_433 = arith.index_cast %swap3A_432 : i32 to index
    %swap3A_434 = arith.constant 144 : index
    %swap3A_435 = tpu.vector_load %arg6[%swap3A_433, %swap3A_434] {strides = array<i32>} : memref<6x512xi32, #tpu.memory_space<vmem>>, vector<16xi32>,
    tpu.vector_store %arg6[%swap3A_433, %swap3A_434], %add3A_431 {strides = array<i32>} : memref<6x512xi32, #tpu.memory_space<vmem>>, vector<16xi32>,
    %add3A_436 = arith.constant 1 : i32
    %add3A_437 = vector.broadcast %add3A_436 : i32 to vector<16xi32>
    %add3A_438 = arith.addi %mul3A_428, %add3A_437 : vector<16xi32>
    %swap3A_439 = arith.constant 1 : i32
    %swap3A_440 = arith.index_cast %swap3A_439 : i32 to index
    %swap3A_441 = arith.constant 144 : index
    %swap3A_442 = tpu.vector_load %arg6[%swap3A_440, %swap3A_441] {strides = array<i32>} : memref<6x512xi32, #tpu.memory_space<vmem>>, vector<16xi32>,
    tpu.vector_store %arg6[%swap3A_440, %swap3A_441], %add3A_438 {strides = array<i32>} : memref<6x512xi32, #tpu.memory_space<vmem>>, vector<16xi32>,
    %add3A_443 = arith.constant 2 : i32
    %add3A_444 = vector.broadcast %add3A_443 : i32 to vector<16xi32>
    %add3A_445 = arith.addi %mul3A_428, %add3A_444 : vector<16xi32>
    %swap3A_446 = arith.constant 2 : i32
    %swap3A_447 = arith.index_cast %swap3A_446 : i32 to index
    %swap3A_448 = arith.constant 144 : index
    %swap3A_449 = tpu.vector_load %arg6[%swap3A_447, %swap3A_448] {strides = array<i32>} : memref<6x512xi32, #tpu.memory_space<vmem>>, vector<16xi32>,
    tpu.vector_store %arg6[%swap3A_447, %swap3A_448], %add3A_445 {strides = array<i32>} : memref<6x512xi32, #tpu.memory_space<vmem>>, vector<16xi32>,
    %add3A_450 = arith.constant 3 : i32
    %add3A_451 = vector.broadcast %add3A_450 : i32 to vector<16xi32>
    %add3A_452 = arith.addi %mul3A_428, %add3A_451 : vector<16xi32>
    %swap3A_453 = arith.constant 3 : i32
    %swap3A_454 = arith.index_cast %swap3A_453 : i32 to index
    %swap3A_455 = arith.constant 144 : index
    %swap3A_456 = tpu.vector_load %arg6[%swap3A_454, %swap3A_455] {strides = array<i32>} : memref<6x512xi32, #tpu.memory_space<vmem>>, vector<16xi32>,
    tpu.vector_store %arg6[%swap3A_454, %swap3A_455], %add3A_452 {strides = array<i32>} : memref<6x512xi32, #tpu.memory_space<vmem>>, vector<16xi32>,
    %add3A_457 = arith.constant 4 : i32
    %add3A_458 = vector.broadcast %add3A_457 : i32 to vector<16xi32>
    %add3A_459 = arith.addi %mul3A_428, %add3A_458 : vector<16xi32>
    %swap3A_460 = arith.constant 4 : i32
    %swap3A_461 = arith.index_cast %swap3A_460 : i32 to index
    %swap3A_462 = arith.constant 144 : index
    %swap3A_463 = tpu.vector_load %arg6[%swap3A_461, %swap3A_462] {strides = array<i32>} : memref<6x512xi32, #tpu.memory_space<vmem>>, vector<16xi32>,
    tpu.vector_store %arg6[%swap3A_461, %swap3A_462], %add3A_459 {strides = array<i32>} : memref<6x512xi32, #tpu.memory_space<vmem>>, vector<16xi32>,
    %add3A_464 = arith.constant 5 : i32
    %add3A_465 = vector.broadcast %add3A_464 : i32 to vector<16xi32>
    %add3A_466 = arith.addi %mul3A_428, %add3A_465 : vector<16xi32>
    %swap3A_467 = arith.constant 5 : i32
    %swap3A_468 = arith.index_cast %swap3A_467 : i32 to index
    %swap3A_469 = arith.constant 144 : index
    %swap3A_470 = tpu.vector_load %arg6[%swap3A_468, %swap3A_469] {strides = array<i32>} : memref<6x512xi32, #tpu.memory_space<vmem>>, vector<16xi32>,
    tpu.vector_store %arg6[%swap3A_468, %swap3A_469], %add3A_466 {strides = array<i32>} : memref<6x512xi32, #tpu.memory_space<vmem>>, vector<16xi32>,
    %get3A_471 = arith.constant 160 : index
    %get3A_472 = tpu.vector_load %arg5[%get3A_471] {strides = array<i32>} : memref<512xi32, #tpu.memory_space<vmem>>, vector<16xi32>,
    %mul3A_473 = arith.constant 6 : i32
    %mul3A_474 = vector.broadcast %mul3A_473 : i32 to vector<16xi32>
    %mul3A_475 = arith.muli %get3A_472, %mul3A_474 : vector<16xi32>
    %add3A_476 = arith.constant 0 : i32
    %add3A_477 = vector.broadcast %add3A_476 : i32 to vector<16xi32>
    %add3A_478 = arith.addi %mul3A_475, %add3A_477 : vector<16xi32>
    %swap3A_479 = arith.constant 0 : i32
    %swap3A_480 = arith.index_cast %swap3A_479 : i32 to index
    %swap3A_481 = arith.constant 160 : index
    %swap3A_482 = tpu.vector_load %arg6[%swap3A_480, %swap3A_481] {strides = array<i32>} : memref<6x512xi32, #tpu.memory_space<vmem>>, vector<16xi32>,
    tpu.vector_store %arg6[%swap3A_480, %swap3A_481], %add3A_478 {strides = array<i32>} : memref<6x512xi32, #tpu.memory_space<vmem>>, vector<16xi32>,
    %add3A_483 = arith.constant 1 : i32
    %add3A_484 = vector.broadcast %add3A_483 : i32 to vector<16xi32>
    %add3A_485 = arith.addi %mul3A_475, %add3A_484 : vector<16xi32>
    %swap3A_486 = arith.constant 1 : i32
    %swap3A_487 = arith.index_cast %swap3A_486 : i32 to index
    %swap3A_488 = arith.constant 160 : index
    %swap3A_489 = tpu.vector_load %arg6[%swap3A_487, %swap3A_488] {strides = array<i32>} : memref<6x512xi32, #tpu.memory_space<vmem>>, vector<16xi32>,
    tpu.vector_store %arg6[%swap3A_487, %swap3A_488], %add3A_485 {strides = array<i32>} : memref<6x512xi32, #tpu.memory_space<vmem>>, vector<16xi32>,
    %add3A_490 = arith.constant 2 : i32
    %add3A_491 = vector.broadcast %add3A_490 : i32 to vector<16xi32>
    %add3A_492 = arith.addi %mul3A_475, %add3A_491 : vector<16xi32>
    %swap3A_493 = arith.constant 2 : i32
    %swap3A_494 = arith.index_cast %swap3A_493 : i32 to index
    %swap3A_495 = arith.constant 160 : index
    %swap3A_496 = tpu.vector_load %arg6[%swap3A_494, %swap3A_495] {strides = array<i32>} : memref<6x512xi32, #tpu.memory_space<vmem>>, vector<16xi32>,
    tpu.vector_store %arg6[%swap3A_494, %swap3A_495], %add3A_492 {strides = array<i32>} : memref<6x512xi32, #tpu.memory_space<vmem>>, vector<16xi32>,
    %add3A_497 = arith.constant 3 : i32
    %add3A_498 = vector.broadcast %add3A_497 : i32 to vector<16xi32>
    %add3A_499 = arith.addi %mul3A_475, %add3A_498 : vector<16xi32>
    %swap3A_500 = arith.constant 3 : i32
    %swap3A_501 = arith.index_cast %swap3A_500 : i32 to index
    %swap3A_502 = arith.constant 160 : index
    %swap3A_503 = tpu.vector_load %arg6[%swap3A_501, %swap3A_502] {strides = array<i32>} : memref<6x512xi32, #tpu.memory_space<vmem>>, vector<16xi32>,
    tpu.vector_store %arg6[%swap3A_501, %swap3A_502], %add3A_499 {strides = array<i32>} : memref<6x512xi32, #tpu.memory_space<vmem>>, vector<16xi32>,
    %add3A_504 = arith.constant 4 : i32
    %add3A_505 = vector.broadcast %add3A_504 : i32 to vector<16xi32>
    %add3A_506 = arith.addi %mul3A_475, %add3A_505 : vector<16xi32>
    %swap3A_507 = arith.constant 4 : i32
    %swap3A_508 = arith.index_cast %swap3A_507 : i32 to index
    %swap3A_509 = arith.constant 160 : index
    %swap3A_510 = tpu.vector_load %arg6[%swap3A_508, %swap3A_509] {strides = array<i32>} : memref<6x512xi32, #tpu.memory_space<vmem>>, vector<16xi32>,
    tpu.vector_store %arg6[%swap3A_508, %swap3A_509], %add3A_506 {strides = array<i32>} : memref<6x512xi32, #tpu.memory_space<vmem>>, vector<16xi32>,
    %add3A_511 = arith.constant 5 : i32
    %add3A_512 = vector.broadcast %add3A_511 : i32 to vector<16xi32>
    %add3A_513 = arith.addi %mul3A_475, %add3A_512 : vector<16xi32>
    %swap3A_514 = arith.constant 5 : i32
    %swap3A_515 = arith.index_cast %swap3A_514 : i32 to index
    %swap3A_516 = arith.constant 160 : index
    %swap3A_517 = tpu.vector_load %arg6[%swap3A_515, %swap3A_516] {strides = array<i32>} : memref<6x512xi32, #tpu.memory_space<vmem>>, vector<16xi32>,
    tpu.vector_store %arg6[%swap3A_515, %swap3A_516], %add3A_513 {strides = array<i32>} : memref<6x512xi32, #tpu.memory_space<vmem>>, vector<16xi32>,
    %get3A_518 = arith.constant 176 : index
    %get3A_519 = tpu.vector_load %arg5[%get3A_518] {strides = array<i32>} : memref<512xi32, #tpu.memory_space<vmem>>, vector<16xi32>,
    %mul3A_520 = arith.constant 6 : i32
    %mul3A_521 = vector.broadcast %mul3A_520 : i32 to vector<16xi32>
    %mul3A_522 = arith.muli %get3A_519, %mul3A_521 : vector<16xi32>
    %add3A_523 = arith.constant 0 : i32
    %add3A_524 = vector.broadcast %add3A_523 : i32 to vector<16xi32>
    %add3A_525 = arith.addi %mul3A_522, %add3A_524 : vector<16xi32>
    %swap3A_526 = arith.constant 0 : i32
    %swap3A_527 = arith.index_cast %swap3A_526 : i32 to index
    %swap3A_528 = arith.constant 176 : index
    %swap3A_529 = tpu.vector_load %arg6[%swap3A_527, %swap3A_528] {strides = array<i32>} : memref<6x512xi32, #tpu.memory_space<vmem>>, vector<16xi32>,
    tpu.vector_store %arg6[%swap3A_527, %swap3A_528], %add3A_525 {strides = array<i32>} : memref<6x512xi32, #tpu.memory_space<vmem>>, vector<16xi32>,
    %add3A_530 = arith.constant 1 : i32
    %add3A_531 = vector.broadcast %add3A_530 : i32 to vector<16xi32>
    %add3A_532 = arith.addi %mul3A_522, %add3A_531 : vector<16xi32>
    %swap3A_533 = arith.constant 1 : i32
    %swap3A_534 = arith.index_cast %swap3A_533 : i32 to index
    %swap3A_535 = arith.constant 176 : index
    %swap3A_536 = tpu.vector_load %arg6[%swap3A_534, %swap3A_535] {strides = array<i32>} : memref<6x512xi32, #tpu.memory_space<vmem>>, vector<16xi32>,
    tpu.vector_store %arg6[%swap3A_534, %swap3A_535], %add3A_532 {strides = array<i32>} : memref<6x512xi32, #tpu.memory_space<vmem>>, vector<16xi32>,
    %add3A_537 = arith.constant 2 : i32
    %add3A_538 = vector.broadcast %add3A_537 : i32 to vector<16xi32>
    %add3A_539 = arith.addi %mul3A_522, %add3A_538 : vector<16xi32>
    %swap3A_540 = arith.constant 2 : i32
    %swap3A_541 = arith.index_cast %swap3A_540 : i32 to index
    %swap3A_542 = arith.constant 176 : index
    %swap3A_543 = tpu.vector_load %arg6[%swap3A_541, %swap3A_542] {strides = array<i32>} : memref<6x512xi32, #tpu.memory_space<vmem>>, vector<16xi32>,
    tpu.vector_store %arg6[%swap3A_541, %swap3A_542], %add3A_539 {strides = array<i32>} : memref<6x512xi32, #tpu.memory_space<vmem>>, vector<16xi32>,
    %add3A_544 = arith.constant 3 : i32
    %add3A_545 = vector.broadcast %add3A_544 : i32 to vector<16xi32>
    %add3A_546 = arith.addi %mul3A_522, %add3A_545 : vector<16xi32>
    %swap3A_547 = arith.constant 3 : i32
    %swap3A_548 = arith.index_cast %swap3A_547 : i32 to index
    %swap3A_549 = arith.constant 176 : index
    %swap3A_550 = tpu.vector_load %arg6[%swap3A_548, %swap3A_549] {strides = array<i32>} : memref<6x512xi32, #tpu.memory_space<vmem>>, vector<16xi32>,
    tpu.vector_store %arg6[%swap3A_548, %swap3A_549], %add3A_546 {strides = array<i32>} : memref<6x512xi32, #tpu.memory_space<vmem>>, vector<16xi32>,
    %add3A_551 = arith.constant 4 : i32
    %add3A_552 = vector.broadcast %add3A_551 : i32 to vector<16xi32>
    %add3A_553 = arith.addi %mul3A_522, %add3A_552 : vector<16xi32>
    %swap3A_554 = arith.constant 4 : i32
    %swap3A_555 = arith.index_cast %swap3A_554 : i32 to index
    %swap3A_556 = arith.constant 176 : index
    %swap3A_557 = tpu.vector_load %arg6[%swap3A_555, %swap3A_556] {strides = array<i32>} : memref<6x512xi32, #tpu.memory_space<vmem>>, vector<16xi32>,
    tpu.vector_store %arg6[%swap3A_555, %swap3A_556], %add3A_553 {strides = array<i32>} : memref<6x512xi32, #tpu.memory_space<vmem>>, vector<16xi32>,
    %add3A_558 = arith.constant 5 : i32
    %add3A_559 = vector.broadcast %add3A_558 : i32 to vector<16xi32>
    %add3A_560 = arith.addi %mul3A_522, %add3A_559 : vector<16xi32>
    %swap3A_561 = arith.constant 5 : i32
    %swap3A_562 = arith.index_cast %swap3A_561 : i32 to index
    %swap3A_563 = arith.constant 176 : index
    %swap3A_564 = tpu.vector_load %arg6[%swap3A_562, %swap3A_563] {strides = array<i32>} : memref<6x512xi32, #tpu.memory_space<vmem>>, vector<16xi32>,
    tpu.vector_store %arg6[%swap3A_562, %swap3A_563], %add3A_560 {strides = array<i32>} : memref<6x512xi32, #tpu.memory_space<vmem>>, vector<16xi32>,
    %get3A_565 = arith.constant 192 : index
    %get3A_566 = tpu.vector_load %arg5[%get3A_565] {strides = array<i32>} : memref<512xi32, #tpu.memory_space<vmem>>, vector<16xi32>,
    %mul3A_567 = arith.constant 6 : i32
    %mul3A_568 = vector.broadcast %mul3A_567 : i32 to vector<16xi32>
    %mul3A_569 = arith.muli %get3A_566, %mul3A_568 : vector<16xi32>
    %add3A_570 = arith.constant 0 : i32
    %add3A_571 = vector.broadcast %add3A_570 : i32 to vector<16xi32>
    %add3A_572 = arith.addi %mul3A_569, %add3A_571 : vector<16xi32>
    %swap3A_573 = arith.constant 0 : i32
    %swap3A_574 = arith.index_cast %swap3A_573 : i32 to index
    %swap3A_575 = arith.constant 192 : index
    %swap3A_576 = tpu.vector_load %arg6[%swap3A_574, %swap3A_575] {strides = array<i32>} : memref<6x512xi32, #tpu.memory_space<vmem>>, vector<16xi32>,
    tpu.vector_store %arg6[%swap3A_574, %swap3A_575], %add3A_572 {strides = array<i32>} : memref<6x512xi32, #tpu.memory_space<vmem>>, vector<16xi32>,
    %add3A_577 = arith.constant 1 : i32
    %add3A_578 = vector.broadcast %add3A_577 : i32 to vector<16xi32>
    %add3A_579 = arith.addi %mul3A_569, %add3A_578 : vector<16xi32>
    %swap3A_580 = arith.constant 1 : i32
    %swap3A_581 = arith.index_cast %swap3A_580 : i32 to index
    %swap3A_582 = arith.constant 192 : index
    %swap3A_583 = tpu.vector_load %arg6[%swap3A_581, %swap3A_582] {strides = array<i32>} : memref<6x512xi32, #tpu.memory_space<vmem>>, vector<16xi32>,
    tpu.vector_store %arg6[%swap3A_581, %swap3A_582], %add3A_579 {strides = array<i32>} : memref<6x512xi32, #tpu.memory_space<vmem>>, vector<16xi32>,
    %add3A_584 = arith.constant 2 : i32
    %add3A_585 = vector.broadcast %add3A_584 : i32 to vector<16xi32>
    %add3A_586 = arith.addi %mul3A_569, %add3A_585 : vector<16xi32>
    %swap3A_587 = arith.constant 2 : i32
    %swap3A_588 = arith.index_cast %swap3A_587 : i32 to index
    %swap3A_589 = arith.constant 192 : index
    %swap3A_590 = tpu.vector_load %arg6[%swap3A_588, %swap3A_589] {strides = array<i32>} : memref<6x512xi32, #tpu.memory_space<vmem>>, vector<16xi32>,
    tpu.vector_store %arg6[%swap3A_588, %swap3A_589], %add3A_586 {strides = array<i32>} : memref<6x512xi32, #tpu.memory_space<vmem>>, vector<16xi32>,
    %add3A_591 = arith.constant 3 : i32
    %add3A_592 = vector.broadcast %add3A_591 : i32 to vector<16xi32>
    %add3A_593 = arith.addi %mul3A_569, %add3A_592 : vector<16xi32>
    %swap3A_594 = arith.constant 3 : i32
    %swap3A_595 = arith.index_cast %swap3A_594 : i32 to index
    %swap3A_596 = arith.constant 192 : index
    %swap3A_597 = tpu.vector_load %arg6[%swap3A_595, %swap3A_596] {strides = array<i32>} : memref<6x512xi32, #tpu.memory_space<vmem>>, vector<16xi32>,
    tpu.vector_store %arg6[%swap3A_595, %swap3A_596], %add3A_593 {strides = array<i32>} : memref<6x512xi32, #tpu.memory_space<vmem>>, vector<16xi32>,
    %add3A_598 = arith.constant 4 : i32
    %add3A_599 = vector.broadcast %add3A_598 : i32 to vector<16xi32>
    %add3A_600 = arith.addi %mul3A_569, %add3A_599 : vector<16xi32>
    %swap3A_601 = arith.constant 4 : i32
    %swap3A_602 = arith.index_cast %swap3A_601 : i32 to index
    %swap3A_603 = arith.constant 192 : index
    %swap3A_604 = tpu.vector_load %arg6[%swap3A_602, %swap3A_603] {strides = array<i32>} : memref<6x512xi32, #tpu.memory_space<vmem>>, vector<16xi32>,
    tpu.vector_store %arg6[%swap3A_602, %swap3A_603], %add3A_600 {strides = array<i32>} : memref<6x512xi32, #tpu.memory_space<vmem>>, vector<16xi32>,
    %add3A_605 = arith.constant 5 : i32
    %add3A_606 = vector.broadcast %add3A_605 : i32 to vector<16xi32>
    %add3A_607 = arith.addi %mul3A_569, %add3A_606 : vector<16xi32>
    %swap3A_608 = arith.constant 5 : i32
    %swap3A_609 = arith.index_cast %swap3A_608 : i32 to index
    %swap3A_610 = arith.constant 192 : index
    %swap3A_611 = tpu.vector_load %arg6[%swap3A_609, %swap3A_610] {strides = array<i32>} : memref<6x512xi32, #tpu.memory_space<vmem>>, vector<16xi32>,
    tpu.vector_store %arg6[%swap3A_609, %swap3A_610], %add3A_607 {strides = array<i32>} : memref<6x512xi32, #tpu.memory_space<vmem>>, vector<16xi32>,
    %get3A_612 = arith.constant 208 : index
    %get3A_613 = tpu.vector_load %arg5[%get3A_612] {strides = array<i32>} : memref<512xi32, #tpu.memory_space<vmem>>, vector<16xi32>,
    %mul3A_614 = arith.constant 6 : i32
    %mul3A_615 = vector.broadcast %mul3A_614 : i32 to vector<16xi32>
    %mul3A_616 = arith.muli %get3A_613, %mul3A_615 : vector<16xi32>
    %add3A_617 = arith.constant 0 : i32
    %add3A_618 = vector.broadcast %add3A_617 : i32 to vector<16xi32>
    %add3A_619 = arith.addi %mul3A_616, %add3A_618 : vector<16xi32>
    %swap3A_620 = arith.constant 0 : i32
    %swap3A_621 = arith.index_cast %swap3A_620 : i32 to index
    %swap3A_622 = arith.constant 208 : index
    %swap3A_623 = tpu.vector_load %arg6[%swap3A_621, %swap3A_622] {strides = array<i32>} : memref<6x512xi32, #tpu.memory_space<vmem>>, vector<16xi32>,
    tpu.vector_store %arg6[%swap3A_621, %swap3A_622], %add3A_619 {strides = array<i32>} : memref<6x512xi32, #tpu.memory_space<vmem>>, vector<16xi32>,
    %add3A_624 = arith.constant 1 : i32
    %add3A_625 = vector.broadcast %add3A_624 : i32 to vector<16xi32>
    %add3A_626 = arith.addi %mul3A_616, %add3A_625 : vector<16xi32>
    %swap3A_627 = arith.constant 1 : i32
    %swap3A_628 = arith.index_cast %swap3A_627 : i32 to index
    %swap3A_629 = arith.constant 208 : index
    %swap3A_630 = tpu.vector_load %arg6[%swap3A_628, %swap3A_629] {strides = array<i32>} : memref<6x512xi32, #tpu.memory_space<vmem>>, vector<16xi32>,
    tpu.vector_store %arg6[%swap3A_628, %swap3A_629], %add3A_626 {strides = array<i32>} : memref<6x512xi32, #tpu.memory_space<vmem>>, vector<16xi32>,
    %add3A_631 = arith.constant 2 : i32
    %add3A_632 = vector.broadcast %add3A_631 : i32 to vector<16xi32>
    %add3A_633 = arith.addi %mul3A_616, %add3A_632 : vector<16xi32>
    %swap3A_634 = arith.constant 2 : i32
    %swap3A_635 = arith.index_cast %swap3A_634 : i32 to index
    %swap3A_636 = arith.constant 208 : index
    %swap3A_637 = tpu.vector_load %arg6[%swap3A_635, %swap3A_636] {strides = array<i32>} : memref<6x512xi32, #tpu.memory_space<vmem>>, vector<16xi32>,
    tpu.vector_store %arg6[%swap3A_635, %swap3A_636], %add3A_633 {strides = array<i32>} : memref<6x512xi32, #tpu.memory_space<vmem>>, vector<16xi32>,
    %add3A_638 = arith.constant 3 : i32
    %add3A_639 = vector.broadcast %add3A_638 : i32 to vector<16xi32>
    %add3A_640 = arith.addi %mul3A_616, %add3A_639 : vector<16xi32>
    %swap3A_641 = arith.constant 3 : i32
    %swap3A_642 = arith.index_cast %swap3A_641 : i32 to index
    %swap3A_643 = arith.constant 208 : index
    %swap3A_644 = tpu.vector_load %arg6[%swap3A_642, %swap3A_643] {strides = array<i32>} : memref<6x512xi32, #tpu.memory_space<vmem>>, vector<16xi32>,
    tpu.vector_store %arg6[%swap3A_642, %swap3A_643], %add3A_640 {strides = array<i32>} : memref<6x512xi32, #tpu.memory_space<vmem>>, vector<16xi32>,
    %add3A_645 = arith.constant 4 : i32
    %add3A_646 = vector.broadcast %add3A_645 : i32 to vector<16xi32>
    %add3A_647 = arith.addi %mul3A_616, %add3A_646 : vector<16xi32>
    %swap3A_648 = arith.constant 4 : i32
    %swap3A_649 = arith.index_cast %swap3A_648 : i32 to index
    %swap3A_650 = arith.constant 208 : index
    %swap3A_651 = tpu.vector_load %arg6[%swap3A_649, %swap3A_650] {strides = array<i32>} : memref<6x512xi32, #tpu.memory_space<vmem>>, vector<16xi32>,
    tpu.vector_store %arg6[%swap3A_649, %swap3A_650], %add3A_647 {strides = array<i32>} : memref<6x512xi32, #tpu.memory_space<vmem>>, vector<16xi32>,
    %add3A_652 = arith.constant 5 : i32
    %add3A_653 = vector.broadcast %add3A_652 : i32 to vector<16xi32>
    %add3A_654 = arith.addi %mul3A_616, %add3A_653 : vector<16xi32>
    %swap3A_655 = arith.constant 5 : i32
    %swap3A_656 = arith.index_cast %swap3A_655 : i32 to index
    %swap3A_657 = arith.constant 208 : index
    %swap3A_658 = tpu.vector_load %arg6[%swap3A_656, %swap3A_657] {strides = array<i32>} : memref<6x512xi32, #tpu.memory_space<vmem>>, vector<16xi32>,
    tpu.vector_store %arg6[%swap3A_656, %swap3A_657], %add3A_654 {strides = array<i32>} : memref<6x512xi32, #tpu.memory_space<vmem>>, vector<16xi32>,
    %get3A_659 = arith.constant 224 : index
    %get3A_660 = tpu.vector_load %arg5[%get3A_659] {strides = array<i32>} : memref<512xi32, #tpu.memory_space<vmem>>, vector<16xi32>,
    %mul3A_661 = arith.constant 6 : i32
    %mul3A_662 = vector.broadcast %mul3A_661 : i32 to vector<16xi32>
    %mul3A_663 = arith.muli %get3A_660, %mul3A_662 : vector<16xi32>
    %add3A_664 = arith.constant 0 : i32
    %add3A_665 = vector.broadcast %add3A_664 : i32 to vector<16xi32>
    %add3A_666 = arith.addi %mul3A_663, %add3A_665 : vector<16xi32>
    %swap3A_667 = arith.constant 0 : i32
    %swap3A_668 = arith.index_cast %swap3A_667 : i32 to index
    %swap3A_669 = arith.constant 224 : index
    %swap3A_670 = tpu.vector_load %arg6[%swap3A_668, %swap3A_669] {strides = array<i32>} : memref<6x512xi32, #tpu.memory_space<vmem>>, vector<16xi32>,
    tpu.vector_store %arg6[%swap3A_668, %swap3A_669], %add3A_666 {strides = array<i32>} : memref<6x512xi32, #tpu.memory_space<vmem>>, vector<16xi32>,
    %add3A_671 = arith.constant 1 : i32
    %add3A_672 = vector.broadcast %add3A_671 : i32 to vector<16xi32>
    %add3A_673 = arith.addi %mul3A_663, %add3A_672 : vector<16xi32>
    %swap3A_674 = arith.constant 1 : i32
    %swap3A_675 = arith.index_cast %swap3A_674 : i32 to index
    %swap3A_676 = arith.constant 224 : index
    %swap3A_677 = tpu.vector_load %arg6[%swap3A_675, %swap3A_676] {strides = array<i32>} : memref<6x512xi32, #tpu.memory_space<vmem>>, vector<16xi32>,
    tpu.vector_store %arg6[%swap3A_675, %swap3A_676], %add3A_673 {strides = array<i32>} : memref<6x512xi32, #tpu.memory_space<vmem>>, vector<16xi32>,
    %add3A_678 = arith.constant 2 : i32
    %add3A_679 = vector.broadcast %add3A_678 : i32 to vector<16xi32>
    %add3A_680 = arith.addi %mul3A_663, %add3A_679 : vector<16xi32>
    %swap3A_681 = arith.constant 2 : i32
    %swap3A_682 = arith.index_cast %swap3A_681 : i32 to index
    %swap3A_683 = arith.constant 224 : index
    %swap3A_684 = tpu.vector_load %arg6[%swap3A_682, %swap3A_683] {strides = array<i32>} : memref<6x512xi32, #tpu.memory_space<vmem>>, vector<16xi32>,
    tpu.vector_store %arg6[%swap3A_682, %swap3A_683], %add3A_680 {strides = array<i32>} : memref<6x512xi32, #tpu.memory_space<vmem>>, vector<16xi32>,
    %add3A_685 = arith.constant 3 : i32
    %add3A_686 = vector.broadcast %add3A_685 : i32 to vector<16xi32>
    %add3A_687 = arith.addi %mul3A_663, %add3A_686 : vector<16xi32>
    %swap3A_688 = arith.constant 3 : i32
    %swap3A_689 = arith.index_cast %swap3A_688 : i32 to index
    %swap3A_690 = arith.constant 224 : index
    %swap3A_691 = tpu.vector_load %arg6[%swap3A_689, %swap3A_690] {strides = array<i32>} : memref<6x512xi32, #tpu.memory_space<vmem>>, vector<16xi32>,
    tpu.vector_store %arg6[%swap3A_689, %swap3A_690], %add3A_687 {strides = array<i32>} : memref<6x512xi32, #tpu.memory_space<vmem>>, vector<16xi32>,
    %add3A_692 = arith.constant 4 : i32
    %add3A_693 = vector.broadcast %add3A_692 : i32 to vector<16xi32>
    %add3A_694 = arith.addi %mul3A_663, %add3A_693 : vector<16xi32>
    %swap3A_695 = arith.constant 4 : i32
    %swap3A_696 = arith.index_cast %swap3A_695 : i32 to index
    %swap3A_697 = arith.constant 224 : index
    %swap3A_698 = tpu.vector_load %arg6[%swap3A_696, %swap3A_697] {strides = array<i32>} : memref<6x512xi32, #tpu.memory_space<vmem>>, vector<16xi32>,
    tpu.vector_store %arg6[%swap3A_696, %swap3A_697], %add3A_694 {strides = array<i32>} : memref<6x512xi32, #tpu.memory_space<vmem>>, vector<16xi32>,
    %add3A_699 = arith.constant 5 : i32
    %add3A_700 = vector.broadcast %add3A_699 : i32 to vector<16xi32>
    %add3A_701 = arith.addi %mul3A_663, %add3A_700 : vector<16xi32>
    %swap3A_702 = arith.constant 5 : i32
    %swap3A_703 = arith.index_cast %swap3A_702 : i32 to index
    %swap3A_704 = arith.constant 224 : index
    %swap3A_705 = tpu.vector_load %arg6[%swap3A_703, %swap3A_704] {strides = array<i32>} : memref<6x512xi32, #tpu.memory_space<vmem>>, vector<16xi32>,
    tpu.vector_store %arg6[%swap3A_703, %swap3A_704], %add3A_701 {strides = array<i32>} : memref<6x512xi32, #tpu.memory_space<vmem>>, vector<16xi32>,
    %get3A_706 = arith.constant 240 : index
    %get3A_707 = tpu.vector_load %arg5[%get3A_706] {strides = array<i32>} : memref<512xi32, #tpu.memory_space<vmem>>, vector<16xi32>,
    %mul3A_708 = arith.constant 6 : i32
    %mul3A_709 = vector.broadcast %mul3A_708 : i32 to vector<16xi32>
    %mul3A_710 = arith.muli %get3A_707, %mul3A_709 : vector<16xi32>
    %add3A_711 = arith.constant 0 : i32
    %add3A_712 = vector.broadcast %add3A_711 : i32 to vector<16xi32>
    %add3A_713 = arith.addi %mul3A_710, %add3A_712 : vector<16xi32>
    %swap3A_714 = arith.constant 0 : i32
    %swap3A_715 = arith.index_cast %swap3A_714 : i32 to index
    %swap3A_716 = arith.constant 240 : index
    %swap3A_717 = tpu.vector_load %arg6[%swap3A_715, %swap3A_716] {strides = array<i32>} : memref<6x512xi32, #tpu.memory_space<vmem>>, vector<16xi32>,
    tpu.vector_store %arg6[%swap3A_715, %swap3A_716], %add3A_713 {strides = array<i32>} : memref<6x512xi32, #tpu.memory_space<vmem>>, vector<16xi32>,
    %add3A_718 = arith.constant 1 : i32
    %add3A_719 = vector.broadcast %add3A_718 : i32 to vector<16xi32>
    %add3A_720 = arith.addi %mul3A_710, %add3A_719 : vector<16xi32>
    %swap3A_721 = arith.constant 1 : i32
    %swap3A_722 = arith.index_cast %swap3A_721 : i32 to index
    %swap3A_723 = arith.constant 240 : index
    %swap3A_724 = tpu.vector_load %arg6[%swap3A_722, %swap3A_723] {strides = array<i32>} : memref<6x512xi32, #tpu.memory_space<vmem>>, vector<16xi32>,
    tpu.vector_store %arg6[%swap3A_722, %swap3A_723], %add3A_720 {strides = array<i32>} : memref<6x512xi32, #tpu.memory_space<vmem>>, vector<16xi32>,
    %add3A_725 = arith.constant 2 : i32
    %add3A_726 = vector.broadcast %add3A_725 : i32 to vector<16xi32>
    %add3A_727 = arith.addi %mul3A_710, %add3A_726 : vector<16xi32>
    %swap3A_728 = arith.constant 2 : i32
    %swap3A_729 = arith.index_cast %swap3A_728 : i32 to index
    %swap3A_730 = arith.constant 240 : index
    %swap3A_731 = tpu.vector_load %arg6[%swap3A_729, %swap3A_730] {strides = array<i32>} : memref<6x512xi32, #tpu.memory_space<vmem>>, vector<16xi32>,
    tpu.vector_store %arg6[%swap3A_729, %swap3A_730], %add3A_727 {strides = array<i32>} : memref<6x512xi32, #tpu.memory_space<vmem>>, vector<16xi32>,
    %add3A_732 = arith.constant 3 : i32
    %add3A_733 = vector.broadcast %add3A_732 : i32 to vector<16xi32>
    %add3A_734 = arith.addi %mul3A_710, %add3A_733 : vector<16xi32>
    %swap3A_735 = arith.constant 3 : i32
    %swap3A_736 = arith.index_cast %swap3A_735 : i32 to index
    %swap3A_737 = arith.constant 240 : index
    %swap3A_738 = tpu.vector_load %arg6[%swap3A_736, %swap3A_737] {strides = array<i32>} : memref<6x512xi32, #tpu.memory_space<vmem>>, vector<16xi32>,
    tpu.vector_store %arg6[%swap3A_736, %swap3A_737], %add3A_734 {strides = array<i32>} : memref<6x512xi32, #tpu.memory_space<vmem>>, vector<16xi32>,
    %add3A_739 = arith.constant 4 : i32
    %add3A_740 = vector.broadcast %add3A_739 : i32 to vector<16xi32>
    %add3A_741 = arith.addi %mul3A_710, %add3A_740 : vector<16xi32>
    %swap3A_742 = arith.constant 4 : i32
    %swap3A_743 = arith.index_cast %swap3A_742 : i32 to index
    %swap3A_744 = arith.constant 240 : index
    %swap3A_745 = tpu.vector_load %arg6[%swap3A_743, %swap3A_744] {strides = array<i32>} : memref<6x512xi32, #tpu.memory_space<vmem>>, vector<16xi32>,
    tpu.vector_store %arg6[%swap3A_743, %swap3A_744], %add3A_741 {strides = array<i32>} : memref<6x512xi32, #tpu.memory_space<vmem>>, vector<16xi32>,
    %add3A_746 = arith.constant 5 : i32
    %add3A_747 = vector.broadcast %add3A_746 : i32 to vector<16xi32>
    %add3A_748 = arith.addi %mul3A_710, %add3A_747 : vector<16xi32>
    %swap3A_749 = arith.constant 5 : i32
    %swap3A_750 = arith.index_cast %swap3A_749 : i32 to index
    %swap3A_751 = arith.constant 240 : index
    %swap3A_752 = tpu.vector_load %arg6[%swap3A_750, %swap3A_751] {strides = array<i32>} : memref<6x512xi32, #tpu.memory_space<vmem>>, vector<16xi32>,
    tpu.vector_store %arg6[%swap3A_750, %swap3A_751], %add3A_748 {strides = array<i32>} : memref<6x512xi32, #tpu.memory_space<vmem>>, vector<16xi32>,
    %get3A_753 = arith.constant 256 : index
    %get3A_754 = tpu.vector_load %arg5[%get3A_753] {strides = array<i32>} : memref<512xi32, #tpu.memory_space<vmem>>, vector<16xi32>,
    %mul3A_755 = arith.constant 6 : i32
    %mul3A_756 = vector.broadcast %mul3A_755 : i32 to vector<16xi32>
    %mul3A_757 = arith.muli %get3A_754, %mul3A_756 : vector<16xi32>
    %add3A_758 = arith.constant 0 : i32
    %add3A_759 = vector.broadcast %add3A_758 : i32 to vector<16xi32>
    %add3A_760 = arith.addi %mul3A_757, %add3A_759 : vector<16xi32>
    %swap3A_761 = arith.constant 0 : i32
    %swap3A_762 = arith.index_cast %swap3A_761 : i32 to index
    %swap3A_763 = arith.constant 256 : index
    %swap3A_764 = tpu.vector_load %arg6[%swap3A_762, %swap3A_763] {strides = array<i32>} : memref<6x512xi32, #tpu.memory_space<vmem>>, vector<16xi32>,
    tpu.vector_store %arg6[%swap3A_762, %swap3A_763], %add3A_760 {strides = array<i32>} : memref<6x512xi32, #tpu.memory_space<vmem>>, vector<16xi32>,
    %add3A_765 = arith.constant 1 : i32
    %add3A_766 = vector.broadcast %add3A_765 : i32 to vector<16xi32>
    %add3A_767 = arith.addi %mul3A_757, %add3A_766 : vector<16xi32>
    %swap3A_768 = arith.constant 1 : i32
    %swap3A_769 = arith.index_cast %swap3A_768 : i32 to index
    %swap3A_770 = arith.constant 256 : index
    %swap3A_771 = tpu.vector_load %arg6[%swap3A_769, %swap3A_770] {strides = array<i32>} : memref<6x512xi32, #tpu.memory_space<vmem>>, vector<16xi32>,
    tpu.vector_store %arg6[%swap3A_769, %swap3A_770], %add3A_767 {strides = array<i32>} : memref<6x512xi32, #tpu.memory_space<vmem>>, vector<16xi32>,
    %add3A_772 = arith.constant 2 : i32
    %add3A_773 = vector.broadcast %add3A_772 : i32 to vector<16xi32>
    %add3A_774 = arith.addi %mul3A_757, %add3A_773 : vector<16xi32>
    %swap3A_775 = arith.constant 2 : i32
    %swap3A_776 = arith.index_cast %swap3A_775 : i32 to index
    %swap3A_777 = arith.constant 256 : index
    %swap3A_778 = tpu.vector_load %arg6[%swap3A_776, %swap3A_777] {strides = array<i32>} : memref<6x512xi32, #tpu.memory_space<vmem>>, vector<16xi32>,
    tpu.vector_store %arg6[%swap3A_776, %swap3A_777], %add3A_774 {strides = array<i32>} : memref<6x512xi32, #tpu.memory_space<vmem>>, vector<16xi32>,
    %add3A_779 = arith.constant 3 : i32
    %add3A_780 = vector.broadcast %add3A_779 : i32 to vector<16xi32>
    %add3A_781 = arith.addi %mul3A_757, %add3A_780 : vector<16xi32>
    %swap3A_782 = arith.constant 3 : i32
    %swap3A_783 = arith.index_cast %swap3A_782 : i32 to index
    %swap3A_784 = arith.constant 256 : index
    %swap3A_785 = tpu.vector_load %arg6[%swap3A_783, %swap3A_784] {strides = array<i32>} : memref<6x512xi32, #tpu.memory_space<vmem>>, vector<16xi32>,
    tpu.vector_store %arg6[%swap3A_783, %swap3A_784], %add3A_781 {strides = array<i32>} : memref<6x512xi32, #tpu.memory_space<vmem>>, vector<16xi32>,
    %add3A_786 = arith.constant 4 : i32
    %add3A_787 = vector.broadcast %add3A_786 : i32 to vector<16xi32>
    %add3A_788 = arith.addi %mul3A_757, %add3A_787 : vector<16xi32>
    %swap3A_789 = arith.constant 4 : i32
    %swap3A_790 = arith.index_cast %swap3A_789 : i32 to index
    %swap3A_791 = arith.constant 256 : index
    %swap3A_792 = tpu.vector_load %arg6[%swap3A_790, %swap3A_791] {strides = array<i32>} : memref<6x512xi32, #tpu.memory_space<vmem>>, vector<16xi32>,
    tpu.vector_store %arg6[%swap3A_790, %swap3A_791], %add3A_788 {strides = array<i32>} : memref<6x512xi32, #tpu.memory_space<vmem>>, vector<16xi32>,
    %add3A_793 = arith.constant 5 : i32
    %add3A_794 = vector.broadcast %add3A_793 : i32 to vector<16xi32>
    %add3A_795 = arith.addi %mul3A_757, %add3A_794 : vector<16xi32>
    %swap3A_796 = arith.constant 5 : i32
    %swap3A_797 = arith.index_cast %swap3A_796 : i32 to index
    %swap3A_798 = arith.constant 256 : index
    %swap3A_799 = tpu.vector_load %arg6[%swap3A_797, %swap3A_798] {strides = array<i32>} : memref<6x512xi32, #tpu.memory_space<vmem>>, vector<16xi32>,
    tpu.vector_store %arg6[%swap3A_797, %swap3A_798], %add3A_795 {strides = array<i32>} : memref<6x512xi32, #tpu.memory_space<vmem>>, vector<16xi32>,
    %get3A_800 = arith.constant 272 : index
    %get3A_801 = tpu.vector_load %arg5[%get3A_800] {strides = array<i32>} : memref<512xi32, #tpu.memory_space<vmem>>, vector<16xi32>,
    %mul3A_802 = arith.constant 6 : i32
    %mul3A_803 = vector.broadcast %mul3A_802 : i32 to vector<16xi32>
    %mul3A_804 = arith.muli %get3A_801, %mul3A_803 : vector<16xi32>
    %add3A_805 = arith.constant 0 : i32
    %add3A_806 = vector.broadcast %add3A_805 : i32 to vector<16xi32>
    %add3A_807 = arith.addi %mul3A_804, %add3A_806 : vector<16xi32>
    %swap3A_808 = arith.constant 0 : i32
    %swap3A_809 = arith.index_cast %swap3A_808 : i32 to index
    %swap3A_810 = arith.constant 272 : index
    %swap3A_811 = tpu.vector_load %arg6[%swap3A_809, %swap3A_810] {strides = array<i32>} : memref<6x512xi32, #tpu.memory_space<vmem>>, vector<16xi32>,
    tpu.vector_store %arg6[%swap3A_809, %swap3A_810], %add3A_807 {strides = array<i32>} : memref<6x512xi32, #tpu.memory_space<vmem>>, vector<16xi32>,
    %add3A_812 = arith.constant 1 : i32
    %add3A_813 = vector.broadcast %add3A_812 : i32 to vector<16xi32>
    %add3A_814 = arith.addi %mul3A_804, %add3A_813 : vector<16xi32>
    %swap3A_815 = arith.constant 1 : i32
    %swap3A_816 = arith.index_cast %swap3A_815 : i32 to index
    %swap3A_817 = arith.constant 272 : index
    %swap3A_818 = tpu.vector_load %arg6[%swap3A_816, %swap3A_817] {strides = array<i32>} : memref<6x512xi32, #tpu.memory_space<vmem>>, vector<16xi32>,
    tpu.vector_store %arg6[%swap3A_816, %swap3A_817], %add3A_814 {strides = array<i32>} : memref<6x512xi32, #tpu.memory_space<vmem>>, vector<16xi32>,
    %add3A_819 = arith.constant 2 : i32
    %add3A_820 = vector.broadcast %add3A_819 : i32 to vector<16xi32>
    %add3A_821 = arith.addi %mul3A_804, %add3A_820 : vector<16xi32>
    %swap3A_822 = arith.constant 2 : i32
    %swap3A_823 = arith.index_cast %swap3A_822 : i32 to index
    %swap3A_824 = arith.constant 272 : index
    %swap3A_825 = tpu.vector_load %arg6[%swap3A_823, %swap3A_824] {strides = array<i32>} : memref<6x512xi32, #tpu.memory_space<vmem>>, vector<16xi32>,
    tpu.vector_store %arg6[%swap3A_823, %swap3A_824], %add3A_821 {strides = array<i32>} : memref<6x512xi32, #tpu.memory_space<vmem>>, vector<16xi32>,
    %add3A_826 = arith.constant 3 : i32
    %add3A_827 = vector.broadcast %add3A_826 : i32 to vector<16xi32>
    %add3A_828 = arith.addi %mul3A_804, %add3A_827 : vector<16xi32>
    %swap3A_829 = arith.constant 3 : i32
    %swap3A_830 = arith.index_cast %swap3A_829 : i32 to index
    %swap3A_831 = arith.constant 272 : index
    %swap3A_832 = tpu.vector_load %arg6[%swap3A_830, %swap3A_831] {strides = array<i32>} : memref<6x512xi32, #tpu.memory_space<vmem>>, vector<16xi32>,
    tpu.vector_store %arg6[%swap3A_830, %swap3A_831], %add3A_828 {strides = array<i32>} : memref<6x512xi32, #tpu.memory_space<vmem>>, vector<16xi32>,
    %add3A_833 = arith.constant 4 : i32
    %add3A_834 = vector.broadcast %add3A_833 : i32 to vector<16xi32>
    %add3A_835 = arith.addi %mul3A_804, %add3A_834 : vector<16xi32>
    %swap3A_836 = arith.constant 4 : i32
    %swap3A_837 = arith.index_cast %swap3A_836 : i32 to index
    %swap3A_838 = arith.constant 272 : index
    %swap3A_839 = tpu.vector_load %arg6[%swap3A_837, %swap3A_838] {strides = array<i32>} : memref<6x512xi32, #tpu.memory_space<vmem>>, vector<16xi32>,
    tpu.vector_store %arg6[%swap3A_837, %swap3A_838], %add3A_835 {strides = array<i32>} : memref<6x512xi32, #tpu.memory_space<vmem>>, vector<16xi32>,
    %add3A_840 = arith.constant 5 : i32
    %add3A_841 = vector.broadcast %add3A_840 : i32 to vector<16xi32>
    %add3A_842 = arith.addi %mul3A_804, %add3A_841 : vector<16xi32>
    %swap3A_843 = arith.constant 5 : i32
    %swap3A_844 = arith.index_cast %swap3A_843 : i32 to index
    %swap3A_845 = arith.constant 272 : index
    %swap3A_846 = tpu.vector_load %arg6[%swap3A_844, %swap3A_845] {strides = array<i32>} : memref<6x512xi32, #tpu.memory_space<vmem>>, vector<16xi32>,
    tpu.vector_store %arg6[%swap3A_844, %swap3A_845], %add3A_842 {strides = array<i32>} : memref<6x512xi32, #tpu.memory_space<vmem>>, vector<16xi32>,
    %get3A_847 = arith.constant 288 : index
    %get3A_848 = tpu.vector_load %arg5[%get3A_847] {strides = array<i32>} : memref<512xi32, #tpu.memory_space<vmem>>, vector<16xi32>,
    %mul3A_849 = arith.constant 6 : i32
    %mul3A_850 = vector.broadcast %mul3A_849 : i32 to vector<16xi32>
    %mul3A_851 = arith.muli %get3A_848, %mul3A_850 : vector<16xi32>
    %add3A_852 = arith.constant 0 : i32
    %add3A_853 = vector.broadcast %add3A_852 : i32 to vector<16xi32>
    %add3A_854 = arith.addi %mul3A_851, %add3A_853 : vector<16xi32>
    %swap3A_855 = arith.constant 0 : i32
    %swap3A_856 = arith.index_cast %swap3A_855 : i32 to index
    %swap3A_857 = arith.constant 288 : index
    %swap3A_858 = tpu.vector_load %arg6[%swap3A_856, %swap3A_857] {strides = array<i32>} : memref<6x512xi32, #tpu.memory_space<vmem>>, vector<16xi32>,
    tpu.vector_store %arg6[%swap3A_856, %swap3A_857], %add3A_854 {strides = array<i32>} : memref<6x512xi32, #tpu.memory_space<vmem>>, vector<16xi32>,
    %add3A_859 = arith.constant 1 : i32
    %add3A_860 = vector.broadcast %add3A_859 : i32 to vector<16xi32>
    %add3A_861 = arith.addi %mul3A_851, %add3A_860 : vector<16xi32>
    %swap3A_862 = arith.constant 1 : i32
    %swap3A_863 = arith.index_cast %swap3A_862 : i32 to index
    %swap3A_864 = arith.constant 288 : index
    %swap3A_865 = tpu.vector_load %arg6[%swap3A_863, %swap3A_864] {strides = array<i32>} : memref<6x512xi32, #tpu.memory_space<vmem>>, vector<16xi32>,
    tpu.vector_store %arg6[%swap3A_863, %swap3A_864], %add3A_861 {strides = array<i32>} : memref<6x512xi32, #tpu.memory_space<vmem>>, vector<16xi32>,
    %add3A_866 = arith.constant 2 : i32
    %add3A_867 = vector.broadcast %add3A_866 : i32 to vector<16xi32>
    %add3A_868 = arith.addi %mul3A_851, %add3A_867 : vector<16xi32>
    %swap3A_869 = arith.constant 2 : i32
    %swap3A_870 = arith.index_cast %swap3A_869 : i32 to index
    %swap3A_871 = arith.constant 288 : index
    %swap3A_872 = tpu.vector_load %arg6[%swap3A_870, %swap3A_871] {strides = array<i32>} : memref<6x512xi32, #tpu.memory_space<vmem>>, vector<16xi32>,
    tpu.vector_store %arg6[%swap3A_870, %swap3A_871], %add3A_868 {strides = array<i32>} : memref<6x512xi32, #tpu.memory_space<vmem>>, vector<16xi32>,
    %add3A_873 = arith.constant 3 : i32
    %add3A_874 = vector.broadcast %add3A_873 : i32 to vector<16xi32>
    %add3A_875 = arith.addi %mul3A_851, %add3A_874 : vector<16xi32>
    %swap3A_876 = arith.constant 3 : i32
    %swap3A_877 = arith.index_cast %swap3A_876 : i32 to index
    %swap3A_878 = arith.constant 288 : index
    %swap3A_879 = tpu.vector_load %arg6[%swap3A_877, %swap3A_878] {strides = array<i32>} : memref<6x512xi32, #tpu.memory_space<vmem>>, vector<16xi32>,
    tpu.vector_store %arg6[%swap3A_877, %swap3A_878], %add3A_875 {strides = array<i32>} : memref<6x512xi32, #tpu.memory_space<vmem>>, vector<16xi32>,
    %add3A_880 = arith.constant 4 : i32
    %add3A_881 = vector.broadcast %add3A_880 : i32 to vector<16xi32>
    %add3A_882 = arith.addi %mul3A_851, %add3A_881 : vector<16xi32>
    %swap3A_883 = arith.constant 4 : i32
    %swap3A_884 = arith.index_cast %swap3A_883 : i32 to index
    %swap3A_885 = arith.constant 288 : index
    %swap3A_886 = tpu.vector_load %arg6[%swap3A_884, %swap3A_885] {strides = array<i32>} : memref<6x512xi32, #tpu.memory_space<vmem>>, vector<16xi32>,
    tpu.vector_store %arg6[%swap3A_884, %swap3A_885], %add3A_882 {strides = array<i32>} : memref<6x512xi32, #tpu.memory_space<vmem>>, vector<16xi32>,
    %add3A_887 = arith.constant 5 : i32
    %add3A_888 = vector.broadcast %add3A_887 : i32 to vector<16xi32>
    %add3A_889 = arith.addi %mul3A_851, %add3A_888 : vector<16xi32>
    %swap3A_890 = arith.constant 5 : i32
    %swap3A_891 = arith.index_cast %swap3A_890 : i32 to index
    %swap3A_892 = arith.constant 288 : index
    %swap3A_893 = tpu.vector_load %arg6[%swap3A_891, %swap3A_892] {strides = array<i32>} : memref<6x512xi32, #tpu.memory_space<vmem>>, vector<16xi32>,
    tpu.vector_store %arg6[%swap3A_891, %swap3A_892], %add3A_889 {strides = array<i32>} : memref<6x512xi32, #tpu.memory_space<vmem>>, vector<16xi32>,
    %get3A_894 = arith.constant 304 : index
    %get3A_895 = tpu.vector_load %arg5[%get3A_894] {strides = array<i32>} : memref<512xi32, #tpu.memory_space<vmem>>, vector<16xi32>,
    %mul3A_896 = arith.constant 6 : i32
    %mul3A_897 = vector.broadcast %mul3A_896 : i32 to vector<16xi32>
    %mul3A_898 = arith.muli %get3A_895, %mul3A_897 : vector<16xi32>
    %add3A_899 = arith.constant 0 : i32
    %add3A_900 = vector.broadcast %add3A_899 : i32 to vector<16xi32>
    %add3A_901 = arith.addi %mul3A_898, %add3A_900 : vector<16xi32>
    %swap3A_902 = arith.constant 0 : i32
    %swap3A_903 = arith.index_cast %swap3A_902 : i32 to index
    %swap3A_904 = arith.constant 304 : index
    %swap3A_905 = tpu.vector_load %arg6[%swap3A_903, %swap3A_904] {strides = array<i32>} : memref<6x512xi32, #tpu.memory_space<vmem>>, vector<16xi32>,
    tpu.vector_store %arg6[%swap3A_903, %swap3A_904], %add3A_901 {strides = array<i32>} : memref<6x512xi32, #tpu.memory_space<vmem>>, vector<16xi32>,
    %add3A_906 = arith.constant 1 : i32
    %add3A_907 = vector.broadcast %add3A_906 : i32 to vector<16xi32>
    %add3A_908 = arith.addi %mul3A_898, %add3A_907 : vector<16xi32>
    %swap3A_909 = arith.constant 1 : i32
    %swap3A_910 = arith.index_cast %swap3A_909 : i32 to index
    %swap3A_911 = arith.constant 304 : index
    %swap3A_912 = tpu.vector_load %arg6[%swap3A_910, %swap3A_911] {strides = array<i32>} : memref<6x512xi32, #tpu.memory_space<vmem>>, vector<16xi32>,
    tpu.vector_store %arg6[%swap3A_910, %swap3A_911], %add3A_908 {strides = array<i32>} : memref<6x512xi32, #tpu.memory_space<vmem>>, vector<16xi32>,
    %add3A_913 = arith.constant 2 : i32
    %add3A_914 = vector.broadcast %add3A_913 : i32 to vector<16xi32>
    %add3A_915 = arith.addi %mul3A_898, %add3A_914 : vector<16xi32>
    %swap3A_916 = arith.constant 2 : i32
    %swap3A_917 = arith.index_cast %swap3A_916 : i32 to index
    %swap3A_918 = arith.constant 304 : index
    %swap3A_919 = tpu.vector_load %arg6[%swap3A_917, %swap3A_918] {strides = array<i32>} : memref<6x512xi32, #tpu.memory_space<vmem>>, vector<16xi32>,
    tpu.vector_store %arg6[%swap3A_917, %swap3A_918], %add3A_915 {strides = array<i32>} : memref<6x512xi32, #tpu.memory_space<vmem>>, vector<16xi32>,
    %add3A_920 = arith.constant 3 : i32
    %add3A_921 = vector.broadcast %add3A_920 : i32 to vector<16xi32>
    %add3A_922 = arith.addi %mul3A_898, %add3A_921 : vector<16xi32>
    %swap3A_923 = arith.constant 3 : i32
    %swap3A_924 = arith.index_cast %swap3A_923 : i32 to index
    %swap3A_925 = arith.constant 304 : index
    %swap3A_926 = tpu.vector_load %arg6[%swap3A_924, %swap3A_925] {strides = array<i32>} : memref<6x512xi32, #tpu.memory_space<vmem>>, vector<16xi32>,
    tpu.vector_store %arg6[%swap3A_924, %swap3A_925], %add3A_922 {strides = array<i32>} : memref<6x512xi32, #tpu.memory_space<vmem>>, vector<16xi32>,
    %add3A_927 = arith.constant 4 : i32
    %add3A_928 = vector.broadcast %add3A_927 : i32 to vector<16xi32>
    %add3A_929 = arith.addi %mul3A_898, %add3A_928 : vector<16xi32>
    %swap3A_930 = arith.constant 4 : i32
    %swap3A_931 = arith.index_cast %swap3A_930 : i32 to index
    %swap3A_932 = arith.constant 304 : index
    %swap3A_933 = tpu.vector_load %arg6[%swap3A_931, %swap3A_932] {strides = array<i32>} : memref<6x512xi32, #tpu.memory_space<vmem>>, vector<16xi32>,
    tpu.vector_store %arg6[%swap3A_931, %swap3A_932], %add3A_929 {strides = array<i32>} : memref<6x512xi32, #tpu.memory_space<vmem>>, vector<16xi32>,
    %add3A_934 = arith.constant 5 : i32
    %add3A_935 = vector.broadcast %add3A_934 : i32 to vector<16xi32>
    %add3A_936 = arith.addi %mul3A_898, %add3A_935 : vector<16xi32>
    %swap3A_937 = arith.constant 5 : i32
    %swap3A_938 = arith.index_cast %swap3A_937 : i32 to index
    %swap3A_939 = arith.constant 304 : index
    %swap3A_940 = tpu.vector_load %arg6[%swap3A_938, %swap3A_939] {strides = array<i32>} : memref<6x512xi32, #tpu.memory_space<vmem>>, vector<16xi32>,
    tpu.vector_store %arg6[%swap3A_938, %swap3A_939], %add3A_936 {strides = array<i32>} : memref<6x512xi32, #tpu.memory_space<vmem>>, vector<16xi32>,
    %get3A_941 = arith.constant 320 : index
    %get3A_942 = tpu.vector_load %arg5[%get3A_941] {strides = array<i32>} : memref<512xi32, #tpu.memory_space<vmem>>, vector<16xi32>,
    %mul3A_943 = arith.constant 6 : i32
    %mul3A_944 = vector.broadcast %mul3A_943 : i32 to vector<16xi32>
    %mul3A_945 = arith.muli %get3A_942, %mul3A_944 : vector<16xi32>
    %add3A_946 = arith.constant 0 : i32
    %add3A_947 = vector.broadcast %add3A_946 : i32 to vector<16xi32>
    %add3A_948 = arith.addi %mul3A_945, %add3A_947 : vector<16xi32>
    %swap3A_949 = arith.constant 0 : i32
    %swap3A_950 = arith.index_cast %swap3A_949 : i32 to index
    %swap3A_951 = arith.constant 320 : index
    %swap3A_952 = tpu.vector_load %arg6[%swap3A_950, %swap3A_951] {strides = array<i32>} : memref<6x512xi32, #tpu.memory_space<vmem>>, vector<16xi32>,
    tpu.vector_store %arg6[%swap3A_950, %swap3A_951], %add3A_948 {strides = array<i32>} : memref<6x512xi32, #tpu.memory_space<vmem>>, vector<16xi32>,
    %add3A_953 = arith.constant 1 : i32
    %add3A_954 = vector.broadcast %add3A_953 : i32 to vector<16xi32>
    %add3A_955 = arith.addi %mul3A_945, %add3A_954 : vector<16xi32>
    %swap3A_956 = arith.constant 1 : i32
    %swap3A_957 = arith.index_cast %swap3A_956 : i32 to index
    %swap3A_958 = arith.constant 320 : index
    %swap3A_959 = tpu.vector_load %arg6[%swap3A_957, %swap3A_958] {strides = array<i32>} : memref<6x512xi32, #tpu.memory_space<vmem>>, vector<16xi32>,
    tpu.vector_store %arg6[%swap3A_957, %swap3A_958], %add3A_955 {strides = array<i32>} : memref<6x512xi32, #tpu.memory_space<vmem>>, vector<16xi32>,
    %add3A_960 = arith.constant 2 : i32
    %add3A_961 = vector.broadcast %add3A_960 : i32 to vector<16xi32>
    %add3A_962 = arith.addi %mul3A_945, %add3A_961 : vector<16xi32>
    %swap3A_963 = arith.constant 2 : i32
    %swap3A_964 = arith.index_cast %swap3A_963 : i32 to index
    %swap3A_965 = arith.constant 320 : index
    %swap3A_966 = tpu.vector_load %arg6[%swap3A_964, %swap3A_965] {strides = array<i32>} : memref<6x512xi32, #tpu.memory_space<vmem>>, vector<16xi32>,
    tpu.vector_store %arg6[%swap3A_964, %swap3A_965], %add3A_962 {strides = array<i32>} : memref<6x512xi32, #tpu.memory_space<vmem>>, vector<16xi32>,
    %add3A_967 = arith.constant 3 : i32
    %add3A_968 = vector.broadcast %add3A_967 : i32 to vector<16xi32>
    %add3A_969 = arith.addi %mul3A_945, %add3A_968 : vector<16xi32>
    %swap3A_970 = arith.constant 3 : i32
    %swap3A_971 = arith.index_cast %swap3A_970 : i32 to index
    %swap3A_972 = arith.constant 320 : index
    %swap3A_973 = tpu.vector_load %arg6[%swap3A_971, %swap3A_972] {strides = array<i32>} : memref<6x512xi32, #tpu.memory_space<vmem>>, vector<16xi32>,
    tpu.vector_store %arg6[%swap3A_971, %swap3A_972], %add3A_969 {strides = array<i32>} : memref<6x512xi32, #tpu.memory_space<vmem>>, vector<16xi32>,
    %add3A_974 = arith.constant 4 : i32
    %add3A_975 = vector.broadcast %add3A_974 : i32 to vector<16xi32>
    %add3A_976 = arith.addi %mul3A_945, %add3A_975 : vector<16xi32>
    %swap3A_977 = arith.constant 4 : i32
    %swap3A_978 = arith.index_cast %swap3A_977 : i32 to index
    %swap3A_979 = arith.constant 320 : index
    %swap3A_980 = tpu.vector_load %arg6[%swap3A_978, %swap3A_979] {strides = array<i32>} : memref<6x512xi32, #tpu.memory_space<vmem>>, vector<16xi32>,
    tpu.vector_store %arg6[%swap3A_978, %swap3A_979], %add3A_976 {strides = array<i32>} : memref<6x512xi32, #tpu.memory_space<vmem>>, vector<16xi32>,
    %add3A_981 = arith.constant 5 : i32
    %add3A_982 = vector.broadcast %add3A_981 : i32 to vector<16xi32>
    %add3A_983 = arith.addi %mul3A_945, %add3A_982 : vector<16xi32>
    %swap3A_984 = arith.constant 5 : i32
    %swap3A_985 = arith.index_cast %swap3A_984 : i32 to index
    %swap3A_986 = arith.constant 320 : index
    %swap3A_987 = tpu.vector_load %arg6[%swap3A_985, %swap3A_986] {strides = array<i32>} : memref<6x512xi32, #tpu.memory_space<vmem>>, vector<16xi32>,
    tpu.vector_store %arg6[%swap3A_985, %swap3A_986], %add3A_983 {strides = array<i32>} : memref<6x512xi32, #tpu.memory_space<vmem>>, vector<16xi32>,
    %get3A_988 = arith.constant 336 : index
    %get3A_989 = tpu.vector_load %arg5[%get3A_988] {strides = array<i32>} : memref<512xi32, #tpu.memory_space<vmem>>, vector<16xi32>,
    %mul3A_990 = arith.constant 6 : i32
    %mul3A_991 = vector.broadcast %mul3A_990 : i32 to vector<16xi32>
    %mul3A_992 = arith.muli %get3A_989, %mul3A_991 : vector<16xi32>
    %add3A_993 = arith.constant 0 : i32
    %add3A_994 = vector.broadcast %add3A_993 : i32 to vector<16xi32>
    %add3A_995 = arith.addi %mul3A_992, %add3A_994 : vector<16xi32>
    %swap3A_996 = arith.constant 0 : i32
    %swap3A_997 = arith.index_cast %swap3A_996 : i32 to index
    %swap3A_998 = arith.constant 336 : index
    %swap3A_999 = tpu.vector_load %arg6[%swap3A_997, %swap3A_998] {strides = array<i32>} : memref<6x512xi32, #tpu.memory_space<vmem>>, vector<16xi32>,
    tpu.vector_store %arg6[%swap3A_997, %swap3A_998], %add3A_995 {strides = array<i32>} : memref<6x512xi32, #tpu.memory_space<vmem>>, vector<16xi32>,
    %add3A_1000 = arith.constant 1 : i32
    %add3A_1001 = vector.broadcast %add3A_1000 : i32 to vector<16xi32>
    %add3A_1002 = arith.addi %mul3A_992, %add3A_1001 : vector<16xi32>
    %swap3A_1003 = arith.constant 1 : i32
    %swap3A_1004 = arith.index_cast %swap3A_1003 : i32 to index
    %swap3A_1005 = arith.constant 336 : index
    %swap3A_1006 = tpu.vector_load %arg6[%swap3A_1004, %swap3A_1005] {strides = array<i32>} : memref<6x512xi32, #tpu.memory_space<vmem>>, vector<16xi32>,
    tpu.vector_store %arg6[%swap3A_1004, %swap3A_1005], %add3A_1002 {strides = array<i32>} : memref<6x512xi32, #tpu.memory_space<vmem>>, vector<16xi32>,
    %add3A_1007 = arith.constant 2 : i32
    %add3A_1008 = vector.broadcast %add3A_1007 : i32 to vector<16xi32>
    %add3A_1009 = arith.addi %mul3A_992, %add3A_1008 : vector<16xi32>
    %swap3A_1010 = arith.constant 2 : i32
    %swap3A_1011 = arith.index_cast %swap3A_1010 : i32 to index
    %swap3A_1012 = arith.constant 336 : index
    %swap3A_1013 = tpu.vector_load %arg6[%swap3A_1011, %swap3A_1012] {strides = array<i32>} : memref<6x512xi32, #tpu.memory_space<vmem>>, vector<16xi32>,
    tpu.vector_store %arg6[%swap3A_1011, %swap3A_1012], %add3A_1009 {strides = array<i32>} : memref<6x512xi32, #tpu.memory_space<vmem>>, vector<16xi32>,
    %add3A_1014 = arith.constant 3 : i32
    %add3A_1015 = vector.broadcast %add3A_1014 : i32 to vector<16xi32>
    %add3A_1016 = arith.addi %mul3A_992, %add3A_1015 : vector<16xi32>
    %swap3A_1017 = arith.constant 3 : i32
    %swap3A_1018 = arith.index_cast %swap3A_1017 : i32 to index
    %swap3A_1019 = arith.constant 336 : index
    %swap3A_1020 = tpu.vector_load %arg6[%swap3A_1018, %swap3A_1019] {strides = array<i32>} : memref<6x512xi32, #tpu.memory_space<vmem>>, vector<16xi32>,
    tpu.vector_store %arg6[%swap3A_1018, %swap3A_1019], %add3A_1016 {strides = array<i32>} : memref<6x512xi32, #tpu.memory_space<vmem>>, vector<16xi32>,
    %add3A_1021 = arith.constant 4 : i32
    %add3A_1022 = vector.broadcast %add3A_1021 : i32 to vector<16xi32>
    %add3A_1023 = arith.addi %mul3A_992, %add3A_1022 : vector<16xi32>
    %swap3A_1024 = arith.constant 4 : i32
    %swap3A_1025 = arith.index_cast %swap3A_1024 : i32 to index
    %swap3A_1026 = arith.constant 336 : index
    %swap3A_1027 = tpu.vector_load %arg6[%swap3A_1025, %swap3A_1026] {strides = array<i32>} : memref<6x512xi32, #tpu.memory_space<vmem>>, vector<16xi32>,
    tpu.vector_store %arg6[%swap3A_1025, %swap3A_1026], %add3A_1023 {strides = array<i32>} : memref<6x512xi32, #tpu.memory_space<vmem>>, vector<16xi32>,
    %add3A_1028 = arith.constant 5 : i32
    %add3A_1029 = vector.broadcast %add3A_1028 : i32 to vector<16xi32>
    %add3A_1030 = arith.addi %mul3A_992, %add3A_1029 : vector<16xi32>
    %swap3A_1031 = arith.constant 5 : i32
    %swap3A_1032 = arith.index_cast %swap3A_1031 : i32 to index
    %swap3A_1033 = arith.constant 336 : index
    %swap3A_1034 = tpu.vector_load %arg6[%swap3A_1032, %swap3A_1033] {strides = array<i32>} : memref<6x512xi32, #tpu.memory_space<vmem>>, vector<16xi32>,
    tpu.vector_store %arg6[%swap3A_1032, %swap3A_1033], %add3A_1030 {strides = array<i32>} : memref<6x512xi32, #tpu.memory_space<vmem>>, vector<16xi32>,
    %get3A_1035 = arith.constant 352 : index
    %get3A_1036 = tpu.vector_load %arg5[%get3A_1035] {strides = array<i32>} : memref<512xi32, #tpu.memory_space<vmem>>, vector<16xi32>,
    %mul3A_1037 = arith.constant 6 : i32
    %mul3A_1038 = vector.broadcast %mul3A_1037 : i32 to vector<16xi32>
    %mul3A_1039 = arith.muli %get3A_1036, %mul3A_1038 : vector<16xi32>
    %add3A_1040 = arith.constant 0 : i32
    %add3A_1041 = vector.broadcast %add3A_1040 : i32 to vector<16xi32>
    %add3A_1042 = arith.addi %mul3A_1039, %add3A_1041 : vector<16xi32>
    %swap3A_1043 = arith.constant 0 : i32
    %swap3A_1044 = arith.index_cast %swap3A_1043 : i32 to index
    %swap3A_1045 = arith.constant 352 : index
    %swap3A_1046 = tpu.vector_load %arg6[%swap3A_1044, %swap3A_1045] {strides = array<i32>} : memref<6x512xi32, #tpu.memory_space<vmem>>, vector<16xi32>,
    tpu.vector_store %arg6[%swap3A_1044, %swap3A_1045], %add3A_1042 {strides = array<i32>} : memref<6x512xi32, #tpu.memory_space<vmem>>, vector<16xi32>,
    %add3A_1047 = arith.constant 1 : i32
    %add3A_1048 = vector.broadcast %add3A_1047 : i32 to vector<16xi32>
    %add3A_1049 = arith.addi %mul3A_1039, %add3A_1048 : vector<16xi32>
    %swap3A_1050 = arith.constant 1 : i32
    %swap3A_1051 = arith.index_cast %swap3A_1050 : i32 to index
    %swap3A_1052 = arith.constant 352 : index
    %swap3A_1053 = tpu.vector_load %arg6[%swap3A_1051, %swap3A_1052] {strides = array<i32>} : memref<6x512xi32, #tpu.memory_space<vmem>>, vector<16xi32>,
    tpu.vector_store %arg6[%swap3A_1051, %swap3A_1052], %add3A_1049 {strides = array<i32>} : memref<6x512xi32, #tpu.memory_space<vmem>>, vector<16xi32>,
    %add3A_1054 = arith.constant 2 : i32
    %add3A_1055 = vector.broadcast %add3A_1054 : i32 to vector<16xi32>
    %add3A_1056 = arith.addi %mul3A_1039, %add3A_1055 : vector<16xi32>
    %swap3A_1057 = arith.constant 2 : i32
    %swap3A_1058 = arith.index_cast %swap3A_1057 : i32 to index
    %swap3A_1059 = arith.constant 352 : index
    %swap3A_1060 = tpu.vector_load %arg6[%swap3A_1058, %swap3A_1059] {strides = array<i32>} : memref<6x512xi32, #tpu.memory_space<vmem>>, vector<16xi32>,
    tpu.vector_store %arg6[%swap3A_1058, %swap3A_1059], %add3A_1056 {strides = array<i32>} : memref<6x512xi32, #tpu.memory_space<vmem>>, vector<16xi32>,
    %add3A_1061 = arith.constant 3 : i32
    %add3A_1062 = vector.broadcast %add3A_1061 : i32 to vector<16xi32>
    %add3A_1063 = arith.addi %mul3A_1039, %add3A_1062 : vector<16xi32>
    %swap3A_1064 = arith.constant 3 : i32
    %swap3A_1065 = arith.index_cast %swap3A_1064 : i32 to index
    %swap3A_1066 = arith.constant 352 : index
    %swap3A_1067 = tpu.vector_load %arg6[%swap3A_1065, %swap3A_1066] {strides = array<i32>} : memref<6x512xi32, #tpu.memory_space<vmem>>, vector<16xi32>,
    tpu.vector_store %arg6[%swap3A_1065, %swap3A_1066], %add3A_1063 {strides = array<i32>} : memref<6x512xi32, #tpu.memory_space<vmem>>, vector<16xi32>,
    %add3A_1068 = arith.constant 4 : i32
    %add3A_1069 = vector.broadcast %add3A_1068 : i32 to vector<16xi32>
    %add3A_1070 = arith.addi %mul3A_1039, %add3A_1069 : vector<16xi32>
    %swap3A_1071 = arith.constant 4 : i32
    %swap3A_1072 = arith.index_cast %swap3A_1071 : i32 to index
    %swap3A_1073 = arith.constant 352 : index
    %swap3A_1074 = tpu.vector_load %arg6[%swap3A_1072, %swap3A_1073] {strides = array<i32>} : memref<6x512xi32, #tpu.memory_space<vmem>>, vector<16xi32>,
    tpu.vector_store %arg6[%swap3A_1072, %swap3A_1073], %add3A_1070 {strides = array<i32>} : memref<6x512xi32, #tpu.memory_space<vmem>>, vector<16xi32>,
    %add3A_1075 = arith.constant 5 : i32
    %add3A_1076 = vector.broadcast %add3A_1075 : i32 to vector<16xi32>
    %add3A_1077 = arith.addi %mul3A_1039, %add3A_1076 : vector<16xi32>
    %swap3A_1078 = arith.constant 5 : i32
    %swap3A_1079 = arith.index_cast %swap3A_1078 : i32 to index
    %swap3A_1080 = arith.constant 352 : index
    %swap3A_1081 = tpu.vector_load %arg6[%swap3A_1079, %swap3A_1080] {strides = array<i32>} : memref<6x512xi32, #tpu.memory_space<vmem>>, vector<16xi32>,
    tpu.vector_store %arg6[%swap3A_1079, %swap3A_1080], %add3A_1077 {strides = array<i32>} : memref<6x512xi32, #tpu.memory_space<vmem>>, vector<16xi32>,
    %get3A_1082 = arith.constant 368 : index
    %get3A_1083 = tpu.vector_load %arg5[%get3A_1082] {strides = array<i32>} : memref<512xi32, #tpu.memory_space<vmem>>, vector<16xi32>,
    %mul3A_1084 = arith.constant 6 : i32
    %mul3A_1085 = vector.broadcast %mul3A_1084 : i32 to vector<16xi32>
    %mul3A_1086 = arith.muli %get3A_1083, %mul3A_1085 : vector<16xi32>
    %add3A_1087 = arith.constant 0 : i32
    %add3A_1088 = vector.broadcast %add3A_1087 : i32 to vector<16xi32>
    %add3A_1089 = arith.addi %mul3A_1086, %add3A_1088 : vector<16xi32>
    %swap3A_1090 = arith.constant 0 : i32
    %swap3A_1091 = arith.index_cast %swap3A_1090 : i32 to index
    %swap3A_1092 = arith.constant 368 : index
    %swap3A_1093 = tpu.vector_load %arg6[%swap3A_1091, %swap3A_1092] {strides = array<i32>} : memref<6x512xi32, #tpu.memory_space<vmem>>, vector<16xi32>,
    tpu.vector_store %arg6[%swap3A_1091, %swap3A_1092], %add3A_1089 {strides = array<i32>} : memref<6x512xi32, #tpu.memory_space<vmem>>, vector<16xi32>,
    %add3A_1094 = arith.constant 1 : i32
    %add3A_1095 = vector.broadcast %add3A_1094 : i32 to vector<16xi32>
    %add3A_1096 = arith.addi %mul3A_1086, %add3A_1095 : vector<16xi32>
    %swap3A_1097 = arith.constant 1 : i32
    %swap3A_1098 = arith.index_cast %swap3A_1097 : i32 to index
    %swap3A_1099 = arith.constant 368 : index
    %swap3A_1100 = tpu.vector_load %arg6[%swap3A_1098, %swap3A_1099] {strides = array<i32>} : memref<6x512xi32, #tpu.memory_space<vmem>>, vector<16xi32>,
    tpu.vector_store %arg6[%swap3A_1098, %swap3A_1099], %add3A_1096 {strides = array<i32>} : memref<6x512xi32, #tpu.memory_space<vmem>>, vector<16xi32>,
    %add3A_1101 = arith.constant 2 : i32
    %add3A_1102 = vector.broadcast %add3A_1101 : i32 to vector<16xi32>
    %add3A_1103 = arith.addi %mul3A_1086, %add3A_1102 : vector<16xi32>
    %swap3A_1104 = arith.constant 2 : i32
    %swap3A_1105 = arith.index_cast %swap3A_1104 : i32 to index
    %swap3A_1106 = arith.constant 368 : index
    %swap3A_1107 = tpu.vector_load %arg6[%swap3A_1105, %swap3A_1106] {strides = array<i32>} : memref<6x512xi32, #tpu.memory_space<vmem>>, vector<16xi32>,
    tpu.vector_store %arg6[%swap3A_1105, %swap3A_1106], %add3A_1103 {strides = array<i32>} : memref<6x512xi32, #tpu.memory_space<vmem>>, vector<16xi32>,
    %add3A_1108 = arith.constant 3 : i32
    %add3A_1109 = vector.broadcast %add3A_1108 : i32 to vector<16xi32>
    %add3A_1110 = arith.addi %mul3A_1086, %add3A_1109 : vector<16xi32>
    %swap3A_1111 = arith.constant 3 : i32
    %swap3A_1112 = arith.index_cast %swap3A_1111 : i32 to index
    %swap3A_1113 = arith.constant 368 : index
    %swap3A_1114 = tpu.vector_load %arg6[%swap3A_1112, %swap3A_1113] {strides = array<i32>} : memref<6x512xi32, #tpu.memory_space<vmem>>, vector<16xi32>,
    tpu.vector_store %arg6[%swap3A_1112, %swap3A_1113], %add3A_1110 {strides = array<i32>} : memref<6x512xi32, #tpu.memory_space<vmem>>, vector<16xi32>,
    %add3A_1115 = arith.constant 4 : i32
    %add3A_1116 = vector.broadcast %add3A_1115 : i32 to vector<16xi32>
    %add3A_1117 = arith.addi %mul3A_1086, %add3A_1116 : vector<16xi32>
    %swap3A_1118 = arith.constant 4 : i32
    %swap3A_1119 = arith.index_cast %swap3A_1118 : i32 to index
    %swap3A_1120 = arith.constant 368 : index
    %swap3A_1121 = tpu.vector_load %arg6[%swap3A_1119, %swap3A_1120] {strides = array<i32>} : memref<6x512xi32, #tpu.memory_space<vmem>>, vector<16xi32>,
    tpu.vector_store %arg6[%swap3A_1119, %swap3A_1120], %add3A_1117 {strides = array<i32>} : memref<6x512xi32, #tpu.memory_space<vmem>>, vector<16xi32>,
    %add3A_1122 = arith.constant 5 : i32
    %add3A_1123 = vector.broadcast %add3A_1122 : i32 to vector<16xi32>
    %add3A_1124 = arith.addi %mul3A_1086, %add3A_1123 : vector<16xi32>
    %swap3A_1125 = arith.constant 5 : i32
    %swap3A_1126 = arith.index_cast %swap3A_1125 : i32 to index
    %swap3A_1127 = arith.constant 368 : index
    %swap3A_1128 = tpu.vector_load %arg6[%swap3A_1126, %swap3A_1127] {strides = array<i32>} : memref<6x512xi32, #tpu.memory_space<vmem>>, vector<16xi32>,
    tpu.vector_store %arg6[%swap3A_1126, %swap3A_1127], %add3A_1124 {strides = array<i32>} : memref<6x512xi32, #tpu.memory_space<vmem>>, vector<16xi32>,
    %get3A_1129 = arith.constant 384 : index
    %get3A_1130 = tpu.vector_load %arg5[%get3A_1129] {strides = array<i32>} : memref<512xi32, #tpu.memory_space<vmem>>, vector<16xi32>,
    %mul3A_1131 = arith.constant 6 : i32
    %mul3A_1132 = vector.broadcast %mul3A_1131 : i32 to vector<16xi32>
    %mul3A_1133 = arith.muli %get3A_1130, %mul3A_1132 : vector<16xi32>
    %add3A_1134 = arith.constant 0 : i32
    %add3A_1135 = vector.broadcast %add3A_1134 : i32 to vector<16xi32>
    %add3A_1136 = arith.addi %mul3A_1133, %add3A_1135 : vector<16xi32>
    %swap3A_1137 = arith.constant 0 : i32
    %swap3A_1138 = arith.index_cast %swap3A_1137 : i32 to index
    %swap3A_1139 = arith.constant 384 : index
    %swap3A_1140 = tpu.vector_load %arg6[%swap3A_1138, %swap3A_1139] {strides = array<i32>} : memref<6x512xi32, #tpu.memory_space<vmem>>, vector<16xi32>,
    tpu.vector_store %arg6[%swap3A_1138, %swap3A_1139], %add3A_1136 {strides = array<i32>} : memref<6x512xi32, #tpu.memory_space<vmem>>, vector<16xi32>,
    %add3A_1141 = arith.constant 1 : i32
    %add3A_1142 = vector.broadcast %add3A_1141 : i32 to vector<16xi32>
    %add3A_1143 = arith.addi %mul3A_1133, %add3A_1142 : vector<16xi32>
    %swap3A_1144 = arith.constant 1 : i32
    %swap3A_1145 = arith.index_cast %swap3A_1144 : i32 to index
    %swap3A_1146 = arith.constant 384 : index
    %swap3A_1147 = tpu.vector_load %arg6[%swap3A_1145, %swap3A_1146] {strides = array<i32>} : memref<6x512xi32, #tpu.memory_space<vmem>>, vector<16xi32>,
    tpu.vector_store %arg6[%swap3A_1145, %swap3A_1146], %add3A_1143 {strides = array<i32>} : memref<6x512xi32, #tpu.memory_space<vmem>>, vector<16xi32>,
    %add3A_1148 = arith.constant 2 : i32
    %add3A_1149 = vector.broadcast %add3A_1148 : i32 to vector<16xi32>
    %add3A_1150 = arith.addi %mul3A_1133, %add3A_1149 : vector<16xi32>
    %swap3A_1151 = arith.constant 2 : i32
    %swap3A_1152 = arith.index_cast %swap3A_1151 : i32 to index
    %swap3A_1153 = arith.constant 384 : index
    %swap3A_1154 = tpu.vector_load %arg6[%swap3A_1152, %swap3A_1153] {strides = array<i32>} : memref<6x512xi32, #tpu.memory_space<vmem>>, vector<16xi32>,
    tpu.vector_store %arg6[%swap3A_1152, %swap3A_1153], %add3A_1150 {strides = array<i32>} : memref<6x512xi32, #tpu.memory_space<vmem>>, vector<16xi32>,
    %add3A_1155 = arith.constant 3 : i32
    %add3A_1156 = vector.broadcast %add3A_1155 : i32 to vector<16xi32>
    %add3A_1157 = arith.addi %mul3A_1133, %add3A_1156 : vector<16xi32>
    %swap3A_1158 = arith.constant 3 : i32
    %swap3A_1159 = arith.index_cast %swap3A_1158 : i32 to index
    %swap3A_1160 = arith.constant 384 : index
    %swap3A_1161 = tpu.vector_load %arg6[%swap3A_1159, %swap3A_1160] {strides = array<i32>} : memref<6x512xi32, #tpu.memory_space<vmem>>, vector<16xi32>,
    tpu.vector_store %arg6[%swap3A_1159, %swap3A_1160], %add3A_1157 {strides = array<i32>} : memref<6x512xi32, #tpu.memory_space<vmem>>, vector<16xi32>,
    %add3A_1162 = arith.constant 4 : i32
    %add3A_1163 = vector.broadcast %add3A_1162 : i32 to vector<16xi32>
    %add3A_1164 = arith.addi %mul3A_1133, %add3A_1163 : vector<16xi32>
    %swap3A_1165 = arith.constant 4 : i32
    %swap3A_1166 = arith.index_cast %swap3A_1165 : i32 to index
    %swap3A_1167 = arith.constant 384 : index
    %swap3A_1168 = tpu.vector_load %arg6[%swap3A_1166, %swap3A_1167] {strides = array<i32>} : memref<6x512xi32, #tpu.memory_space<vmem>>, vector<16xi32>,
    tpu.vector_store %arg6[%swap3A_1166, %swap3A_1167], %add3A_1164 {strides = array<i32>} : memref<6x512xi32, #tpu.memory_space<vmem>>, vector<16xi32>,
    %add3A_1169 = arith.constant 5 : i32
    %add3A_1170 = vector.broadcast %add3A_1169 : i32 to vector<16xi32>
    %add3A_1171 = arith.addi %mul3A_1133, %add3A_1170 : vector<16xi32>
    %swap3A_1172 = arith.constant 5 : i32
    %swap3A_1173 = arith.index_cast %swap3A_1172 : i32 to index
    %swap3A_1174 = arith.constant 384 : index
    %swap3A_1175 = tpu.vector_load %arg6[%swap3A_1173, %swap3A_1174] {strides = array<i32>} : memref<6x512xi32, #tpu.memory_space<vmem>>, vector<16xi32>,
    tpu.vector_store %arg6[%swap3A_1173, %swap3A_1174], %add3A_1171 {strides = array<i32>} : memref<6x512xi32, #tpu.memory_space<vmem>>, vector<16xi32>,
    %get3A_1176 = arith.constant 400 : index
    %get3A_1177 = tpu.vector_load %arg5[%get3A_1176] {strides = array<i32>} : memref<512xi32, #tpu.memory_space<vmem>>, vector<16xi32>,
    %mul3A_1178 = arith.constant 6 : i32
    %mul3A_1179 = vector.broadcast %mul3A_1178 : i32 to vector<16xi32>
    %mul3A_1180 = arith.muli %get3A_1177, %mul3A_1179 : vector<16xi32>
    %add3A_1181 = arith.constant 0 : i32
    %add3A_1182 = vector.broadcast %add3A_1181 : i32 to vector<16xi32>
    %add3A_1183 = arith.addi %mul3A_1180, %add3A_1182 : vector<16xi32>
    %swap3A_1184 = arith.constant 0 : i32
    %swap3A_1185 = arith.index_cast %swap3A_1184 : i32 to index
    %swap3A_1186 = arith.constant 400 : index
    %swap3A_1187 = tpu.vector_load %arg6[%swap3A_1185, %swap3A_1186] {strides = array<i32>} : memref<6x512xi32, #tpu.memory_space<vmem>>, vector<16xi32>,
    tpu.vector_store %arg6[%swap3A_1185, %swap3A_1186], %add3A_1183 {strides = array<i32>} : memref<6x512xi32, #tpu.memory_space<vmem>>, vector<16xi32>,
    %add3A_1188 = arith.constant 1 : i32
    %add3A_1189 = vector.broadcast %add3A_1188 : i32 to vector<16xi32>
    %add3A_1190 = arith.addi %mul3A_1180, %add3A_1189 : vector<16xi32>
    %swap3A_1191 = arith.constant 1 : i32
    %swap3A_1192 = arith.index_cast %swap3A_1191 : i32 to index
    %swap3A_1193 = arith.constant 400 : index
    %swap3A_1194 = tpu.vector_load %arg6[%swap3A_1192, %swap3A_1193] {strides = array<i32>} : memref<6x512xi32, #tpu.memory_space<vmem>>, vector<16xi32>,
    tpu.vector_store %arg6[%swap3A_1192, %swap3A_1193], %add3A_1190 {strides = array<i32>} : memref<6x512xi32, #tpu.memory_space<vmem>>, vector<16xi32>,
    %add3A_1195 = arith.constant 2 : i32
    %add3A_1196 = vector.broadcast %add3A_1195 : i32 to vector<16xi32>
    %add3A_1197 = arith.addi %mul3A_1180, %add3A_1196 : vector<16xi32>
    %swap3A_1198 = arith.constant 2 : i32
    %swap3A_1199 = arith.index_cast %swap3A_1198 : i32 to index
    %swap3A_1200 = arith.constant 400 : index
    %swap3A_1201 = tpu.vector_load %arg6[%swap3A_1199, %swap3A_1200] {strides = array<i32>} : memref<6x512xi32, #tpu.memory_space<vmem>>, vector<16xi32>,
    tpu.vector_store %arg6[%swap3A_1199, %swap3A_1200], %add3A_1197 {strides = array<i32>} : memref<6x512xi32, #tpu.memory_space<vmem>>, vector<16xi32>,
    %add3A_1202 = arith.constant 3 : i32
    %add3A_1203 = vector.broadcast %add3A_1202 : i32 to vector<16xi32>
    %add3A_1204 = arith.addi %mul3A_1180, %add3A_1203 : vector<16xi32>
    %swap3A_1205 = arith.constant 3 : i32
    %swap3A_1206 = arith.index_cast %swap3A_1205 : i32 to index
    %swap3A_1207 = arith.constant 400 : index
    %swap3A_1208 = tpu.vector_load %arg6[%swap3A_1206, %swap3A_1207] {strides = array<i32>} : memref<6x512xi32, #tpu.memory_space<vmem>>, vector<16xi32>,
    tpu.vector_store %arg6[%swap3A_1206, %swap3A_1207], %add3A_1204 {strides = array<i32>} : memref<6x512xi32, #tpu.memory_space<vmem>>, vector<16xi32>,
    %add3A_1209 = arith.constant 4 : i32
    %add3A_1210 = vector.broadcast %add3A_1209 : i32 to vector<16xi32>
    %add3A_1211 = arith.addi %mul3A_1180, %add3A_1210 : vector<16xi32>
    %swap3A_1212 = arith.constant 4 : i32
    %swap3A_1213 = arith.index_cast %swap3A_1212 : i32 to index
    %swap3A_1214 = arith.constant 400 : index
    %swap3A_1215 = tpu.vector_load %arg6[%swap3A_1213, %swap3A_1214] {strides = array<i32>} : memref<6x512xi32, #tpu.memory_space<vmem>>, vector<16xi32>,
    tpu.vector_store %arg6[%swap3A_1213, %swap3A_1214], %add3A_1211 {strides = array<i32>} : memref<6x512xi32, #tpu.memory_space<vmem>>, vector<16xi32>,
    %add3A_1216 = arith.constant 5 : i32
    %add3A_1217 = vector.broadcast %add3A_1216 : i32 to vector<16xi32>
    %add3A_1218 = arith.addi %mul3A_1180, %add3A_1217 : vector<16xi32>
    %swap3A_1219 = arith.constant 5 : i32
    %swap3A_1220 = arith.index_cast %swap3A_1219 : i32 to index
    %swap3A_1221 = arith.constant 400 : index
    %swap3A_1222 = tpu.vector_load %arg6[%swap3A_1220, %swap3A_1221] {strides = array<i32>} : memref<6x512xi32, #tpu.memory_space<vmem>>, vector<16xi32>,
    tpu.vector_store %arg6[%swap3A_1220, %swap3A_1221], %add3A_1218 {strides = array<i32>} : memref<6x512xi32, #tpu.memory_space<vmem>>, vector<16xi32>,
    %get3A_1223 = arith.constant 416 : index
    %get3A_1224 = tpu.vector_load %arg5[%get3A_1223] {strides = array<i32>} : memref<512xi32, #tpu.memory_space<vmem>>, vector<16xi32>,
    %mul3A_1225 = arith.constant 6 : i32
    %mul3A_1226 = vector.broadcast %mul3A_1225 : i32 to vector<16xi32>
    %mul3A_1227 = arith.muli %get3A_1224, %mul3A_1226 : vector<16xi32>
    %add3A_1228 = arith.constant 0 : i32
    %add3A_1229 = vector.broadcast %add3A_1228 : i32 to vector<16xi32>
    %add3A_1230 = arith.addi %mul3A_1227, %add3A_1229 : vector<16xi32>
    %swap3A_1231 = arith.constant 0 : i32
    %swap3A_1232 = arith.index_cast %swap3A_1231 : i32 to index
    %swap3A_1233 = arith.constant 416 : index
    %swap3A_1234 = tpu.vector_load %arg6[%swap3A_1232, %swap3A_1233] {strides = array<i32>} : memref<6x512xi32, #tpu.memory_space<vmem>>, vector<16xi32>,
    tpu.vector_store %arg6[%swap3A_1232, %swap3A_1233], %add3A_1230 {strides = array<i32>} : memref<6x512xi32, #tpu.memory_space<vmem>>, vector<16xi32>,
    %add3A_1235 = arith.constant 1 : i32
    %add3A_1236 = vector.broadcast %add3A_1235 : i32 to vector<16xi32>
    %add3A_1237 = arith.addi %mul3A_1227, %add3A_1236 : vector<16xi32>
    %swap3A_1238 = arith.constant 1 : i32
    %swap3A_1239 = arith.index_cast %swap3A_1238 : i32 to index
    %swap3A_1240 = arith.constant 416 : index
    %swap3A_1241 = tpu.vector_load %arg6[%swap3A_1239, %swap3A_1240] {strides = array<i32>} : memref<6x512xi32, #tpu.memory_space<vmem>>, vector<16xi32>,
    tpu.vector_store %arg6[%swap3A_1239, %swap3A_1240], %add3A_1237 {strides = array<i32>} : memref<6x512xi32, #tpu.memory_space<vmem>>, vector<16xi32>,
    %add3A_1242 = arith.constant 2 : i32
    %add3A_1243 = vector.broadcast %add3A_1242 : i32 to vector<16xi32>
    %add3A_1244 = arith.addi %mul3A_1227, %add3A_1243 : vector<16xi32>
    %swap3A_1245 = arith.constant 2 : i32
    %swap3A_1246 = arith.index_cast %swap3A_1245 : i32 to index
    %swap3A_1247 = arith.constant 416 : index
    %swap3A_1248 = tpu.vector_load %arg6[%swap3A_1246, %swap3A_1247] {strides = array<i32>} : memref<6x512xi32, #tpu.memory_space<vmem>>, vector<16xi32>,
    tpu.vector_store %arg6[%swap3A_1246, %swap3A_1247], %add3A_1244 {strides = array<i32>} : memref<6x512xi32, #tpu.memory_space<vmem>>, vector<16xi32>,
    %add3A_1249 = arith.constant 3 : i32
    %add3A_1250 = vector.broadcast %add3A_1249 : i32 to vector<16xi32>
    %add3A_1251 = arith.addi %mul3A_1227, %add3A_1250 : vector<16xi32>
    %swap3A_1252 = arith.constant 3 : i32
    %swap3A_1253 = arith.index_cast %swap3A_1252 : i32 to index
    %swap3A_1254 = arith.constant 416 : index
    %swap3A_1255 = tpu.vector_load %arg6[%swap3A_1253, %swap3A_1254] {strides = array<i32>} : memref<6x512xi32, #tpu.memory_space<vmem>>, vector<16xi32>,
    tpu.vector_store %arg6[%swap3A_1253, %swap3A_1254], %add3A_1251 {strides = array<i32>} : memref<6x512xi32, #tpu.memory_space<vmem>>, vector<16xi32>,
    %add3A_1256 = arith.constant 4 : i32
    %add3A_1257 = vector.broadcast %add3A_1256 : i32 to vector<16xi32>
    %add3A_1258 = arith.addi %mul3A_1227, %add3A_1257 : vector<16xi32>
    %swap3A_1259 = arith.constant 4 : i32
    %swap3A_1260 = arith.index_cast %swap3A_1259 : i32 to index
    %swap3A_1261 = arith.constant 416 : index
    %swap3A_1262 = tpu.vector_load %arg6[%swap3A_1260, %swap3A_1261] {strides = array<i32>} : memref<6x512xi32, #tpu.memory_space<vmem>>, vector<16xi32>,
    tpu.vector_store %arg6[%swap3A_1260, %swap3A_1261], %add3A_1258 {strides = array<i32>} : memref<6x512xi32, #tpu.memory_space<vmem>>, vector<16xi32>,
    %add3A_1263 = arith.constant 5 : i32
    %add3A_1264 = vector.broadcast %add3A_1263 : i32 to vector<16xi32>
    %add3A_1265 = arith.addi %mul3A_1227, %add3A_1264 : vector<16xi32>
    %swap3A_1266 = arith.constant 5 : i32
    %swap3A_1267 = arith.index_cast %swap3A_1266 : i32 to index
    %swap3A_1268 = arith.constant 416 : index
    %swap3A_1269 = tpu.vector_load %arg6[%swap3A_1267, %swap3A_1268] {strides = array<i32>} : memref<6x512xi32, #tpu.memory_space<vmem>>, vector<16xi32>,
    tpu.vector_store %arg6[%swap3A_1267, %swap3A_1268], %add3A_1265 {strides = array<i32>} : memref<6x512xi32, #tpu.memory_space<vmem>>, vector<16xi32>,
    %get3A_1270 = arith.constant 432 : index
    %get3A_1271 = tpu.vector_load %arg5[%get3A_1270] {strides = array<i32>} : memref<512xi32, #tpu.memory_space<vmem>>, vector<16xi32>,
    %mul3A_1272 = arith.constant 6 : i32
    %mul3A_1273 = vector.broadcast %mul3A_1272 : i32 to vector<16xi32>
    %mul3A_1274 = arith.muli %get3A_1271, %mul3A_1273 : vector<16xi32>
    %add3A_1275 = arith.constant 0 : i32
    %add3A_1276 = vector.broadcast %add3A_1275 : i32 to vector<16xi32>
    %add3A_1277 = arith.addi %mul3A_1274, %add3A_1276 : vector<16xi32>
    %swap3A_1278 = arith.constant 0 : i32
    %swap3A_1279 = arith.index_cast %swap3A_1278 : i32 to index
    %swap3A_1280 = arith.constant 432 : index
    %swap3A_1281 = tpu.vector_load %arg6[%swap3A_1279, %swap3A_1280] {strides = array<i32>} : memref<6x512xi32, #tpu.memory_space<vmem>>, vector<16xi32>,
    tpu.vector_store %arg6[%swap3A_1279, %swap3A_1280], %add3A_1277 {strides = array<i32>} : memref<6x512xi32, #tpu.memory_space<vmem>>, vector<16xi32>,
    %add3A_1282 = arith.constant 1 : i32
    %add3A_1283 = vector.broadcast %add3A_1282 : i32 to vector<16xi32>
    %add3A_1284 = arith.addi %mul3A_1274, %add3A_1283 : vector<16xi32>
    %swap3A_1285 = arith.constant 1 : i32
    %swap3A_1286 = arith.index_cast %swap3A_1285 : i32 to index
    %swap3A_1287 = arith.constant 432 : index
    %swap3A_1288 = tpu.vector_load %arg6[%swap3A_1286, %swap3A_1287] {strides = array<i32>} : memref<6x512xi32, #tpu.memory_space<vmem>>, vector<16xi32>,
    tpu.vector_store %arg6[%swap3A_1286, %swap3A_1287], %add3A_1284 {strides = array<i32>} : memref<6x512xi32, #tpu.memory_space<vmem>>, vector<16xi32>,
    %add3A_1289 = arith.constant 2 : i32
    %add3A_1290 = vector.broadcast %add3A_1289 : i32 to vector<16xi32>
    %add3A_1291 = arith.addi %mul3A_1274, %add3A_1290 : vector<16xi32>
    %swap3A_1292 = arith.constant 2 : i32
    %swap3A_1293 = arith.index_cast %swap3A_1292 : i32 to index
    %swap3A_1294 = arith.constant 432 : index
    %swap3A_1295 = tpu.vector_load %arg6[%swap3A_1293, %swap3A_1294] {strides = array<i32>} : memref<6x512xi32, #tpu.memory_space<vmem>>, vector<16xi32>,
    tpu.vector_store %arg6[%swap3A_1293, %swap3A_1294], %add3A_1291 {strides = array<i32>} : memref<6x512xi32, #tpu.memory_space<vmem>>, vector<16xi32>,
    %add3A_1296 = arith.constant 3 : i32
    %add3A_1297 = vector.broadcast %add3A_1296 : i32 to vector<16xi32>
    %add3A_1298 = arith.addi %mul3A_1274, %add3A_1297 : vector<16xi32>
    %swap3A_1299 = arith.constant 3 : i32
    %swap3A_1300 = arith.index_cast %swap3A_1299 : i32 to index
    %swap3A_1301 = arith.constant 432 : index
    %swap3A_1302 = tpu.vector_load %arg6[%swap3A_1300, %swap3A_1301] {strides = array<i32>} : memref<6x512xi32, #tpu.memory_space<vmem>>, vector<16xi32>,
    tpu.vector_store %arg6[%swap3A_1300, %swap3A_1301], %add3A_1298 {strides = array<i32>} : memref<6x512xi32, #tpu.memory_space<vmem>>, vector<16xi32>,
    %add3A_1303 = arith.constant 4 : i32
    %add3A_1304 = vector.broadcast %add3A_1303 : i32 to vector<16xi32>
    %add3A_1305 = arith.addi %mul3A_1274, %add3A_1304 : vector<16xi32>
    %swap3A_1306 = arith.constant 4 : i32
    %swap3A_1307 = arith.index_cast %swap3A_1306 : i32 to index
    %swap3A_1308 = arith.constant 432 : index
    %swap3A_1309 = tpu.vector_load %arg6[%swap3A_1307, %swap3A_1308] {strides = array<i32>} : memref<6x512xi32, #tpu.memory_space<vmem>>, vector<16xi32>,
    tpu.vector_store %arg6[%swap3A_1307, %swap3A_1308], %add3A_1305 {strides = array<i32>} : memref<6x512xi32, #tpu.memory_space<vmem>>, vector<16xi32>,
    %add3A_1310 = arith.constant 5 : i32
    %add3A_1311 = vector.broadcast %add3A_1310 : i32 to vector<16xi32>
    %add3A_1312 = arith.addi %mul3A_1274, %add3A_1311 : vector<16xi32>
    %swap3A_1313 = arith.constant 5 : i32
    %swap3A_1314 = arith.index_cast %swap3A_1313 : i32 to index
    %swap3A_1315 = arith.constant 432 : index
    %swap3A_1316 = tpu.vector_load %arg6[%swap3A_1314, %swap3A_1315] {strides = array<i32>} : memref<6x512xi32, #tpu.memory_space<vmem>>, vector<16xi32>,
    tpu.vector_store %arg6[%swap3A_1314, %swap3A_1315], %add3A_1312 {strides = array<i32>} : memref<6x512xi32, #tpu.memory_space<vmem>>, vector<16xi32>,
    %get3A_1317 = arith.constant 448 : index
    %get3A_1318 = tpu.vector_load %arg5[%get3A_1317] {strides = array<i32>} : memref<512xi32, #tpu.memory_space<vmem>>, vector<16xi32>,
    %mul3A_1319 = arith.constant 6 : i32
    %mul3A_1320 = vector.broadcast %mul3A_1319 : i32 to vector<16xi32>
    %mul3A_1321 = arith.muli %get3A_1318, %mul3A_1320 : vector<16xi32>
    %add3A_1322 = arith.constant 0 : i32
    %add3A_1323 = vector.broadcast %add3A_1322 : i32 to vector<16xi32>
    %add3A_1324 = arith.addi %mul3A_1321, %add3A_1323 : vector<16xi32>
    %swap3A_1325 = arith.constant 0 : i32
    %swap3A_1326 = arith.index_cast %swap3A_1325 : i32 to index
    %swap3A_1327 = arith.constant 448 : index
    %swap3A_1328 = tpu.vector_load %arg6[%swap3A_1326, %swap3A_1327] {strides = array<i32>} : memref<6x512xi32, #tpu.memory_space<vmem>>, vector<16xi32>,
    tpu.vector_store %arg6[%swap3A_1326, %swap3A_1327], %add3A_1324 {strides = array<i32>} : memref<6x512xi32, #tpu.memory_space<vmem>>, vector<16xi32>,
    %add3A_1329 = arith.constant 1 : i32
    %add3A_1330 = vector.broadcast %add3A_1329 : i32 to vector<16xi32>
    %add3A_1331 = arith.addi %mul3A_1321, %add3A_1330 : vector<16xi32>
    %swap3A_1332 = arith.constant 1 : i32
    %swap3A_1333 = arith.index_cast %swap3A_1332 : i32 to index
    %swap3A_1334 = arith.constant 448 : index
    %swap3A_1335 = tpu.vector_load %arg6[%swap3A_1333, %swap3A_1334] {strides = array<i32>} : memref<6x512xi32, #tpu.memory_space<vmem>>, vector<16xi32>,
    tpu.vector_store %arg6[%swap3A_1333, %swap3A_1334], %add3A_1331 {strides = array<i32>} : memref<6x512xi32, #tpu.memory_space<vmem>>, vector<16xi32>,
    %add3A_1336 = arith.constant 2 : i32
    %add3A_1337 = vector.broadcast %add3A_1336 : i32 to vector<16xi32>
    %add3A_1338 = arith.addi %mul3A_1321, %add3A_1337 : vector<16xi32>
    %swap3A_1339 = arith.constant 2 : i32
    %swap3A_1340 = arith.index_cast %swap3A_1339 : i32 to index
    %swap3A_1341 = arith.constant 448 : index
    %swap3A_1342 = tpu.vector_load %arg6[%swap3A_1340, %swap3A_1341] {strides = array<i32>} : memref<6x512xi32, #tpu.memory_space<vmem>>, vector<16xi32>,
    tpu.vector_store %arg6[%swap3A_1340, %swap3A_1341], %add3A_1338 {strides = array<i32>} : memref<6x512xi32, #tpu.memory_space<vmem>>, vector<16xi32>,
    %add3A_1343 = arith.constant 3 : i32
    %add3A_1344 = vector.broadcast %add3A_1343 : i32 to vector<16xi32>
    %add3A_1345 = arith.addi %mul3A_1321, %add3A_1344 : vector<16xi32>
    %swap3A_1346 = arith.constant 3 : i32
    %swap3A_1347 = arith.index_cast %swap3A_1346 : i32 to index
    %swap3A_1348 = arith.constant 448 : index
    %swap3A_1349 = tpu.vector_load %arg6[%swap3A_1347, %swap3A_1348] {strides = array<i32>} : memref<6x512xi32, #tpu.memory_space<vmem>>, vector<16xi32>,
    tpu.vector_store %arg6[%swap3A_1347, %swap3A_1348], %add3A_1345 {strides = array<i32>} : memref<6x512xi32, #tpu.memory_space<vmem>>, vector<16xi32>,
    %add3A_1350 = arith.constant 4 : i32
    %add3A_1351 = vector.broadcast %add3A_1350 : i32 to vector<16xi32>
    %add3A_1352 = arith.addi %mul3A_1321, %add3A_1351 : vector<16xi32>
    %swap3A_1353 = arith.constant 4 : i32
    %swap3A_1354 = arith.index_cast %swap3A_1353 : i32 to index
    %swap3A_1355 = arith.constant 448 : index
    %swap3A_1356 = tpu.vector_load %arg6[%swap3A_1354, %swap3A_1355] {strides = array<i32>} : memref<6x512xi32, #tpu.memory_space<vmem>>, vector<16xi32>,
    tpu.vector_store %arg6[%swap3A_1354, %swap3A_1355], %add3A_1352 {strides = array<i32>} : memref<6x512xi32, #tpu.memory_space<vmem>>, vector<16xi32>,
    %add3A_1357 = arith.constant 5 : i32
    %add3A_1358 = vector.broadcast %add3A_1357 : i32 to vector<16xi32>
    %add3A_1359 = arith.addi %mul3A_1321, %add3A_1358 : vector<16xi32>
    %swap3A_1360 = arith.constant 5 : i32
    %swap3A_1361 = arith.index_cast %swap3A_1360 : i32 to index
    %swap3A_1362 = arith.constant 448 : index
    %swap3A_1363 = tpu.vector_load %arg6[%swap3A_1361, %swap3A_1362] {strides = array<i32>} : memref<6x512xi32, #tpu.memory_space<vmem>>, vector<16xi32>,
    tpu.vector_store %arg6[%swap3A_1361, %swap3A_1362], %add3A_1359 {strides = array<i32>} : memref<6x512xi32, #tpu.memory_space<vmem>>, vector<16xi32>,
    %get3A_1364 = arith.constant 464 : index
    %get3A_1365 = tpu.vector_load %arg5[%get3A_1364] {strides = array<i32>} : memref<512xi32, #tpu.memory_space<vmem>>, vector<16xi32>,
    %mul3A_1366 = arith.constant 6 : i32
    %mul3A_1367 = vector.broadcast %mul3A_1366 : i32 to vector<16xi32>
    %mul3A_1368 = arith.muli %get3A_1365, %mul3A_1367 : vector<16xi32>
    %add3A_1369 = arith.constant 0 : i32
    %add3A_1370 = vector.broadcast %add3A_1369 : i32 to vector<16xi32>
    %add3A_1371 = arith.addi %mul3A_1368, %add3A_1370 : vector<16xi32>
    %swap3A_1372 = arith.constant 0 : i32
    %swap3A_1373 = arith.index_cast %swap3A_1372 : i32 to index
    %swap3A_1374 = arith.constant 464 : index
    %swap3A_1375 = tpu.vector_load %arg6[%swap3A_1373, %swap3A_1374] {strides = array<i32>} : memref<6x512xi32, #tpu.memory_space<vmem>>, vector<16xi32>,
    tpu.vector_store %arg6[%swap3A_1373, %swap3A_1374], %add3A_1371 {strides = array<i32>} : memref<6x512xi32, #tpu.memory_space<vmem>>, vector<16xi32>,
    %add3A_1376 = arith.constant 1 : i32
    %add3A_1377 = vector.broadcast %add3A_1376 : i32 to vector<16xi32>
    %add3A_1378 = arith.addi %mul3A_1368, %add3A_1377 : vector<16xi32>
    %swap3A_1379 = arith.constant 1 : i32
    %swap3A_1380 = arith.index_cast %swap3A_1379 : i32 to index
    %swap3A_1381 = arith.constant 464 : index
    %swap3A_1382 = tpu.vector_load %arg6[%swap3A_1380, %swap3A_1381] {strides = array<i32>} : memref<6x512xi32, #tpu.memory_space<vmem>>, vector<16xi32>,
    tpu.vector_store %arg6[%swap3A_1380, %swap3A_1381], %add3A_1378 {strides = array<i32>} : memref<6x512xi32, #tpu.memory_space<vmem>>, vector<16xi32>,
    %add3A_1383 = arith.constant 2 : i32
    %add3A_1384 = vector.broadcast %add3A_1383 : i32 to vector<16xi32>
    %add3A_1385 = arith.addi %mul3A_1368, %add3A_1384 : vector<16xi32>
    %swap3A_1386 = arith.constant 2 : i32
    %swap3A_1387 = arith.index_cast %swap3A_1386 : i32 to index
    %swap3A_1388 = arith.constant 464 : index
    %swap3A_1389 = tpu.vector_load %arg6[%swap3A_1387, %swap3A_1388] {strides = array<i32>} : memref<6x512xi32, #tpu.memory_space<vmem>>, vector<16xi32>,
    tpu.vector_store %arg6[%swap3A_1387, %swap3A_1388], %add3A_1385 {strides = array<i32>} : memref<6x512xi32, #tpu.memory_space<vmem>>, vector<16xi32>,
    %add3A_1390 = arith.constant 3 : i32
    %add3A_1391 = vector.broadcast %add3A_1390 : i32 to vector<16xi32>
    %add3A_1392 = arith.addi %mul3A_1368, %add3A_1391 : vector<16xi32>
    %swap3A_1393 = arith.constant 3 : i32
    %swap3A_1394 = arith.index_cast %swap3A_1393 : i32 to index
    %swap3A_1395 = arith.constant 464 : index
    %swap3A_1396 = tpu.vector_load %arg6[%swap3A_1394, %swap3A_1395] {strides = array<i32>} : memref<6x512xi32, #tpu.memory_space<vmem>>, vector<16xi32>,
    tpu.vector_store %arg6[%swap3A_1394, %swap3A_1395], %add3A_1392 {strides = array<i32>} : memref<6x512xi32, #tpu.memory_space<vmem>>, vector<16xi32>,
    %add3A_1397 = arith.constant 4 : i32
    %add3A_1398 = vector.broadcast %add3A_1397 : i32 to vector<16xi32>
    %add3A_1399 = arith.addi %mul3A_1368, %add3A_1398 : vector<16xi32>
    %swap3A_1400 = arith.constant 4 : i32
    %swap3A_1401 = arith.index_cast %swap3A_1400 : i32 to index
    %swap3A_1402 = arith.constant 464 : index
    %swap3A_1403 = tpu.vector_load %arg6[%swap3A_1401, %swap3A_1402] {strides = array<i32>} : memref<6x512xi32, #tpu.memory_space<vmem>>, vector<16xi32>,
    tpu.vector_store %arg6[%swap3A_1401, %swap3A_1402], %add3A_1399 {strides = array<i32>} : memref<6x512xi32, #tpu.memory_space<vmem>>, vector<16xi32>,
    %add3A_1404 = arith.constant 5 : i32
    %add3A_1405 = vector.broadcast %add3A_1404 : i32 to vector<16xi32>
    %add3A_1406 = arith.addi %mul3A_1368, %add3A_1405 : vector<16xi32>
    %swap3A_1407 = arith.constant 5 : i32
    %swap3A_1408 = arith.index_cast %swap3A_1407 : i32 to index
    %swap3A_1409 = arith.constant 464 : index
    %swap3A_1410 = tpu.vector_load %arg6[%swap3A_1408, %swap3A_1409] {strides = array<i32>} : memref<6x512xi32, #tpu.memory_space<vmem>>, vector<16xi32>,
    tpu.vector_store %arg6[%swap3A_1408, %swap3A_1409], %add3A_1406 {strides = array<i32>} : memref<6x512xi32, #tpu.memory_space<vmem>>, vector<16xi32>,
    %get3A_1411 = arith.constant 480 : index
    %get3A_1412 = tpu.vector_load %arg5[%get3A_1411] {strides = array<i32>} : memref<512xi32, #tpu.memory_space<vmem>>, vector<16xi32>,
    %mul3A_1413 = arith.constant 6 : i32
    %mul3A_1414 = vector.broadcast %mul3A_1413 : i32 to vector<16xi32>
    %mul3A_1415 = arith.muli %get3A_1412, %mul3A_1414 : vector<16xi32>
    %add3A_1416 = arith.constant 0 : i32
    %add3A_1417 = vector.broadcast %add3A_1416 : i32 to vector<16xi32>
    %add3A_1418 = arith.addi %mul3A_1415, %add3A_1417 : vector<16xi32>
    %swap3A_1419 = arith.constant 0 : i32
    %swap3A_1420 = arith.index_cast %swap3A_1419 : i32 to index
    %swap3A_1421 = arith.constant 480 : index
    %swap3A_1422 = tpu.vector_load %arg6[%swap3A_1420, %swap3A_1421] {strides = array<i32>} : memref<6x512xi32, #tpu.memory_space<vmem>>, vector<16xi32>,
    tpu.vector_store %arg6[%swap3A_1420, %swap3A_1421], %add3A_1418 {strides = array<i32>} : memref<6x512xi32, #tpu.memory_space<vmem>>, vector<16xi32>,
    %add3A_1423 = arith.constant 1 : i32
    %add3A_1424 = vector.broadcast %add3A_1423 : i32 to vector<16xi32>
    %add3A_1425 = arith.addi %mul3A_1415, %add3A_1424 : vector<16xi32>
    %swap3A_1426 = arith.constant 1 : i32
    %swap3A_1427 = arith.index_cast %swap3A_1426 : i32 to index
    %swap3A_1428 = arith.constant 480 : index
    %swap3A_1429 = tpu.vector_load %arg6[%swap3A_1427, %swap3A_1428] {strides = array<i32>} : memref<6x512xi32, #tpu.memory_space<vmem>>, vector<16xi32>,
    tpu.vector_store %arg6[%swap3A_1427, %swap3A_1428], %add3A_1425 {strides = array<i32>} : memref<6x512xi32, #tpu.memory_space<vmem>>, vector<16xi32>,
    %add3A_1430 = arith.constant 2 : i32
    %add3A_1431 = vector.broadcast %add3A_1430 : i32 to vector<16xi32>
    %add3A_1432 = arith.addi %mul3A_1415, %add3A_1431 : vector<16xi32>
    %swap3A_1433 = arith.constant 2 : i32
    %swap3A_1434 = arith.index_cast %swap3A_1433 : i32 to index
    %swap3A_1435 = arith.constant 480 : index
    %swap3A_1436 = tpu.vector_load %arg6[%swap3A_1434, %swap3A_1435] {strides = array<i32>} : memref<6x512xi32, #tpu.memory_space<vmem>>, vector<16xi32>,
    tpu.vector_store %arg6[%swap3A_1434, %swap3A_1435], %add3A_1432 {strides = array<i32>} : memref<6x512xi32, #tpu.memory_space<vmem>>, vector<16xi32>,
    %add3A_1437 = arith.constant 3 : i32
    %add3A_1438 = vector.broadcast %add3A_1437 : i32 to vector<16xi32>
    %add3A_1439 = arith.addi %mul3A_1415, %add3A_1438 : vector<16xi32>
    %swap3A_1440 = arith.constant 3 : i32
    %swap3A_1441 = arith.index_cast %swap3A_1440 : i32 to index
    %swap3A_1442 = arith.constant 480 : index
    %swap3A_1443 = tpu.vector_load %arg6[%swap3A_1441, %swap3A_1442] {strides = array<i32>} : memref<6x512xi32, #tpu.memory_space<vmem>>, vector<16xi32>,
    tpu.vector_store %arg6[%swap3A_1441, %swap3A_1442], %add3A_1439 {strides = array<i32>} : memref<6x512xi32, #tpu.memory_space<vmem>>, vector<16xi32>,
    %add3A_1444 = arith.constant 4 : i32
    %add3A_1445 = vector.broadcast %add3A_1444 : i32 to vector<16xi32>
    %add3A_1446 = arith.addi %mul3A_1415, %add3A_1445 : vector<16xi32>
    %swap3A_1447 = arith.constant 4 : i32
    %swap3A_1448 = arith.index_cast %swap3A_1447 : i32 to index
    %swap3A_1449 = arith.constant 480 : index
    %swap3A_1450 = tpu.vector_load %arg6[%swap3A_1448, %swap3A_1449] {strides = array<i32>} : memref<6x512xi32, #tpu.memory_space<vmem>>, vector<16xi32>,
    tpu.vector_store %arg6[%swap3A_1448, %swap3A_1449], %add3A_1446 {strides = array<i32>} : memref<6x512xi32, #tpu.memory_space<vmem>>, vector<16xi32>,
    %add3A_1451 = arith.constant 5 : i32
    %add3A_1452 = vector.broadcast %add3A_1451 : i32 to vector<16xi32>
    %add3A_1453 = arith.addi %mul3A_1415, %add3A_1452 : vector<16xi32>
    %swap3A_1454 = arith.constant 5 : i32
    %swap3A_1455 = arith.index_cast %swap3A_1454 : i32 to index
    %swap3A_1456 = arith.constant 480 : index
    %swap3A_1457 = tpu.vector_load %arg6[%swap3A_1455, %swap3A_1456] {strides = array<i32>} : memref<6x512xi32, #tpu.memory_space<vmem>>, vector<16xi32>,
    tpu.vector_store %arg6[%swap3A_1455, %swap3A_1456], %add3A_1453 {strides = array<i32>} : memref<6x512xi32, #tpu.memory_space<vmem>>, vector<16xi32>,
    %get3A_1458 = arith.constant 496 : index
    %get3A_1459 = tpu.vector_load %arg5[%get3A_1458] {strides = array<i32>} : memref<512xi32, #tpu.memory_space<vmem>>, vector<16xi32>,
    %mul3A_1460 = arith.constant 6 : i32
    %mul3A_1461 = vector.broadcast %mul3A_1460 : i32 to vector<16xi32>
    %mul3A_1462 = arith.muli %get3A_1459, %mul3A_1461 : vector<16xi32>
    %add3A_1463 = arith.constant 0 : i32
    %add3A_1464 = vector.broadcast %add3A_1463 : i32 to vector<16xi32>
    %add3A_1465 = arith.addi %mul3A_1462, %add3A_1464 : vector<16xi32>
    %swap3A_1466 = arith.constant 0 : i32
    %swap3A_1467 = arith.index_cast %swap3A_1466 : i32 to index
    %swap3A_1468 = arith.constant 496 : index
    %swap3A_1469 = tpu.vector_load %arg6[%swap3A_1467, %swap3A_1468] {strides = array<i32>} : memref<6x512xi32, #tpu.memory_space<vmem>>, vector<16xi32>,
    tpu.vector_store %arg6[%swap3A_1467, %swap3A_1468], %add3A_1465 {strides = array<i32>} : memref<6x512xi32, #tpu.memory_space<vmem>>, vector<16xi32>,
    %add3A_1470 = arith.constant 1 : i32
    %add3A_1471 = vector.broadcast %add3A_1470 : i32 to vector<16xi32>
    %add3A_1472 = arith.addi %mul3A_1462, %add3A_1471 : vector<16xi32>
    %swap3A_1473 = arith.constant 1 : i32
    %swap3A_1474 = arith.index_cast %swap3A_1473 : i32 to index
    %swap3A_1475 = arith.constant 496 : index
    %swap3A_1476 = tpu.vector_load %arg6[%swap3A_1474, %swap3A_1475] {strides = array<i32>} : memref<6x512xi32, #tpu.memory_space<vmem>>, vector<16xi32>,
    tpu.vector_store %arg6[%swap3A_1474, %swap3A_1475], %add3A_1472 {strides = array<i32>} : memref<6x512xi32, #tpu.memory_space<vmem>>, vector<16xi32>,
    %add3A_1477 = arith.constant 2 : i32
    %add3A_1478 = vector.broadcast %add3A_1477 : i32 to vector<16xi32>
    %add3A_1479 = arith.addi %mul3A_1462, %add3A_1478 : vector<16xi32>
    %swap3A_1480 = arith.constant 2 : i32
    %swap3A_1481 = arith.index_cast %swap3A_1480 : i32 to index
    %swap3A_1482 = arith.constant 496 : index
    %swap3A_1483 = tpu.vector_load %arg6[%swap3A_1481, %swap3A_1482] {strides = array<i32>} : memref<6x512xi32, #tpu.memory_space<vmem>>, vector<16xi32>,
    tpu.vector_store %arg6[%swap3A_1481, %swap3A_1482], %add3A_1479 {strides = array<i32>} : memref<6x512xi32, #tpu.memory_space<vmem>>, vector<16xi32>,
    %add3A_1484 = arith.constant 3 : i32
    %add3A_1485 = vector.broadcast %add3A_1484 : i32 to vector<16xi32>
    %add3A_1486 = arith.addi %mul3A_1462, %add3A_1485 : vector<16xi32>
    %swap3A_1487 = arith.constant 3 : i32
    %swap3A_1488 = arith.index_cast %swap3A_1487 : i32 to index
    %swap3A_1489 = arith.constant 496 : index
    %swap3A_1490 = tpu.vector_load %arg6[%swap3A_1488, %swap3A_1489] {strides = array<i32>} : memref<6x512xi32, #tpu.memory_space<vmem>>, vector<16xi32>,
    tpu.vector_store %arg6[%swap3A_1488, %swap3A_1489], %add3A_1486 {strides = array<i32>} : memref<6x512xi32, #tpu.memory_space<vmem>>, vector<16xi32>,
    %add3A_1491 = arith.constant 4 : i32
    %add3A_1492 = vector.broadcast %add3A_1491 : i32 to vector<16xi32>
    %add3A_1493 = arith.addi %mul3A_1462, %add3A_1492 : vector<16xi32>
    %swap3A_1494 = arith.constant 4 : i32
    %swap3A_1495 = arith.index_cast %swap3A_1494 : i32 to index
    %swap3A_1496 = arith.constant 496 : index
    %swap3A_1497 = tpu.vector_load %arg6[%swap3A_1495, %swap3A_1496] {strides = array<i32>} : memref<6x512xi32, #tpu.memory_space<vmem>>, vector<16xi32>,
    tpu.vector_store %arg6[%swap3A_1495, %swap3A_1496], %add3A_1493 {strides = array<i32>} : memref<6x512xi32, #tpu.memory_space<vmem>>, vector<16xi32>,
    %add3A_1498 = arith.constant 5 : i32
    %add3A_1499 = vector.broadcast %add3A_1498 : i32 to vector<16xi32>
    %add3A_1500 = arith.addi %mul3A_1462, %add3A_1499 : vector<16xi32>
    %swap3A_1501 = arith.constant 5 : i32
    %swap3A_1502 = arith.index_cast %swap3A_1501 : i32 to index
    %swap3A_1503 = arith.constant 496 : index
    %swap3A_1504 = tpu.vector_load %arg6[%swap3A_1502, %swap3A_1503] {strides = array<i32>} : memref<6x512xi32, #tpu.memory_space<vmem>>, vector<16xi32>,
    tpu.vector_store %arg6[%swap3A_1502, %swap3A_1503], %add3A_1500 {strides = array<i32>} : memref<6x512xi32, #tpu.memory_space<vmem>>, vector<16xi32>,
    %dma_start3A = arith.constant 0 : i32
    %dma_start3A_1505 = arith.constant 0 : i32
    %dma_start3A_1506 = arith.constant 0 : i32
    %dma_start3A_1507 = tpu.memref_slice %arg7[%dma_start3A_1505, %dma_start3A_1506] : memref<6x512xf32, #tpu.memory_space<vmem>> -> memref<1x128xf32, #tpu.memory_space<vmem>>
    %dma_start3A_1508 = tpu.memref_squeeze %dma_start3A_1507 : memref<1x128xf32, #tpu.memory_space<vmem>> -> memref<128xf32, #tpu.memory_space<vmem>>
    %dma_start3A_1509 = arith.constant 0 : i32
    %dma_start3A_1510 = tpu.memref_slice %arg6[%dma_start3A, %dma_start3A_1509] : memref<6x512xi32, #tpu.memory_space<vmem>> -> memref<1x128xi32, #tpu.memory_space<vmem>>
    %dma_start3A_1511 = tpu.memref_squeeze %dma_start3A_1510 : memref<1x128xi32, #tpu.memory_space<vmem>> -> memref<128xi32, #tpu.memory_space<vmem>>
    %dma_start3A_1512 = arith.constant 0 : i32
    %dma_start3A_1513 = tpu.memref_slice %arg2[%dma_start3A_1512] : memref<98304xf32, #tpu.memory_space<hbm>> -> memref<98304xf32, #tpu.memory_space<hbm>>
    tpu.enqueue_indirect_dma source(%dma_start3A_1513 : memref<98304xf32, #tpu.memory_space<hbm>>) target(%dma_start3A_1508 : memref<128xf32, #tpu.memory_space<vmem>>) offsets(%dma_start3A_1511 : memref<128xi32, #tpu.memory_space<vmem>>) semaphore(%arg8 : memref<!tpu.dma_semaphore, #tpu.memory_space<semaphore_mem>>)
    %dma_start3A_1514 = arith.constant 0 : i32
    %dma_start3A_1515 = arith.constant 0 : i32
    %dma_start3A_1516 = arith.constant 128 : i32
    %dma_start3A_1517 = tpu.memref_slice %arg7[%dma_start3A_1515, %dma_start3A_1516] : memref<6x512xf32, #tpu.memory_space<vmem>> -> memref<1x128xf32, #tpu.memory_space<vmem>>
    %dma_start3A_1518 = tpu.memref_squeeze %dma_start3A_1517 : memref<1x128xf32, #tpu.memory_space<vmem>> -> memref<128xf32, #tpu.memory_space<vmem>>
    %dma_start3A_1519 = arith.constant 128 : i32
    %dma_start3A_1520 = tpu.memref_slice %arg6[%dma_start3A_1514, %dma_start3A_1519] : memref<6x512xi32, #tpu.memory_space<vmem>> -> memref<1x128xi32, #tpu.memory_space<vmem>>
    %dma_start3A_1521 = tpu.memref_squeeze %dma_start3A_1520 : memref<1x128xi32, #tpu.memory_space<vmem>> -> memref<128xi32, #tpu.memory_space<vmem>>
    %dma_start3A_1522 = arith.constant 0 : i32
    %dma_start3A_1523 = tpu.memref_slice %arg2[%dma_start3A_1522] : memref<98304xf32, #tpu.memory_space<hbm>> -> memref<98304xf32, #tpu.memory_space<hbm>>
    tpu.enqueue_indirect_dma source(%dma_start3A_1523 : memref<98304xf32, #tpu.memory_space<hbm>>) target(%dma_start3A_1518 : memref<128xf32, #tpu.memory_space<vmem>>) offsets(%dma_start3A_1521 : memref<128xi32, #tpu.memory_space<vmem>>) semaphore(%arg8 : memref<!tpu.dma_semaphore, #tpu.memory_space<semaphore_mem>>)
    %dma_start3A_1524 = arith.constant 0 : i32
    %dma_start3A_1525 = arith.constant 0 : i32
    %dma_start3A_1526 = arith.constant 256 : i32
    %dma_start3A_1527 = tpu.memref_slice %arg7[%dma_start3A_1525, %dma_start3A_1526] : memref<6x512xf32, #tpu.memory_space<vmem>> -> memref<1x128xf32, #tpu.memory_space<vmem>>
    %dma_start3A_1528 = tpu.memref_squeeze %dma_start3A_1527 : memref<1x128xf32, #tpu.memory_space<vmem>> -> memref<128xf32, #tpu.memory_space<vmem>>
    %dma_start3A_1529 = arith.constant 256 : i32
    %dma_start3A_1530 = tpu.memref_slice %arg6[%dma_start3A_1524, %dma_start3A_1529] : memref<6x512xi32, #tpu.memory_space<vmem>> -> memref<1x128xi32, #tpu.memory_space<vmem>>
    %dma_start3A_1531 = tpu.memref_squeeze %dma_start3A_1530 : memref<1x128xi32, #tpu.memory_space<vmem>> -> memref<128xi32, #tpu.memory_space<vmem>>
    %dma_start3A_1532 = arith.constant 0 : i32
    %dma_start3A_1533 = tpu.memref_slice %arg2[%dma_start3A_1532] : memref<98304xf32, #tpu.memory_space<hbm>> -> memref<98304xf32, #tpu.memory_space<hbm>>
    tpu.enqueue_indirect_dma source(%dma_start3A_1533 : memref<98304xf32, #tpu.memory_space<hbm>>) target(%dma_start3A_1528 : memref<128xf32, #tpu.memory_space<vmem>>) offsets(%dma_start3A_1531 : memref<128xi32, #tpu.memory_space<vmem>>) semaphore(%arg8 : memref<!tpu.dma_semaphore, #tpu.memory_space<semaphore_mem>>)
    %dma_start3A_1534 = arith.constant 0 : i32
    %dma_start3A_1535 = arith.constant 0 : i32
    %dma_start3A_1536 = arith.constant 384 : i32
    %dma_start3A_1537 = tpu.memref_slice %arg7[%dma_start3A_1535, %dma_start3A_1536] : memref<6x512xf32, #tpu.memory_space<vmem>> -> memref<1x128xf32, #tpu.memory_space<vmem>>
    %dma_start3A_1538 = tpu.memref_squeeze %dma_start3A_1537 : memref<1x128xf32, #tpu.memory_space<vmem>> -> memref<128xf32, #tpu.memory_space<vmem>>
    %dma_start3A_1539 = arith.constant 384 : i32
    %dma_start3A_1540 = tpu.memref_slice %arg6[%dma_start3A_1534, %dma_start3A_1539] : memref<6x512xi32, #tpu.memory_space<vmem>> -> memref<1x128xi32, #tpu.memory_space<vmem>>
    %dma_start3A_1541 = tpu.memref_squeeze %dma_start3A_1540 : memref<1x128xi32, #tpu.memory_space<vmem>> -> memref<128xi32, #tpu.memory_space<vmem>>
    %dma_start3A_1542 = arith.constant 0 : i32
    %dma_start3A_1543 = tpu.memref_slice %arg2[%dma_start3A_1542] : memref<98304xf32, #tpu.memory_space<hbm>> -> memref<98304xf32, #tpu.memory_space<hbm>>
    tpu.enqueue_indirect_dma source(%dma_start3A_1543 : memref<98304xf32, #tpu.memory_space<hbm>>) target(%dma_start3A_1538 : memref<128xf32, #tpu.memory_space<vmem>>) offsets(%dma_start3A_1541 : memref<128xi32, #tpu.memory_space<vmem>>) semaphore(%arg8 : memref<!tpu.dma_semaphore, #tpu.memory_space<semaphore_mem>>)
    %dma_start3A_1544 = arith.constant 1 : i32
    %dma_start3A_1545 = arith.constant 1 : i32
    %dma_start3A_1546 = arith.constant 0 : i32
    %dma_start3A_1547 = tpu.memref_slice %arg7[%dma_start3A_1545, %dma_start3A_1546] : memref<6x512xf32, #tpu.memory_space<vmem>> -> memref<1x128xf32, #tpu.memory_space<vmem>>
    %dma_start3A_1548 = tpu.memref_squeeze %dma_start3A_1547 : memref<1x128xf32, #tpu.memory_space<vmem>> -> memref<128xf32, #tpu.memory_space<vmem>>
    %dma_start3A_1549 = arith.constant 0 : i32
    %dma_start3A_1550 = tpu.memref_slice %arg6[%dma_start3A_1544, %dma_start3A_1549] : memref<6x512xi32, #tpu.memory_space<vmem>> -> memref<1x128xi32, #tpu.memory_space<vmem>>
    %dma_start3A_1551 = tpu.memref_squeeze %dma_start3A_1550 : memref<1x128xi32, #tpu.memory_space<vmem>> -> memref<128xi32, #tpu.memory_space<vmem>>
    %dma_start3A_1552 = arith.constant 0 : i32
    %dma_start3A_1553 = tpu.memref_slice %arg2[%dma_start3A_1552] : memref<98304xf32, #tpu.memory_space<hbm>> -> memref<98304xf32, #tpu.memory_space<hbm>>
    tpu.enqueue_indirect_dma source(%dma_start3A_1553 : memref<98304xf32, #tpu.memory_space<hbm>>) target(%dma_start3A_1548 : memref<128xf32, #tpu.memory_space<vmem>>) offsets(%dma_start3A_1551 : memref<128xi32, #tpu.memory_space<vmem>>) semaphore(%arg8 : memref<!tpu.dma_semaphore, #tpu.memory_space<semaphore_mem>>)
    %dma_start3A_1554 = arith.constant 1 : i32
    %dma_start3A_1555 = arith.constant 1 : i32
    %dma_start3A_1556 = arith.constant 128 : i32
    %dma_start3A_1557 = tpu.memref_slice %arg7[%dma_start3A_1555, %dma_start3A_1556] : memref<6x512xf32, #tpu.memory_space<vmem>> -> memref<1x128xf32, #tpu.memory_space<vmem>>
    %dma_start3A_1558 = tpu.memref_squeeze %dma_start3A_1557 : memref<1x128xf32, #tpu.memory_space<vmem>> -> memref<128xf32, #tpu.memory_space<vmem>>
    %dma_start3A_1559 = arith.constant 128 : i32
    %dma_start3A_1560 = tpu.memref_slice %arg6[%dma_start3A_1554, %dma_start3A_1559] : memref<6x512xi32, #tpu.memory_space<vmem>> -> memref<1x128xi32, #tpu.memory_space<vmem>>
    %dma_start3A_1561 = tpu.memref_squeeze %dma_start3A_1560 : memref<1x128xi32, #tpu.memory_space<vmem>> -> memref<128xi32, #tpu.memory_space<vmem>>
    %dma_start3A_1562 = arith.constant 0 : i32
    %dma_start3A_1563 = tpu.memref_slice %arg2[%dma_start3A_1562] : memref<98304xf32, #tpu.memory_space<hbm>> -> memref<98304xf32, #tpu.memory_space<hbm>>
    tpu.enqueue_indirect_dma source(%dma_start3A_1563 : memref<98304xf32, #tpu.memory_space<hbm>>) target(%dma_start3A_1558 : memref<128xf32, #tpu.memory_space<vmem>>) offsets(%dma_start3A_1561 : memref<128xi32, #tpu.memory_space<vmem>>) semaphore(%arg8 : memref<!tpu.dma_semaphore, #tpu.memory_space<semaphore_mem>>)
    %dma_start3A_1564 = arith.constant 1 : i32
    %dma_start3A_1565 = arith.constant 1 : i32
    %dma_start3A_1566 = arith.constant 256 : i32
    %dma_start3A_1567 = tpu.memref_slice %arg7[%dma_start3A_1565, %dma_start3A_1566] : memref<6x512xf32, #tpu.memory_space<vmem>> -> memref<1x128xf32, #tpu.memory_space<vmem>>
    %dma_start3A_1568 = tpu.memref_squeeze %dma_start3A_1567 : memref<1x128xf32, #tpu.memory_space<vmem>> -> memref<128xf32, #tpu.memory_space<vmem>>
    %dma_start3A_1569 = arith.constant 256 : i32
    %dma_start3A_1570 = tpu.memref_slice %arg6[%dma_start3A_1564, %dma_start3A_1569] : memref<6x512xi32, #tpu.memory_space<vmem>> -> memref<1x128xi32, #tpu.memory_space<vmem>>
    %dma_start3A_1571 = tpu.memref_squeeze %dma_start3A_1570 : memref<1x128xi32, #tpu.memory_space<vmem>> -> memref<128xi32, #tpu.memory_space<vmem>>
    %dma_start3A_1572 = arith.constant 0 : i32
    %dma_start3A_1573 = tpu.memref_slice %arg2[%dma_start3A_1572] : memref<98304xf32, #tpu.memory_space<hbm>> -> memref<98304xf32, #tpu.memory_space<hbm>>
    tpu.enqueue_indirect_dma source(%dma_start3A_1573 : memref<98304xf32, #tpu.memory_space<hbm>>) target(%dma_start3A_1568 : memref<128xf32, #tpu.memory_space<vmem>>) offsets(%dma_start3A_1571 : memref<128xi32, #tpu.memory_space<vmem>>) semaphore(%arg8 : memref<!tpu.dma_semaphore, #tpu.memory_space<semaphore_mem>>)
    %dma_start3A_1574 = arith.constant 1 : i32
    %dma_start3A_1575 = arith.constant 1 : i32
    %dma_start3A_1576 = arith.constant 384 : i32
    %dma_start3A_1577 = tpu.memref_slice %arg7[%dma_start3A_1575, %dma_start3A_1576] : memref<6x512xf32, #tpu.memory_space<vmem>> -> memref<1x128xf32, #tpu.memory_space<vmem>>
    %dma_start3A_1578 = tpu.memref_squeeze %dma_start3A_1577 : memref<1x128xf32, #tpu.memory_space<vmem>> -> memref<128xf32, #tpu.memory_space<vmem>>
    %dma_start3A_1579 = arith.constant 384 : i32
    %dma_start3A_1580 = tpu.memref_slice %arg6[%dma_start3A_1574, %dma_start3A_1579] : memref<6x512xi32, #tpu.memory_space<vmem>> -> memref<1x128xi32, #tpu.memory_space<vmem>>
    %dma_start3A_1581 = tpu.memref_squeeze %dma_start3A_1580 : memref<1x128xi32, #tpu.memory_space<vmem>> -> memref<128xi32, #tpu.memory_space<vmem>>
    %dma_start3A_1582 = arith.constant 0 : i32
    %dma_start3A_1583 = tpu.memref_slice %arg2[%dma_start3A_1582] : memref<98304xf32, #tpu.memory_space<hbm>> -> memref<98304xf32, #tpu.memory_space<hbm>>
    tpu.enqueue_indirect_dma source(%dma_start3A_1583 : memref<98304xf32, #tpu.memory_space<hbm>>) target(%dma_start3A_1578 : memref<128xf32, #tpu.memory_space<vmem>>) offsets(%dma_start3A_1581 : memref<128xi32, #tpu.memory_space<vmem>>) semaphore(%arg8 : memref<!tpu.dma_semaphore, #tpu.memory_space<semaphore_mem>>)
    %dma_start3A_1584 = arith.constant 2 : i32
    %dma_start3A_1585 = arith.constant 2 : i32
    %dma_start3A_1586 = arith.constant 0 : i32
    %dma_start3A_1587 = tpu.memref_slice %arg7[%dma_start3A_1585, %dma_start3A_1586] : memref<6x512xf32, #tpu.memory_space<vmem>> -> memref<1x128xf32, #tpu.memory_space<vmem>>
    %dma_start3A_1588 = tpu.memref_squeeze %dma_start3A_1587 : memref<1x128xf32, #tpu.memory_space<vmem>> -> memref<128xf32, #tpu.memory_space<vmem>>
    %dma_start3A_1589 = arith.constant 0 : i32
    %dma_start3A_1590 = tpu.memref_slice %arg6[%dma_start3A_1584, %dma_start3A_1589] : memref<6x512xi32, #tpu.memory_space<vmem>> -> memref<1x128xi32, #tpu.memory_space<vmem>>
    %dma_start3A_1591 = tpu.memref_squeeze %dma_start3A_1590 : memref<1x128xi32, #tpu.memory_space<vmem>> -> memref<128xi32, #tpu.memory_space<vmem>>
    %dma_start3A_1592 = arith.constant 0 : i32
    %dma_start3A_1593 = tpu.memref_slice %arg2[%dma_start3A_1592] : memref<98304xf32, #tpu.memory_space<hbm>> -> memref<98304xf32, #tpu.memory_space<hbm>>
    tpu.enqueue_indirect_dma source(%dma_start3A_1593 : memref<98304xf32, #tpu.memory_space<hbm>>) target(%dma_start3A_1588 : memref<128xf32, #tpu.memory_space<vmem>>) offsets(%dma_start3A_1591 : memref<128xi32, #tpu.memory_space<vmem>>) semaphore(%arg8 : memref<!tpu.dma_semaphore, #tpu.memory_space<semaphore_mem>>)
    %dma_start3A_1594 = arith.constant 2 : i32
    %dma_start3A_1595 = arith.constant 2 : i32
    %dma_start3A_1596 = arith.constant 128 : i32
    %dma_start3A_1597 = tpu.memref_slice %arg7[%dma_start3A_1595, %dma_start3A_1596] : memref<6x512xf32, #tpu.memory_space<vmem>> -> memref<1x128xf32, #tpu.memory_space<vmem>>
    %dma_start3A_1598 = tpu.memref_squeeze %dma_start3A_1597 : memref<1x128xf32, #tpu.memory_space<vmem>> -> memref<128xf32, #tpu.memory_space<vmem>>
    %dma_start3A_1599 = arith.constant 128 : i32
    %dma_start3A_1600 = tpu.memref_slice %arg6[%dma_start3A_1594, %dma_start3A_1599] : memref<6x512xi32, #tpu.memory_space<vmem>> -> memref<1x128xi32, #tpu.memory_space<vmem>>
    %dma_start3A_1601 = tpu.memref_squeeze %dma_start3A_1600 : memref<1x128xi32, #tpu.memory_space<vmem>> -> memref<128xi32, #tpu.memory_space<vmem>>
    %dma_start3A_1602 = arith.constant 0 : i32
    %dma_start3A_1603 = tpu.memref_slice %arg2[%dma_start3A_1602] : memref<98304xf32, #tpu.memory_space<hbm>> -> memref<98304xf32, #tpu.memory_space<hbm>>
    tpu.enqueue_indirect_dma source(%dma_start3A_1603 : memref<98304xf32, #tpu.memory_space<hbm>>) target(%dma_start3A_1598 : memref<128xf32, #tpu.memory_space<vmem>>) offsets(%dma_start3A_1601 : memref<128xi32, #tpu.memory_space<vmem>>) semaphore(%arg8 : memref<!tpu.dma_semaphore, #tpu.memory_space<semaphore_mem>>)
    %dma_start3A_1604 = arith.constant 2 : i32
    %dma_start3A_1605 = arith.constant 2 : i32
    %dma_start3A_1606 = arith.constant 256 : i32
    %dma_start3A_1607 = tpu.memref_slice %arg7[%dma_start3A_1605, %dma_start3A_1606] : memref<6x512xf32, #tpu.memory_space<vmem>> -> memref<1x128xf32, #tpu.memory_space<vmem>>
    %dma_start3A_1608 = tpu.memref_squeeze %dma_start3A_1607 : memref<1x128xf32, #tpu.memory_space<vmem>> -> memref<128xf32, #tpu.memory_space<vmem>>
    %dma_start3A_1609 = arith.constant 256 : i32
    %dma_start3A_1610 = tpu.memref_slice %arg6[%dma_start3A_1604, %dma_start3A_1609] : memref<6x512xi32, #tpu.memory_space<vmem>> -> memref<1x128xi32, #tpu.memory_space<vmem>>
    %dma_start3A_1611 = tpu.memref_squeeze %dma_start3A_1610 : memref<1x128xi32, #tpu.memory_space<vmem>> -> memref<128xi32, #tpu.memory_space<vmem>>
    %dma_start3A_1612 = arith.constant 0 : i32
    %dma_start3A_1613 = tpu.memref_slice %arg2[%dma_start3A_1612] : memref<98304xf32, #tpu.memory_space<hbm>> -> memref<98304xf32, #tpu.memory_space<hbm>>
    tpu.enqueue_indirect_dma source(%dma_start3A_1613 : memref<98304xf32, #tpu.memory_space<hbm>>) target(%dma_start3A_1608 : memref<128xf32, #tpu.memory_space<vmem>>) offsets(%dma_start3A_1611 : memref<128xi32, #tpu.memory_space<vmem>>) semaphore(%arg8 : memref<!tpu.dma_semaphore, #tpu.memory_space<semaphore_mem>>)
    %dma_start3A_1614 = arith.constant 2 : i32
    %dma_start3A_1615 = arith.constant 2 : i32
    %dma_start3A_1616 = arith.constant 384 : i32
    %dma_start3A_1617 = tpu.memref_slice %arg7[%dma_start3A_1615, %dma_start3A_1616] : memref<6x512xf32, #tpu.memory_space<vmem>> -> memref<1x128xf32, #tpu.memory_space<vmem>>
    %dma_start3A_1618 = tpu.memref_squeeze %dma_start3A_1617 : memref<1x128xf32, #tpu.memory_space<vmem>> -> memref<128xf32, #tpu.memory_space<vmem>>
    %dma_start3A_1619 = arith.constant 384 : i32
    %dma_start3A_1620 = tpu.memref_slice %arg6[%dma_start3A_1614, %dma_start3A_1619] : memref<6x512xi32, #tpu.memory_space<vmem>> -> memref<1x128xi32, #tpu.memory_space<vmem>>
    %dma_start3A_1621 = tpu.memref_squeeze %dma_start3A_1620 : memref<1x128xi32, #tpu.memory_space<vmem>> -> memref<128xi32, #tpu.memory_space<vmem>>
    %dma_start3A_1622 = arith.constant 0 : i32
    %dma_start3A_1623 = tpu.memref_slice %arg2[%dma_start3A_1622] : memref<98304xf32, #tpu.memory_space<hbm>> -> memref<98304xf32, #tpu.memory_space<hbm>>
    tpu.enqueue_indirect_dma source(%dma_start3A_1623 : memref<98304xf32, #tpu.memory_space<hbm>>) target(%dma_start3A_1618 : memref<128xf32, #tpu.memory_space<vmem>>) offsets(%dma_start3A_1621 : memref<128xi32, #tpu.memory_space<vmem>>) semaphore(%arg8 : memref<!tpu.dma_semaphore, #tpu.memory_space<semaphore_mem>>)
    %dma_start3A_1624 = arith.constant 3 : i32
    %dma_start3A_1625 = arith.constant 3 : i32
    %dma_start3A_1626 = arith.constant 0 : i32
    %dma_start3A_1627 = tpu.memref_slice %arg7[%dma_start3A_1625, %dma_start3A_1626] : memref<6x512xf32, #tpu.memory_space<vmem>> -> memref<1x128xf32, #tpu.memory_space<vmem>>
    %dma_start3A_1628 = tpu.memref_squeeze %dma_start3A_1627 : memref<1x128xf32, #tpu.memory_space<vmem>> -> memref<128xf32, #tpu.memory_space<vmem>>
    %dma_start3A_1629 = arith.constant 0 : i32
    %dma_start3A_1630 = tpu.memref_slice %arg6[%dma_start3A_1624, %dma_start3A_1629] : memref<6x512xi32, #tpu.memory_space<vmem>> -> memref<1x128xi32, #tpu.memory_space<vmem>>
    %dma_start3A_1631 = tpu.memref_squeeze %dma_start3A_1630 : memref<1x128xi32, #tpu.memory_space<vmem>> -> memref<128xi32, #tpu.memory_space<vmem>>
    %dma_start3A_1632 = arith.constant 0 : i32
    %dma_start3A_1633 = tpu.memref_slice %arg2[%dma_start3A_1632] : memref<98304xf32, #tpu.memory_space<hbm>> -> memref<98304xf32, #tpu.memory_space<hbm>>
    tpu.enqueue_indirect_dma source(%dma_start3A_1633 : memref<98304xf32, #tpu.memory_space<hbm>>) target(%dma_start3A_1628 : memref<128xf32, #tpu.memory_space<vmem>>) offsets(%dma_start3A_1631 : memref<128xi32, #tpu.memory_space<vmem>>) semaphore(%arg8 : memref<!tpu.dma_semaphore, #tpu.memory_space<semaphore_mem>>)
    %dma_start3A_1634 = arith.constant 3 : i32
    %dma_start3A_1635 = arith.constant 3 : i32
    %dma_start3A_1636 = arith.constant 128 : i32
    %dma_start3A_1637 = tpu.memref_slice %arg7[%dma_start3A_1635, %dma_start3A_1636] : memref<6x512xf32, #tpu.memory_space<vmem>> -> memref<1x128xf32, #tpu.memory_space<vmem>>
    %dma_start3A_1638 = tpu.memref_squeeze %dma_start3A_1637 : memref<1x128xf32, #tpu.memory_space<vmem>> -> memref<128xf32, #tpu.memory_space<vmem>>
    %dma_start3A_1639 = arith.constant 128 : i32
    %dma_start3A_1640 = tpu.memref_slice %arg6[%dma_start3A_1634, %dma_start3A_1639] : memref<6x512xi32, #tpu.memory_space<vmem>> -> memref<1x128xi32, #tpu.memory_space<vmem>>
    %dma_start3A_1641 = tpu.memref_squeeze %dma_start3A_1640 : memref<1x128xi32, #tpu.memory_space<vmem>> -> memref<128xi32, #tpu.memory_space<vmem>>
    %dma_start3A_1642 = arith.constant 0 : i32
    %dma_start3A_1643 = tpu.memref_slice %arg2[%dma_start3A_1642] : memref<98304xf32, #tpu.memory_space<hbm>> -> memref<98304xf32, #tpu.memory_space<hbm>>
    tpu.enqueue_indirect_dma source(%dma_start3A_1643 : memref<98304xf32, #tpu.memory_space<hbm>>) target(%dma_start3A_1638 : memref<128xf32, #tpu.memory_space<vmem>>) offsets(%dma_start3A_1641 : memref<128xi32, #tpu.memory_space<vmem>>) semaphore(%arg8 : memref<!tpu.dma_semaphore, #tpu.memory_space<semaphore_mem>>)
    %dma_start3A_1644 = arith.constant 3 : i32
    %dma_start3A_1645 = arith.constant 3 : i32
    %dma_start3A_1646 = arith.constant 256 : i32
    %dma_start3A_1647 = tpu.memref_slice %arg7[%dma_start3A_1645, %dma_start3A_1646] : memref<6x512xf32, #tpu.memory_space<vmem>> -> memref<1x128xf32, #tpu.memory_space<vmem>>
    %dma_start3A_1648 = tpu.memref_squeeze %dma_start3A_1647 : memref<1x128xf32, #tpu.memory_space<vmem>> -> memref<128xf32, #tpu.memory_space<vmem>>
    %dma_start3A_1649 = arith.constant 256 : i32
    %dma_start3A_1650 = tpu.memref_slice %arg6[%dma_start3A_1644, %dma_start3A_1649] : memref<6x512xi32, #tpu.memory_space<vmem>> -> memref<1x128xi32, #tpu.memory_space<vmem>>
    %dma_start3A_1651 = tpu.memref_squeeze %dma_start3A_1650 : memref<1x128xi32, #tpu.memory_space<vmem>> -> memref<128xi32, #tpu.memory_space<vmem>>
    %dma_start3A_1652 = arith.constant 0 : i32
    %dma_start3A_1653 = tpu.memref_slice %arg2[%dma_start3A_1652] : memref<98304xf32, #tpu.memory_space<hbm>> -> memref<98304xf32, #tpu.memory_space<hbm>>
    tpu.enqueue_indirect_dma source(%dma_start3A_1653 : memref<98304xf32, #tpu.memory_space<hbm>>) target(%dma_start3A_1648 : memref<128xf32, #tpu.memory_space<vmem>>) offsets(%dma_start3A_1651 : memref<128xi32, #tpu.memory_space<vmem>>) semaphore(%arg8 : memref<!tpu.dma_semaphore, #tpu.memory_space<semaphore_mem>>)
    %dma_start3A_1654 = arith.constant 3 : i32
    %dma_start3A_1655 = arith.constant 3 : i32
    %dma_start3A_1656 = arith.constant 384 : i32
    %dma_start3A_1657 = tpu.memref_slice %arg7[%dma_start3A_1655, %dma_start3A_1656] : memref<6x512xf32, #tpu.memory_space<vmem>> -> memref<1x128xf32, #tpu.memory_space<vmem>>
    %dma_start3A_1658 = tpu.memref_squeeze %dma_start3A_1657 : memref<1x128xf32, #tpu.memory_space<vmem>> -> memref<128xf32, #tpu.memory_space<vmem>>
    %dma_start3A_1659 = arith.constant 384 : i32
    %dma_start3A_1660 = tpu.memref_slice %arg6[%dma_start3A_1654, %dma_start3A_1659] : memref<6x512xi32, #tpu.memory_space<vmem>> -> memref<1x128xi32, #tpu.memory_space<vmem>>
    %dma_start3A_1661 = tpu.memref_squeeze %dma_start3A_1660 : memref<1x128xi32, #tpu.memory_space<vmem>> -> memref<128xi32, #tpu.memory_space<vmem>>
    %dma_start3A_1662 = arith.constant 0 : i32
    %dma_start3A_1663 = tpu.memref_slice %arg2[%dma_start3A_1662] : memref<98304xf32, #tpu.memory_space<hbm>> -> memref<98304xf32, #tpu.memory_space<hbm>>
    tpu.enqueue_indirect_dma source(%dma_start3A_1663 : memref<98304xf32, #tpu.memory_space<hbm>>) target(%dma_start3A_1658 : memref<128xf32, #tpu.memory_space<vmem>>) offsets(%dma_start3A_1661 : memref<128xi32, #tpu.memory_space<vmem>>) semaphore(%arg8 : memref<!tpu.dma_semaphore, #tpu.memory_space<semaphore_mem>>)
    %dma_start3A_1664 = arith.constant 4 : i32
    %dma_start3A_1665 = arith.constant 4 : i32
    %dma_start3A_1666 = arith.constant 0 : i32
    %dma_start3A_1667 = tpu.memref_slice %arg7[%dma_start3A_1665, %dma_start3A_1666] : memref<6x512xf32, #tpu.memory_space<vmem>> -> memref<1x128xf32, #tpu.memory_space<vmem>>
    %dma_start3A_1668 = tpu.memref_squeeze %dma_start3A_1667 : memref<1x128xf32, #tpu.memory_space<vmem>> -> memref<128xf32, #tpu.memory_space<vmem>>
    %dma_start3A_1669 = arith.constant 0 : i32
    %dma_start3A_1670 = tpu.memref_slice %arg6[%dma_start3A_1664, %dma_start3A_1669] : memref<6x512xi32, #tpu.memory_space<vmem>> -> memref<1x128xi32, #tpu.memory_space<vmem>>
    %dma_start3A_1671 = tpu.memref_squeeze %dma_start3A_1670 : memref<1x128xi32, #tpu.memory_space<vmem>> -> memref<128xi32, #tpu.memory_space<vmem>>
    %dma_start3A_1672 = arith.constant 0 : i32
    %dma_start3A_1673 = tpu.memref_slice %arg2[%dma_start3A_1672] : memref<98304xf32, #tpu.memory_space<hbm>> -> memref<98304xf32, #tpu.memory_space<hbm>>
    tpu.enqueue_indirect_dma source(%dma_start3A_1673 : memref<98304xf32, #tpu.memory_space<hbm>>) target(%dma_start3A_1668 : memref<128xf32, #tpu.memory_space<vmem>>) offsets(%dma_start3A_1671 : memref<128xi32, #tpu.memory_space<vmem>>) semaphore(%arg8 : memref<!tpu.dma_semaphore, #tpu.memory_space<semaphore_mem>>)
    %dma_start3A_1674 = arith.constant 4 : i32
    %dma_start3A_1675 = arith.constant 4 : i32
    %dma_start3A_1676 = arith.constant 128 : i32
    %dma_start3A_1677 = tpu.memref_slice %arg7[%dma_start3A_1675, %dma_start3A_1676] : memref<6x512xf32, #tpu.memory_space<vmem>> -> memref<1x128xf32, #tpu.memory_space<vmem>>
    %dma_start3A_1678 = tpu.memref_squeeze %dma_start3A_1677 : memref<1x128xf32, #tpu.memory_space<vmem>> -> memref<128xf32, #tpu.memory_space<vmem>>
    %dma_start3A_1679 = arith.constant 128 : i32
    %dma_start3A_1680 = tpu.memref_slice %arg6[%dma_start3A_1674, %dma_start3A_1679] : memref<6x512xi32, #tpu.memory_space<vmem>> -> memref<1x128xi32, #tpu.memory_space<vmem>>
    %dma_start3A_1681 = tpu.memref_squeeze %dma_start3A_1680 : memref<1x128xi32, #tpu.memory_space<vmem>> -> memref<128xi32, #tpu.memory_space<vmem>>
    %dma_start3A_1682 = arith.constant 0 : i32
    %dma_start3A_1683 = tpu.memref_slice %arg2[%dma_start3A_1682] : memref<98304xf32, #tpu.memory_space<hbm>> -> memref<98304xf32, #tpu.memory_space<hbm>>
    tpu.enqueue_indirect_dma source(%dma_start3A_1683 : memref<98304xf32, #tpu.memory_space<hbm>>) target(%dma_start3A_1678 : memref<128xf32, #tpu.memory_space<vmem>>) offsets(%dma_start3A_1681 : memref<128xi32, #tpu.memory_space<vmem>>) semaphore(%arg8 : memref<!tpu.dma_semaphore, #tpu.memory_space<semaphore_mem>>)
    %dma_start3A_1684 = arith.constant 4 : i32
    %dma_start3A_1685 = arith.constant 4 : i32
    %dma_start3A_1686 = arith.constant 256 : i32
    %dma_start3A_1687 = tpu.memref_slice %arg7[%dma_start3A_1685, %dma_start3A_1686] : memref<6x512xf32, #tpu.memory_space<vmem>> -> memref<1x128xf32, #tpu.memory_space<vmem>>
    %dma_start3A_1688 = tpu.memref_squeeze %dma_start3A_1687 : memref<1x128xf32, #tpu.memory_space<vmem>> -> memref<128xf32, #tpu.memory_space<vmem>>
    %dma_start3A_1689 = arith.constant 256 : i32
    %dma_start3A_1690 = tpu.memref_slice %arg6[%dma_start3A_1684, %dma_start3A_1689] : memref<6x512xi32, #tpu.memory_space<vmem>> -> memref<1x128xi32, #tpu.memory_space<vmem>>
    %dma_start3A_1691 = tpu.memref_squeeze %dma_start3A_1690 : memref<1x128xi32, #tpu.memory_space<vmem>> -> memref<128xi32, #tpu.memory_space<vmem>>
    %dma_start3A_1692 = arith.constant 0 : i32
    %dma_start3A_1693 = tpu.memref_slice %arg2[%dma_start3A_1692] : memref<98304xf32, #tpu.memory_space<hbm>> -> memref<98304xf32, #tpu.memory_space<hbm>>
    tpu.enqueue_indirect_dma source(%dma_start3A_1693 : memref<98304xf32, #tpu.memory_space<hbm>>) target(%dma_start3A_1688 : memref<128xf32, #tpu.memory_space<vmem>>) offsets(%dma_start3A_1691 : memref<128xi32, #tpu.memory_space<vmem>>) semaphore(%arg8 : memref<!tpu.dma_semaphore, #tpu.memory_space<semaphore_mem>>)
    %dma_start3A_1694 = arith.constant 4 : i32
    %dma_start3A_1695 = arith.constant 4 : i32
    %dma_start3A_1696 = arith.constant 384 : i32
    %dma_start3A_1697 = tpu.memref_slice %arg7[%dma_start3A_1695, %dma_start3A_1696] : memref<6x512xf32, #tpu.memory_space<vmem>> -> memref<1x128xf32, #tpu.memory_space<vmem>>
    %dma_start3A_1698 = tpu.memref_squeeze %dma_start3A_1697 : memref<1x128xf32, #tpu.memory_space<vmem>> -> memref<128xf32, #tpu.memory_space<vmem>>
    %dma_start3A_1699 = arith.constant 384 : i32
    %dma_start3A_1700 = tpu.memref_slice %arg6[%dma_start3A_1694, %dma_start3A_1699] : memref<6x512xi32, #tpu.memory_space<vmem>> -> memref<1x128xi32, #tpu.memory_space<vmem>>
    %dma_start3A_1701 = tpu.memref_squeeze %dma_start3A_1700 : memref<1x128xi32, #tpu.memory_space<vmem>> -> memref<128xi32, #tpu.memory_space<vmem>>
    %dma_start3A_1702 = arith.constant 0 : i32
    %dma_start3A_1703 = tpu.memref_slice %arg2[%dma_start3A_1702] : memref<98304xf32, #tpu.memory_space<hbm>> -> memref<98304xf32, #tpu.memory_space<hbm>>
    tpu.enqueue_indirect_dma source(%dma_start3A_1703 : memref<98304xf32, #tpu.memory_space<hbm>>) target(%dma_start3A_1698 : memref<128xf32, #tpu.memory_space<vmem>>) offsets(%dma_start3A_1701 : memref<128xi32, #tpu.memory_space<vmem>>) semaphore(%arg8 : memref<!tpu.dma_semaphore, #tpu.memory_space<semaphore_mem>>)
    %dma_start3A_1704 = arith.constant 5 : i32
    %dma_start3A_1705 = arith.constant 5 : i32
    %dma_start3A_1706 = arith.constant 0 : i32
    %dma_start3A_1707 = tpu.memref_slice %arg7[%dma_start3A_1705, %dma_start3A_1706] : memref<6x512xf32, #tpu.memory_space<vmem>> -> memref<1x128xf32, #tpu.memory_space<vmem>>
    %dma_start3A_1708 = tpu.memref_squeeze %dma_start3A_1707 : memref<1x128xf32, #tpu.memory_space<vmem>> -> memref<128xf32, #tpu.memory_space<vmem>>
    %dma_start3A_1709 = arith.constant 0 : i32
    %dma_start3A_1710 = tpu.memref_slice %arg6[%dma_start3A_1704, %dma_start3A_1709] : memref<6x512xi32, #tpu.memory_space<vmem>> -> memref<1x128xi32, #tpu.memory_space<vmem>>
    %dma_start3A_1711 = tpu.memref_squeeze %dma_start3A_1710 : memref<1x128xi32, #tpu.memory_space<vmem>> -> memref<128xi32, #tpu.memory_space<vmem>>
    %dma_start3A_1712 = arith.constant 0 : i32
    %dma_start3A_1713 = tpu.memref_slice %arg2[%dma_start3A_1712] : memref<98304xf32, #tpu.memory_space<hbm>> -> memref<98304xf32, #tpu.memory_space<hbm>>
    tpu.enqueue_indirect_dma source(%dma_start3A_1713 : memref<98304xf32, #tpu.memory_space<hbm>>) target(%dma_start3A_1708 : memref<128xf32, #tpu.memory_space<vmem>>) offsets(%dma_start3A_1711 : memref<128xi32, #tpu.memory_space<vmem>>) semaphore(%arg8 : memref<!tpu.dma_semaphore, #tpu.memory_space<semaphore_mem>>)
    %dma_start3A_1714 = arith.constant 5 : i32
    %dma_start3A_1715 = arith.constant 5 : i32
    %dma_start3A_1716 = arith.constant 128 : i32
    %dma_start3A_1717 = tpu.memref_slice %arg7[%dma_start3A_1715, %dma_start3A_1716] : memref<6x512xf32, #tpu.memory_space<vmem>> -> memref<1x128xf32, #tpu.memory_space<vmem>>
    %dma_start3A_1718 = tpu.memref_squeeze %dma_start3A_1717 : memref<1x128xf32, #tpu.memory_space<vmem>> -> memref<128xf32, #tpu.memory_space<vmem>>
    %dma_start3A_1719 = arith.constant 128 : i32
    %dma_start3A_1720 = tpu.memref_slice %arg6[%dma_start3A_1714, %dma_start3A_1719] : memref<6x512xi32, #tpu.memory_space<vmem>> -> memref<1x128xi32, #tpu.memory_space<vmem>>
    %dma_start3A_1721 = tpu.memref_squeeze %dma_start3A_1720 : memref<1x128xi32, #tpu.memory_space<vmem>> -> memref<128xi32, #tpu.memory_space<vmem>>
    %dma_start3A_1722 = arith.constant 0 : i32
    %dma_start3A_1723 = tpu.memref_slice %arg2[%dma_start3A_1722] : memref<98304xf32, #tpu.memory_space<hbm>> -> memref<98304xf32, #tpu.memory_space<hbm>>
    tpu.enqueue_indirect_dma source(%dma_start3A_1723 : memref<98304xf32, #tpu.memory_space<hbm>>) target(%dma_start3A_1718 : memref<128xf32, #tpu.memory_space<vmem>>) offsets(%dma_start3A_1721 : memref<128xi32, #tpu.memory_space<vmem>>) semaphore(%arg8 : memref<!tpu.dma_semaphore, #tpu.memory_space<semaphore_mem>>)
    %dma_start3A_1724 = arith.constant 5 : i32
    %dma_start3A_1725 = arith.constant 5 : i32
    %dma_start3A_1726 = arith.constant 256 : i32
    %dma_start3A_1727 = tpu.memref_slice %arg7[%dma_start3A_1725, %dma_start3A_1726] : memref<6x512xf32, #tpu.memory_space<vmem>> -> memref<1x128xf32, #tpu.memory_space<vmem>>
    %dma_start3A_1728 = tpu.memref_squeeze %dma_start3A_1727 : memref<1x128xf32, #tpu.memory_space<vmem>> -> memref<128xf32, #tpu.memory_space<vmem>>
    %dma_start3A_1729 = arith.constant 256 : i32
    %dma_start3A_1730 = tpu.memref_slice %arg6[%dma_start3A_1724, %dma_start3A_1729] : memref<6x512xi32, #tpu.memory_space<vmem>> -> memref<1x128xi32, #tpu.memory_space<vmem>>
    %dma_start3A_1731 = tpu.memref_squeeze %dma_start3A_1730 : memref<1x128xi32, #tpu.memory_space<vmem>> -> memref<128xi32, #tpu.memory_space<vmem>>
    %dma_start3A_1732 = arith.constant 0 : i32
    %dma_start3A_1733 = tpu.memref_slice %arg2[%dma_start3A_1732] : memref<98304xf32, #tpu.memory_space<hbm>> -> memref<98304xf32, #tpu.memory_space<hbm>>
    tpu.enqueue_indirect_dma source(%dma_start3A_1733 : memref<98304xf32, #tpu.memory_space<hbm>>) target(%dma_start3A_1728 : memref<128xf32, #tpu.memory_space<vmem>>) offsets(%dma_start3A_1731 : memref<128xi32, #tpu.memory_space<vmem>>) semaphore(%arg8 : memref<!tpu.dma_semaphore, #tpu.memory_space<semaphore_mem>>)
    %dma_start3A_1734 = arith.constant 5 : i32
    %dma_start3A_1735 = arith.constant 5 : i32
    %dma_start3A_1736 = arith.constant 384 : i32
    %dma_start3A_1737 = tpu.memref_slice %arg7[%dma_start3A_1735, %dma_start3A_1736] : memref<6x512xf32, #tpu.memory_space<vmem>> -> memref<1x128xf32, #tpu.memory_space<vmem>>
    %dma_start3A_1738 = tpu.memref_squeeze %dma_start3A_1737 : memref<1x128xf32, #tpu.memory_space<vmem>> -> memref<128xf32, #tpu.memory_space<vmem>>
    %dma_start3A_1739 = arith.constant 384 : i32
    %dma_start3A_1740 = tpu.memref_slice %arg6[%dma_start3A_1734, %dma_start3A_1739] : memref<6x512xi32, #tpu.memory_space<vmem>> -> memref<1x128xi32, #tpu.memory_space<vmem>>
    %dma_start3A_1741 = tpu.memref_squeeze %dma_start3A_1740 : memref<1x128xi32, #tpu.memory_space<vmem>> -> memref<128xi32, #tpu.memory_space<vmem>>
    %dma_start3A_1742 = arith.constant 0 : i32
    %dma_start3A_1743 = tpu.memref_slice %arg2[%dma_start3A_1742] : memref<98304xf32, #tpu.memory_space<hbm>> -> memref<98304xf32, #tpu.memory_space<hbm>>
    tpu.enqueue_indirect_dma source(%dma_start3A_1743 : memref<98304xf32, #tpu.memory_space<hbm>>) target(%dma_start3A_1738 : memref<128xf32, #tpu.memory_space<vmem>>) offsets(%dma_start3A_1741 : memref<128xi32, #tpu.memory_space<vmem>>) semaphore(%arg8 : memref<!tpu.dma_semaphore, #tpu.memory_space<semaphore_mem>>)
    %dma_wait3A = arith.constant 0 : i32
    %dma_wait3A_1744 = arith.constant 0 : i32
    %dma_wait3A_1745 = arith.constant 0 : i32
    %dma_wait3A_1746 = tpu.memref_slice %arg7[%dma_wait3A_1744, %dma_wait3A_1745] : memref<6x512xf32, #tpu.memory_space<vmem>> -> memref<1x128xf32, #tpu.memory_space<vmem>>
    %dma_wait3A_1747 = tpu.memref_squeeze %dma_wait3A_1746 : memref<1x128xf32, #tpu.memory_space<vmem>> -> memref<128xf32, #tpu.memory_space<vmem>>
    %dma_wait3A_1748 = arith.constant 0 : i32
    %dma_wait3A_1749 = tpu.memref_slice %arg6[%dma_wait3A, %dma_wait3A_1748] : memref<6x512xi32, #tpu.memory_space<vmem>> -> memref<1x128xi32, #tpu.memory_space<vmem>>
    %dma_wait3A_1750 = tpu.memref_squeeze %dma_wait3A_1749 : memref<1x128xi32, #tpu.memory_space<vmem>> -> memref<128xi32, #tpu.memory_space<vmem>>
    %dma_wait3A_1751 = arith.constant 0 : i32
    %dma_wait3A_1752 = tpu.memref_slice %arg2[%dma_wait3A_1751] : memref<98304xf32, #tpu.memory_space<hbm>> -> memref<98304xf32, #tpu.memory_space<hbm>>
    tpu.wait_indirect_dma semaphore(%arg8 : memref<!tpu.dma_semaphore, #tpu.memory_space<semaphore_mem>>) src(%dma_wait3A_1752 : memref<98304xf32, #tpu.memory_space<hbm>>) dst(%dma_wait3A_1747 : memref<128xf32, #tpu.memory_space<vmem>>)
    %dma_wait3A_1753 = arith.constant 0 : i32
    %dma_wait3A_1754 = arith.constant 0 : i32
    %dma_wait3A_1755 = arith.constant 128 : i32
    %dma_wait3A_1756 = tpu.memref_slice %arg7[%dma_wait3A_1754, %dma_wait3A_1755] : memref<6x512xf32, #tpu.memory_space<vmem>> -> memref<1x128xf32, #tpu.memory_space<vmem>>
    %dma_wait3A_1757 = tpu.memref_squeeze %dma_wait3A_1756 : memref<1x128xf32, #tpu.memory_space<vmem>> -> memref<128xf32, #tpu.memory_space<vmem>>
    %dma_wait3A_1758 = arith.constant 128 : i32
    %dma_wait3A_1759 = tpu.memref_slice %arg6[%dma_wait3A_1753, %dma_wait3A_1758] : memref<6x512xi32, #tpu.memory_space<vmem>> -> memref<1x128xi32, #tpu.memory_space<vmem>>
    %dma_wait3A_1760 = tpu.memref_squeeze %dma_wait3A_1759 : memref<1x128xi32, #tpu.memory_space<vmem>> -> memref<128xi32, #tpu.memory_space<vmem>>
    %dma_wait3A_1761 = arith.constant 0 : i32
    %dma_wait3A_1762 = tpu.memref_slice %arg2[%dma_wait3A_1761] : memref<98304xf32, #tpu.memory_space<hbm>> -> memref<98304xf32, #tpu.memory_space<hbm>>
    tpu.wait_indirect_dma semaphore(%arg8 : memref<!tpu.dma_semaphore, #tpu.memory_space<semaphore_mem>>) src(%dma_wait3A_1762 : memref<98304xf32, #tpu.memory_space<hbm>>) dst(%dma_wait3A_1757 : memref<128xf32, #tpu.memory_space<vmem>>)
    %dma_wait3A_1763 = arith.constant 0 : i32
    %dma_wait3A_1764 = arith.constant 0 : i32
    %dma_wait3A_1765 = arith.constant 256 : i32
    %dma_wait3A_1766 = tpu.memref_slice %arg7[%dma_wait3A_1764, %dma_wait3A_1765] : memref<6x512xf32, #tpu.memory_space<vmem>> -> memref<1x128xf32, #tpu.memory_space<vmem>>
    %dma_wait3A_1767 = tpu.memref_squeeze %dma_wait3A_1766 : memref<1x128xf32, #tpu.memory_space<vmem>> -> memref<128xf32, #tpu.memory_space<vmem>>
    %dma_wait3A_1768 = arith.constant 256 : i32
    %dma_wait3A_1769 = tpu.memref_slice %arg6[%dma_wait3A_1763, %dma_wait3A_1768] : memref<6x512xi32, #tpu.memory_space<vmem>> -> memref<1x128xi32, #tpu.memory_space<vmem>>
    %dma_wait3A_1770 = tpu.memref_squeeze %dma_wait3A_1769 : memref<1x128xi32, #tpu.memory_space<vmem>> -> memref<128xi32, #tpu.memory_space<vmem>>
    %dma_wait3A_1771 = arith.constant 0 : i32
    %dma_wait3A_1772 = tpu.memref_slice %arg2[%dma_wait3A_1771] : memref<98304xf32, #tpu.memory_space<hbm>> -> memref<98304xf32, #tpu.memory_space<hbm>>
    tpu.wait_indirect_dma semaphore(%arg8 : memref<!tpu.dma_semaphore, #tpu.memory_space<semaphore_mem>>) src(%dma_wait3A_1772 : memref<98304xf32, #tpu.memory_space<hbm>>) dst(%dma_wait3A_1767 : memref<128xf32, #tpu.memory_space<vmem>>)
    %dma_wait3A_1773 = arith.constant 0 : i32
    %dma_wait3A_1774 = arith.constant 0 : i32
    %dma_wait3A_1775 = arith.constant 384 : i32
    %dma_wait3A_1776 = tpu.memref_slice %arg7[%dma_wait3A_1774, %dma_wait3A_1775] : memref<6x512xf32, #tpu.memory_space<vmem>> -> memref<1x128xf32, #tpu.memory_space<vmem>>
    %dma_wait3A_1777 = tpu.memref_squeeze %dma_wait3A_1776 : memref<1x128xf32, #tpu.memory_space<vmem>> -> memref<128xf32, #tpu.memory_space<vmem>>
    %dma_wait3A_1778 = arith.constant 384 : i32
    %dma_wait3A_1779 = tpu.memref_slice %arg6[%dma_wait3A_1773, %dma_wait3A_1778] : memref<6x512xi32, #tpu.memory_space<vmem>> -> memref<1x128xi32, #tpu.memory_space<vmem>>
    %dma_wait3A_1780 = tpu.memref_squeeze %dma_wait3A_1779 : memref<1x128xi32, #tpu.memory_space<vmem>> -> memref<128xi32, #tpu.memory_space<vmem>>
    %dma_wait3A_1781 = arith.constant 0 : i32
    %dma_wait3A_1782 = tpu.memref_slice %arg2[%dma_wait3A_1781] : memref<98304xf32, #tpu.memory_space<hbm>> -> memref<98304xf32, #tpu.memory_space<hbm>>
    tpu.wait_indirect_dma semaphore(%arg8 : memref<!tpu.dma_semaphore, #tpu.memory_space<semaphore_mem>>) src(%dma_wait3A_1782 : memref<98304xf32, #tpu.memory_space<hbm>>) dst(%dma_wait3A_1777 : memref<128xf32, #tpu.memory_space<vmem>>)
    %dma_wait3A_1783 = arith.constant 1 : i32
    %dma_wait3A_1784 = arith.constant 1 : i32
    %dma_wait3A_1785 = arith.constant 0 : i32
    %dma_wait3A_1786 = tpu.memref_slice %arg7[%dma_wait3A_1784, %dma_wait3A_1785] : memref<6x512xf32, #tpu.memory_space<vmem>> -> memref<1x128xf32, #tpu.memory_space<vmem>>
    %dma_wait3A_1787 = tpu.memref_squeeze %dma_wait3A_1786 : memref<1x128xf32, #tpu.memory_space<vmem>> -> memref<128xf32, #tpu.memory_space<vmem>>
    %dma_wait3A_1788 = arith.constant 0 : i32
    %dma_wait3A_1789 = tpu.memref_slice %arg6[%dma_wait3A_1783, %dma_wait3A_1788] : memref<6x512xi32, #tpu.memory_space<vmem>> -> memref<1x128xi32, #tpu.memory_space<vmem>>
    %dma_wait3A_1790 = tpu.memref_squeeze %dma_wait3A_1789 : memref<1x128xi32, #tpu.memory_space<vmem>> -> memref<128xi32, #tpu.memory_space<vmem>>
    %dma_wait3A_1791 = arith.constant 0 : i32
    %dma_wait3A_1792 = tpu.memref_slice %arg2[%dma_wait3A_1791] : memref<98304xf32, #tpu.memory_space<hbm>> -> memref<98304xf32, #tpu.memory_space<hbm>>
    tpu.wait_indirect_dma semaphore(%arg8 : memref<!tpu.dma_semaphore, #tpu.memory_space<semaphore_mem>>) src(%dma_wait3A_1792 : memref<98304xf32, #tpu.memory_space<hbm>>) dst(%dma_wait3A_1787 : memref<128xf32, #tpu.memory_space<vmem>>)
    %dma_wait3A_1793 = arith.constant 1 : i32
    %dma_wait3A_1794 = arith.constant 1 : i32
    %dma_wait3A_1795 = arith.constant 128 : i32
    %dma_wait3A_1796 = tpu.memref_slice %arg7[%dma_wait3A_1794, %dma_wait3A_1795] : memref<6x512xf32, #tpu.memory_space<vmem>> -> memref<1x128xf32, #tpu.memory_space<vmem>>
    %dma_wait3A_1797 = tpu.memref_squeeze %dma_wait3A_1796 : memref<1x128xf32, #tpu.memory_space<vmem>> -> memref<128xf32, #tpu.memory_space<vmem>>
    %dma_wait3A_1798 = arith.constant 128 : i32
    %dma_wait3A_1799 = tpu.memref_slice %arg6[%dma_wait3A_1793, %dma_wait3A_1798] : memref<6x512xi32, #tpu.memory_space<vmem>> -> memref<1x128xi32, #tpu.memory_space<vmem>>
    %dma_wait3A_1800 = tpu.memref_squeeze %dma_wait3A_1799 : memref<1x128xi32, #tpu.memory_space<vmem>> -> memref<128xi32, #tpu.memory_space<vmem>>
    %dma_wait3A_1801 = arith.constant 0 : i32
    %dma_wait3A_1802 = tpu.memref_slice %arg2[%dma_wait3A_1801] : memref<98304xf32, #tpu.memory_space<hbm>> -> memref<98304xf32, #tpu.memory_space<hbm>>
    tpu.wait_indirect_dma semaphore(%arg8 : memref<!tpu.dma_semaphore, #tpu.memory_space<semaphore_mem>>) src(%dma_wait3A_1802 : memref<98304xf32, #tpu.memory_space<hbm>>) dst(%dma_wait3A_1797 : memref<128xf32, #tpu.memory_space<vmem>>)
    %dma_wait3A_1803 = arith.constant 1 : i32
    %dma_wait3A_1804 = arith.constant 1 : i32
    %dma_wait3A_1805 = arith.constant 256 : i32
    %dma_wait3A_1806 = tpu.memref_slice %arg7[%dma_wait3A_1804, %dma_wait3A_1805] : memref<6x512xf32, #tpu.memory_space<vmem>> -> memref<1x128xf32, #tpu.memory_space<vmem>>
    %dma_wait3A_1807 = tpu.memref_squeeze %dma_wait3A_1806 : memref<1x128xf32, #tpu.memory_space<vmem>> -> memref<128xf32, #tpu.memory_space<vmem>>
    %dma_wait3A_1808 = arith.constant 256 : i32
    %dma_wait3A_1809 = tpu.memref_slice %arg6[%dma_wait3A_1803, %dma_wait3A_1808] : memref<6x512xi32, #tpu.memory_space<vmem>> -> memref<1x128xi32, #tpu.memory_space<vmem>>
    %dma_wait3A_1810 = tpu.memref_squeeze %dma_wait3A_1809 : memref<1x128xi32, #tpu.memory_space<vmem>> -> memref<128xi32, #tpu.memory_space<vmem>>
    %dma_wait3A_1811 = arith.constant 0 : i32
    %dma_wait3A_1812 = tpu.memref_slice %arg2[%dma_wait3A_1811] : memref<98304xf32, #tpu.memory_space<hbm>> -> memref<98304xf32, #tpu.memory_space<hbm>>
    tpu.wait_indirect_dma semaphore(%arg8 : memref<!tpu.dma_semaphore, #tpu.memory_space<semaphore_mem>>) src(%dma_wait3A_1812 : memref<98304xf32, #tpu.memory_space<hbm>>) dst(%dma_wait3A_1807 : memref<128xf32, #tpu.memory_space<vmem>>)
    %dma_wait3A_1813 = arith.constant 1 : i32
    %dma_wait3A_1814 = arith.constant 1 : i32
    %dma_wait3A_1815 = arith.constant 384 : i32
    %dma_wait3A_1816 = tpu.memref_slice %arg7[%dma_wait3A_1814, %dma_wait3A_1815] : memref<6x512xf32, #tpu.memory_space<vmem>> -> memref<1x128xf32, #tpu.memory_space<vmem>>
    %dma_wait3A_1817 = tpu.memref_squeeze %dma_wait3A_1816 : memref<1x128xf32, #tpu.memory_space<vmem>> -> memref<128xf32, #tpu.memory_space<vmem>>
    %dma_wait3A_1818 = arith.constant 384 : i32
    %dma_wait3A_1819 = tpu.memref_slice %arg6[%dma_wait3A_1813, %dma_wait3A_1818] : memref<6x512xi32, #tpu.memory_space<vmem>> -> memref<1x128xi32, #tpu.memory_space<vmem>>
    %dma_wait3A_1820 = tpu.memref_squeeze %dma_wait3A_1819 : memref<1x128xi32, #tpu.memory_space<vmem>> -> memref<128xi32, #tpu.memory_space<vmem>>
    %dma_wait3A_1821 = arith.constant 0 : i32
    %dma_wait3A_1822 = tpu.memref_slice %arg2[%dma_wait3A_1821] : memref<98304xf32, #tpu.memory_space<hbm>> -> memref<98304xf32, #tpu.memory_space<hbm>>
    tpu.wait_indirect_dma semaphore(%arg8 : memref<!tpu.dma_semaphore, #tpu.memory_space<semaphore_mem>>) src(%dma_wait3A_1822 : memref<98304xf32, #tpu.memory_space<hbm>>) dst(%dma_wait3A_1817 : memref<128xf32, #tpu.memory_space<vmem>>)
    %dma_wait3A_1823 = arith.constant 2 : i32
    %dma_wait3A_1824 = arith.constant 2 : i32
    %dma_wait3A_1825 = arith.constant 0 : i32
    %dma_wait3A_1826 = tpu.memref_slice %arg7[%dma_wait3A_1824, %dma_wait3A_1825] : memref<6x512xf32, #tpu.memory_space<vmem>> -> memref<1x128xf32, #tpu.memory_space<vmem>>
    %dma_wait3A_1827 = tpu.memref_squeeze %dma_wait3A_1826 : memref<1x128xf32, #tpu.memory_space<vmem>> -> memref<128xf32, #tpu.memory_space<vmem>>
    %dma_wait3A_1828 = arith.constant 0 : i32
    %dma_wait3A_1829 = tpu.memref_slice %arg6[%dma_wait3A_1823, %dma_wait3A_1828] : memref<6x512xi32, #tpu.memory_space<vmem>> -> memref<1x128xi32, #tpu.memory_space<vmem>>
    %dma_wait3A_1830 = tpu.memref_squeeze %dma_wait3A_1829 : memref<1x128xi32, #tpu.memory_space<vmem>> -> memref<128xi32, #tpu.memory_space<vmem>>
    %dma_wait3A_1831 = arith.constant 0 : i32
    %dma_wait3A_1832 = tpu.memref_slice %arg2[%dma_wait3A_1831] : memref<98304xf32, #tpu.memory_space<hbm>> -> memref<98304xf32, #tpu.memory_space<hbm>>
    tpu.wait_indirect_dma semaphore(%arg8 : memref<!tpu.dma_semaphore, #tpu.memory_space<semaphore_mem>>) src(%dma_wait3A_1832 : memref<98304xf32, #tpu.memory_space<hbm>>) dst(%dma_wait3A_1827 : memref<128xf32, #tpu.memory_space<vmem>>)
    %dma_wait3A_1833 = arith.constant 2 : i32
    %dma_wait3A_1834 = arith.constant 2 : i32
    %dma_wait3A_1835 = arith.constant 128 : i32
    %dma_wait3A_1836 = tpu.memref_slice %arg7[%dma_wait3A_1834, %dma_wait3A_1835] : memref<6x512xf32, #tpu.memory_space<vmem>> -> memref<1x128xf32, #tpu.memory_space<vmem>>
    %dma_wait3A_1837 = tpu.memref_squeeze %dma_wait3A_1836 : memref<1x128xf32, #tpu.memory_space<vmem>> -> memref<128xf32, #tpu.memory_space<vmem>>
    %dma_wait3A_1838 = arith.constant 128 : i32
    %dma_wait3A_1839 = tpu.memref_slice %arg6[%dma_wait3A_1833, %dma_wait3A_1838] : memref<6x512xi32, #tpu.memory_space<vmem>> -> memref<1x128xi32, #tpu.memory_space<vmem>>
    %dma_wait3A_1840 = tpu.memref_squeeze %dma_wait3A_1839 : memref<1x128xi32, #tpu.memory_space<vmem>> -> memref<128xi32, #tpu.memory_space<vmem>>
    %dma_wait3A_1841 = arith.constant 0 : i32
    %dma_wait3A_1842 = tpu.memref_slice %arg2[%dma_wait3A_1841] : memref<98304xf32, #tpu.memory_space<hbm>> -> memref<98304xf32, #tpu.memory_space<hbm>>
    tpu.wait_indirect_dma semaphore(%arg8 : memref<!tpu.dma_semaphore, #tpu.memory_space<semaphore_mem>>) src(%dma_wait3A_1842 : memref<98304xf32, #tpu.memory_space<hbm>>) dst(%dma_wait3A_1837 : memref<128xf32, #tpu.memory_space<vmem>>)
    %dma_wait3A_1843 = arith.constant 2 : i32
    %dma_wait3A_1844 = arith.constant 2 : i32
    %dma_wait3A_1845 = arith.constant 256 : i32
    %dma_wait3A_1846 = tpu.memref_slice %arg7[%dma_wait3A_1844, %dma_wait3A_1845] : memref<6x512xf32, #tpu.memory_space<vmem>> -> memref<1x128xf32, #tpu.memory_space<vmem>>
    %dma_wait3A_1847 = tpu.memref_squeeze %dma_wait3A_1846 : memref<1x128xf32, #tpu.memory_space<vmem>> -> memref<128xf32, #tpu.memory_space<vmem>>
    %dma_wait3A_1848 = arith.constant 256 : i32
    %dma_wait3A_1849 = tpu.memref_slice %arg6[%dma_wait3A_1843, %dma_wait3A_1848] : memref<6x512xi32, #tpu.memory_space<vmem>> -> memref<1x128xi32, #tpu.memory_space<vmem>>
    %dma_wait3A_1850 = tpu.memref_squeeze %dma_wait3A_1849 : memref<1x128xi32, #tpu.memory_space<vmem>> -> memref<128xi32, #tpu.memory_space<vmem>>
    %dma_wait3A_1851 = arith.constant 0 : i32
    %dma_wait3A_1852 = tpu.memref_slice %arg2[%dma_wait3A_1851] : memref<98304xf32, #tpu.memory_space<hbm>> -> memref<98304xf32, #tpu.memory_space<hbm>>
    tpu.wait_indirect_dma semaphore(%arg8 : memref<!tpu.dma_semaphore, #tpu.memory_space<semaphore_mem>>) src(%dma_wait3A_1852 : memref<98304xf32, #tpu.memory_space<hbm>>) dst(%dma_wait3A_1847 : memref<128xf32, #tpu.memory_space<vmem>>)
    %dma_wait3A_1853 = arith.constant 2 : i32
    %dma_wait3A_1854 = arith.constant 2 : i32
    %dma_wait3A_1855 = arith.constant 384 : i32
    %dma_wait3A_1856 = tpu.memref_slice %arg7[%dma_wait3A_1854, %dma_wait3A_1855] : memref<6x512xf32, #tpu.memory_space<vmem>> -> memref<1x128xf32, #tpu.memory_space<vmem>>
    %dma_wait3A_1857 = tpu.memref_squeeze %dma_wait3A_1856 : memref<1x128xf32, #tpu.memory_space<vmem>> -> memref<128xf32, #tpu.memory_space<vmem>>
    %dma_wait3A_1858 = arith.constant 384 : i32
    %dma_wait3A_1859 = tpu.memref_slice %arg6[%dma_wait3A_1853, %dma_wait3A_1858] : memref<6x512xi32, #tpu.memory_space<vmem>> -> memref<1x128xi32, #tpu.memory_space<vmem>>
    %dma_wait3A_1860 = tpu.memref_squeeze %dma_wait3A_1859 : memref<1x128xi32, #tpu.memory_space<vmem>> -> memref<128xi32, #tpu.memory_space<vmem>>
    %dma_wait3A_1861 = arith.constant 0 : i32
    %dma_wait3A_1862 = tpu.memref_slice %arg2[%dma_wait3A_1861] : memref<98304xf32, #tpu.memory_space<hbm>> -> memref<98304xf32, #tpu.memory_space<hbm>>
    tpu.wait_indirect_dma semaphore(%arg8 : memref<!tpu.dma_semaphore, #tpu.memory_space<semaphore_mem>>) src(%dma_wait3A_1862 : memref<98304xf32, #tpu.memory_space<hbm>>) dst(%dma_wait3A_1857 : memref<128xf32, #tpu.memory_space<vmem>>)
    %dma_wait3A_1863 = arith.constant 3 : i32
    %dma_wait3A_1864 = arith.constant 3 : i32
    %dma_wait3A_1865 = arith.constant 0 : i32
    %dma_wait3A_1866 = tpu.memref_slice %arg7[%dma_wait3A_1864, %dma_wait3A_1865] : memref<6x512xf32, #tpu.memory_space<vmem>> -> memref<1x128xf32, #tpu.memory_space<vmem>>
    %dma_wait3A_1867 = tpu.memref_squeeze %dma_wait3A_1866 : memref<1x128xf32, #tpu.memory_space<vmem>> -> memref<128xf32, #tpu.memory_space<vmem>>
    %dma_wait3A_1868 = arith.constant 0 : i32
    %dma_wait3A_1869 = tpu.memref_slice %arg6[%dma_wait3A_1863, %dma_wait3A_1868] : memref<6x512xi32, #tpu.memory_space<vmem>> -> memref<1x128xi32, #tpu.memory_space<vmem>>
    %dma_wait3A_1870 = tpu.memref_squeeze %dma_wait3A_1869 : memref<1x128xi32, #tpu.memory_space<vmem>> -> memref<128xi32, #tpu.memory_space<vmem>>
    %dma_wait3A_1871 = arith.constant 0 : i32
    %dma_wait3A_1872 = tpu.memref_slice %arg2[%dma_wait3A_1871] : memref<98304xf32, #tpu.memory_space<hbm>> -> memref<98304xf32, #tpu.memory_space<hbm>>
    tpu.wait_indirect_dma semaphore(%arg8 : memref<!tpu.dma_semaphore, #tpu.memory_space<semaphore_mem>>) src(%dma_wait3A_1872 : memref<98304xf32, #tpu.memory_space<hbm>>) dst(%dma_wait3A_1867 : memref<128xf32, #tpu.memory_space<vmem>>)
    %dma_wait3A_1873 = arith.constant 3 : i32
    %dma_wait3A_1874 = arith.constant 3 : i32
    %dma_wait3A_1875 = arith.constant 128 : i32
    %dma_wait3A_1876 = tpu.memref_slice %arg7[%dma_wait3A_1874, %dma_wait3A_1875] : memref<6x512xf32, #tpu.memory_space<vmem>> -> memref<1x128xf32, #tpu.memory_space<vmem>>
    %dma_wait3A_1877 = tpu.memref_squeeze %dma_wait3A_1876 : memref<1x128xf32, #tpu.memory_space<vmem>> -> memref<128xf32, #tpu.memory_space<vmem>>
    %dma_wait3A_1878 = arith.constant 128 : i32
    %dma_wait3A_1879 = tpu.memref_slice %arg6[%dma_wait3A_1873, %dma_wait3A_1878] : memref<6x512xi32, #tpu.memory_space<vmem>> -> memref<1x128xi32, #tpu.memory_space<vmem>>
    %dma_wait3A_1880 = tpu.memref_squeeze %dma_wait3A_1879 : memref<1x128xi32, #tpu.memory_space<vmem>> -> memref<128xi32, #tpu.memory_space<vmem>>
    %dma_wait3A_1881 = arith.constant 0 : i32
    %dma_wait3A_1882 = tpu.memref_slice %arg2[%dma_wait3A_1881] : memref<98304xf32, #tpu.memory_space<hbm>> -> memref<98304xf32, #tpu.memory_space<hbm>>
    tpu.wait_indirect_dma semaphore(%arg8 : memref<!tpu.dma_semaphore, #tpu.memory_space<semaphore_mem>>) src(%dma_wait3A_1882 : memref<98304xf32, #tpu.memory_space<hbm>>) dst(%dma_wait3A_1877 : memref<128xf32, #tpu.memory_space<vmem>>)
    %dma_wait3A_1883 = arith.constant 3 : i32
    %dma_wait3A_1884 = arith.constant 3 : i32
    %dma_wait3A_1885 = arith.constant 256 : i32
    %dma_wait3A_1886 = tpu.memref_slice %arg7[%dma_wait3A_1884, %dma_wait3A_1885] : memref<6x512xf32, #tpu.memory_space<vmem>> -> memref<1x128xf32, #tpu.memory_space<vmem>>
    %dma_wait3A_1887 = tpu.memref_squeeze %dma_wait3A_1886 : memref<1x128xf32, #tpu.memory_space<vmem>> -> memref<128xf32, #tpu.memory_space<vmem>>
    %dma_wait3A_1888 = arith.constant 256 : i32
    %dma_wait3A_1889 = tpu.memref_slice %arg6[%dma_wait3A_1883, %dma_wait3A_1888] : memref<6x512xi32, #tpu.memory_space<vmem>> -> memref<1x128xi32, #tpu.memory_space<vmem>>
    %dma_wait3A_1890 = tpu.memref_squeeze %dma_wait3A_1889 : memref<1x128xi32, #tpu.memory_space<vmem>> -> memref<128xi32, #tpu.memory_space<vmem>>
    %dma_wait3A_1891 = arith.constant 0 : i32
    %dma_wait3A_1892 = tpu.memref_slice %arg2[%dma_wait3A_1891] : memref<98304xf32, #tpu.memory_space<hbm>> -> memref<98304xf32, #tpu.memory_space<hbm>>
    tpu.wait_indirect_dma semaphore(%arg8 : memref<!tpu.dma_semaphore, #tpu.memory_space<semaphore_mem>>) src(%dma_wait3A_1892 : memref<98304xf32, #tpu.memory_space<hbm>>) dst(%dma_wait3A_1887 : memref<128xf32, #tpu.memory_space<vmem>>)
    %dma_wait3A_1893 = arith.constant 3 : i32
    %dma_wait3A_1894 = arith.constant 3 : i32
    %dma_wait3A_1895 = arith.constant 384 : i32
    %dma_wait3A_1896 = tpu.memref_slice %arg7[%dma_wait3A_1894, %dma_wait3A_1895] : memref<6x512xf32, #tpu.memory_space<vmem>> -> memref<1x128xf32, #tpu.memory_space<vmem>>
    %dma_wait3A_1897 = tpu.memref_squeeze %dma_wait3A_1896 : memref<1x128xf32, #tpu.memory_space<vmem>> -> memref<128xf32, #tpu.memory_space<vmem>>
    %dma_wait3A_1898 = arith.constant 384 : i32
    %dma_wait3A_1899 = tpu.memref_slice %arg6[%dma_wait3A_1893, %dma_wait3A_1898] : memref<6x512xi32, #tpu.memory_space<vmem>> -> memref<1x128xi32, #tpu.memory_space<vmem>>
    %dma_wait3A_1900 = tpu.memref_squeeze %dma_wait3A_1899 : memref<1x128xi32, #tpu.memory_space<vmem>> -> memref<128xi32, #tpu.memory_space<vmem>>
    %dma_wait3A_1901 = arith.constant 0 : i32
    %dma_wait3A_1902 = tpu.memref_slice %arg2[%dma_wait3A_1901] : memref<98304xf32, #tpu.memory_space<hbm>> -> memref<98304xf32, #tpu.memory_space<hbm>>
    tpu.wait_indirect_dma semaphore(%arg8 : memref<!tpu.dma_semaphore, #tpu.memory_space<semaphore_mem>>) src(%dma_wait3A_1902 : memref<98304xf32, #tpu.memory_space<hbm>>) dst(%dma_wait3A_1897 : memref<128xf32, #tpu.memory_space<vmem>>)
    %dma_wait3A_1903 = arith.constant 4 : i32
    %dma_wait3A_1904 = arith.constant 4 : i32
    %dma_wait3A_1905 = arith.constant 0 : i32
    %dma_wait3A_1906 = tpu.memref_slice %arg7[%dma_wait3A_1904, %dma_wait3A_1905] : memref<6x512xf32, #tpu.memory_space<vmem>> -> memref<1x128xf32, #tpu.memory_space<vmem>>
    %dma_wait3A_1907 = tpu.memref_squeeze %dma_wait3A_1906 : memref<1x128xf32, #tpu.memory_space<vmem>> -> memref<128xf32, #tpu.memory_space<vmem>>
    %dma_wait3A_1908 = arith.constant 0 : i32
    %dma_wait3A_1909 = tpu.memref_slice %arg6[%dma_wait3A_1903, %dma_wait3A_1908] : memref<6x512xi32, #tpu.memory_space<vmem>> -> memref<1x128xi32, #tpu.memory_space<vmem>>
    %dma_wait3A_1910 = tpu.memref_squeeze %dma_wait3A_1909 : memref<1x128xi32, #tpu.memory_space<vmem>> -> memref<128xi32, #tpu.memory_space<vmem>>
    %dma_wait3A_1911 = arith.constant 0 : i32
    %dma_wait3A_1912 = tpu.memref_slice %arg2[%dma_wait3A_1911] : memref<98304xf32, #tpu.memory_space<hbm>> -> memref<98304xf32, #tpu.memory_space<hbm>>
    tpu.wait_indirect_dma semaphore(%arg8 : memref<!tpu.dma_semaphore, #tpu.memory_space<semaphore_mem>>) src(%dma_wait3A_1912 : memref<98304xf32, #tpu.memory_space<hbm>>) dst(%dma_wait3A_1907 : memref<128xf32, #tpu.memory_space<vmem>>)
    %dma_wait3A_1913 = arith.constant 4 : i32
    %dma_wait3A_1914 = arith.constant 4 : i32
    %dma_wait3A_1915 = arith.constant 128 : i32
    %dma_wait3A_1916 = tpu.memref_slice %arg7[%dma_wait3A_1914, %dma_wait3A_1915] : memref<6x512xf32, #tpu.memory_space<vmem>> -> memref<1x128xf32, #tpu.memory_space<vmem>>
    %dma_wait3A_1917 = tpu.memref_squeeze %dma_wait3A_1916 : memref<1x128xf32, #tpu.memory_space<vmem>> -> memref<128xf32, #tpu.memory_space<vmem>>
    %dma_wait3A_1918 = arith.constant 128 : i32
    %dma_wait3A_1919 = tpu.memref_slice %arg6[%dma_wait3A_1913, %dma_wait3A_1918] : memref<6x512xi32, #tpu.memory_space<vmem>> -> memref<1x128xi32, #tpu.memory_space<vmem>>
    %dma_wait3A_1920 = tpu.memref_squeeze %dma_wait3A_1919 : memref<1x128xi32, #tpu.memory_space<vmem>> -> memref<128xi32, #tpu.memory_space<vmem>>
    %dma_wait3A_1921 = arith.constant 0 : i32
    %dma_wait3A_1922 = tpu.memref_slice %arg2[%dma_wait3A_1921] : memref<98304xf32, #tpu.memory_space<hbm>> -> memref<98304xf32, #tpu.memory_space<hbm>>
    tpu.wait_indirect_dma semaphore(%arg8 : memref<!tpu.dma_semaphore, #tpu.memory_space<semaphore_mem>>) src(%dma_wait3A_1922 : memref<98304xf32, #tpu.memory_space<hbm>>) dst(%dma_wait3A_1917 : memref<128xf32, #tpu.memory_space<vmem>>)
    %dma_wait3A_1923 = arith.constant 4 : i32
    %dma_wait3A_1924 = arith.constant 4 : i32
    %dma_wait3A_1925 = arith.constant 256 : i32
    %dma_wait3A_1926 = tpu.memref_slice %arg7[%dma_wait3A_1924, %dma_wait3A_1925] : memref<6x512xf32, #tpu.memory_space<vmem>> -> memref<1x128xf32, #tpu.memory_space<vmem>>
    %dma_wait3A_1927 = tpu.memref_squeeze %dma_wait3A_1926 : memref<1x128xf32, #tpu.memory_space<vmem>> -> memref<128xf32, #tpu.memory_space<vmem>>
    %dma_wait3A_1928 = arith.constant 256 : i32
    %dma_wait3A_1929 = tpu.memref_slice %arg6[%dma_wait3A_1923, %dma_wait3A_1928] : memref<6x512xi32, #tpu.memory_space<vmem>> -> memref<1x128xi32, #tpu.memory_space<vmem>>
    %dma_wait3A_1930 = tpu.memref_squeeze %dma_wait3A_1929 : memref<1x128xi32, #tpu.memory_space<vmem>> -> memref<128xi32, #tpu.memory_space<vmem>>
    %dma_wait3A_1931 = arith.constant 0 : i32
    %dma_wait3A_1932 = tpu.memref_slice %arg2[%dma_wait3A_1931] : memref<98304xf32, #tpu.memory_space<hbm>> -> memref<98304xf32, #tpu.memory_space<hbm>>
    tpu.wait_indirect_dma semaphore(%arg8 : memref<!tpu.dma_semaphore, #tpu.memory_space<semaphore_mem>>) src(%dma_wait3A_1932 : memref<98304xf32, #tpu.memory_space<hbm>>) dst(%dma_wait3A_1927 : memref<128xf32, #tpu.memory_space<vmem>>)
    %dma_wait3A_1933 = arith.constant 4 : i32
    %dma_wait3A_1934 = arith.constant 4 : i32
    %dma_wait3A_1935 = arith.constant 384 : i32
    %dma_wait3A_1936 = tpu.memref_slice %arg7[%dma_wait3A_1934, %dma_wait3A_1935] : memref<6x512xf32, #tpu.memory_space<vmem>> -> memref<1x128xf32, #tpu.memory_space<vmem>>
    %dma_wait3A_1937 = tpu.memref_squeeze %dma_wait3A_1936 : memref<1x128xf32, #tpu.memory_space<vmem>> -> memref<128xf32, #tpu.memory_space<vmem>>
    %dma_wait3A_1938 = arith.constant 384 : i32
    %dma_wait3A_1939 = tpu.memref_slice %arg6[%dma_wait3A_1933, %dma_wait3A_1938] : memref<6x512xi32, #tpu.memory_space<vmem>> -> memref<1x128xi32, #tpu.memory_space<vmem>>
    %dma_wait3A_1940 = tpu.memref_squeeze %dma_wait3A_1939 : memref<1x128xi32, #tpu.memory_space<vmem>> -> memref<128xi32, #tpu.memory_space<vmem>>
    %dma_wait3A_1941 = arith.constant 0 : i32
    %dma_wait3A_1942 = tpu.memref_slice %arg2[%dma_wait3A_1941] : memref<98304xf32, #tpu.memory_space<hbm>> -> memref<98304xf32, #tpu.memory_space<hbm>>
    tpu.wait_indirect_dma semaphore(%arg8 : memref<!tpu.dma_semaphore, #tpu.memory_space<semaphore_mem>>) src(%dma_wait3A_1942 : memref<98304xf32, #tpu.memory_space<hbm>>) dst(%dma_wait3A_1937 : memref<128xf32, #tpu.memory_space<vmem>>)
    %dma_wait3A_1943 = arith.constant 5 : i32
    %dma_wait3A_1944 = arith.constant 5 : i32
    %dma_wait3A_1945 = arith.constant 0 : i32
    %dma_wait3A_1946 = tpu.memref_slice %arg7[%dma_wait3A_1944, %dma_wait3A_1945] : memref<6x512xf32, #tpu.memory_space<vmem>> -> memref<1x128xf32, #tpu.memory_space<vmem>>
    %dma_wait3A_1947 = tpu.memref_squeeze %dma_wait3A_1946 : memref<1x128xf32, #tpu.memory_space<vmem>> -> memref<128xf32, #tpu.memory_space<vmem>>
    %dma_wait3A_1948 = arith.constant 0 : i32
    %dma_wait3A_1949 = tpu.memref_slice %arg6[%dma_wait3A_1943, %dma_wait3A_1948] : memref<6x512xi32, #tpu.memory_space<vmem>> -> memref<1x128xi32, #tpu.memory_space<vmem>>
    %dma_wait3A_1950 = tpu.memref_squeeze %dma_wait3A_1949 : memref<1x128xi32, #tpu.memory_space<vmem>> -> memref<128xi32, #tpu.memory_space<vmem>>
    %dma_wait3A_1951 = arith.constant 0 : i32
    %dma_wait3A_1952 = tpu.memref_slice %arg2[%dma_wait3A_1951] : memref<98304xf32, #tpu.memory_space<hbm>> -> memref<98304xf32, #tpu.memory_space<hbm>>
    tpu.wait_indirect_dma semaphore(%arg8 : memref<!tpu.dma_semaphore, #tpu.memory_space<semaphore_mem>>) src(%dma_wait3A_1952 : memref<98304xf32, #tpu.memory_space<hbm>>) dst(%dma_wait3A_1947 : memref<128xf32, #tpu.memory_space<vmem>>)
    %dma_wait3A_1953 = arith.constant 5 : i32
    %dma_wait3A_1954 = arith.constant 5 : i32
    %dma_wait3A_1955 = arith.constant 128 : i32
    %dma_wait3A_1956 = tpu.memref_slice %arg7[%dma_wait3A_1954, %dma_wait3A_1955] : memref<6x512xf32, #tpu.memory_space<vmem>> -> memref<1x128xf32, #tpu.memory_space<vmem>>
    %dma_wait3A_1957 = tpu.memref_squeeze %dma_wait3A_1956 : memref<1x128xf32, #tpu.memory_space<vmem>> -> memref<128xf32, #tpu.memory_space<vmem>>
    %dma_wait3A_1958 = arith.constant 128 : i32
    %dma_wait3A_1959 = tpu.memref_slice %arg6[%dma_wait3A_1953, %dma_wait3A_1958] : memref<6x512xi32, #tpu.memory_space<vmem>> -> memref<1x128xi32, #tpu.memory_space<vmem>>
    %dma_wait3A_1960 = tpu.memref_squeeze %dma_wait3A_1959 : memref<1x128xi32, #tpu.memory_space<vmem>> -> memref<128xi32, #tpu.memory_space<vmem>>
    %dma_wait3A_1961 = arith.constant 0 : i32
    %dma_wait3A_1962 = tpu.memref_slice %arg2[%dma_wait3A_1961] : memref<98304xf32, #tpu.memory_space<hbm>> -> memref<98304xf32, #tpu.memory_space<hbm>>
    tpu.wait_indirect_dma semaphore(%arg8 : memref<!tpu.dma_semaphore, #tpu.memory_space<semaphore_mem>>) src(%dma_wait3A_1962 : memref<98304xf32, #tpu.memory_space<hbm>>) dst(%dma_wait3A_1957 : memref<128xf32, #tpu.memory_space<vmem>>)
    %dma_wait3A_1963 = arith.constant 5 : i32
    %dma_wait3A_1964 = arith.constant 5 : i32
    %dma_wait3A_1965 = arith.constant 256 : i32
    %dma_wait3A_1966 = tpu.memref_slice %arg7[%dma_wait3A_1964, %dma_wait3A_1965] : memref<6x512xf32, #tpu.memory_space<vmem>> -> memref<1x128xf32, #tpu.memory_space<vmem>>
    %dma_wait3A_1967 = tpu.memref_squeeze %dma_wait3A_1966 : memref<1x128xf32, #tpu.memory_space<vmem>> -> memref<128xf32, #tpu.memory_space<vmem>>
    %dma_wait3A_1968 = arith.constant 256 : i32
    %dma_wait3A_1969 = tpu.memref_slice %arg6[%dma_wait3A_1963, %dma_wait3A_1968] : memref<6x512xi32, #tpu.memory_space<vmem>> -> memref<1x128xi32, #tpu.memory_space<vmem>>
    %dma_wait3A_1970 = tpu.memref_squeeze %dma_wait3A_1969 : memref<1x128xi32, #tpu.memory_space<vmem>> -> memref<128xi32, #tpu.memory_space<vmem>>
    %dma_wait3A_1971 = arith.constant 0 : i32
    %dma_wait3A_1972 = tpu.memref_slice %arg2[%dma_wait3A_1971] : memref<98304xf32, #tpu.memory_space<hbm>> -> memref<98304xf32, #tpu.memory_space<hbm>>
    tpu.wait_indirect_dma semaphore(%arg8 : memref<!tpu.dma_semaphore, #tpu.memory_space<semaphore_mem>>) src(%dma_wait3A_1972 : memref<98304xf32, #tpu.memory_space<hbm>>) dst(%dma_wait3A_1967 : memref<128xf32, #tpu.memory_space<vmem>>)
    %dma_wait3A_1973 = arith.constant 5 : i32
    %dma_wait3A_1974 = arith.constant 5 : i32
    %dma_wait3A_1975 = arith.constant 384 : i32
    %dma_wait3A_1976 = tpu.memref_slice %arg7[%dma_wait3A_1974, %dma_wait3A_1975] : memref<6x512xf32, #tpu.memory_space<vmem>> -> memref<1x128xf32, #tpu.memory_space<vmem>>
    %dma_wait3A_1977 = tpu.memref_squeeze %dma_wait3A_1976 : memref<1x128xf32, #tpu.memory_space<vmem>> -> memref<128xf32, #tpu.memory_space<vmem>>
    %dma_wait3A_1978 = arith.constant 384 : i32
    %dma_wait3A_1979 = tpu.memref_slice %arg6[%dma_wait3A_1973, %dma_wait3A_1978] : memref<6x512xi32, #tpu.memory_space<vmem>> -> memref<1x128xi32, #tpu.memory_space<vmem>>
    %dma_wait3A_1980 = tpu.memref_squeeze %dma_wait3A_1979 : memref<1x128xi32, #tpu.memory_space<vmem>> -> memref<128xi32, #tpu.memory_space<vmem>>
    %dma_wait3A_1981 = arith.constant 0 : i32
    %dma_wait3A_1982 = tpu.memref_slice %arg2[%dma_wait3A_1981] : memref<98304xf32, #tpu.memory_space<hbm>> -> memref<98304xf32, #tpu.memory_space<hbm>>
    tpu.wait_indirect_dma semaphore(%arg8 : memref<!tpu.dma_semaphore, #tpu.memory_space<semaphore_mem>>) src(%dma_wait3A_1982 : memref<98304xf32, #tpu.memory_space<hbm>>) dst(%dma_wait3A_1977 : memref<128xf32, #tpu.memory_space<vmem>>)
    %run_scoped3A = arith.constant 0 : i32
    %run_scoped3A_1983 = arith.constant 0 : i32
    "tpu.region"() ({
      %run_scoped3A_1994 = tpu.sem_alloc : memref<!tpu.dma_semaphore, #tpu.memory_space<semaphore_mem>>
      %dma_start3A_1995 = arith.constant 0 : i32
      %dma_start3A_1996 = tpu.memref_slice %arg7[%run_scoped3A, %dma_start3A_1995] : memref<6x512xf32, #tpu.memory_space<vmem>> -> memref<1x512xf32, #tpu.memory_space<vmem>>
      %dma_start3A_1997 = tpu.memref_squeeze %dma_start3A_1996 : memref<1x512xf32, #tpu.memory_space<vmem>> -> memref<512xf32, #tpu.memory_space<vmem>>
      %dma_start3A_1998 = tpu.memref_slice %arg4[%run_scoped3A_1983, %mul3A_2] : memref<6x16384xf32, #tpu.memory_space<hbm>> -> memref<1x512xf32, #tpu.memory_space<hbm>>
      %dma_start3A_1999 = tpu.memref_squeeze %dma_start3A_1998 : memref<1x512xf32, #tpu.memory_space<hbm>> -> memref<512xf32, #tpu.memory_space<hbm>>
      %dma_start3A_2000 = tpu.memref_slice %arg4[%run_scoped3A_1983, %mul3A_2] : memref<6x16384xf32, #tpu.memory_space<hbm>> -> memref<1x512xf32, #tpu.memory_space<hbm>>
      %dma_start3A_2001 = tpu.memref_squeeze %dma_start3A_2000 : memref<1x512xf32, #tpu.memory_space<hbm>> -> memref<512xf32, #tpu.memory_space<hbm>>
      %dma_start3A_2002 = arith.constant 0 : i32
      %dma_start3A_2003 = tpu.memref_slice %arg7[%run_scoped3A, %dma_start3A_2002] : memref<6x512xf32, #tpu.memory_space<vmem>> -> memref<1x512xf32, #tpu.memory_space<vmem>>
      %dma_start3A_2004 = tpu.memref_squeeze %dma_start3A_2003 : memref<1x512xf32, #tpu.memory_space<vmem>> -> memref<512xf32, #tpu.memory_space<vmem>>
      tpu.enqueue_dma source(%dma_start3A_2004 : memref<512xf32, #tpu.memory_space<vmem>>) target(%dma_start3A_2001 : memref<512xf32, #tpu.memory_space<hbm>>) target_semaphore(%run_scoped3A_1994 : memref<!tpu.dma_semaphore, #tpu.memory_space<semaphore_mem>>)
      %dma_wait3A_2005 = arith.constant 0 : i32
      %dma_wait3A_2006 = tpu.memref_slice %arg7[%run_scoped3A, %dma_wait3A_2005] : memref<6x512xf32, #tpu.memory_space<vmem>> -> memref<1x512xf32, #tpu.memory_space<vmem>>
      %dma_wait3A_2007 = tpu.memref_squeeze %dma_wait3A_2006 : memref<1x512xf32, #tpu.memory_space<vmem>> -> memref<512xf32, #tpu.memory_space<vmem>>
      %dma_wait3A_2008 = tpu.memref_slice %arg4[%run_scoped3A_1983, %mul3A_2] : memref<6x16384xf32, #tpu.memory_space<hbm>> -> memref<1x512xf32, #tpu.memory_space<hbm>>
      %dma_wait3A_2009 = tpu.memref_squeeze %dma_wait3A_2008 : memref<1x512xf32, #tpu.memory_space<hbm>> -> memref<512xf32, #tpu.memory_space<hbm>>
      %dma_wait3A_2010 = tpu.memref_slice %arg4[%run_scoped3A_1983, %mul3A_2] : memref<6x16384xf32, #tpu.memory_space<hbm>> -> memref<1x512xf32, #tpu.memory_space<hbm>>
      %dma_wait3A_2011 = tpu.memref_squeeze %dma_wait3A_2010 : memref<1x512xf32, #tpu.memory_space<hbm>> -> memref<512xf32, #tpu.memory_space<hbm>>
      %dma_wait3A_2012 = arith.constant 0 : i32
      %dma_wait3A_2013 = tpu.memref_slice %arg7[%run_scoped3A, %dma_wait3A_2012] : memref<6x512xf32, #tpu.memory_space<vmem>> -> memref<1x512xf32, #tpu.memory_space<vmem>>
      %dma_wait3A_2014 = tpu.memref_squeeze %dma_wait3A_2013 : memref<1x512xf32, #tpu.memory_space<vmem>> -> memref<512xf32, #tpu.memory_space<vmem>>
      tpu.wait_dma2 semaphore(%run_scoped3A_1994 : memref<!tpu.dma_semaphore, #tpu.memory_space<semaphore_mem>>) src(%dma_wait3A_2014 : memref<512xf32, #tpu.memory_space<vmem>>) dst(%dma_wait3A_2011 : memref<512xf32, #tpu.memory_space<hbm>>)
      tpu.yield
    }) : () -> ()
    %run_scoped3A_1984 = arith.constant 1 : i32
    %run_scoped3A_1985 = arith.constant 1 : i32
    "tpu.region"() ({
      %run_scoped3A_1994 = tpu.sem_alloc : memref<!tpu.dma_semaphore, #tpu.memory_space<semaphore_mem>>
      %dma_start3A_1995 = arith.constant 0 : i32
      %dma_start3A_1996 = tpu.memref_slice %arg7[%run_scoped3A_1984, %dma_start3A_1995] : memref<6x512xf32, #tpu.memory_space<vmem>> -> memref<1x512xf32, #tpu.memory_space<vmem>>
      %dma_start3A_1997 = tpu.memref_squeeze %dma_start3A_1996 : memref<1x512xf32, #tpu.memory_space<vmem>> -> memref<512xf32, #tpu.memory_space<vmem>>
      %dma_start3A_1998 = tpu.memref_slice %arg4[%run_scoped3A_1985, %mul3A_2] : memref<6x16384xf32, #tpu.memory_space<hbm>> -> memref<1x512xf32, #tpu.memory_space<hbm>>
      %dma_start3A_1999 = tpu.memref_squeeze %dma_start3A_1998 : memref<1x512xf32, #tpu.memory_space<hbm>> -> memref<512xf32, #tpu.memory_space<hbm>>
      %dma_start3A_2000 = tpu.memref_slice %arg4[%run_scoped3A_1985, %mul3A_2] : memref<6x16384xf32, #tpu.memory_space<hbm>> -> memref<1x512xf32, #tpu.memory_space<hbm>>
      %dma_start3A_2001 = tpu.memref_squeeze %dma_start3A_2000 : memref<1x512xf32, #tpu.memory_space<hbm>> -> memref<512xf32, #tpu.memory_space<hbm>>
      %dma_start3A_2002 = arith.constant 0 : i32
      %dma_start3A_2003 = tpu.memref_slice %arg7[%run_scoped3A_1984, %dma_start3A_2002] : memref<6x512xf32, #tpu.memory_space<vmem>> -> memref<1x512xf32, #tpu.memory_space<vmem>>
      %dma_start3A_2004 = tpu.memref_squeeze %dma_start3A_2003 : memref<1x512xf32, #tpu.memory_space<vmem>> -> memref<512xf32, #tpu.memory_space<vmem>>
      tpu.enqueue_dma source(%dma_start3A_2004 : memref<512xf32, #tpu.memory_space<vmem>>) target(%dma_start3A_2001 : memref<512xf32, #tpu.memory_space<hbm>>) target_semaphore(%run_scoped3A_1994 : memref<!tpu.dma_semaphore, #tpu.memory_space<semaphore_mem>>)
      %dma_wait3A_2005 = arith.constant 0 : i32
      %dma_wait3A_2006 = tpu.memref_slice %arg7[%run_scoped3A_1984, %dma_wait3A_2005] : memref<6x512xf32, #tpu.memory_space<vmem>> -> memref<1x512xf32, #tpu.memory_space<vmem>>
      %dma_wait3A_2007 = tpu.memref_squeeze %dma_wait3A_2006 : memref<1x512xf32, #tpu.memory_space<vmem>> -> memref<512xf32, #tpu.memory_space<vmem>>
      %dma_wait3A_2008 = tpu.memref_slice %arg4[%run_scoped3A_1985, %mul3A_2] : memref<6x16384xf32, #tpu.memory_space<hbm>> -> memref<1x512xf32, #tpu.memory_space<hbm>>
      %dma_wait3A_2009 = tpu.memref_squeeze %dma_wait3A_2008 : memref<1x512xf32, #tpu.memory_space<hbm>> -> memref<512xf32, #tpu.memory_space<hbm>>
      %dma_wait3A_2010 = tpu.memref_slice %arg4[%run_scoped3A_1985, %mul3A_2] : memref<6x16384xf32, #tpu.memory_space<hbm>> -> memref<1x512xf32, #tpu.memory_space<hbm>>
      %dma_wait3A_2011 = tpu.memref_squeeze %dma_wait3A_2010 : memref<1x512xf32, #tpu.memory_space<hbm>> -> memref<512xf32, #tpu.memory_space<hbm>>
      %dma_wait3A_2012 = arith.constant 0 : i32
      %dma_wait3A_2013 = tpu.memref_slice %arg7[%run_scoped3A_1984, %dma_wait3A_2012] : memref<6x512xf32, #tpu.memory_space<vmem>> -> memref<1x512xf32, #tpu.memory_space<vmem>>
      %dma_wait3A_2014 = tpu.memref_squeeze %dma_wait3A_2013 : memref<1x512xf32, #tpu.memory_space<vmem>> -> memref<512xf32, #tpu.memory_space<vmem>>
      tpu.wait_dma2 semaphore(%run_scoped3A_1994 : memref<!tpu.dma_semaphore, #tpu.memory_space<semaphore_mem>>) src(%dma_wait3A_2014 : memref<512xf32, #tpu.memory_space<vmem>>) dst(%dma_wait3A_2011 : memref<512xf32, #tpu.memory_space<hbm>>)
      tpu.yield
    }) : () -> ()
    %run_scoped3A_1986 = arith.constant 2 : i32
    %run_scoped3A_1987 = arith.constant 2 : i32
    "tpu.region"() ({
      %run_scoped3A_1994 = tpu.sem_alloc : memref<!tpu.dma_semaphore, #tpu.memory_space<semaphore_mem>>
      %dma_start3A_1995 = arith.constant 0 : i32
      %dma_start3A_1996 = tpu.memref_slice %arg7[%run_scoped3A_1986, %dma_start3A_1995] : memref<6x512xf32, #tpu.memory_space<vmem>> -> memref<1x512xf32, #tpu.memory_space<vmem>>
      %dma_start3A_1997 = tpu.memref_squeeze %dma_start3A_1996 : memref<1x512xf32, #tpu.memory_space<vmem>> -> memref<512xf32, #tpu.memory_space<vmem>>
      %dma_start3A_1998 = tpu.memref_slice %arg4[%run_scoped3A_1987, %mul3A_2] : memref<6x16384xf32, #tpu.memory_space<hbm>> -> memref<1x512xf32, #tpu.memory_space<hbm>>
      %dma_start3A_1999 = tpu.memref_squeeze %dma_start3A_1998 : memref<1x512xf32, #tpu.memory_space<hbm>> -> memref<512xf32, #tpu.memory_space<hbm>>
      %dma_start3A_2000 = tpu.memref_slice %arg4[%run_scoped3A_1987, %mul3A_2] : memref<6x16384xf32, #tpu.memory_space<hbm>> -> memref<1x512xf32, #tpu.memory_space<hbm>>
      %dma_start3A_2001 = tpu.memref_squeeze %dma_start3A_2000 : memref<1x512xf32, #tpu.memory_space<hbm>> -> memref<512xf32, #tpu.memory_space<hbm>>
      %dma_start3A_2002 = arith.constant 0 : i32
      %dma_start3A_2003 = tpu.memref_slice %arg7[%run_scoped3A_1986, %dma_start3A_2002] : memref<6x512xf32, #tpu.memory_space<vmem>> -> memref<1x512xf32, #tpu.memory_space<vmem>>
      %dma_start3A_2004 = tpu.memref_squeeze %dma_start3A_2003 : memref<1x512xf32, #tpu.memory_space<vmem>> -> memref<512xf32, #tpu.memory_space<vmem>>
      tpu.enqueue_dma source(%dma_start3A_2004 : memref<512xf32, #tpu.memory_space<vmem>>) target(%dma_start3A_2001 : memref<512xf32, #tpu.memory_space<hbm>>) target_semaphore(%run_scoped3A_1994 : memref<!tpu.dma_semaphore, #tpu.memory_space<semaphore_mem>>)
      %dma_wait3A_2005 = arith.constant 0 : i32
      %dma_wait3A_2006 = tpu.memref_slice %arg7[%run_scoped3A_1986, %dma_wait3A_2005] : memref<6x512xf32, #tpu.memory_space<vmem>> -> memref<1x512xf32, #tpu.memory_space<vmem>>
      %dma_wait3A_2007 = tpu.memref_squeeze %dma_wait3A_2006 : memref<1x512xf32, #tpu.memory_space<vmem>> -> memref<512xf32, #tpu.memory_space<vmem>>
      %dma_wait3A_2008 = tpu.memref_slice %arg4[%run_scoped3A_1987, %mul3A_2] : memref<6x16384xf32, #tpu.memory_space<hbm>> -> memref<1x512xf32, #tpu.memory_space<hbm>>
      %dma_wait3A_2009 = tpu.memref_squeeze %dma_wait3A_2008 : memref<1x512xf32, #tpu.memory_space<hbm>> -> memref<512xf32, #tpu.memory_space<hbm>>
      %dma_wait3A_2010 = tpu.memref_slice %arg4[%run_scoped3A_1987, %mul3A_2] : memref<6x16384xf32, #tpu.memory_space<hbm>> -> memref<1x512xf32, #tpu.memory_space<hbm>>
      %dma_wait3A_2011 = tpu.memref_squeeze %dma_wait3A_2010 : memref<1x512xf32, #tpu.memory_space<hbm>> -> memref<512xf32, #tpu.memory_space<hbm>>
      %dma_wait3A_2012 = arith.constant 0 : i32
      %dma_wait3A_2013 = tpu.memref_slice %arg7[%run_scoped3A_1986, %dma_wait3A_2012] : memref<6x512xf32, #tpu.memory_space<vmem>> -> memref<1x512xf32, #tpu.memory_space<vmem>>
      %dma_wait3A_2014 = tpu.memref_squeeze %dma_wait3A_2013 : memref<1x512xf32, #tpu.memory_space<vmem>> -> memref<512xf32, #tpu.memory_space<vmem>>
      tpu.wait_dma2 semaphore(%run_scoped3A_1994 : memref<!tpu.dma_semaphore, #tpu.memory_space<semaphore_mem>>) src(%dma_wait3A_2014 : memref<512xf32, #tpu.memory_space<vmem>>) dst(%dma_wait3A_2011 : memref<512xf32, #tpu.memory_space<hbm>>)
      tpu.yield
    }) : () -> ()
    %run_scoped3A_1988 = arith.constant 3 : i32
    %run_scoped3A_1989 = arith.constant 3 : i32
    "tpu.region"() ({
      %run_scoped3A_1994 = tpu.sem_alloc : memref<!tpu.dma_semaphore, #tpu.memory_space<semaphore_mem>>
      %dma_start3A_1995 = arith.constant 0 : i32
      %dma_start3A_1996 = tpu.memref_slice %arg7[%run_scoped3A_1988, %dma_start3A_1995] : memref<6x512xf32, #tpu.memory_space<vmem>> -> memref<1x512xf32, #tpu.memory_space<vmem>>
      %dma_start3A_1997 = tpu.memref_squeeze %dma_start3A_1996 : memref<1x512xf32, #tpu.memory_space<vmem>> -> memref<512xf32, #tpu.memory_space<vmem>>
      %dma_start3A_1998 = tpu.memref_slice %arg4[%run_scoped3A_1989, %mul3A_2] : memref<6x16384xf32, #tpu.memory_space<hbm>> -> memref<1x512xf32, #tpu.memory_space<hbm>>
      %dma_start3A_1999 = tpu.memref_squeeze %dma_start3A_1998 : memref<1x512xf32, #tpu.memory_space<hbm>> -> memref<512xf32, #tpu.memory_space<hbm>>
      %dma_start3A_2000 = tpu.memref_slice %arg4[%run_scoped3A_1989, %mul3A_2] : memref<6x16384xf32, #tpu.memory_space<hbm>> -> memref<1x512xf32, #tpu.memory_space<hbm>>
      %dma_start3A_2001 = tpu.memref_squeeze %dma_start3A_2000 : memref<1x512xf32, #tpu.memory_space<hbm>> -> memref<512xf32, #tpu.memory_space<hbm>>
      %dma_start3A_2002 = arith.constant 0 : i32
      %dma_start3A_2003 = tpu.memref_slice %arg7[%run_scoped3A_1988, %dma_start3A_2002] : memref<6x512xf32, #tpu.memory_space<vmem>> -> memref<1x512xf32, #tpu.memory_space<vmem>>
      %dma_start3A_2004 = tpu.memref_squeeze %dma_start3A_2003 : memref<1x512xf32, #tpu.memory_space<vmem>> -> memref<512xf32, #tpu.memory_space<vmem>>
      tpu.enqueue_dma source(%dma_start3A_2004 : memref<512xf32, #tpu.memory_space<vmem>>) target(%dma_start3A_2001 : memref<512xf32, #tpu.memory_space<hbm>>) target_semaphore(%run_scoped3A_1994 : memref<!tpu.dma_semaphore, #tpu.memory_space<semaphore_mem>>)
      %dma_wait3A_2005 = arith.constant 0 : i32
      %dma_wait3A_2006 = tpu.memref_slice %arg7[%run_scoped3A_1988, %dma_wait3A_2005] : memref<6x512xf32, #tpu.memory_space<vmem>> -> memref<1x512xf32, #tpu.memory_space<vmem>>
      %dma_wait3A_2007 = tpu.memref_squeeze %dma_wait3A_2006 : memref<1x512xf32, #tpu.memory_space<vmem>> -> memref<512xf32, #tpu.memory_space<vmem>>
      %dma_wait3A_2008 = tpu.memref_slice %arg4[%run_scoped3A_1989, %mul3A_2] : memref<6x16384xf32, #tpu.memory_space<hbm>> -> memref<1x512xf32, #tpu.memory_space<hbm>>
      %dma_wait3A_2009 = tpu.memref_squeeze %dma_wait3A_2008 : memref<1x512xf32, #tpu.memory_space<hbm>> -> memref<512xf32, #tpu.memory_space<hbm>>
      %dma_wait3A_2010 = tpu.memref_slice %arg4[%run_scoped3A_1989, %mul3A_2] : memref<6x16384xf32, #tpu.memory_space<hbm>> -> memref<1x512xf32, #tpu.memory_space<hbm>>
      %dma_wait3A_2011 = tpu.memref_squeeze %dma_wait3A_2010 : memref<1x512xf32, #tpu.memory_space<hbm>> -> memref<512xf32, #tpu.memory_space<hbm>>
      %dma_wait3A_2012 = arith.constant 0 : i32
      %dma_wait3A_2013 = tpu.memref_slice %arg7[%run_scoped3A_1988, %dma_wait3A_2012] : memref<6x512xf32, #tpu.memory_space<vmem>> -> memref<1x512xf32, #tpu.memory_space<vmem>>
      %dma_wait3A_2014 = tpu.memref_squeeze %dma_wait3A_2013 : memref<1x512xf32, #tpu.memory_space<vmem>> -> memref<512xf32, #tpu.memory_space<vmem>>
      tpu.wait_dma2 semaphore(%run_scoped3A_1994 : memref<!tpu.dma_semaphore, #tpu.memory_space<semaphore_mem>>) src(%dma_wait3A_2014 : memref<512xf32, #tpu.memory_space<vmem>>) dst(%dma_wait3A_2011 : memref<512xf32, #tpu.memory_space<hbm>>)
      tpu.yield
    }) : () -> ()
    %run_scoped3A_1990 = arith.constant 4 : i32
    %run_scoped3A_1991 = arith.constant 4 : i32
    "tpu.region"() ({
      %run_scoped3A_1994 = tpu.sem_alloc : memref<!tpu.dma_semaphore, #tpu.memory_space<semaphore_mem>>
      %dma_start3A_1995 = arith.constant 0 : i32
      %dma_start3A_1996 = tpu.memref_slice %arg7[%run_scoped3A_1990, %dma_start3A_1995] : memref<6x512xf32, #tpu.memory_space<vmem>> -> memref<1x512xf32, #tpu.memory_space<vmem>>
      %dma_start3A_1997 = tpu.memref_squeeze %dma_start3A_1996 : memref<1x512xf32, #tpu.memory_space<vmem>> -> memref<512xf32, #tpu.memory_space<vmem>>
      %dma_start3A_1998 = tpu.memref_slice %arg4[%run_scoped3A_1991, %mul3A_2] : memref<6x16384xf32, #tpu.memory_space<hbm>> -> memref<1x512xf32, #tpu.memory_space<hbm>>
      %dma_start3A_1999 = tpu.memref_squeeze %dma_start3A_1998 : memref<1x512xf32, #tpu.memory_space<hbm>> -> memref<512xf32, #tpu.memory_space<hbm>>
      %dma_start3A_2000 = tpu.memref_slice %arg4[%run_scoped3A_1991, %mul3A_2] : memref<6x16384xf32, #tpu.memory_space<hbm>> -> memref<1x512xf32, #tpu.memory_space<hbm>>
      %dma_start3A_2001 = tpu.memref_squeeze %dma_start3A_2000 : memref<1x512xf32, #tpu.memory_space<hbm>> -> memref<512xf32, #tpu.memory_space<hbm>>
      %dma_start3A_2002 = arith.constant 0 : i32
      %dma_start3A_2003 = tpu.memref_slice %arg7[%run_scoped3A_1990, %dma_start3A_2002] : memref<6x512xf32, #tpu.memory_space<vmem>> -> memref<1x512xf32, #tpu.memory_space<vmem>>
      %dma_start3A_2004 = tpu.memref_squeeze %dma_start3A_2003 : memref<1x512xf32, #tpu.memory_space<vmem>> -> memref<512xf32, #tpu.memory_space<vmem>>
      tpu.enqueue_dma source(%dma_start3A_2004 : memref<512xf32, #tpu.memory_space<vmem>>) target(%dma_start3A_2001 : memref<512xf32, #tpu.memory_space<hbm>>) target_semaphore(%run_scoped3A_1994 : memref<!tpu.dma_semaphore, #tpu.memory_space<semaphore_mem>>)
      %dma_wait3A_2005 = arith.constant 0 : i32
      %dma_wait3A_2006 = tpu.memref_slice %arg7[%run_scoped3A_1990, %dma_wait3A_2005] : memref<6x512xf32, #tpu.memory_space<vmem>> -> memref<1x512xf32, #tpu.memory_space<vmem>>
      %dma_wait3A_2007 = tpu.memref_squeeze %dma_wait3A_2006 : memref<1x512xf32, #tpu.memory_space<vmem>> -> memref<512xf32, #tpu.memory_space<vmem>>
      %dma_wait3A_2008 = tpu.memref_slice %arg4[%run_scoped3A_1991, %mul3A_2] : memref<6x16384xf32, #tpu.memory_space<hbm>> -> memref<1x512xf32, #tpu.memory_space<hbm>>
      %dma_wait3A_2009 = tpu.memref_squeeze %dma_wait3A_2008 : memref<1x512xf32, #tpu.memory_space<hbm>> -> memref<512xf32, #tpu.memory_space<hbm>>
      %dma_wait3A_2010 = tpu.memref_slice %arg4[%run_scoped3A_1991, %mul3A_2] : memref<6x16384xf32, #tpu.memory_space<hbm>> -> memref<1x512xf32, #tpu.memory_space<hbm>>
      %dma_wait3A_2011 = tpu.memref_squeeze %dma_wait3A_2010 : memref<1x512xf32, #tpu.memory_space<hbm>> -> memref<512xf32, #tpu.memory_space<hbm>>
      %dma_wait3A_2012 = arith.constant 0 : i32
      %dma_wait3A_2013 = tpu.memref_slice %arg7[%run_scoped3A_1990, %dma_wait3A_2012] : memref<6x512xf32, #tpu.memory_space<vmem>> -> memref<1x512xf32, #tpu.memory_space<vmem>>
      %dma_wait3A_2014 = tpu.memref_squeeze %dma_wait3A_2013 : memref<1x512xf32, #tpu.memory_space<vmem>> -> memref<512xf32, #tpu.memory_space<vmem>>
      tpu.wait_dma2 semaphore(%run_scoped3A_1994 : memref<!tpu.dma_semaphore, #tpu.memory_space<semaphore_mem>>) src(%dma_wait3A_2014 : memref<512xf32, #tpu.memory_space<vmem>>) dst(%dma_wait3A_2011 : memref<512xf32, #tpu.memory_space<hbm>>)
      tpu.yield
    }) : () -> ()
    %run_scoped3A_1992 = arith.constant 5 : i32
    %run_scoped3A_1993 = arith.constant 5 : i32
    "tpu.region"() ({
      %run_scoped3A_1994 = tpu.sem_alloc : memref<!tpu.dma_semaphore, #tpu.memory_space<semaphore_mem>>
      %dma_start3A_1995 = arith.constant 0 : i32
      %dma_start3A_1996 = tpu.memref_slice %arg7[%run_scoped3A_1992, %dma_start3A_1995] : memref<6x512xf32, #tpu.memory_space<vmem>> -> memref<1x512xf32, #tpu.memory_space<vmem>>
      %dma_start3A_1997 = tpu.memref_squeeze %dma_start3A_1996 : memref<1x512xf32, #tpu.memory_space<vmem>> -> memref<512xf32, #tpu.memory_space<vmem>>
      %dma_start3A_1998 = tpu.memref_slice %arg4[%run_scoped3A_1993, %mul3A_2] : memref<6x16384xf32, #tpu.memory_space<hbm>> -> memref<1x512xf32, #tpu.memory_space<hbm>>
      %dma_start3A_1999 = tpu.memref_squeeze %dma_start3A_1998 : memref<1x512xf32, #tpu.memory_space<hbm>> -> memref<512xf32, #tpu.memory_space<hbm>>
      %dma_start3A_2000 = tpu.memref_slice %arg4[%run_scoped3A_1993, %mul3A_2] : memref<6x16384xf32, #tpu.memory_space<hbm>> -> memref<1x512xf32, #tpu.memory_space<hbm>>
      %dma_start3A_2001 = tpu.memref_squeeze %dma_start3A_2000 : memref<1x512xf32, #tpu.memory_space<hbm>> -> memref<512xf32, #tpu.memory_space<hbm>>
      %dma_start3A_2002 = arith.constant 0 : i32
      %dma_start3A_2003 = tpu.memref_slice %arg7[%run_scoped3A_1992, %dma_start3A_2002] : memref<6x512xf32, #tpu.memory_space<vmem>> -> memref<1x512xf32, #tpu.memory_space<vmem>>
      %dma_start3A_2004 = tpu.memref_squeeze %dma_start3A_2003 : memref<1x512xf32, #tpu.memory_space<vmem>> -> memref<512xf32, #tpu.memory_space<vmem>>
      tpu.enqueue_dma source(%dma_start3A_2004 : memref<512xf32, #tpu.memory_space<vmem>>) target(%dma_start3A_2001 : memref<512xf32, #tpu.memory_space<hbm>>) target_semaphore(%run_scoped3A_1994 : memref<!tpu.dma_semaphore, #tpu.memory_space<semaphore_mem>>)
      %dma_wait3A_2005 = arith.constant 0 : i32
      %dma_wait3A_2006 = tpu.memref_slice %arg7[%run_scoped3A_1992, %dma_wait3A_2005] : memref<6x512xf32, #tpu.memory_space<vmem>> -> memref<1x512xf32, #tpu.memory_space<vmem>>
      %dma_wait3A_2007 = tpu.memref_squeeze %dma_wait3A_2006 : memref<1x512xf32, #tpu.memory_space<vmem>> -> memref<512xf32, #tpu.memory_space<vmem>>
      %dma_wait3A_2008 = tpu.memref_slice %arg4[%run_scoped3A_1993, %mul3A_2] : memref<6x16384xf32, #tpu.memory_space<hbm>> -> memref<1x512xf32, #tpu.memory_space<hbm>>
      %dma_wait3A_2009 = tpu.memref_squeeze %dma_wait3A_2008 : memref<1x512xf32, #tpu.memory_space<hbm>> -> memref<512xf32, #tpu.memory_space<hbm>>
      %dma_wait3A_2010 = tpu.memref_slice %arg4[%run_scoped3A_1993, %mul3A_2] : memref<6x16384xf32, #tpu.memory_space<hbm>> -> memref<1x512xf32, #tpu.memory_space<hbm>>
      %dma_wait3A_2011 = tpu.memref_squeeze %dma_wait3A_2010 : memref<1x512xf32, #tpu.memory_space<hbm>> -> memref<512xf32, #tpu.memory_space<hbm>>
      %dma_wait3A_2012 = arith.constant 0 : i32
      %dma_wait3A_2013 = tpu.memref_slice %arg7[%run_scoped3A_1992, %dma_wait3A_2012] : memref<6x512xf32, #tpu.memory_space<vmem>> -> memref<1x512xf32, #tpu.memory_space<vmem>>
      %dma_wait3A_2014 = tpu.memref_squeeze %dma_wait3A_2013 : memref<1x512xf32, #tpu.memory_space<vmem>> -> memref<512xf32, #tpu.memory_space<vmem>>
      tpu.wait_dma2 semaphore(%run_scoped3A_1994 : memref<!tpu.dma_semaphore, #tpu.memory_space<semaphore_mem>>) src(%dma_wait3A_2014 : memref<512xf32, #tpu.memory_space<vmem>>) dst(%dma_wait3A_2011 : memref<512xf32, #tpu.memory_space<hbm>>)
      tpu.yield
    }) : () -> ()
    return
  }
}

module attributes {stable_mosaic.version = 14 : i64} {
  func.func @_nn_body(%arg0: i32, %arg1: i32, %arg2: memref<1x1x2048x3xf32, #tpu.memory_space<vmem>>, %arg3: memref<1x4096x3xf32, #tpu.memory_space<vmem>>, %arg4: memref<1x3x4096xf32, #tpu.memory_space<vmem>>, %arg5: memref<1x1x2048x1xi32, #tpu.memory_space<vmem>>) attributes {dimension_semantics = [#tpu.dimension_semantics<arbitrary>, #tpu.dimension_semantics<arbitrary>], iteration_bounds = array<i64: 4, 2>, scalar_prefetch = 0 : i64, scratch_operands = 0 : i64, tpu.core_type = #tpu.core_type<tc>, window_params = [{transform_indices = @transform_0, window_bounds = array<i64: 1, 1, 2048, 3>}, {transform_indices = @transform_1, window_bounds = array<i64: 1, 4096, 3>}, {transform_indices = @transform_2, window_bounds = array<i64: 1, 3, 4096>}, {transform_indices = @transform_3, window_bounds = array<i64: 1, 1, 2048, 1>}]} {
    %get3A = arith.constant 0 : index
    %get3A_0 = arith.constant 0 : index
    %get3A_1 = arith.constant 0 : index
    %get3A_2 = arith.constant 0 : index
    %get3A_3 = vector.load %arg2[%get3A, %get3A_0, %get3A_1, %get3A_2] : memref<1x1x2048x3xf32, #tpu.memory_space<vmem>>, vector<1x1x2048x3xf32>
    %get3A_4 = vector.shape_cast %get3A_3 : vector<1x1x2048x3xf32> to vector<2048x3xf32>
    %get3A_5 = arith.constant 0 : index
    %get3A_6 = arith.constant 0 : index
    %get3A_7 = arith.constant 0 : index
    %get3A_8 = vector.load %arg3[%get3A_5, %get3A_6, %get3A_7] : memref<1x4096x3xf32, #tpu.memory_space<vmem>>, vector<1x4096x3xf32>
    %get3A_9 = vector.shape_cast %get3A_8 : vector<1x4096x3xf32> to vector<4096x3xf32>
    %mul3A = arith.constant -2.000000e+00 : f32
    %mul3A_10 = vector.broadcast %mul3A : f32 to vector<2048x3xf32>
    %mul3A_11 = arith.mulf %get3A_4, %mul3A_10 : vector<2048x3xf32>
    %dot_general3A = arith.constant dense<0.000000e+00> : vector<2048x4096xf32>
    %dot_general3A_12 = tpu.matmul %mul3A_11, %get3A_9, %dot_general3A {dimension_numbers = #tpu.dot_dimension_numbers<[1], [1], [0], [0], [0, 0, 1, 0], [], []>, transpose_lhs_hint = false} : vector<2048x3xf32>, vector<4096x3xf32>, vector<2048x4096xf32> -> vector<2048x4096xf32>
    %get3A_13 = arith.constant 0 : index
    %get3A_14 = arith.constant 0 : index
    %get3A_15 = arith.constant 0 : index
    %get3A_16 = vector.load %arg4[%get3A_13, %get3A_14, %get3A_15] : memref<1x3x4096xf32, #tpu.memory_space<vmem>>, vector<1x1x4096xf32>
    %get3A_17 = vector.shape_cast %get3A_16 : vector<1x1x4096xf32> to vector<1x4096xf32>
    %get3A_18 = arith.constant 0 : index
    %get3A_19 = arith.constant 1 : index
    %get3A_20 = arith.constant 0 : index
    %get3A_21 = vector.load %arg4[%get3A_18, %get3A_19, %get3A_20] : memref<1x3x4096xf32, #tpu.memory_space<vmem>>, vector<1x1x4096xf32>
    %get3A_22 = vector.shape_cast %get3A_21 : vector<1x1x4096xf32> to vector<1x4096xf32>
    %get3A_23 = arith.constant 0 : index
    %get3A_24 = arith.constant 2 : index
    %get3A_25 = arith.constant 0 : index
    %get3A_26 = vector.load %arg4[%get3A_23, %get3A_24, %get3A_25] : memref<1x3x4096xf32, #tpu.memory_space<vmem>>, vector<1x1x4096xf32>
    %get3A_27 = vector.shape_cast %get3A_26 : vector<1x1x4096xf32> to vector<1x4096xf32>
    %mul3A_28 = arith.mulf %get3A_4, %get3A_4 : vector<2048x3xf32>
    %reduce_sum3A = arith.constant dense<0.000000e+00> : vector<2048xf32>
    %reduce_sum3A_29 = vector.multi_reduction <add>, %mul3A_28, %reduce_sum3A [1] : vector<2048x3xf32> to vector<2048xf32>
    %broadcast_in_dim3A = vector.shape_cast %reduce_sum3A_29 : vector<2048xf32> to vector<2048x1xf32>
    %mul3A_30 = arith.mulf %get3A_17, %get3A_17 : vector<1x4096xf32>
    %mul3A_31 = arith.mulf %get3A_22, %get3A_22 : vector<1x4096xf32>
    %add3A = arith.addf %mul3A_30, %mul3A_31 : vector<1x4096xf32>
    %mul3A_32 = arith.mulf %get3A_27, %get3A_27 : vector<1x4096xf32>
    %add3A_33 = arith.addf %add3A, %mul3A_32 : vector<1x4096xf32>
    %slice3A = vector.extract_strided_slice %add3A_33 {offsets = [0, 0], sizes = [1, 128], strides = [1, 1]} : vector<1x4096xf32> to vector<1x128xf32>
    %add3A_34 = vector.broadcast %broadcast_in_dim3A : vector<2048x1xf32> to vector<2048x128xf32>
    %add3A_35 = vector.broadcast %slice3A : vector<1x128xf32> to vector<2048x128xf32>
    %add3A_36 = arith.addf %add3A_34, %add3A_35 : vector<2048x128xf32>
    %slice3A_37 = vector.extract_strided_slice %dot_general3A_12 {offsets = [0, 0], sizes = [2048, 128], strides = [1, 1]} : vector<2048x4096xf32> to vector<2048x128xf32>
    %add3A_38 = arith.addf %add3A_36, %slice3A_37 : vector<2048x128xf32>
    %broadcast_in_dim3A_39 = arith.constant 0 : i32
    %broadcast_in_dim3A_40 = vector.broadcast %broadcast_in_dim3A_39 : i32 to vector<2048x128xi32>
    %slice3A_41 = vector.extract_strided_slice %add3A_33 {offsets = [0, 128], sizes = [1, 128], strides = [1, 1]} : vector<1x4096xf32> to vector<1x128xf32>
    %add3A_42 = vector.broadcast %broadcast_in_dim3A : vector<2048x1xf32> to vector<2048x128xf32>
    %add3A_43 = vector.broadcast %slice3A_41 : vector<1x128xf32> to vector<2048x128xf32>
    %add3A_44 = arith.addf %add3A_42, %add3A_43 : vector<2048x128xf32>
    %slice3A_45 = vector.extract_strided_slice %dot_general3A_12 {offsets = [0, 128], sizes = [2048, 128], strides = [1, 1]} : vector<2048x4096xf32> to vector<2048x128xf32>
    %add3A_46 = arith.addf %add3A_44, %slice3A_45 : vector<2048x128xf32>
    %lt3A = arith.cmpf olt, %add3A_46, %add3A_38 : vector<2048x128xf32>
    %select_n3A = arith.select %lt3A, %add3A_46, %add3A_38 : vector<2048x128xi1>, vector<2048x128xf32>
    %jit3A = arith.constant 1 : i32
    %broadcast_in_dim3A_47 = vector.broadcast %jit3A : i32 to vector<2048x128xi32>
    %select_n3A_48 = arith.select %lt3A, %broadcast_in_dim3A_47, %broadcast_in_dim3A_40 : vector<2048x128xi1>, vector<2048x128xi32>
    %slice3A_49 = vector.extract_strided_slice %add3A_33 {offsets = [0, 256], sizes = [1, 128], strides = [1, 1]} : vector<1x4096xf32> to vector<1x128xf32>
    %add3A_50 = vector.broadcast %broadcast_in_dim3A : vector<2048x1xf32> to vector<2048x128xf32>
    %add3A_51 = vector.broadcast %slice3A_49 : vector<1x128xf32> to vector<2048x128xf32>
    %add3A_52 = arith.addf %add3A_50, %add3A_51 : vector<2048x128xf32>
    %slice3A_53 = vector.extract_strided_slice %dot_general3A_12 {offsets = [0, 256], sizes = [2048, 128], strides = [1, 1]} : vector<2048x4096xf32> to vector<2048x128xf32>
    %add3A_54 = arith.addf %add3A_52, %slice3A_53 : vector<2048x128xf32>
    %lt3A_55 = arith.cmpf olt, %add3A_54, %select_n3A : vector<2048x128xf32>
    %select_n3A_56 = arith.select %lt3A_55, %add3A_54, %select_n3A : vector<2048x128xi1>, vector<2048x128xf32>
    %jit3A_57 = arith.constant 2 : i32
    %broadcast_in_dim3A_58 = vector.broadcast %jit3A_57 : i32 to vector<2048x128xi32>
    %select_n3A_59 = arith.select %lt3A_55, %broadcast_in_dim3A_58, %select_n3A_48 : vector<2048x128xi1>, vector<2048x128xi32>
    %slice3A_60 = vector.extract_strided_slice %add3A_33 {offsets = [0, 384], sizes = [1, 128], strides = [1, 1]} : vector<1x4096xf32> to vector<1x128xf32>
    %add3A_61 = vector.broadcast %broadcast_in_dim3A : vector<2048x1xf32> to vector<2048x128xf32>
    %add3A_62 = vector.broadcast %slice3A_60 : vector<1x128xf32> to vector<2048x128xf32>
    %add3A_63 = arith.addf %add3A_61, %add3A_62 : vector<2048x128xf32>
    %slice3A_64 = vector.extract_strided_slice %dot_general3A_12 {offsets = [0, 384], sizes = [2048, 128], strides = [1, 1]} : vector<2048x4096xf32> to vector<2048x128xf32>
    %add3A_65 = arith.addf %add3A_63, %slice3A_64 : vector<2048x128xf32>
    %lt3A_66 = arith.cmpf olt, %add3A_65, %select_n3A_56 : vector<2048x128xf32>
    %select_n3A_67 = arith.select %lt3A_66, %add3A_65, %select_n3A_56 : vector<2048x128xi1>, vector<2048x128xf32>
    %jit3A_68 = arith.constant 3 : i32
    %broadcast_in_dim3A_69 = vector.broadcast %jit3A_68 : i32 to vector<2048x128xi32>
    %select_n3A_70 = arith.select %lt3A_66, %broadcast_in_dim3A_69, %select_n3A_59 : vector<2048x128xi1>, vector<2048x128xi32>
    %slice3A_71 = vector.extract_strided_slice %add3A_33 {offsets = [0, 512], sizes = [1, 128], strides = [1, 1]} : vector<1x4096xf32> to vector<1x128xf32>
    %add3A_72 = vector.broadcast %broadcast_in_dim3A : vector<2048x1xf32> to vector<2048x128xf32>
    %add3A_73 = vector.broadcast %slice3A_71 : vector<1x128xf32> to vector<2048x128xf32>
    %add3A_74 = arith.addf %add3A_72, %add3A_73 : vector<2048x128xf32>
    %slice3A_75 = vector.extract_strided_slice %dot_general3A_12 {offsets = [0, 512], sizes = [2048, 128], strides = [1, 1]} : vector<2048x4096xf32> to vector<2048x128xf32>
    %add3A_76 = arith.addf %add3A_74, %slice3A_75 : vector<2048x128xf32>
    %lt3A_77 = arith.cmpf olt, %add3A_76, %select_n3A_67 : vector<2048x128xf32>
    %select_n3A_78 = arith.select %lt3A_77, %add3A_76, %select_n3A_67 : vector<2048x128xi1>, vector<2048x128xf32>
    %jit3A_79 = arith.constant 4 : i32
    %broadcast_in_dim3A_80 = vector.broadcast %jit3A_79 : i32 to vector<2048x128xi32>
    %select_n3A_81 = arith.select %lt3A_77, %broadcast_in_dim3A_80, %select_n3A_70 : vector<2048x128xi1>, vector<2048x128xi32>
    %slice3A_82 = vector.extract_strided_slice %add3A_33 {offsets = [0, 640], sizes = [1, 128], strides = [1, 1]} : vector<1x4096xf32> to vector<1x128xf32>
    %add3A_83 = vector.broadcast %broadcast_in_dim3A : vector<2048x1xf32> to vector<2048x128xf32>
    %add3A_84 = vector.broadcast %slice3A_82 : vector<1x128xf32> to vector<2048x128xf32>
    %add3A_85 = arith.addf %add3A_83, %add3A_84 : vector<2048x128xf32>
    %slice3A_86 = vector.extract_strided_slice %dot_general3A_12 {offsets = [0, 640], sizes = [2048, 128], strides = [1, 1]} : vector<2048x4096xf32> to vector<2048x128xf32>
    %add3A_87 = arith.addf %add3A_85, %slice3A_86 : vector<2048x128xf32>
    %lt3A_88 = arith.cmpf olt, %add3A_87, %select_n3A_78 : vector<2048x128xf32>
    %select_n3A_89 = arith.select %lt3A_88, %add3A_87, %select_n3A_78 : vector<2048x128xi1>, vector<2048x128xf32>
    %jit3A_90 = arith.constant 5 : i32
    %broadcast_in_dim3A_91 = vector.broadcast %jit3A_90 : i32 to vector<2048x128xi32>
    %select_n3A_92 = arith.select %lt3A_88, %broadcast_in_dim3A_91, %select_n3A_81 : vector<2048x128xi1>, vector<2048x128xi32>
    %slice3A_93 = vector.extract_strided_slice %add3A_33 {offsets = [0, 768], sizes = [1, 128], strides = [1, 1]} : vector<1x4096xf32> to vector<1x128xf32>
    %add3A_94 = vector.broadcast %broadcast_in_dim3A : vector<2048x1xf32> to vector<2048x128xf32>
    %add3A_95 = vector.broadcast %slice3A_93 : vector<1x128xf32> to vector<2048x128xf32>
    %add3A_96 = arith.addf %add3A_94, %add3A_95 : vector<2048x128xf32>
    %slice3A_97 = vector.extract_strided_slice %dot_general3A_12 {offsets = [0, 768], sizes = [2048, 128], strides = [1, 1]} : vector<2048x4096xf32> to vector<2048x128xf32>
    %add3A_98 = arith.addf %add3A_96, %slice3A_97 : vector<2048x128xf32>
    %lt3A_99 = arith.cmpf olt, %add3A_98, %select_n3A_89 : vector<2048x128xf32>
    %select_n3A_100 = arith.select %lt3A_99, %add3A_98, %select_n3A_89 : vector<2048x128xi1>, vector<2048x128xf32>
    %jit3A_101 = arith.constant 6 : i32
    %broadcast_in_dim3A_102 = vector.broadcast %jit3A_101 : i32 to vector<2048x128xi32>
    %select_n3A_103 = arith.select %lt3A_99, %broadcast_in_dim3A_102, %select_n3A_92 : vector<2048x128xi1>, vector<2048x128xi32>
    %slice3A_104 = vector.extract_strided_slice %add3A_33 {offsets = [0, 896], sizes = [1, 128], strides = [1, 1]} : vector<1x4096xf32> to vector<1x128xf32>
    %add3A_105 = vector.broadcast %broadcast_in_dim3A : vector<2048x1xf32> to vector<2048x128xf32>
    %add3A_106 = vector.broadcast %slice3A_104 : vector<1x128xf32> to vector<2048x128xf32>
    %add3A_107 = arith.addf %add3A_105, %add3A_106 : vector<2048x128xf32>
    %slice3A_108 = vector.extract_strided_slice %dot_general3A_12 {offsets = [0, 896], sizes = [2048, 128], strides = [1, 1]} : vector<2048x4096xf32> to vector<2048x128xf32>
    %add3A_109 = arith.addf %add3A_107, %slice3A_108 : vector<2048x128xf32>
    %lt3A_110 = arith.cmpf olt, %add3A_109, %select_n3A_100 : vector<2048x128xf32>
    %select_n3A_111 = arith.select %lt3A_110, %add3A_109, %select_n3A_100 : vector<2048x128xi1>, vector<2048x128xf32>
    %jit3A_112 = arith.constant 7 : i32
    %broadcast_in_dim3A_113 = vector.broadcast %jit3A_112 : i32 to vector<2048x128xi32>
    %select_n3A_114 = arith.select %lt3A_110, %broadcast_in_dim3A_113, %select_n3A_103 : vector<2048x128xi1>, vector<2048x128xi32>
    %slice3A_115 = vector.extract_strided_slice %add3A_33 {offsets = [0, 1024], sizes = [1, 128], strides = [1, 1]} : vector<1x4096xf32> to vector<1x128xf32>
    %add3A_116 = vector.broadcast %broadcast_in_dim3A : vector<2048x1xf32> to vector<2048x128xf32>
    %add3A_117 = vector.broadcast %slice3A_115 : vector<1x128xf32> to vector<2048x128xf32>
    %add3A_118 = arith.addf %add3A_116, %add3A_117 : vector<2048x128xf32>
    %slice3A_119 = vector.extract_strided_slice %dot_general3A_12 {offsets = [0, 1024], sizes = [2048, 128], strides = [1, 1]} : vector<2048x4096xf32> to vector<2048x128xf32>
    %add3A_120 = arith.addf %add3A_118, %slice3A_119 : vector<2048x128xf32>
    %lt3A_121 = arith.cmpf olt, %add3A_120, %select_n3A_111 : vector<2048x128xf32>
    %select_n3A_122 = arith.select %lt3A_121, %add3A_120, %select_n3A_111 : vector<2048x128xi1>, vector<2048x128xf32>
    %jit3A_123 = arith.constant 8 : i32
    %broadcast_in_dim3A_124 = vector.broadcast %jit3A_123 : i32 to vector<2048x128xi32>
    %select_n3A_125 = arith.select %lt3A_121, %broadcast_in_dim3A_124, %select_n3A_114 : vector<2048x128xi1>, vector<2048x128xi32>
    %slice3A_126 = vector.extract_strided_slice %add3A_33 {offsets = [0, 1152], sizes = [1, 128], strides = [1, 1]} : vector<1x4096xf32> to vector<1x128xf32>
    %add3A_127 = vector.broadcast %broadcast_in_dim3A : vector<2048x1xf32> to vector<2048x128xf32>
    %add3A_128 = vector.broadcast %slice3A_126 : vector<1x128xf32> to vector<2048x128xf32>
    %add3A_129 = arith.addf %add3A_127, %add3A_128 : vector<2048x128xf32>
    %slice3A_130 = vector.extract_strided_slice %dot_general3A_12 {offsets = [0, 1152], sizes = [2048, 128], strides = [1, 1]} : vector<2048x4096xf32> to vector<2048x128xf32>
    %add3A_131 = arith.addf %add3A_129, %slice3A_130 : vector<2048x128xf32>
    %lt3A_132 = arith.cmpf olt, %add3A_131, %select_n3A_122 : vector<2048x128xf32>
    %select_n3A_133 = arith.select %lt3A_132, %add3A_131, %select_n3A_122 : vector<2048x128xi1>, vector<2048x128xf32>
    %jit3A_134 = arith.constant 9 : i32
    %broadcast_in_dim3A_135 = vector.broadcast %jit3A_134 : i32 to vector<2048x128xi32>
    %select_n3A_136 = arith.select %lt3A_132, %broadcast_in_dim3A_135, %select_n3A_125 : vector<2048x128xi1>, vector<2048x128xi32>
    %slice3A_137 = vector.extract_strided_slice %add3A_33 {offsets = [0, 1280], sizes = [1, 128], strides = [1, 1]} : vector<1x4096xf32> to vector<1x128xf32>
    %add3A_138 = vector.broadcast %broadcast_in_dim3A : vector<2048x1xf32> to vector<2048x128xf32>
    %add3A_139 = vector.broadcast %slice3A_137 : vector<1x128xf32> to vector<2048x128xf32>
    %add3A_140 = arith.addf %add3A_138, %add3A_139 : vector<2048x128xf32>
    %slice3A_141 = vector.extract_strided_slice %dot_general3A_12 {offsets = [0, 1280], sizes = [2048, 128], strides = [1, 1]} : vector<2048x4096xf32> to vector<2048x128xf32>
    %add3A_142 = arith.addf %add3A_140, %slice3A_141 : vector<2048x128xf32>
    %lt3A_143 = arith.cmpf olt, %add3A_142, %select_n3A_133 : vector<2048x128xf32>
    %select_n3A_144 = arith.select %lt3A_143, %add3A_142, %select_n3A_133 : vector<2048x128xi1>, vector<2048x128xf32>
    %jit3A_145 = arith.constant 10 : i32
    %broadcast_in_dim3A_146 = vector.broadcast %jit3A_145 : i32 to vector<2048x128xi32>
    %select_n3A_147 = arith.select %lt3A_143, %broadcast_in_dim3A_146, %select_n3A_136 : vector<2048x128xi1>, vector<2048x128xi32>
    %slice3A_148 = vector.extract_strided_slice %add3A_33 {offsets = [0, 1408], sizes = [1, 128], strides = [1, 1]} : vector<1x4096xf32> to vector<1x128xf32>
    %add3A_149 = vector.broadcast %broadcast_in_dim3A : vector<2048x1xf32> to vector<2048x128xf32>
    %add3A_150 = vector.broadcast %slice3A_148 : vector<1x128xf32> to vector<2048x128xf32>
    %add3A_151 = arith.addf %add3A_149, %add3A_150 : vector<2048x128xf32>
    %slice3A_152 = vector.extract_strided_slice %dot_general3A_12 {offsets = [0, 1408], sizes = [2048, 128], strides = [1, 1]} : vector<2048x4096xf32> to vector<2048x128xf32>
    %add3A_153 = arith.addf %add3A_151, %slice3A_152 : vector<2048x128xf32>
    %lt3A_154 = arith.cmpf olt, %add3A_153, %select_n3A_144 : vector<2048x128xf32>
    %select_n3A_155 = arith.select %lt3A_154, %add3A_153, %select_n3A_144 : vector<2048x128xi1>, vector<2048x128xf32>
    %jit3A_156 = arith.constant 11 : i32
    %broadcast_in_dim3A_157 = vector.broadcast %jit3A_156 : i32 to vector<2048x128xi32>
    %select_n3A_158 = arith.select %lt3A_154, %broadcast_in_dim3A_157, %select_n3A_147 : vector<2048x128xi1>, vector<2048x128xi32>
    %slice3A_159 = vector.extract_strided_slice %add3A_33 {offsets = [0, 1536], sizes = [1, 128], strides = [1, 1]} : vector<1x4096xf32> to vector<1x128xf32>
    %add3A_160 = vector.broadcast %broadcast_in_dim3A : vector<2048x1xf32> to vector<2048x128xf32>
    %add3A_161 = vector.broadcast %slice3A_159 : vector<1x128xf32> to vector<2048x128xf32>
    %add3A_162 = arith.addf %add3A_160, %add3A_161 : vector<2048x128xf32>
    %slice3A_163 = vector.extract_strided_slice %dot_general3A_12 {offsets = [0, 1536], sizes = [2048, 128], strides = [1, 1]} : vector<2048x4096xf32> to vector<2048x128xf32>
    %add3A_164 = arith.addf %add3A_162, %slice3A_163 : vector<2048x128xf32>
    %lt3A_165 = arith.cmpf olt, %add3A_164, %select_n3A_155 : vector<2048x128xf32>
    %select_n3A_166 = arith.select %lt3A_165, %add3A_164, %select_n3A_155 : vector<2048x128xi1>, vector<2048x128xf32>
    %jit3A_167 = arith.constant 12 : i32
    %broadcast_in_dim3A_168 = vector.broadcast %jit3A_167 : i32 to vector<2048x128xi32>
    %select_n3A_169 = arith.select %lt3A_165, %broadcast_in_dim3A_168, %select_n3A_158 : vector<2048x128xi1>, vector<2048x128xi32>
    %slice3A_170 = vector.extract_strided_slice %add3A_33 {offsets = [0, 1664], sizes = [1, 128], strides = [1, 1]} : vector<1x4096xf32> to vector<1x128xf32>
    %add3A_171 = vector.broadcast %broadcast_in_dim3A : vector<2048x1xf32> to vector<2048x128xf32>
    %add3A_172 = vector.broadcast %slice3A_170 : vector<1x128xf32> to vector<2048x128xf32>
    %add3A_173 = arith.addf %add3A_171, %add3A_172 : vector<2048x128xf32>
    %slice3A_174 = vector.extract_strided_slice %dot_general3A_12 {offsets = [0, 1664], sizes = [2048, 128], strides = [1, 1]} : vector<2048x4096xf32> to vector<2048x128xf32>
    %add3A_175 = arith.addf %add3A_173, %slice3A_174 : vector<2048x128xf32>
    %lt3A_176 = arith.cmpf olt, %add3A_175, %select_n3A_166 : vector<2048x128xf32>
    %select_n3A_177 = arith.select %lt3A_176, %add3A_175, %select_n3A_166 : vector<2048x128xi1>, vector<2048x128xf32>
    %jit3A_178 = arith.constant 13 : i32
    %broadcast_in_dim3A_179 = vector.broadcast %jit3A_178 : i32 to vector<2048x128xi32>
    %select_n3A_180 = arith.select %lt3A_176, %broadcast_in_dim3A_179, %select_n3A_169 : vector<2048x128xi1>, vector<2048x128xi32>
    %slice3A_181 = vector.extract_strided_slice %add3A_33 {offsets = [0, 1792], sizes = [1, 128], strides = [1, 1]} : vector<1x4096xf32> to vector<1x128xf32>
    %add3A_182 = vector.broadcast %broadcast_in_dim3A : vector<2048x1xf32> to vector<2048x128xf32>
    %add3A_183 = vector.broadcast %slice3A_181 : vector<1x128xf32> to vector<2048x128xf32>
    %add3A_184 = arith.addf %add3A_182, %add3A_183 : vector<2048x128xf32>
    %slice3A_185 = vector.extract_strided_slice %dot_general3A_12 {offsets = [0, 1792], sizes = [2048, 128], strides = [1, 1]} : vector<2048x4096xf32> to vector<2048x128xf32>
    %add3A_186 = arith.addf %add3A_184, %slice3A_185 : vector<2048x128xf32>
    %lt3A_187 = arith.cmpf olt, %add3A_186, %select_n3A_177 : vector<2048x128xf32>
    %select_n3A_188 = arith.select %lt3A_187, %add3A_186, %select_n3A_177 : vector<2048x128xi1>, vector<2048x128xf32>
    %jit3A_189 = arith.constant 14 : i32
    %broadcast_in_dim3A_190 = vector.broadcast %jit3A_189 : i32 to vector<2048x128xi32>
    %select_n3A_191 = arith.select %lt3A_187, %broadcast_in_dim3A_190, %select_n3A_180 : vector<2048x128xi1>, vector<2048x128xi32>
    %slice3A_192 = vector.extract_strided_slice %add3A_33 {offsets = [0, 1920], sizes = [1, 128], strides = [1, 1]} : vector<1x4096xf32> to vector<1x128xf32>
    %add3A_193 = vector.broadcast %broadcast_in_dim3A : vector<2048x1xf32> to vector<2048x128xf32>
    %add3A_194 = vector.broadcast %slice3A_192 : vector<1x128xf32> to vector<2048x128xf32>
    %add3A_195 = arith.addf %add3A_193, %add3A_194 : vector<2048x128xf32>
    %slice3A_196 = vector.extract_strided_slice %dot_general3A_12 {offsets = [0, 1920], sizes = [2048, 128], strides = [1, 1]} : vector<2048x4096xf32> to vector<2048x128xf32>
    %add3A_197 = arith.addf %add3A_195, %slice3A_196 : vector<2048x128xf32>
    %lt3A_198 = arith.cmpf olt, %add3A_197, %select_n3A_188 : vector<2048x128xf32>
    %select_n3A_199 = arith.select %lt3A_198, %add3A_197, %select_n3A_188 : vector<2048x128xi1>, vector<2048x128xf32>
    %jit3A_200 = arith.constant 15 : i32
    %broadcast_in_dim3A_201 = vector.broadcast %jit3A_200 : i32 to vector<2048x128xi32>
    %select_n3A_202 = arith.select %lt3A_198, %broadcast_in_dim3A_201, %select_n3A_191 : vector<2048x128xi1>, vector<2048x128xi32>
    %slice3A_203 = vector.extract_strided_slice %add3A_33 {offsets = [0, 2048], sizes = [1, 128], strides = [1, 1]} : vector<1x4096xf32> to vector<1x128xf32>
    %add3A_204 = vector.broadcast %broadcast_in_dim3A : vector<2048x1xf32> to vector<2048x128xf32>
    %add3A_205 = vector.broadcast %slice3A_203 : vector<1x128xf32> to vector<2048x128xf32>
    %add3A_206 = arith.addf %add3A_204, %add3A_205 : vector<2048x128xf32>
    %slice3A_207 = vector.extract_strided_slice %dot_general3A_12 {offsets = [0, 2048], sizes = [2048, 128], strides = [1, 1]} : vector<2048x4096xf32> to vector<2048x128xf32>
    %add3A_208 = arith.addf %add3A_206, %slice3A_207 : vector<2048x128xf32>
    %lt3A_209 = arith.cmpf olt, %add3A_208, %select_n3A_199 : vector<2048x128xf32>
    %select_n3A_210 = arith.select %lt3A_209, %add3A_208, %select_n3A_199 : vector<2048x128xi1>, vector<2048x128xf32>
    %jit3A_211 = arith.constant 16 : i32
    %broadcast_in_dim3A_212 = vector.broadcast %jit3A_211 : i32 to vector<2048x128xi32>
    %select_n3A_213 = arith.select %lt3A_209, %broadcast_in_dim3A_212, %select_n3A_202 : vector<2048x128xi1>, vector<2048x128xi32>
    %slice3A_214 = vector.extract_strided_slice %add3A_33 {offsets = [0, 2176], sizes = [1, 128], strides = [1, 1]} : vector<1x4096xf32> to vector<1x128xf32>
    %add3A_215 = vector.broadcast %broadcast_in_dim3A : vector<2048x1xf32> to vector<2048x128xf32>
    %add3A_216 = vector.broadcast %slice3A_214 : vector<1x128xf32> to vector<2048x128xf32>
    %add3A_217 = arith.addf %add3A_215, %add3A_216 : vector<2048x128xf32>
    %slice3A_218 = vector.extract_strided_slice %dot_general3A_12 {offsets = [0, 2176], sizes = [2048, 128], strides = [1, 1]} : vector<2048x4096xf32> to vector<2048x128xf32>
    %add3A_219 = arith.addf %add3A_217, %slice3A_218 : vector<2048x128xf32>
    %lt3A_220 = arith.cmpf olt, %add3A_219, %select_n3A_210 : vector<2048x128xf32>
    %select_n3A_221 = arith.select %lt3A_220, %add3A_219, %select_n3A_210 : vector<2048x128xi1>, vector<2048x128xf32>
    %jit3A_222 = arith.constant 17 : i32
    %broadcast_in_dim3A_223 = vector.broadcast %jit3A_222 : i32 to vector<2048x128xi32>
    %select_n3A_224 = arith.select %lt3A_220, %broadcast_in_dim3A_223, %select_n3A_213 : vector<2048x128xi1>, vector<2048x128xi32>
    %slice3A_225 = vector.extract_strided_slice %add3A_33 {offsets = [0, 2304], sizes = [1, 128], strides = [1, 1]} : vector<1x4096xf32> to vector<1x128xf32>
    %add3A_226 = vector.broadcast %broadcast_in_dim3A : vector<2048x1xf32> to vector<2048x128xf32>
    %add3A_227 = vector.broadcast %slice3A_225 : vector<1x128xf32> to vector<2048x128xf32>
    %add3A_228 = arith.addf %add3A_226, %add3A_227 : vector<2048x128xf32>
    %slice3A_229 = vector.extract_strided_slice %dot_general3A_12 {offsets = [0, 2304], sizes = [2048, 128], strides = [1, 1]} : vector<2048x4096xf32> to vector<2048x128xf32>
    %add3A_230 = arith.addf %add3A_228, %slice3A_229 : vector<2048x128xf32>
    %lt3A_231 = arith.cmpf olt, %add3A_230, %select_n3A_221 : vector<2048x128xf32>
    %select_n3A_232 = arith.select %lt3A_231, %add3A_230, %select_n3A_221 : vector<2048x128xi1>, vector<2048x128xf32>
    %jit3A_233 = arith.constant 18 : i32
    %broadcast_in_dim3A_234 = vector.broadcast %jit3A_233 : i32 to vector<2048x128xi32>
    %select_n3A_235 = arith.select %lt3A_231, %broadcast_in_dim3A_234, %select_n3A_224 : vector<2048x128xi1>, vector<2048x128xi32>
    %slice3A_236 = vector.extract_strided_slice %add3A_33 {offsets = [0, 2432], sizes = [1, 128], strides = [1, 1]} : vector<1x4096xf32> to vector<1x128xf32>
    %add3A_237 = vector.broadcast %broadcast_in_dim3A : vector<2048x1xf32> to vector<2048x128xf32>
    %add3A_238 = vector.broadcast %slice3A_236 : vector<1x128xf32> to vector<2048x128xf32>
    %add3A_239 = arith.addf %add3A_237, %add3A_238 : vector<2048x128xf32>
    %slice3A_240 = vector.extract_strided_slice %dot_general3A_12 {offsets = [0, 2432], sizes = [2048, 128], strides = [1, 1]} : vector<2048x4096xf32> to vector<2048x128xf32>
    %add3A_241 = arith.addf %add3A_239, %slice3A_240 : vector<2048x128xf32>
    %lt3A_242 = arith.cmpf olt, %add3A_241, %select_n3A_232 : vector<2048x128xf32>
    %select_n3A_243 = arith.select %lt3A_242, %add3A_241, %select_n3A_232 : vector<2048x128xi1>, vector<2048x128xf32>
    %jit3A_244 = arith.constant 19 : i32
    %broadcast_in_dim3A_245 = vector.broadcast %jit3A_244 : i32 to vector<2048x128xi32>
    %select_n3A_246 = arith.select %lt3A_242, %broadcast_in_dim3A_245, %select_n3A_235 : vector<2048x128xi1>, vector<2048x128xi32>
    %slice3A_247 = vector.extract_strided_slice %add3A_33 {offsets = [0, 2560], sizes = [1, 128], strides = [1, 1]} : vector<1x4096xf32> to vector<1x128xf32>
    %add3A_248 = vector.broadcast %broadcast_in_dim3A : vector<2048x1xf32> to vector<2048x128xf32>
    %add3A_249 = vector.broadcast %slice3A_247 : vector<1x128xf32> to vector<2048x128xf32>
    %add3A_250 = arith.addf %add3A_248, %add3A_249 : vector<2048x128xf32>
    %slice3A_251 = vector.extract_strided_slice %dot_general3A_12 {offsets = [0, 2560], sizes = [2048, 128], strides = [1, 1]} : vector<2048x4096xf32> to vector<2048x128xf32>
    %add3A_252 = arith.addf %add3A_250, %slice3A_251 : vector<2048x128xf32>
    %lt3A_253 = arith.cmpf olt, %add3A_252, %select_n3A_243 : vector<2048x128xf32>
    %select_n3A_254 = arith.select %lt3A_253, %add3A_252, %select_n3A_243 : vector<2048x128xi1>, vector<2048x128xf32>
    %jit3A_255 = arith.constant 20 : i32
    %broadcast_in_dim3A_256 = vector.broadcast %jit3A_255 : i32 to vector<2048x128xi32>
    %select_n3A_257 = arith.select %lt3A_253, %broadcast_in_dim3A_256, %select_n3A_246 : vector<2048x128xi1>, vector<2048x128xi32>
    %slice3A_258 = vector.extract_strided_slice %add3A_33 {offsets = [0, 2688], sizes = [1, 128], strides = [1, 1]} : vector<1x4096xf32> to vector<1x128xf32>
    %add3A_259 = vector.broadcast %broadcast_in_dim3A : vector<2048x1xf32> to vector<2048x128xf32>
    %add3A_260 = vector.broadcast %slice3A_258 : vector<1x128xf32> to vector<2048x128xf32>
    %add3A_261 = arith.addf %add3A_259, %add3A_260 : vector<2048x128xf32>
    %slice3A_262 = vector.extract_strided_slice %dot_general3A_12 {offsets = [0, 2688], sizes = [2048, 128], strides = [1, 1]} : vector<2048x4096xf32> to vector<2048x128xf32>
    %add3A_263 = arith.addf %add3A_261, %slice3A_262 : vector<2048x128xf32>
    %lt3A_264 = arith.cmpf olt, %add3A_263, %select_n3A_254 : vector<2048x128xf32>
    %select_n3A_265 = arith.select %lt3A_264, %add3A_263, %select_n3A_254 : vector<2048x128xi1>, vector<2048x128xf32>
    %jit3A_266 = arith.constant 21 : i32
    %broadcast_in_dim3A_267 = vector.broadcast %jit3A_266 : i32 to vector<2048x128xi32>
    %select_n3A_268 = arith.select %lt3A_264, %broadcast_in_dim3A_267, %select_n3A_257 : vector<2048x128xi1>, vector<2048x128xi32>
    %slice3A_269 = vector.extract_strided_slice %add3A_33 {offsets = [0, 2816], sizes = [1, 128], strides = [1, 1]} : vector<1x4096xf32> to vector<1x128xf32>
    %add3A_270 = vector.broadcast %broadcast_in_dim3A : vector<2048x1xf32> to vector<2048x128xf32>
    %add3A_271 = vector.broadcast %slice3A_269 : vector<1x128xf32> to vector<2048x128xf32>
    %add3A_272 = arith.addf %add3A_270, %add3A_271 : vector<2048x128xf32>
    %slice3A_273 = vector.extract_strided_slice %dot_general3A_12 {offsets = [0, 2816], sizes = [2048, 128], strides = [1, 1]} : vector<2048x4096xf32> to vector<2048x128xf32>
    %add3A_274 = arith.addf %add3A_272, %slice3A_273 : vector<2048x128xf32>
    %lt3A_275 = arith.cmpf olt, %add3A_274, %select_n3A_265 : vector<2048x128xf32>
    %select_n3A_276 = arith.select %lt3A_275, %add3A_274, %select_n3A_265 : vector<2048x128xi1>, vector<2048x128xf32>
    %jit3A_277 = arith.constant 22 : i32
    %broadcast_in_dim3A_278 = vector.broadcast %jit3A_277 : i32 to vector<2048x128xi32>
    %select_n3A_279 = arith.select %lt3A_275, %broadcast_in_dim3A_278, %select_n3A_268 : vector<2048x128xi1>, vector<2048x128xi32>
    %slice3A_280 = vector.extract_strided_slice %add3A_33 {offsets = [0, 2944], sizes = [1, 128], strides = [1, 1]} : vector<1x4096xf32> to vector<1x128xf32>
    %add3A_281 = vector.broadcast %broadcast_in_dim3A : vector<2048x1xf32> to vector<2048x128xf32>
    %add3A_282 = vector.broadcast %slice3A_280 : vector<1x128xf32> to vector<2048x128xf32>
    %add3A_283 = arith.addf %add3A_281, %add3A_282 : vector<2048x128xf32>
    %slice3A_284 = vector.extract_strided_slice %dot_general3A_12 {offsets = [0, 2944], sizes = [2048, 128], strides = [1, 1]} : vector<2048x4096xf32> to vector<2048x128xf32>
    %add3A_285 = arith.addf %add3A_283, %slice3A_284 : vector<2048x128xf32>
    %lt3A_286 = arith.cmpf olt, %add3A_285, %select_n3A_276 : vector<2048x128xf32>
    %select_n3A_287 = arith.select %lt3A_286, %add3A_285, %select_n3A_276 : vector<2048x128xi1>, vector<2048x128xf32>
    %jit3A_288 = arith.constant 23 : i32
    %broadcast_in_dim3A_289 = vector.broadcast %jit3A_288 : i32 to vector<2048x128xi32>
    %select_n3A_290 = arith.select %lt3A_286, %broadcast_in_dim3A_289, %select_n3A_279 : vector<2048x128xi1>, vector<2048x128xi32>
    %slice3A_291 = vector.extract_strided_slice %add3A_33 {offsets = [0, 3072], sizes = [1, 128], strides = [1, 1]} : vector<1x4096xf32> to vector<1x128xf32>
    %add3A_292 = vector.broadcast %broadcast_in_dim3A : vector<2048x1xf32> to vector<2048x128xf32>
    %add3A_293 = vector.broadcast %slice3A_291 : vector<1x128xf32> to vector<2048x128xf32>
    %add3A_294 = arith.addf %add3A_292, %add3A_293 : vector<2048x128xf32>
    %slice3A_295 = vector.extract_strided_slice %dot_general3A_12 {offsets = [0, 3072], sizes = [2048, 128], strides = [1, 1]} : vector<2048x4096xf32> to vector<2048x128xf32>
    %add3A_296 = arith.addf %add3A_294, %slice3A_295 : vector<2048x128xf32>
    %lt3A_297 = arith.cmpf olt, %add3A_296, %select_n3A_287 : vector<2048x128xf32>
    %select_n3A_298 = arith.select %lt3A_297, %add3A_296, %select_n3A_287 : vector<2048x128xi1>, vector<2048x128xf32>
    %jit3A_299 = arith.constant 24 : i32
    %broadcast_in_dim3A_300 = vector.broadcast %jit3A_299 : i32 to vector<2048x128xi32>
    %select_n3A_301 = arith.select %lt3A_297, %broadcast_in_dim3A_300, %select_n3A_290 : vector<2048x128xi1>, vector<2048x128xi32>
    %slice3A_302 = vector.extract_strided_slice %add3A_33 {offsets = [0, 3200], sizes = [1, 128], strides = [1, 1]} : vector<1x4096xf32> to vector<1x128xf32>
    %add3A_303 = vector.broadcast %broadcast_in_dim3A : vector<2048x1xf32> to vector<2048x128xf32>
    %add3A_304 = vector.broadcast %slice3A_302 : vector<1x128xf32> to vector<2048x128xf32>
    %add3A_305 = arith.addf %add3A_303, %add3A_304 : vector<2048x128xf32>
    %slice3A_306 = vector.extract_strided_slice %dot_general3A_12 {offsets = [0, 3200], sizes = [2048, 128], strides = [1, 1]} : vector<2048x4096xf32> to vector<2048x128xf32>
    %add3A_307 = arith.addf %add3A_305, %slice3A_306 : vector<2048x128xf32>
    %lt3A_308 = arith.cmpf olt, %add3A_307, %select_n3A_298 : vector<2048x128xf32>
    %select_n3A_309 = arith.select %lt3A_308, %add3A_307, %select_n3A_298 : vector<2048x128xi1>, vector<2048x128xf32>
    %jit3A_310 = arith.constant 25 : i32
    %broadcast_in_dim3A_311 = vector.broadcast %jit3A_310 : i32 to vector<2048x128xi32>
    %select_n3A_312 = arith.select %lt3A_308, %broadcast_in_dim3A_311, %select_n3A_301 : vector<2048x128xi1>, vector<2048x128xi32>
    %slice3A_313 = vector.extract_strided_slice %add3A_33 {offsets = [0, 3328], sizes = [1, 128], strides = [1, 1]} : vector<1x4096xf32> to vector<1x128xf32>
    %add3A_314 = vector.broadcast %broadcast_in_dim3A : vector<2048x1xf32> to vector<2048x128xf32>
    %add3A_315 = vector.broadcast %slice3A_313 : vector<1x128xf32> to vector<2048x128xf32>
    %add3A_316 = arith.addf %add3A_314, %add3A_315 : vector<2048x128xf32>
    %slice3A_317 = vector.extract_strided_slice %dot_general3A_12 {offsets = [0, 3328], sizes = [2048, 128], strides = [1, 1]} : vector<2048x4096xf32> to vector<2048x128xf32>
    %add3A_318 = arith.addf %add3A_316, %slice3A_317 : vector<2048x128xf32>
    %lt3A_319 = arith.cmpf olt, %add3A_318, %select_n3A_309 : vector<2048x128xf32>
    %select_n3A_320 = arith.select %lt3A_319, %add3A_318, %select_n3A_309 : vector<2048x128xi1>, vector<2048x128xf32>
    %jit3A_321 = arith.constant 26 : i32
    %broadcast_in_dim3A_322 = vector.broadcast %jit3A_321 : i32 to vector<2048x128xi32>
    %select_n3A_323 = arith.select %lt3A_319, %broadcast_in_dim3A_322, %select_n3A_312 : vector<2048x128xi1>, vector<2048x128xi32>
    %slice3A_324 = vector.extract_strided_slice %add3A_33 {offsets = [0, 3456], sizes = [1, 128], strides = [1, 1]} : vector<1x4096xf32> to vector<1x128xf32>
    %add3A_325 = vector.broadcast %broadcast_in_dim3A : vector<2048x1xf32> to vector<2048x128xf32>
    %add3A_326 = vector.broadcast %slice3A_324 : vector<1x128xf32> to vector<2048x128xf32>
    %add3A_327 = arith.addf %add3A_325, %add3A_326 : vector<2048x128xf32>
    %slice3A_328 = vector.extract_strided_slice %dot_general3A_12 {offsets = [0, 3456], sizes = [2048, 128], strides = [1, 1]} : vector<2048x4096xf32> to vector<2048x128xf32>
    %add3A_329 = arith.addf %add3A_327, %slice3A_328 : vector<2048x128xf32>
    %lt3A_330 = arith.cmpf olt, %add3A_329, %select_n3A_320 : vector<2048x128xf32>
    %select_n3A_331 = arith.select %lt3A_330, %add3A_329, %select_n3A_320 : vector<2048x128xi1>, vector<2048x128xf32>
    %jit3A_332 = arith.constant 27 : i32
    %broadcast_in_dim3A_333 = vector.broadcast %jit3A_332 : i32 to vector<2048x128xi32>
    %select_n3A_334 = arith.select %lt3A_330, %broadcast_in_dim3A_333, %select_n3A_323 : vector<2048x128xi1>, vector<2048x128xi32>
    %slice3A_335 = vector.extract_strided_slice %add3A_33 {offsets = [0, 3584], sizes = [1, 128], strides = [1, 1]} : vector<1x4096xf32> to vector<1x128xf32>
    %add3A_336 = vector.broadcast %broadcast_in_dim3A : vector<2048x1xf32> to vector<2048x128xf32>
    %add3A_337 = vector.broadcast %slice3A_335 : vector<1x128xf32> to vector<2048x128xf32>
    %add3A_338 = arith.addf %add3A_336, %add3A_337 : vector<2048x128xf32>
    %slice3A_339 = vector.extract_strided_slice %dot_general3A_12 {offsets = [0, 3584], sizes = [2048, 128], strides = [1, 1]} : vector<2048x4096xf32> to vector<2048x128xf32>
    %add3A_340 = arith.addf %add3A_338, %slice3A_339 : vector<2048x128xf32>
    %lt3A_341 = arith.cmpf olt, %add3A_340, %select_n3A_331 : vector<2048x128xf32>
    %select_n3A_342 = arith.select %lt3A_341, %add3A_340, %select_n3A_331 : vector<2048x128xi1>, vector<2048x128xf32>
    %jit3A_343 = arith.constant 28 : i32
    %broadcast_in_dim3A_344 = vector.broadcast %jit3A_343 : i32 to vector<2048x128xi32>
    %select_n3A_345 = arith.select %lt3A_341, %broadcast_in_dim3A_344, %select_n3A_334 : vector<2048x128xi1>, vector<2048x128xi32>
    %slice3A_346 = vector.extract_strided_slice %add3A_33 {offsets = [0, 3712], sizes = [1, 128], strides = [1, 1]} : vector<1x4096xf32> to vector<1x128xf32>
    %add3A_347 = vector.broadcast %broadcast_in_dim3A : vector<2048x1xf32> to vector<2048x128xf32>
    %add3A_348 = vector.broadcast %slice3A_346 : vector<1x128xf32> to vector<2048x128xf32>
    %add3A_349 = arith.addf %add3A_347, %add3A_348 : vector<2048x128xf32>
    %slice3A_350 = vector.extract_strided_slice %dot_general3A_12 {offsets = [0, 3712], sizes = [2048, 128], strides = [1, 1]} : vector<2048x4096xf32> to vector<2048x128xf32>
    %add3A_351 = arith.addf %add3A_349, %slice3A_350 : vector<2048x128xf32>
    %lt3A_352 = arith.cmpf olt, %add3A_351, %select_n3A_342 : vector<2048x128xf32>
    %select_n3A_353 = arith.select %lt3A_352, %add3A_351, %select_n3A_342 : vector<2048x128xi1>, vector<2048x128xf32>
    %jit3A_354 = arith.constant 29 : i32
    %broadcast_in_dim3A_355 = vector.broadcast %jit3A_354 : i32 to vector<2048x128xi32>
    %select_n3A_356 = arith.select %lt3A_352, %broadcast_in_dim3A_355, %select_n3A_345 : vector<2048x128xi1>, vector<2048x128xi32>
    %slice3A_357 = vector.extract_strided_slice %add3A_33 {offsets = [0, 3840], sizes = [1, 128], strides = [1, 1]} : vector<1x4096xf32> to vector<1x128xf32>
    %add3A_358 = vector.broadcast %broadcast_in_dim3A : vector<2048x1xf32> to vector<2048x128xf32>
    %add3A_359 = vector.broadcast %slice3A_357 : vector<1x128xf32> to vector<2048x128xf32>
    %add3A_360 = arith.addf %add3A_358, %add3A_359 : vector<2048x128xf32>
    %slice3A_361 = vector.extract_strided_slice %dot_general3A_12 {offsets = [0, 3840], sizes = [2048, 128], strides = [1, 1]} : vector<2048x4096xf32> to vector<2048x128xf32>
    %add3A_362 = arith.addf %add3A_360, %slice3A_361 : vector<2048x128xf32>
    %lt3A_363 = arith.cmpf olt, %add3A_362, %select_n3A_353 : vector<2048x128xf32>
    %select_n3A_364 = arith.select %lt3A_363, %add3A_362, %select_n3A_353 : vector<2048x128xi1>, vector<2048x128xf32>
    %jit3A_365 = arith.constant 30 : i32
    %broadcast_in_dim3A_366 = vector.broadcast %jit3A_365 : i32 to vector<2048x128xi32>
    %select_n3A_367 = arith.select %lt3A_363, %broadcast_in_dim3A_366, %select_n3A_356 : vector<2048x128xi1>, vector<2048x128xi32>
    %slice3A_368 = vector.extract_strided_slice %add3A_33 {offsets = [0, 3968], sizes = [1, 128], strides = [1, 1]} : vector<1x4096xf32> to vector<1x128xf32>
    %add3A_369 = vector.broadcast %broadcast_in_dim3A : vector<2048x1xf32> to vector<2048x128xf32>
    %add3A_370 = vector.broadcast %slice3A_368 : vector<1x128xf32> to vector<2048x128xf32>
    %add3A_371 = arith.addf %add3A_369, %add3A_370 : vector<2048x128xf32>
    %slice3A_372 = vector.extract_strided_slice %dot_general3A_12 {offsets = [0, 3968], sizes = [2048, 128], strides = [1, 1]} : vector<2048x4096xf32> to vector<2048x128xf32>
    %add3A_373 = arith.addf %add3A_371, %slice3A_372 : vector<2048x128xf32>
    %lt3A_374 = arith.cmpf olt, %add3A_373, %select_n3A_364 : vector<2048x128xf32>
    %select_n3A_375 = arith.select %lt3A_374, %add3A_373, %select_n3A_364 : vector<2048x128xi1>, vector<2048x128xf32>
    %jit3A_376 = arith.constant 31 : i32
    %broadcast_in_dim3A_377 = vector.broadcast %jit3A_376 : i32 to vector<2048x128xi32>
    %select_n3A_378 = arith.select %lt3A_374, %broadcast_in_dim3A_377, %select_n3A_367 : vector<2048x128xi1>, vector<2048x128xi32>
    %iota3A = tpu.iota {dimensions = array<i32: 1>} : vector<2048x128xi32>
    %mul3A_379 = arith.constant 128 : i32
    %mul3A_380 = vector.broadcast %mul3A_379 : i32 to vector<2048x128xi32>
    %mul3A_381 = arith.muli %select_n3A_378, %mul3A_380 : vector<2048x128xi32>
    %add3A_382 = arith.addi %mul3A_381, %iota3A : vector<2048x128xi32>
    %reduce_min3A = arith.constant dense<0x7F800000> : vector<2048xf32>
    %reduce_min3A_383 = vector.multi_reduction <minimumf>, %select_n3A_375, %reduce_min3A [1] : vector<2048x128xf32> to vector<2048xf32>
    %broadcast_in_dim3A_384 = vector.shape_cast %reduce_min3A_383 : vector<2048xf32> to vector<2048x1xf32>
    %le3A = vector.broadcast %broadcast_in_dim3A_384 : vector<2048x1xf32> to vector<2048x128xf32>
    %le3A_385 = arith.cmpf ole, %select_n3A_375, %le3A : vector<2048x128xf32>
    %jit3A_386 = arith.constant 4096 : i32
    %broadcast_in_dim3A_387 = vector.broadcast %jit3A_386 : i32 to vector<2048x128xi32>
    %select_n3A_388 = arith.select %le3A_385, %add3A_382, %broadcast_in_dim3A_387 : vector<2048x128xi1>, vector<2048x128xi32>
    %reduce_min3A_389 = arith.constant dense<2147483647> : vector<2048xi32>
    %reduce_min3A_390 = vector.multi_reduction <minsi>, %select_n3A_388, %reduce_min3A_389 [1] : vector<2048x128xi32> to vector<2048xi32>
    %broadcast_in_dim3A_391 = vector.shape_cast %reduce_min3A_390 : vector<2048xi32> to vector<2048x1xi32>
    %mul3A_392 = arith.constant 4096 : i32
    %mul3A_393 = arith.muli %arg0, %mul3A_392 : i32
    %add3A_394 = vector.broadcast %mul3A_393 : i32 to vector<2048x1xi32>
    %add3A_395 = arith.addi %broadcast_in_dim3A_391, %add3A_394 : vector<2048x1xi32>
    %swap3A = arith.constant 0 : index
    %swap3A_396 = arith.constant 0 : index
    %swap3A_397 = arith.constant 0 : index
    %swap3A_398 = arith.constant 0 : index
    %swap3A_399 = vector.load %arg5[%swap3A, %swap3A_396, %swap3A_397, %swap3A_398] : memref<1x1x2048x1xi32, #tpu.memory_space<vmem>>, vector<1x1x2048x1xi32>
    %swap3A_400 = vector.shape_cast %swap3A_399 : vector<1x1x2048x1xi32> to vector<2048x1xi32>
    %swap3A_401 = vector.shape_cast %add3A_395 : vector<2048x1xi32> to vector<1x1x2048x1xi32>
    tpu.vector_store %arg5[%swap3A, %swap3A_396, %swap3A_397, %swap3A_398], %swap3A_401 {strides = array<i32>} : memref<1x1x2048x1xi32, #tpu.memory_space<vmem>>, vector<1x1x2048x1xi32>,
    return
  }
  func.func @transform_0(%arg0: i32, %arg1: i32) -> (i32, i32, i32, i32) {
    %c0_i32 = arith.constant 0 : i32
    %c0_i32_0 = arith.constant 0 : i32
    %c0_i32_1 = arith.constant 0 : i32
    return %arg0, %arg1, %c0_i32, %c0_i32_0 : i32, i32, i32, i32
  }
  func.func @transform_1(%arg0: i32, %arg1: i32) -> (i32, i32, i32) {
    %c0_i32 = arith.constant 0 : i32
    %c0_i32_0 = arith.constant 0 : i32
    %c0_i32_1 = arith.constant 0 : i32
    return %arg0, %c0_i32, %c0_i32_0 : i32, i32, i32
  }
  func.func @transform_2(%arg0: i32, %arg1: i32) -> (i32, i32, i32) {
    %c0_i32 = arith.constant 0 : i32
    %c0_i32_0 = arith.constant 0 : i32
    %c0_i32_1 = arith.constant 0 : i32
    return %arg0, %c0_i32, %c0_i32_0 : i32, i32, i32
  }
  func.func @transform_3(%arg0: i32, %arg1: i32) -> (i32, i32, i32, i32) {
    %c0_i32 = arith.constant 0 : i32
    %c0_i32_0 = arith.constant 0 : i32
    %c0_i32_1 = arith.constant 0 : i32
    return %arg0, %arg1, %c0_i32, %c0_i32_0 : i32, i32, i32, i32
  }
}

module attributes {stable_mosaic.version = 14 : i64} {
  func.func @_finish_body(%arg0: i32, %arg1: memref<3x32768xf32, #tpu.memory_space<vmem>>, %arg2: memref<6x16384xf32, #tpu.memory_space<vmem>>, %arg3: memref<1x16384xf32, #tpu.memory_space<vmem>>, %arg4: memref<1x16384xf32, #tpu.memory_space<vmem>>) attributes {dimension_semantics = [#tpu.dimension_semantics<arbitrary>], iteration_bounds = array<i64: 1>, scalar_prefetch = 0 : i64, scratch_operands = 0 : i64, tpu.core_type = #tpu.core_type<tc>, window_params = [{pipeline_mode = #tpu.pipeline_mode<synchronous>, transform_indices = @transform_0, window_bounds = array<i64: 3, 32768>}, {pipeline_mode = #tpu.pipeline_mode<synchronous>, transform_indices = @transform_1, window_bounds = array<i64: 6, 16384>}, {pipeline_mode = #tpu.pipeline_mode<synchronous>, transform_indices = @transform_2, window_bounds = array<i64: 1, 16384>}, {pipeline_mode = #tpu.pipeline_mode<synchronous>, transform_indices = @transform_3, window_bounds = array<i64: 1, 16384>}]} {
    %get3A = arith.constant 0 : index
    %get3A_0 = arith.constant 0 : index
    %get3A_1 = vector.load %arg1[%get3A, %get3A_0] : memref<3x32768xf32, #tpu.memory_space<vmem>>, vector<1x16384xf32>
    %get3A_2 = arith.constant 1 : index
    %get3A_3 = arith.constant 0 : index
    %get3A_4 = vector.load %arg1[%get3A_2, %get3A_3] : memref<3x32768xf32, #tpu.memory_space<vmem>>, vector<1x16384xf32>
    %get3A_5 = arith.constant 2 : index
    %get3A_6 = arith.constant 0 : index
    %get3A_7 = vector.load %arg1[%get3A_5, %get3A_6] : memref<3x32768xf32, #tpu.memory_space<vmem>>, vector<1x16384xf32>
    %get3A_8 = arith.constant 0 : index
    %get3A_9 = arith.constant 0 : index
    %get3A_10 = vector.load %arg2[%get3A_8, %get3A_9] : memref<6x16384xf32, #tpu.memory_space<vmem>>, vector<1x16384xf32>
    %get3A_11 = arith.constant 1 : index
    %get3A_12 = arith.constant 0 : index
    %get3A_13 = vector.load %arg2[%get3A_11, %get3A_12] : memref<6x16384xf32, #tpu.memory_space<vmem>>, vector<1x16384xf32>
    %get3A_14 = arith.constant 2 : index
    %get3A_15 = arith.constant 0 : index
    %get3A_16 = vector.load %arg2[%get3A_14, %get3A_15] : memref<6x16384xf32, #tpu.memory_space<vmem>>, vector<1x16384xf32>
    %get3A_17 = arith.constant 3 : index
    %get3A_18 = arith.constant 0 : index
    %get3A_19 = vector.load %arg2[%get3A_17, %get3A_18] : memref<6x16384xf32, #tpu.memory_space<vmem>>, vector<1x16384xf32>
    %get3A_20 = arith.constant 4 : index
    %get3A_21 = arith.constant 0 : index
    %get3A_22 = vector.load %arg2[%get3A_20, %get3A_21] : memref<6x16384xf32, #tpu.memory_space<vmem>>, vector<1x16384xf32>
    %get3A_23 = arith.constant 5 : index
    %get3A_24 = arith.constant 0 : index
    %get3A_25 = vector.load %arg2[%get3A_23, %get3A_24] : memref<6x16384xf32, #tpu.memory_space<vmem>>, vector<1x16384xf32>
    %sub3A = arith.subf %get3A_1, %get3A_10 : vector<1x16384xf32>
    %sub3A_26 = arith.subf %get3A_4, %get3A_13 : vector<1x16384xf32>
    %sub3A_27 = arith.subf %get3A_7, %get3A_16 : vector<1x16384xf32>
    %mul3A = arith.mulf %sub3A, %sub3A : vector<1x16384xf32>
    %mul3A_28 = arith.mulf %sub3A_26, %sub3A_26 : vector<1x16384xf32>
    %add3A = arith.addf %mul3A, %mul3A_28 : vector<1x16384xf32>
    %mul3A_29 = arith.mulf %sub3A_27, %sub3A_27 : vector<1x16384xf32>
    %add3A_30 = arith.addf %add3A, %mul3A_29 : vector<1x16384xf32>
    %swap3A = arith.constant 0 : index
    %swap3A_31 = arith.constant 0 : index
    %swap3A_32 = vector.load %arg3[%swap3A, %swap3A_31] : memref<1x16384xf32, #tpu.memory_space<vmem>>, vector<1x16384xf32>
    tpu.vector_store %arg3[%swap3A, %swap3A_31], %add3A_30 {strides = array<i32>} : memref<1x16384xf32, #tpu.memory_space<vmem>>, vector<1x16384xf32>,
    %get3A_33 = arith.constant 0 : index
    %get3A_34 = arith.constant 16384 : index
    %get3A_35 = vector.load %arg1[%get3A_33, %get3A_34] : memref<3x32768xf32, #tpu.memory_space<vmem>>, vector<1x16384xf32>
    %get3A_36 = arith.constant 1 : index
    %get3A_37 = arith.constant 16384 : index
    %get3A_38 = vector.load %arg1[%get3A_36, %get3A_37] : memref<3x32768xf32, #tpu.memory_space<vmem>>, vector<1x16384xf32>
    %get3A_39 = arith.constant 2 : index
    %get3A_40 = arith.constant 16384 : index
    %get3A_41 = vector.load %arg1[%get3A_39, %get3A_40] : memref<3x32768xf32, #tpu.memory_space<vmem>>, vector<1x16384xf32>
    %mul3A_42 = arith.mulf %get3A_35, %get3A_35 : vector<1x16384xf32>
    %mul3A_43 = arith.mulf %get3A_38, %get3A_38 : vector<1x16384xf32>
    %add3A_44 = arith.addf %mul3A_42, %mul3A_43 : vector<1x16384xf32>
    %mul3A_45 = arith.mulf %get3A_41, %get3A_41 : vector<1x16384xf32>
    %add3A_46 = arith.addf %add3A_44, %mul3A_45 : vector<1x16384xf32>
    %sqrt3A = math.sqrt %add3A_46 : vector<1x16384xf32>
    %max3A = arith.constant 9.99999996E-13 : f32
    %max3A_47 = vector.broadcast %max3A : f32 to vector<1x16384xf32>
    %max3A_48 = arith.maximumf %sqrt3A, %max3A_47 : vector<1x16384xf32>
    %div3A = arith.constant 1.000000e+00 : f32
    %div3A_49 = vector.broadcast %div3A : f32 to vector<1x16384xf32>
    %div3A_50 = arith.divf %div3A_49, %max3A_48 : vector<1x16384xf32>
    %mul3A_51 = arith.mulf %get3A_19, %get3A_19 : vector<1x16384xf32>
    %mul3A_52 = arith.mulf %get3A_22, %get3A_22 : vector<1x16384xf32>
    %add3A_53 = arith.addf %mul3A_51, %mul3A_52 : vector<1x16384xf32>
    %mul3A_54 = arith.mulf %get3A_25, %get3A_25 : vector<1x16384xf32>
    %add3A_55 = arith.addf %add3A_53, %mul3A_54 : vector<1x16384xf32>
    %sqrt3A_56 = math.sqrt %add3A_55 : vector<1x16384xf32>
    %max3A_57 = arith.constant 9.99999996E-13 : f32
    %max3A_58 = vector.broadcast %max3A_57 : f32 to vector<1x16384xf32>
    %max3A_59 = arith.maximumf %sqrt3A_56, %max3A_58 : vector<1x16384xf32>
    %div3A_60 = arith.constant 1.000000e+00 : f32
    %div3A_61 = vector.broadcast %div3A_60 : f32 to vector<1x16384xf32>
    %div3A_62 = arith.divf %div3A_61, %max3A_59 : vector<1x16384xf32>
    %mul3A_63 = arith.mulf %get3A_35, %get3A_19 : vector<1x16384xf32>
    %mul3A_64 = arith.mulf %get3A_38, %get3A_22 : vector<1x16384xf32>
    %add3A_65 = arith.addf %mul3A_63, %mul3A_64 : vector<1x16384xf32>
    %mul3A_66 = arith.mulf %get3A_41, %get3A_25 : vector<1x16384xf32>
    %add3A_67 = arith.addf %add3A_65, %mul3A_66 : vector<1x16384xf32>
    %mul3A_68 = arith.mulf %add3A_67, %div3A_50 : vector<1x16384xf32>
    %mul3A_69 = arith.mulf %mul3A_68, %div3A_62 : vector<1x16384xf32>
    %abs3A = math.absf %mul3A_69 : vector<1x16384xf32>
    %jit3A = arith.constant 0.000000e+00 : f32
    %jit3A_70 = arith.constant 1.000000e+00 : f32
    %max3A_71 = vector.broadcast %jit3A : f32 to vector<1x16384xf32>
    %max3A_72 = arith.maximumf %max3A_71, %abs3A : vector<1x16384xf32>
    %min3A = vector.broadcast %jit3A_70 : f32 to vector<1x16384xf32>
    %min3A_73 = arith.minimumf %min3A, %max3A_72 : vector<1x16384xf32>
    %mul3A_74 = arith.constant -0.0012624911 : f32
    %mul3A_75 = vector.broadcast %mul3A_74 : f32 to vector<1x16384xf32>
    %mul3A_76 = arith.mulf %mul3A_75, %min3A_73 : vector<1x16384xf32>
    %add3A_77 = arith.constant 6.670090e-03 : f32
    %add3A_78 = vector.broadcast %add3A_77 : f32 to vector<1x16384xf32>
    %add3A_79 = arith.addf %mul3A_76, %add3A_78 : vector<1x16384xf32>
    %mul3A_80 = arith.mulf %add3A_79, %min3A_73 : vector<1x16384xf32>
    %add3A_81 = arith.constant -0.0170881264 : f32
    %add3A_82 = vector.broadcast %add3A_81 : f32 to vector<1x16384xf32>
    %add3A_83 = arith.addf %mul3A_80, %add3A_82 : vector<1x16384xf32>
    %mul3A_84 = arith.mulf %add3A_83, %min3A_73 : vector<1x16384xf32>
    %add3A_85 = arith.constant 0.0308918804 : f32
    %add3A_86 = vector.broadcast %add3A_85 : f32 to vector<1x16384xf32>
    %add3A_87 = arith.addf %mul3A_84, %add3A_86 : vector<1x16384xf32>
    %mul3A_88 = arith.mulf %add3A_87, %min3A_73 : vector<1x16384xf32>
    %add3A_89 = arith.constant -0.0501743034 : f32
    %add3A_90 = vector.broadcast %add3A_89 : f32 to vector<1x16384xf32>
    %add3A_91 = arith.addf %mul3A_88, %add3A_90 : vector<1x16384xf32>
    %mul3A_92 = arith.mulf %add3A_91, %min3A_73 : vector<1x16384xf32>
    %add3A_93 = arith.constant 0.0889789909 : f32
    %add3A_94 = vector.broadcast %add3A_93 : f32 to vector<1x16384xf32>
    %add3A_95 = arith.addf %mul3A_92, %add3A_94 : vector<1x16384xf32>
    %mul3A_96 = arith.mulf %add3A_95, %min3A_73 : vector<1x16384xf32>
    %add3A_97 = arith.constant -0.214598805 : f32
    %add3A_98 = vector.broadcast %add3A_97 : f32 to vector<1x16384xf32>
    %add3A_99 = arith.addf %mul3A_96, %add3A_98 : vector<1x16384xf32>
    %mul3A_100 = arith.mulf %add3A_99, %min3A_73 : vector<1x16384xf32>
    %add3A_101 = arith.constant 1.57079625 : f32
    %add3A_102 = vector.broadcast %add3A_101 : f32 to vector<1x16384xf32>
    %add3A_103 = arith.addf %mul3A_100, %add3A_102 : vector<1x16384xf32>
    %sub3A_104 = arith.constant 1.000000e+00 : f32
    %sub3A_105 = vector.broadcast %sub3A_104 : f32 to vector<1x16384xf32>
    %sub3A_106 = arith.subf %sub3A_105, %min3A_73 : vector<1x16384xf32>
    %max3A_107 = arith.constant 0.000000e+00 : f32
    %max3A_108 = vector.broadcast %max3A_107 : f32 to vector<1x16384xf32>
    %max3A_109 = arith.maximumf %sub3A_106, %max3A_108 : vector<1x16384xf32>
    %sqrt3A_110 = math.sqrt %max3A_109 : vector<1x16384xf32>
    %mul3A_111 = arith.mulf %add3A_103, %sqrt3A_110 : vector<1x16384xf32>
    %mul3A_112 = arith.constant 57.2957802 : f32
    %mul3A_113 = vector.broadcast %mul3A_112 : f32 to vector<1x16384xf32>
    %mul3A_114 = arith.mulf %mul3A_111, %mul3A_113 : vector<1x16384xf32>
    %swap3A_115 = arith.constant 0 : index
    %swap3A_116 = arith.constant 0 : index
    %swap3A_117 = vector.load %arg4[%swap3A_115, %swap3A_116] : memref<1x16384xf32, #tpu.memory_space<vmem>>, vector<1x16384xf32>
    tpu.vector_store %arg4[%swap3A_115, %swap3A_116], %mul3A_114 {strides = array<i32>} : memref<1x16384xf32, #tpu.memory_space<vmem>>, vector<1x16384xf32>,
    return
  }
  func.func @transform_0(%arg0: i32) -> (i32, i32) {
    %c0_i32 = arith.constant 0 : i32
    %c0_i32_0 = arith.constant 0 : i32
    %c0_i32_1 = arith.constant 0 : i32
    return %c0_i32, %c0_i32_0 : i32, i32
  }
  func.func @transform_1(%arg0: i32) -> (i32, i32) {
    %c0_i32 = arith.constant 0 : i32
    %c0_i32_0 = arith.constant 0 : i32
    %c0_i32_1 = arith.constant 0 : i32
    return %c0_i32, %c0_i32_0 : i32, i32
  }
  func.func @transform_2(%arg0: i32) -> (i32, i32) {
    %c0_i32 = arith.constant 0 : i32
    %c0_i32_0 = arith.constant 0 : i32
    %c0_i32_1 = arith.constant 0 : i32
    return %c0_i32, %c0_i32_0 : i32, i32
  }
  func.func @transform_3(%arg0: i32) -> (i32, i32) {
    %c0_i32 = arith.constant 0 : i32
    %c0_i32_0 = arith.constant 0 : i32
    %c0_i32_1 = arith.constant 0 : i32
    return %c0_i32, %c0_i32_0 : i32, i32
  }
}

</mosaic_0001>

<sc_bundles>
// kernel: kernel.5.cloned.1.call-start
scs
__scs_entry_jumppad:
0x0: {  	(pc) =	sbr.rel $0x88, $3  }
0x1: {  	(tag) =	ssettag $0x0;
	lr =	simm.s32 $0x1  }
0x2: {  	[smem:$0x3F9D] =	sst lr;
	_ =	strace $0xD0000000  }
0x3: {  	_ = 	snop  }
0x4: {  	_ = 	snop  }
0x5: {  	_ = 	snop  }
0x6: {  	_ = 	snop  }
0x7: {  	_ = 	snop  }
__scs_overlays_trampoline_lowered:
0x8: {  	[smem:$0x3FAC] =	sst s0  }
0x9: {  	[smem:$0x3FAD] =	sst s1  }
0xa: {  	[smem:$0x3FAE] =	sst s2  }
0xb: {  	[smem:$0x3FAF] =	sst s3  }
0xc: {  	[smem:$0x3FB0] =	sst s4  }
0xd: {  	[smem:$0x3FB1] =	sst s5  }
0xe: {  	[smem:$0x3FB2] =	sst s6  }
0xf: {  	[smem:$0x3FB3] =	sst s7  }
0x10: {  	[smem:$0x3FB4] =	sst s8  }
0x11: {  	[smem:$0x3FB5] =	sst s9;
	s0 =	simm.s32 @!p0 $0x0  }
0x12: {  	s1 =	sld [smem:$0x3F9B];
	s0 =	simm.s32 @p0 $0x1  }
0x13: {  	[smem:$0x3FB6] =	sst s0;
	s0 =	simm.s32 @!p1 $0x0  }
0x14: {  	s2 =	sld [smem:$0x3F9A];
	s0 =	simm.s32 @p1 $0x1  }
0x15: {  	[smem:$0x3FB7] =	sst s0;
	s0 =	simm.s32 @!p2 $0x0  }
0x16: {  	s3 =	sld [smem:$0x3FDB];
	s0 =	simm.s32 @p2 $0x1  }
0x17: {  	s4 =	simm.s32 $0x1BF5;
	[smem:$0x3FB9] =	sst s0  }
0x18: {  	s0 =	sld [smem:$0x3F9C];
	_ =	swait.ge [sflag:s4], $0x0  }
0x19: {  	s7 =	sld [smem:$0x3F9D]  }
0x1a: {  	s8 =	sadd.s32 $0xFFFFE003, lr  }
0x1b: {  	s9 =	sadd.s32 $0xFFFFFEF7, lr;
	s5 =	simm.s32 $0xFFFFFFFF;
	p2 =	slt.u32 s8, $0xFFFFF086  }
0x1c: {  	p1 =	slt.u32 s9, $0xF7A;
	s5 =	simm.s32 @!p2 $0x0  }
0x1d: {  	s5 =	simm.s32 @p1 $0x1;
	p0 =	seq.s32 s7, s2  }
0x1e: {  	s7 =	smul.u32 @!p0 $0xF7A, s2;
	p2 =	seq.s32 @!p0 s5, $0x0  }
0x1f: {  	s9 =	smul.u32 $0xF7A, s1;
	s8 =	simm.s32 @!p0 $0x1BF5;
	p2 =	por !p2, p0  }
0x20: {  	[sflag:s8] =	ssyncset.s32 @!p0 $0xFFFFF086;
	s6 =	sadd.s32 @!p0 s3, s7;
	s7 =	simm.s32 @!p0 $0x108  }
0x21: {  	s3 =	sadd.s32 s3, s9;
	s6 =	sadd.s32 @!p0 $0x88, s6;
	s7 =	simm.s32 @p2 $0x1082  }
0x22: {  	[simem:s7], [sflag:s8] =	dma.local @!p0 [hbm:s6], $0xF7A  }
0x23: {  	s9 =	sor.u32 $0xD0000000, s2;
	s6 =	simm.s32 $0x108;
	_ =	swait.ge @!p0 [sflag:s8], $0x0  }
0x24: {  	s3 =	sadd.s32 $0x88, s3;
	s6 =	simm.s32 @!p1 $0x1082;
	[sflag:s4] =	ssyncset.s32 $0xFFFFF086  }
0x25: {  	[simem:s6], [sflag:s4] =	dma.local [hbm:s3], $0xF7A  }
0x26: {  	[smem:$0x3F9D] =	sst s1;
	(tag) =	ssettag s2;
	_ =	strace s9  }
0x27: {  	s1 =	sld [smem:$0x3FAD]  }
0x28: {  	s2 =	sld [smem:$0x3FAE]  }
0x29: {  	s4 =	sld [smem:$0x3FB0]  }
0x2a: {  	p0 =	seq.s32 s5, $0x0;
	s5 =	sld [smem:$0x3FB1]  }
0x2b: {  	s6 =	sld [smem:$0x3FB2]  }
0x2c: {  	s7 =	sld [smem:$0x3FB3]  }
0x2d: {  	s3 =	simm.s32 $0x108;
	s8 =	sld [smem:$0x3FB4]  }
0x2e: {  	s3 =	simm.s32 @!p0 $0x1082;
	s9 =	sld [smem:$0x3FB5]  }
0x2f: {  	lr =	sadd.s32 s0, s3;
	s0 =	sld [smem:$0x3FAC]  }
0x30: {  	s3 =	sld [smem:$0x3FAF]  }
0x31: {  	[smem:$0x3FB8] =	sst s10  }
0x32: {  	s10 =	sld [smem:$0x3FB6];
	_ =	sdelay $0x3  }
0x33: {  	p0 =	seq.s32 s10, $0x1;
	s10 =	sld [smem:$0x3FB8];
	_ =	sdelay $0x3  }
0x34: {  	[smem:$0x3FB8] =	sst s10  }
0x35: {  	s10 =	sld [smem:$0x3FB7];
	_ =	sdelay $0x3  }
0x36: {  	p1 =	seq.s32 s10, $0x1;
	s10 =	sld [smem:$0x3FB8];
	_ =	sdelay $0x3  }
0x37: {  	[smem:$0x3FB8] =	sst s10  }
0x38: {  	s10 =	sld [smem:$0x3FB9]  }
0x39: {  	_ = 	snop;
	(pc) =	sbr.ind lr, $3  }
0x3a: {  	_ = 	snop  }
0x3b: {  	_ = 	snop  }
0x3c: {  	p2 =	seq.s32 s10, $0x1;
	s10 =	sld [smem:$0x3FB8]  }
0x3d: {  	_ =	shalt  }
0x3e: {  	_ =	shalt  }
0x3f: {  	_ =	shalt  }
0x40: {  	_ =	shalt  }
0x41: {  	_ =	shalt  }
0x42: {  	_ =	shalt  }
0x43: {  	_ =	shalt  }
0x44: {  	_ =	shalt  }
0x45: {  	_ =	shalt  }
0x46: {  	_ =	shalt  }
0x47: {  	_ =	shalt  }
0x48: {  	_ =	shalt  }
0x49: {  	_ =	shalt  }
0x4a: {  	_ =	shalt  }
0x4b: {  	_ =	shalt  }
0x4c: {  	_ =	shalt  }
0x4d: {  	_ =	shalt  }
0x4e: {  	_ =	shalt  }
0x4f: {  	_ =	shalt  }
0x50: {  	_ =	shalt  }
0x51: {  	_ =	shalt  }
0x52: {  	_ =	shalt  }
0x53: {  	_ =	shalt  }
0x54: {  	_ =	shalt  }
0x55: {  	_ =	shalt  }
0x56: {  	_ =	shalt  }
0x57: {  	_ =	shalt  }
0x58: {  	_ =	shalt  }
0x59: {  	_ =	shalt  }
0x5a: {  	_ =	shalt  }
0x5b: {  	_ =	shalt  }
0x5c: {  	_ =	shalt  }
0x5d: {  	_ =	shalt  }
0x5e: {  	_ =	shalt  }
0x5f: {  	_ =	shalt  }
0x60: {  	_ =	shalt  }
0x61: {  	_ =	shalt  }
0x62: {  	_ =	shalt  }
0x63: {  	_ =	shalt  }
0x64: {  	_ =	shalt  }
0x65: {  	_ =	shalt  }
0x66: {  	_ =	shalt  }
0x67: {  	_ =	shalt  }
0x68: {  	_ =	shalt  }
0x69: {  	_ =	shalt  }
0x6a: {  	_ =	shalt  }
0x6b: {  	_ =	shalt  }
0x6c: {  	_ =	shalt  }
0x6d: {  	_ =	shalt  }
0x6e: {  	_ =	shalt  }
0x6f: {  	_ =	shalt  }
0x70: {  	_ =	shalt  }
0x71: {  	_ =	shalt  }
0x72: {  	_ =	shalt  }
0x73: {  	_ =	shalt  }
0x74: {  	_ =	shalt  }
0x75: {  	_ =	shalt  }
0x76: {  	_ =	shalt  }
0x77: {  	_ =	shalt  }
0x78: {  	_ =	shalt  }
0x79: {  	_ =	shalt  }
0x7a: {  	_ =	shalt  }
0x7b: {  	_ =	shalt  }
0x7c: {  	_ =	shalt  }
0x7d: {  	_ =	shalt  }
0x7e: {  	_ =	shalt  }
0x7f: {  	_ =	shalt  }
0x80: {  	_ =	shalt  }
0x81: {  	_ =	shalt  }
0x82: {  	_ =	shalt  }
0x83: {  	_ =	shalt  }
0x84: {  	_ =	shalt  }
0x85: {  	_ =	shalt  }
0x86: {  	_ =	shalt  }
0x87: {  	_ =	shalt  }
.Lfunc_end0:
.L_simem_size_0:
called_computation_lowered:
.L_overlay_start_0:
0x88: {  	s2 =	sld [smem:$0x3FD9]  }
0x89: {  	s3 =	sld [smem:$0x3FFE];
	_ =	sdelay $0x1  }
0x8a: {  	s1 =	srdreg.scid  }
0x8b: {  	s0 =	sand.u32 $0x1, s1  }
0x8c: {  	s14 =	sshll.u32 s0, $0xA;
	s2 =	sadd.s32 s3, s2  }
0x8d: {  	s2 =	sadd.s32 s2, s14  }
0x8e: {  	[smem:$0x3FC4] =	sst s2  }
0x8f: {  	_ = 	snop  }
0x90: {  	s2 =	sld [smem:$0x3FD0];
	_ =	sdelay $0x2  }
0x91: {  	s15 =	simm.s32 $0xA;
	s4 =	simm.s32 $0x10  }
0x92: {  	[smem:s4], [sflag:s15] =	dma.local [hbm:s2], $0x1  }
0x93: {  	_ =	swait.eq [sflag:s15], $0x1  }
0x94: {  	[sflag:s15] =	ssyncset.done $0x0  }
0x95: {  	[sflag:s15] =	ssyncadd.s32 $0xFFFFFFFF  }
0x96: {  	s16 =	sld [smem:$0x13];
	(tm) =	ssettm $0x1  }
0x97: {  	s17 =	sld [smem:$0x3FFB];
	_ =	sdelay $0x3  }
0x98: {  	_ =	strace s17  }
0x99: {  	s3 =	sld [smem:$0x3FFC];
	_ =	sdelay $0x3  }
0x9a: {  	_ =	strace s3  }
0x9b: {  	s3 =	sld [smem:$0x3FFD];
	_ =	sdelay $0x3  }
0x9c: {  	_ =	strace s3  }
0x9d: {  	_ =	strace $0x8FFFFFFF  }
0x9e: {  	s18 =	sld [smem:$0x3FDB];
	_ =	sdelay $0x1  }
0x9f: {  	s19 =	simm.s32 $_scs_section_size  }
0xa0: {  	s5 =	simm.s32 $_size__tile_overlayer_lowered;
	s6 =	simm.s32 $_tile_overlayer_lowered  }
0xa1: {  	s22 =	simm.s32 $0x1BFF;
	s21 =	sshll.u32 s6, $0x1;
	s3 =	sadd.s32 s19, s18  }
0xa2: {  	s7 =	simm.s32 $0x0;
	s20 =	sshll.u32 s5, $0x1;
	s5 =	sadd.s32 s21, s3  }
0xa3: {  	[timem:s7], [sflag:s22] =	dma.local [hbm:s5], s20  }
0xa4: {  	_ =	swait.ge [sflag:s22], s20  }
0xa5: {  	s4 =	ssub.s32 $0x0, s20;
	[sflag:s22] =	ssyncset.done $0x0  }
0xa6: {  	[sflag:s22] =	ssyncadd.s32 s4;
	_ =	sdelay $0x1  }
0xa7: {  	s23 =	simm.s32 $0x1B8B  }
0xa8: {  	_ =	swait.ge [sflag:s23], $0x1  }
0xa9: {  	[sflag:s23] =	ssyncset.done $0x0  }
0xaa: {  	s25 =	simm.s32 $0x1B8E;
	s24 =	sld [smem:$0x3FFE];
	[sflag:s23] =	ssyncadd.s32 $0xFFFFFFFF  }
0xab: {  	s26 =	simm.s32 $execute0_lowered;
	[smem:$0x3FD2] =	sst s25  }
0xac: {  	s5 =	sshll.u32 s26, $0x1;
	_ =	strace $0x80000046;
	[dreg:$0x1] =	wrdreg $0xFFFFFFFF  }
0xad: {  	s28 =	simm.s32 $_size_execute0_lowered;
	s3 =	sadd.s32 s3, s5;
	[dreg:$0x0] =	wrdreg $0x0  }
0xae: {  	s5 =	sshll.u32 s28, $0x1;
	[dreg:$0x2] =	wrdreg s3  }
0xaf: {  	[dreg:$0x3] =	wrdreg s5  }
0xb0: {  	[dreg:$0x4] =	wrdreg $0xC0  }
0xb1: {  	_ =	task [dreg:s7], $0x5FFFF  }
0xb2: {  	[dreg:$0x1] =	wrdreg $0xFFFFFFFF  }
0xb3: {  	[dreg:$0x0] =	wrdreg $0x60  }
0xb4: {  	[dreg:$0x2] =	wrdreg s24  }
0xb5: {  	[dreg:$0x3] =	wrdreg s16  }
0xb6: {  	[dreg:$0x4] =	wrdreg $0x9  }
0xb7: {  	_ =	task.clear_ibuf [dreg:s7], $0x5FFFF;
	_ =	strace $0x90000046  }
0xb8: {  	s29 =	simm.s32 $0x9;
	_ =	strace $0x80000048  }
0xb9: {  	_ =	swait.ge [sflag:s29], $0x1  }
0xba: {  	[sflag:s29] =	ssyncadd.s32 $0xFFFFFFFF  }
0xbb: {  	_ =	strace $0x90000048  }
0xbc: {  	_ =	sfence  }
0xbd: {  	s30 =	sld [smem:$0x0];
	_ =	sdelay $0x2  }
0xbe: {  	s31 =	sshll.u32 s1, $0xD;
	s1 =	sshrl.u32 s1, $0x2  }
0xbf: {  	s3 =	sand.u32 $0x4000, s31;
	s1 =	sadd.s32 s1, s30  }
0xc0: {  	s0 =	sor.u32 s3, s0;
	s1 =	sshll.u32 s1, $0x11  }
0xc1: {  	s0 =	sor.u32 s1, s0  }
0xc2: {  	s0 =	sadd.s32 $0x8F2B, s0  }
0xc3: {  	[sflag:s0] =	ssyncadd.remote.s32 $0x1  }
0xc4: {  	_ =	sfence.sel $0xFFFF  }
0xc5: {  	[dreg:$0x0] =	wrdreg $0xFFFFFFFF;
	(pc) =	sbr.abs _section_cstart, $3  }
0xc6: {  	[dreg:$0x1] =	wrdreg $0xFFFFFFFF  }
0xc7: {  	_ =	task.clear_ibuf [dreg:s7], $0x2FFFF;
	_ =	strace $0x9FFFFFFF  }
0xc8: {  	(tm) =	ssettm $0x7FFFFFFF  }
0xc9: {  	_ =	shalt  }
tec
execute0_lowered:
.L_overlay_start_1:
0x0: {  	(tag) =	ssettag $0x1  }
0x1: {  	s1 =	rddreg [dreg:$0x0];
	s2 =	stileid.u32  }
0x2: {  	s4 =	rddreg [dreg:$0x1];
	s3 =	sshll.u32 s2, $0xA;
	s2 =	simm.s32 $0x0  }
0x3: {  	s22 =	simm.s32 $0x200;
	[smem:$0x7FF] =	sst s2  }
0x4: {  	s23 =	simm.s32 $0x600;
	_ =	strace $0x80000047;
	[dreg:$0x4] =	wrdreg s22  }
0x5: {  	s25 =	simm.s32 $0xA00;
	[dreg:$0x5] =	wrdreg s23  }
0x6: {  	s26 =	simm.s32 $0xE00;
	[dreg:$0x6] =	wrdreg s25  }
0x7: {  	s0 =	srdreg.scid;
	s7 =	simm.s32 $0x280;
	[dreg:$0x7] =	wrdreg s26  }
0x8: {  	s12 =	simm.s32 $0x700;
	s13 =	simm.s32 $0xB00;
	[dreg:$0x8] =	wrdreg s7  }
0x9: {  	s14 =	simm.s32 $0xF00;
	s15 =	simm.s32 $0x380;
	[dreg:$0xd] =	wrdreg s12  }
0xa: {  	s16 =	simm.s32 $0x780;
	s17 =	simm.s32 $0xB80;
	[dreg:$0xe] =	wrdreg s13  }
0xb: {  	s18 =	simm.s32 $0xF80;
	s19 =	simm.s32 $0x400;
	[dreg:$0xf] =	wrdreg s14  }
0xc: {  	s20 =	simm.s32 $0x800;
	s21 =	simm.s32 $0xC00;
	[dreg:$0x10] =	wrdreg s15  }
0xd: {  	s28 =	simm.s32 $0x1E80;
	s29 =	simm.s32 $0x1300;
	[dreg:$0x11] =	wrdreg s16  }
0xe: {  	s30 =	simm.s32 $0x1700;
	s0 =	sand.u32 $0x1, s0;
	[dreg:$0x12] =	wrdreg s17  }
0xf: {  	s31 =	simm.s32 $0x1B00;
	s5 =	sshll.u32 s0, $0x9;
	[dreg:$0x13] =	wrdreg s18  }
0x10: {  	s0 =	ssub.s32 $0x2, s0;
	s5 =	sor.u32 s5, s3;
	[dreg:$0x14] =	wrdreg s19  }
0x11: {  	s3 =	sadd.s32 $0x200, s1;
	s24 =	sshrl.u32 s0, $0x1;
	[dreg:$0x15] =	wrdreg s20  }
0x12: {  	s7 =	simm.s32 $0x680;
	s12 =	simm.s32 $0x80;
	[dreg:$0x16] =	wrdreg s21  }
0x13: {  	s22 =	simm.s32 $0x1000;
	s23 =	simm.s32 $0x480;
	s25 =	simm.s32 $0xC80  }
0x14: {  	s26 =	simm.s32 $0x1080;
	s17 =	simm.s32 $0x1;
	[dreg:$0x9] =	wrdreg s7  }
0x15: {  	s20 =	simm.s32 $0x1200;
	s21 =	simm.s32 $0x1600;
	[dreg:$0x17] =	wrdreg s22  }
0x16: {  	s13 =	simm.s32 $0x1780;
	s14 =	simm.s32 $0x1B80;
	[dreg:$0x18] =	wrdreg s23  }
0x17: {  	s15 =	simm.s32 $0x1F80;
	s6 =	sshrl.u32 s5, $0x3;
	[dreg:$0x1a] =	wrdreg s25  }
0x18: {  	s0 =	ssub.s32 s0, s24;
	s24 =	simm.s32 $0x880;
	[dreg:$0x1b] =	wrdreg s26  }
0x19: {  	s1 =	sadd.s32 s5, s1;
	s4 =	sadd.s32 s4, s6;
	[dreg:$0x19] =	wrdreg s24  }
0x1a: {  	s16 =	simm.s32 $0x1400;
	s6 =	sadd.s32 $0x3200, s1;
	[dreg:$0x3] =	wrdreg s4  }
0x1b: {  	s22 =	simm.s32 $0x1A00;
	s8 =	sadd.s32 $0x3210, s1;
	[dreg:$0x1c] =	wrdreg s6  }
0x1c: {  	s23 =	simm.s32 $0x1E00;
	s9 =	sadd.s32 $0x3220, s1;
	[dreg:$0x1d] =	wrdreg s8  }
0x1d: {  	s25 =	simm.s32 $0x1680;
	s10 =	sadd.s32 $0x3230, s1;
	[dreg:$0x1e] =	wrdreg s9  }
0x1e: {  	s26 =	simm.s32 $0x1A80;
	s11 =	sadd.s32 $0x3240, s1;
	[dreg:$0x1f] =	wrdreg s10  }
0x1f: {  	s5 =	simm.s32 $0x1C00;
	s1 =	sadd.s32 $0x3250, s1;
	[smem:$0x7FC] =	sst s11  }
0x20: {  	s7 =	simm.s32 $0x1480;
	s8 =	simm.s32 $0xA80;
	[smem:$0x7FD] =	sst s1  }
0x21: {  	s24 =	simm.s32 $0x1280;
	s9 =	simm.s32 $0xE80;
	[dreg:$0xa] =	wrdreg s8  }
0x22: {  	s10 =	simm.s32 $0x300;
	s11 =	simm.s32 $0x2;
	[dreg:$0xb] =	wrdreg s9  }
0x23: {  	s4 =	simm.s32 $0x1800;
	s6 =	simm.s32 $0x2000;
	[dreg:$0xc] =	wrdreg s10  }
0x24: {  	s10 =	smax.u32 s0, $0x1;
	s8 =	simm.s32 $0x1880;
	s9 =	simm.s32 $0x1C80  }
.LBB2_1:
0x25: {  	s18 =	rddreg [dreg:$0x3]  }
0x26: {  	[tilespmem:s2], [sflag:$0x2] =	stream.linear.gather [hbm4b:s18+s2], $0x200, $0x38;
	[tilespmem:$0x2200] =	vst v63  }
0x27: {  	_ =	swait.ge [sflag:s11], $0x200  }
0x28: {  	[sflag:s11] =	ssyncset.done $0x0  }
0x29: {  	[sflag:s11] =	ssyncadd.s32 $0xFFFFFE00  }
0x2a: {  	v0 =	vld [tilespmem:$0x0]  }
0x2b: {  	v1 =	vld [tilespmem:$0x10];
	_ =	sdelay $0x3  }
0x2c: {  	v0 =	vmul.u32 $0x6, v0  }
0x2d: {  	v1 =	vmul.u32 $0x6, v1  }
0x2e: {  	[tilespmem:$0x200] =	vst v0  }
0x2f: {  	v2 =	vor.u32 $0x1, v0;
	[tilespmem:$0x210] =	vst v1  }
0x30: {  	v24 =	vadd.s32 $0x2, v0;
	[tilespmem:$0x280] =	vst v2  }
0x31: {  	v25 =	vadd.s32 $0x3, v0;
	[tilespmem:$0x300] =	vst v24  }
0x32: {  	v26 =	vadd.s32 $0x4, v0;
	[tilespmem:$0x380] =	vst v25  }
0x33: {  	v27 =	vld [tilespmem:$0x20];
	v0 =	vadd.s32 $0x5, v0;
	[tilespmem:$0x400] =	vst v26  }
0x34: {  	v32 =	vld [tilespmem:$0x30];
	v28 =	vor.u32 $0x1, v1;
	[tilespmem:$0x480] =	vst v0  }
0x35: {  	v29 =	vadd.s32 $0x2, v1;
	[tilespmem:$0x290] =	vst v28  }
0x36: {  	v30 =	vadd.s32 $0x3, v1;
	[tilespmem:$0x310] =	vst v29  }
0x37: {  	v31 =	vadd.s32 $0x4, v1;
	[tilespmem:$0x390] =	vst v30  }
0x38: {  	v1 =	vadd.s32 $0x5, v1;
	[tilespmem:$0x410] =	vst v31;
	v0 =	vmul.u32 $0x6, v27  }
0x39: {  	[tilespmem:$0x490] =	vst v1;
	v1 =	vmul.u32 $0x6, v32  }
0x3a: {  	[tilespmem:$0x220] =	vst v0  }
0x3b: {  	v33 =	vor.u32 $0x1, v0;
	[tilespmem:$0x230] =	vst v1  }
0x3c: {  	v34 =	vadd.s32 $0x2, v0;
	[tilespmem:$0x2A0] =	vst v33  }
0x3d: {  	v35 =	vadd.s32 $0x3, v0;
	[tilespmem:$0x320] =	vst v34  }
0x3e: {  	v36 =	vadd.s32 $0x4, v0;
	[tilespmem:$0x3A0] =	vst v35  }
0x3f: {  	v37 =	vld [tilespmem:$0x40];
	v0 =	vadd.s32 $0x5, v0;
	[tilespmem:$0x420] =	vst v36  }
0x40: {  	v42 =	vld [tilespmem:$0x50];
	v38 =	vor.u32 $0x1, v1;
	[tilespmem:$0x4A0] =	vst v0  }
0x41: {  	v39 =	vadd.s32 $0x2, v1;
	[tilespmem:$0x2B0] =	vst v38  }
0x42: {  	v40 =	vadd.s32 $0x3, v1;
	[tilespmem:$0x330] =	vst v39  }
0x43: {  	v41 =	vadd.s32 $0x4, v1;
	[tilespmem:$0x3B0] =	vst v40  }
0x44: {  	v1 =	vadd.s32 $0x5, v1;
	[tilespmem:$0x430] =	vst v41;
	v0 =	vmul.u32 $0x6, v37  }
0x45: {  	[tilespmem:$0x4B0] =	vst v1;
	v1 =	vmul.u32 $0x6, v42  }
0x46: {  	[tilespmem:$0x240] =	vst v0  }
0x47: {  	v43 =	vor.u32 $0x1, v0;
	[tilespmem:$0x250] =	vst v1  }
0x48: {  	v44 =	vadd.s32 $0x2, v0;
	[tilespmem:$0x2C0] =	vst v43  }
0x49: {  	v45 =	vadd.s32 $0x3, v0;
	[tilespmem:$0x340] =	vst v44  }
0x4a: {  	v46 =	vadd.s32 $0x4, v0;
	[tilespmem:$0x3C0] =	vst v45  }
0x4b: {  	v47 =	vld [tilespmem:$0x60];
	v0 =	vadd.s32 $0x5, v0;
	[tilespmem:$0x440] =	vst v46  }
0x4c: {  	v52 =	vld [tilespmem:$0x70];
	v48 =	vor.u32 $0x1, v1;
	[tilespmem:$0x4C0] =	vst v0  }
0x4d: {  	v49 =	vadd.s32 $0x2, v1;
	[tilespmem:$0x2D0] =	vst v48  }
0x4e: {  	v50 =	vadd.s32 $0x3, v1;
	[tilespmem:$0x350] =	vst v49  }
0x4f: {  	v51 =	vadd.s32 $0x4, v1;
	[tilespmem:$0x3D0] =	vst v50  }
0x50: {  	v1 =	vadd.s32 $0x5, v1;
	[tilespmem:$0x450] =	vst v51;
	v0 =	vmul.u32 $0x6, v47  }
0x51: {  	[tilespmem:$0x4D0] =	vst v1;
	v1 =	vmul.u32 $0x6, v52  }
0x52: {  	[tilespmem:$0x260] =	vst v0  }
0x53: {  	v53 =	vor.u32 $0x1, v0;
	[tilespmem:$0x270] =	vst v1  }
0x54: {  	v54 =	vadd.s32 $0x2, v0;
	[tilespmem:$0x2E0] =	vst v53  }
0x55: {  	v55 =	vadd.s32 $0x3, v0;
	[tilespmem:$0x360] =	vst v54  }
0x56: {  	v56 =	vadd.s32 $0x4, v0;
	[tilespmem:$0x3E0] =	vst v55  }
0x57: {  	v57 =	vld [tilespmem:$0x80];
	v0 =	vadd.s32 $0x5, v0;
	[tilespmem:$0x460] =	vst v56  }
0x58: {  	v62 =	vld [tilespmem:$0x90];
	v58 =	vor.u32 $0x1, v1;
	[tilespmem:$0x4E0] =	vst v0  }
0x59: {  	v59 =	vadd.s32 $0x2, v1;
	[tilespmem:$0x2F0] =	vst v58  }
0x5a: {  	v60 =	vadd.s32 $0x3, v1;
	[tilespmem:$0x370] =	vst v59  }
0x5b: {  	v61 =	vadd.s32 $0x4, v1;
	[tilespmem:$0x3F0] =	vst v60  }
0x5c: {  	v1 =	vadd.s32 $0x5, v1;
	[tilespmem:$0x470] =	vst v61;
	v0 =	vmul.u32 $0x6, v57  }
0x5d: {  	[tilespmem:$0x4F0] =	vst v1;
	v1 =	vmul.u32 $0x6, v62  }
0x5e: {  	[tilespmem:$0x600] =	vst v0  }
0x5f: {  	v63 =	vor.u32 $0x1, v0;
	[tilespmem:$0x610] =	vst v1  }
0x60: {  	v4 =	vadd.s32 $0x2, v0;
	[tilespmem:$0x680] =	vst v63  }
0x61: {  	v5 =	vadd.s32 $0x3, v0;
	[tilespmem:$0x700] =	vst v4  }
0x62: {  	v6 =	vadd.s32 $0x4, v0;
	[tilespmem:$0x780] =	vst v5  }
0x63: {  	v7 =	vld [tilespmem:$0xA0];
	v0 =	vadd.s32 $0x5, v0;
	[tilespmem:$0x800] =	vst v6  }
0x64: {  	v12 =	vld [tilespmem:$0xB0];
	v8 =	vor.u32 $0x1, v1;
	[tilespmem:$0x880] =	vst v0  }
0x65: {  	v9 =	vadd.s32 $0x2, v1;
	[tilespmem:$0x690] =	vst v8  }
0x66: {  	v10 =	vadd.s32 $0x3, v1;
	[tilespmem:$0x710] =	vst v9  }
0x67: {  	v11 =	vadd.s32 $0x4, v1;
	[tilespmem:$0x790] =	vst v10  }
0x68: {  	v1 =	vadd.s32 $0x5, v1;
	[tilespmem:$0x810] =	vst v11;
	v0 =	vmul.u32 $0x6, v7  }
0x69: {  	[tilespmem:$0x890] =	vst v1;
	v1 =	vmul.u32 $0x6, v12  }
0x6a: {  	[tilespmem:$0x620] =	vst v0  }
0x6b: {  	v13 =	vor.u32 $0x1, v0;
	[tilespmem:$0x630] =	vst v1  }
0x6c: {  	v14 =	vadd.s32 $0x2, v0;
	[tilespmem:$0x6A0] =	vst v13  }
0x6d: {  	v15 =	vadd.s32 $0x3, v0;
	[tilespmem:$0x720] =	vst v14  }
0x6e: {  	v16 =	vadd.s32 $0x4, v0;
	[tilespmem:$0x7A0] =	vst v15  }
0x6f: {  	v17 =	vld [tilespmem:$0xC0];
	v0 =	vadd.s32 $0x5, v0;
	[tilespmem:$0x820] =	vst v16  }
0x70: {  	v22 =	vld [tilespmem:$0xD0];
	v18 =	vor.u32 $0x1, v1;
	[tilespmem:$0x8A0] =	vst v0  }
0x71: {  	v19 =	vadd.s32 $0x2, v1;
	[tilespmem:$0x6B0] =	vst v18  }
0x72: {  	v20 =	vadd.s32 $0x3, v1;
	[tilespmem:$0x730] =	vst v19  }
0x73: {  	v21 =	vadd.s32 $0x4, v1;
	[tilespmem:$0x7B0] =	vst v20  }
0x74: {  	v1 =	vadd.s32 $0x5, v1;
	[tilespmem:$0x830] =	vst v21;
	v0 =	vmul.u32 $0x6, v17  }
0x75: {  	[tilespmem:$0x8B0] =	vst v1;
	v1 =	vmul.u32 $0x6, v22  }
0x76: {  	[tilespmem:$0x640] =	vst v0  }
0x77: {  	v23 =	vor.u32 $0x1, v0;
	[tilespmem:$0x650] =	vst v1  }
0x78: {  	v24 =	vadd.s32 $0x2, v0;
	[tilespmem:$0x6C0] =	vst v23  }
0x79: {  	v25 =	vadd.s32 $0x3, v0;
	[tilespmem:$0x740] =	vst v24  }
0x7a: {  	v26 =	vadd.s32 $0x4, v0;
	[tilespmem:$0x7C0] =	vst v25  }
0x7b: {  	v27 =	vld [tilespmem:$0xE0];
	v0 =	vadd.s32 $0x5, v0;
	[tilespmem:$0x840] =	vst v26  }
0x7c: {  	v32 =	vld [tilespmem:$0xF0];
	v28 =	vor.u32 $0x1, v1;
	[tilespmem:$0x8C0] =	vst v0  }
0x7d: {  	v29 =	vadd.s32 $0x2, v1;
	[tilespmem:$0x6D0] =	vst v28  }
0x7e: {  	v30 =	vadd.s32 $0x3, v1;
	[tilespmem:$0x750] =	vst v29  }
0x7f: {  	v31 =	vadd.s32 $0x4, v1;
	[tilespmem:$0x7D0] =	vst v30  }
0x80: {  	v1 =	vadd.s32 $0x5, v1;
	[tilespmem:$0x850] =	vst v31;
	v0 =	vmul.u32 $0x6, v27  }
0x81: {  	[tilespmem:$0x8D0] =	vst v1;
	v1 =	vmul.u32 $0x6, v32  }
0x82: {  	[tilespmem:$0x660] =	vst v0  }
0x83: {  	v33 =	vor.u32 $0x1, v0;
	[tilespmem:$0x670] =	vst v1  }
0x84: {  	v34 =	vadd.s32 $0x2, v0;
	[tilespmem:$0x6E0] =	vst v33  }
0x85: {  	v35 =	vadd.s32 $0x3, v0;
	[tilespmem:$0x760] =	vst v34  }
0x86: {  	v36 =	vadd.s32 $0x4, v0;
	[tilespmem:$0x7E0] =	vst v35  }
0x87: {  	v37 =	vld [tilespmem:$0x100];
	v0 =	vadd.s32 $0x5, v0;
	[tilespmem:$0x860] =	vst v36  }
0x88: {  	v42 =	vld [tilespmem:$0x110];
	v38 =	vor.u32 $0x1, v1;
	[tilespmem:$0x8E0] =	vst v0  }
0x89: {  	v39 =	vadd.s32 $0x2, v1;
	[tilespmem:$0x6F0] =	vst v38  }
0x8a: {  	v40 =	vadd.s32 $0x3, v1;
	[tilespmem:$0x770] =	vst v39  }
0x8b: {  	v41 =	vadd.s32 $0x4, v1;
	[tilespmem:$0x7F0] =	vst v40  }
0x8c: {  	v1 =	vadd.s32 $0x5, v1;
	[tilespmem:$0x870] =	vst v41;
	v0 =	vmul.u32 $0x6, v37  }
0x8d: {  	[tilespmem:$0x8F0] =	vst v1;
	v1 =	vmul.u32 $0x6, v42  }
0x8e: {  	[tilespmem:$0xA00] =	vst v0  }
0x8f: {  	v43 =	vor.u32 $0x1, v0;
	[tilespmem:$0xA10] =	vst v1  }
0x90: {  	v44 =	vadd.s32 $0x2, v0;
	[tilespmem:$0xA80] =	vst v43  }
0x91: {  	v45 =	vadd.s32 $0x3, v0;
	[tilespmem:$0xB00] =	vst v44  }
0x92: {  	v46 =	vadd.s32 $0x4, v0;
	[tilespmem:$0xB80] =	vst v45  }
0x93: {  	v47 =	vld [tilespmem:$0x120];
	v0 =	vadd.s32 $0x5, v0;
	[tilespmem:$0xC00] =	vst v46  }
0x94: {  	v52 =	vld [tilespmem:$0x130];
	v48 =	vor.u32 $0x1, v1;
	[tilespmem:$0xC80] =	vst v0  }
0x95: {  	v49 =	vadd.s32 $0x2, v1;
	[tilespmem:$0xA90] =	vst v48  }
0x96: {  	v50 =	vadd.s32 $0x3, v1;
	[tilespmem:$0xB10] =	vst v49  }
0x97: {  	v51 =	vadd.s32 $0x4, v1;
	[tilespmem:$0xB90] =	vst v50  }
0x98: {  	v1 =	vadd.s32 $0x5, v1;
	[tilespmem:$0xC10] =	vst v51;
	v0 =	vmul.u32 $0x6, v47  }
0x99: {  	[tilespmem:$0xC90] =	vst v1;
	v1 =	vmul.u32 $0x6, v52  }
0x9a: {  	[tilespmem:$0xA20] =	vst v0  }
0x9b: {  	v53 =	vor.u32 $0x1, v0;
	[tilespmem:$0xA30] =	vst v1  }
0x9c: {  	v54 =	vadd.s32 $0x2, v0;
	[tilespmem:$0xAA0] =	vst v53  }
0x9d: {  	v55 =	vadd.s32 $0x3, v0;
	[tilespmem:$0xB20] =	vst v54  }
0x9e: {  	v56 =	vadd.s32 $0x4, v0;
	[tilespmem:$0xBA0] =	vst v55  }
0x9f: {  	v57 =	vld [tilespmem:$0x140];
	v0 =	vadd.s32 $0x5, v0;
	[tilespmem:$0xC20] =	vst v56  }
0xa0: {  	v62 =	vld [tilespmem:$0x150];
	v58 =	vor.u32 $0x1, v1;
	[tilespmem:$0xCA0] =	vst v0  }
0xa1: {  	v59 =	vadd.s32 $0x2, v1;
	[tilespmem:$0xAB0] =	vst v58  }
0xa2: {  	v60 =	vadd.s32 $0x3, v1;
	[tilespmem:$0xB30] =	vst v59  }
0xa3: {  	v61 =	vadd.s32 $0x4, v1;
	[tilespmem:$0xBB0] =	vst v60  }
0xa4: {  	v1 =	vadd.s32 $0x5, v1;
	[tilespmem:$0xC30] =	vst v61;
	v0 =	vmul.u32 $0x6, v57  }
0xa5: {  	[tilespmem:$0xCB0] =	vst v1;
	v1 =	vmul.u32 $0x6, v62  }
0xa6: {  	[tilespmem:$0xA40] =	vst v0  }
0xa7: {  	v63 =	vor.u32 $0x1, v0;
	[tilespmem:$0xA50] =	vst v1  }
0xa8: {  	v4 =	vadd.s32 $0x2, v0;
	[tilespmem:$0xAC0] =	vst v63  }
0xa9: {  	v5 =	vadd.s32 $0x3, v0;
	[tilespmem:$0xB40] =	vst v4  }
0xaa: {  	v6 =	vadd.s32 $0x4, v0;
	[tilespmem:$0xBC0] =	vst v5  }
0xab: {  	v47 =	vld [tilespmem:$0x1E0];
	v0 =	vadd.s32 $0x5, v0;
	[tilespmem:$0xC40] =	vst v6  }
0xac: {  	v7 =	vld [tilespmem:$0x160];
	v8 =	vor.u32 $0x1, v1;
	[tilespmem:$0xCC0] =	vst v0  }
0xad: {  	v12 =	vld [tilespmem:$0x170];
	v9 =	vadd.s32 $0x2, v1;
	[tilespmem:$0xAD0] =	vst v8  }
0xae: {  	v10 =	vadd.s32 $0x3, v1;
	[tilespmem:$0xB50] =	vst v9  }
0xaf: {  	v11 =	vadd.s32 $0x4, v1;
	[tilespmem:$0xBD0] =	vst v10  }
0xb0: {  	v1 =	vadd.s32 $0x5, v1;
	v2 =	vmul.u32 $0x6, v47;
	[tilespmem:$0xC50] =	vst v11  }
0xb1: {  	v0 =	vmul.u32 $0x6, v7;
	[tilespmem:$0xCD0] =	vst v1  }
0xb2: {  	v1 =	vmul.u32 $0x6, v12;
	[tilespmem:$0xE60] =	vst v2  }
0xb3: {  	[tilespmem:$0xA60] =	vst v0  }
0xb4: {  	v53 =	vor.u32 $0x1, v2;
	[tilespmem:$0xA70] =	vst v1  }
0xb5: {  	v55 =	vadd.s32 $0x2, v2;
	[tilespmem:$0xEE0] =	vst v53  }
0xb6: {  	v56 =	vadd.s32 $0x3, v2;
	[tilespmem:$0xF60] =	vst v55  }
0xb7: {  	v57 =	vadd.s32 $0x4, v2;
	[tilespmem:$0xFE0] =	vst v56  }
0xb8: {  	v58 =	vadd.s32 $0x5, v2;
	[tilespmem:$0x1060] =	vst v57  }
0xb9: {  	v13 =	vor.u32 $0x1, v0;
	[tilespmem:$0x10E0] =	vst v58  }
0xba: {  	v14 =	vadd.s32 $0x2, v0;
	[tilespmem:$0xAE0] =	vst v13  }
0xbb: {  	v15 =	vadd.s32 $0x3, v0;
	[tilespmem:$0xB60] =	vst v14  }
0xbc: {  	v16 =	vadd.s32 $0x4, v0;
	[tilespmem:$0xBE0] =	vst v15  }
0xbd: {  	v17 =	vld [tilespmem:$0x180];
	v0 =	vadd.s32 $0x5, v0;
	[tilespmem:$0xC60] =	vst v16  }
0xbe: {  	v22 =	vld [tilespmem:$0x190];
	v18 =	vor.u32 $0x1, v1;
	[tilespmem:$0xCE0] =	vst v0  }
0xbf: {  	v19 =	vadd.s32 $0x2, v1;
	[tilespmem:$0xAF0] =	vst v18  }
0xc0: {  	v20 =	vadd.s32 $0x3, v1;
	[tilespmem:$0xB70] =	vst v19  }
0xc1: {  	v21 =	vadd.s32 $0x4, v1;
	[tilespmem:$0xBF0] =	vst v20  }
0xc2: {  	v1 =	vadd.s32 $0x5, v1;
	[tilespmem:$0xC70] =	vst v21;
	v0 =	vmul.u32 $0x6, v17  }
0xc3: {  	[tilespmem:$0xCF0] =	vst v1;
	v1 =	vmul.u32 $0x6, v22  }
0xc4: {  	[tilespmem:$0xE00] =	vst v0  }
0xc5: {  	v23 =	vor.u32 $0x1, v0;
	[tilespmem:$0xE10] =	vst v1  }
0xc6: {  	v24 =	vadd.s32 $0x2, v0;
	[tilespmem:$0xE80] =	vst v23  }
0xc7: {  	v25 =	vadd.s32 $0x3, v0;
	[tilespmem:$0xF00] =	vst v24  }
0xc8: {  	v26 =	vadd.s32 $0x4, v0;
	[tilespmem:$0xF80] =	vst v25  }
0xc9: {  	v27 =	vld [tilespmem:$0x1A0];
	v0 =	vadd.s32 $0x5, v0;
	[tilespmem:$0x1000] =	vst v26  }
0xca: {  	v32 =	vld [tilespmem:$0x1B0];
	v28 =	vor.u32 $0x1, v1;
	[tilespmem:$0x1080] =	vst v0  }
0xcb: {  	v29 =	vadd.s32 $0x2, v1;
	[tilespmem:$0xE90] =	vst v28  }
0xcc: {  	v30 =	vadd.s32 $0x3, v1;
	[tilespmem:$0xF10] =	vst v29  }
0xcd: {  	v31 =	vadd.s32 $0x4, v1;
	[tilespmem:$0xF90] =	vst v30  }
0xce: {  	v1 =	vadd.s32 $0x5, v1;
	[tilespmem:$0x1010] =	vst v31;
	v0 =	vmul.u32 $0x6, v27  }
0xcf: {  	[tilespmem:$0x1090] =	vst v1;
	v1 =	vmul.u32 $0x6, v32  }
0xd0: {  	[tilespmem:$0xE20] =	vst v0  }
0xd1: {  	v33 =	vor.u32 $0x1, v0;
	[tilespmem:$0xE30] =	vst v1  }
0xd2: {  	v34 =	vadd.s32 $0x2, v0;
	[tilespmem:$0xEA0] =	vst v33  }
0xd3: {  	v35 =	vadd.s32 $0x3, v0;
	[tilespmem:$0xF20] =	vst v34  }
0xd4: {  	v36 =	vadd.s32 $0x4, v0;
	[tilespmem:$0xFA0] =	vst v35  }
0xd5: {  	v37 =	vld [tilespmem:$0x1C0];
	v0 =	vadd.s32 $0x5, v0;
	[tilespmem:$0x1020] =	vst v36  }
0xd6: {  	v42 =	vld [tilespmem:$0x1D0];
	v38 =	vor.u32 $0x1, v1;
	[tilespmem:$0x10A0] =	vst v0  }
0xd7: {  	v39 =	vadd.s32 $0x2, v1;
	[tilespmem:$0xEB0] =	vst v38  }
0xd8: {  	v40 =	vadd.s32 $0x3, v1;
	[tilespmem:$0xF30] =	vst v39  }
0xd9: {  	v41 =	vadd.s32 $0x4, v1;
	[tilespmem:$0xFB0] =	vst v40  }
0xda: {  	v1 =	vadd.s32 $0x5, v1;
	[tilespmem:$0x1030] =	vst v41;
	v0 =	vmul.u32 $0x6, v37  }
0xdb: {  	[tilespmem:$0x10B0] =	vst v1;
	v1 =	vmul.u32 $0x6, v42  }
0xdc: {  	[tilespmem:$0xE40] =	vst v0  }
0xdd: {  	v43 =	vor.u32 $0x1, v0;
	[tilespmem:$0xE50] =	vst v1  }
0xde: {  	v44 =	vadd.s32 $0x2, v0;
	[tilespmem:$0xEC0] =	vst v43  }
0xdf: {  	v45 =	vadd.s32 $0x3, v0;
	[tilespmem:$0xF40] =	vst v44  }
0xe0: {  	v46 =	vadd.s32 $0x4, v0;
	[tilespmem:$0xFC0] =	vst v45  }
0xe1: {  	v54 =	vld [tilespmem:$0x1F0];
	v0 =	vadd.s32 $0x5, v0;
	[tilespmem:$0x1040] =	vst v46  }
0xe2: {  	v48 =	vor.u32 $0x1, v1;
	[tilespmem:$0x10C0] =	vst v0  }
0xe3: {  	v49 =	vadd.s32 $0x2, v1;
	[tilespmem:$0xED0] =	vst v48  }
0xe4: {  	v50 =	vadd.s32 $0x3, v1;
	[tilespmem:$0xF50] =	vst v49  }
0xe5: {  	v51 =	vadd.s32 $0x4, v1;
	[tilespmem:$0xFD0] =	vst v50  }
0xe6: {  	v52 =	vadd.s32 $0x5, v1;
	v1 =	vmul.u32 $0x6, v54;
	[tilespmem:$0x1050] =	vst v51  }
0xe7: {  	[tilespmem:$0x10D0] =	vst v52  }
0xe8: {  	[tilespmem:$0xE70] =	vst v1;
	v59 =	vor.u32 $0x1, v1  }
0xe9: {  	v60 =	vadd.s32 $0x2, v1;
	[tilespmem:$0xEF0] =	vst v59  }
0xea: {  	v61 =	vadd.s32 $0x3, v1;
	[tilespmem:$0xF70] =	vst v60  }
0xeb: {  	v62 =	vadd.s32 $0x4, v1;
	[tilespmem:$0xFF0] =	vst v61  }
0xec: {  	v63 =	vadd.s32 $0x5, v1;
	[tilespmem:$0x1070] =	vst v62  }
0xed: {  	s0 =	rddreg [dreg:$0x4];
	[tilespmem:$0x10F0] =	vst v63  }
0xee: {  	[tilespmem:s20], [sflag:$0x1] =	stream.indirect.gather [hbm4b:s3+s12], $0x1, s0, s12, $0xb8;
	[tilespmem:$0x2200] =	vst v63  }
0xef: {  	s19 =	rddreg [dreg:$0x5]  }
0xf0: {  	[tilespmem:s21], [sflag:$0x1] =	stream.indirect.gather [hbm4b:s3+s12], $0x1, s19, s12, $0xb8;
	[tilespmem:$0x2200] =	vst v63  }
0xf1: {  	s1 =	rddreg [dreg:$0x6]  }
0xf2: {  	[tilespmem:s22], [sflag:$0x1] =	stream.indirect.gather [hbm4b:s3+s12], $0x1, s1, s12, $0xb8;
	[tilespmem:$0x2200] =	vst v63  }
0xf3: {  	s0 =	rddreg [dreg:$0x7]  }
0xf4: {  	[tilespmem:s23], [sflag:$0x1] =	stream.indirect.gather [hbm4b:s3+s12], $0x1, s0, s12, $0xb8;
	[tilespmem:$0x2200] =	vst v63  }
0xf5: {  	s1 =	rddreg [dreg:$0x8]  }
0xf6: {  	[tilespmem:s24], [sflag:$0x1] =	stream.indirect.gather [hbm4b:s3+s12], $0x1, s1, s12, $0xb8;
	[tilespmem:$0x2200] =	vst v63  }
0xf7: {  	s0 =	rddreg [dreg:$0x9]  }
0xf8: {  	[tilespmem:s25], [sflag:$0x1] =	stream.indirect.gather [hbm4b:s3+s12], $0x1, s0, s12, $0xb8;
	[tilespmem:$0x2200] =	vst v63  }
0xf9: {  	s1 =	rddreg [dreg:$0xa]  }
0xfa: {  	[tilespmem:s26], [sflag:$0x1] =	stream.indirect.gather [hbm4b:s3+s12], $0x1, s1, s12, $0xb8;
	[tilespmem:$0x2200] =	vst v63  }
0xfb: {  	s0 =	rddreg [dreg:$0xb]  }
0xfc: {  	[tilespmem:s28], [sflag:$0x1] =	stream.indirect.gather [hbm4b:s3+s12], $0x1, s0, s12, $0xb8;
	[tilespmem:$0x2200] =	vst v63  }
0xfd: {  	s1 =	rddreg [dreg:$0xc]  }
0xfe: {  	[tilespmem:s29], [sflag:$0x1] =	stream.indirect.gather [hbm4b:s3+s12], $0x1, s1, s12, $0xb8;
	[tilespmem:$0x2200] =	vst v63  }
0xff: {  	s0 =	rddreg [dreg:$0xd]  }
0x100: {  	[tilespmem:s30], [sflag:$0x1] =	stream.indirect.gather [hbm4b:s3+s12], $0x1, s0, s12, $0xb8;
	[tilespmem:$0x2200] =	vst v63  }
0x101: {  	s1 =	rddreg [dreg:$0xe]  }
0x102: {  	[tilespmem:s31], [sflag:$0x1] =	stream.indirect.gather [hbm4b:s3+s12], $0x1, s1, s12, $0xb8;
	[tilespmem:$0x2200] =	vst v63  }
0x103: {  	s0 =	rddreg [dreg:$0xf];
	s1 =	simm.s32 $0x1F00  }
0x104: {  	[tilespmem:s1], [sflag:$0x1] =	stream.indirect.gather [hbm4b:s3+s12], $0x1, s0, s12, $0xb8;
	[tilespmem:$0x2200] =	vst v63  }
0x105: {  	s18 =	rddreg [dreg:$0x10];
	s0 =	simm.s32 $0x1380  }
0x106: {  	[tilespmem:s0], [sflag:$0x1] =	stream.indirect.gather [hbm4b:s3+s12], $0x1, s18, s12, $0xb8;
	[tilespmem:$0x2200] =	vst v63  }
0x107: {  	s19 =	rddreg [dreg:$0x11]  }
0x108: {  	[tilespmem:s13], [sflag:$0x1] =	stream.indirect.gather [hbm4b:s3+s12], $0x1, s19, s12, $0xb8;
	[tilespmem:$0x2200] =	vst v63  }
0x109: {  	s18 =	rddreg [dreg:$0x12]  }
0x10a: {  	[tilespmem:s14], [sflag:$0x1] =	stream.indirect.gather [hbm4b:s3+s12], $0x1, s18, s12, $0xb8;
	[tilespmem:$0x2200] =	vst v63  }
0x10b: {  	s19 =	rddreg [dreg:$0x13]  }
0x10c: {  	[tilespmem:s15], [sflag:$0x1] =	stream.indirect.gather [hbm4b:s3+s12], $0x1, s19, s12, $0xb8;
	[tilespmem:$0x2200] =	vst v63  }
0x10d: {  	s18 =	rddreg [dreg:$0x14]  }
0x10e: {  	[tilespmem:s16], [sflag:$0x1] =	stream.indirect.gather [hbm4b:s3+s12], $0x1, s18, s12, $0xb8;
	[tilespmem:$0x2200] =	vst v63  }
0x10f: {  	s19 =	rddreg [dreg:$0x15]  }
0x110: {  	[tilespmem:s4], [sflag:$0x1] =	stream.indirect.gather [hbm4b:s3+s12], $0x1, s19, s12, $0xb8;
	[tilespmem:$0x2200] =	vst v63  }
0x111: {  	s18 =	rddreg [dreg:$0x16]  }
0x112: {  	[tilespmem:s5], [sflag:$0x1] =	stream.indirect.gather [hbm4b:s3+s12], $0x1, s18, s12, $0xb8;
	[tilespmem:$0x2200] =	vst v63  }
0x113: {  	s19 =	rddreg [dreg:$0x17]  }
0x114: {  	[tilespmem:s6], [sflag:$0x1] =	stream.indirect.gather [hbm4b:s3+s12], $0x1, s19, s12, $0xb8;
	[tilespmem:$0x2200] =	vst v63  }
0x115: {  	s18 =	rddreg [dreg:$0x18]  }
0x116: {  	[tilespmem:s7], [sflag:$0x1] =	stream.indirect.gather [hbm4b:s3+s12], $0x1, s18, s12, $0xb8;
	[tilespmem:$0x2200] =	vst v63  }
0x117: {  	s19 =	rddreg [dreg:$0x19]  }
0x118: {  	[tilespmem:s8], [sflag:$0x1] =	stream.indirect.gather [hbm4b:s3+s12], $0x1, s19, s12, $0xb8;
	[tilespmem:$0x2200] =	vst v63  }
0x119: {  	s18 =	rddreg [dreg:$0x1a]  }
0x11a: {  	[tilespmem:s9], [sflag:$0x1] =	stream.indirect.gather [hbm4b:s3+s12], $0x1, s18, s12, $0xb8;
	[tilespmem:$0x2200] =	vst v63  }
0x11b: {  	s19 =	rddreg [dreg:$0x1b];
	s18 =	simm.s32 $0x2080  }
0x11c: {  	[tilespmem:s18], [sflag:$0x1] =	stream.indirect.gather [hbm4b:s3+s12], $0x1, s19, s12, $0xb8;
	[tilespmem:$0x2200] =	vst v63  }
0x11d: {  	_ =	swait.ge [sflag:s17], $0x80  }
0x11e: {  	[sflag:s17] =	ssyncset.done $0x0  }
0x11f: {  	[sflag:s17] =	ssyncadd.s32 $0xFFFFFF80  }
0x120: {  	_ =	swait.ge [sflag:s17], $0x80  }
0x121: {  	[sflag:s17] =	ssyncset.done $0x0  }
0x122: {  	[sflag:s17] =	ssyncadd.s32 $0xFFFFFF80  }
0x123: {  	_ =	swait.ge [sflag:s17], $0x80  }
0x124: {  	[sflag:s17] =	ssyncset.done $0x0  }
0x125: {  	[sflag:s17] =	ssyncadd.s32 $0xFFFFFF80  }
0x126: {  	_ =	swait.ge [sflag:s17], $0x80  }
0x127: {  	[sflag:s17] =	ssyncset.done $0x0  }
0x128: {  	[sflag:s17] =	ssyncadd.s32 $0xFFFFFF80  }
0x129: {  	_ =	swait.ge [sflag:s17], $0x80  }
0x12a: {  	[sflag:s17] =	ssyncset.done $0x0  }
0x12b: {  	[sflag:s17] =	ssyncadd.s32 $0xFFFFFF80  }
0x12c: {  	_ =	swait.ge [sflag:s17], $0x80  }
0x12d: {  	[sflag:s17] =	ssyncset.done $0x0  }
0x12e: {  	[sflag:s17] =	ssyncadd.s32 $0xFFFFFF80  }
0x12f: {  	_ =	swait.ge [sflag:s17], $0x80  }
0x130: {  	[sflag:s17] =	ssyncset.done $0x0  }
0x131: {  	[sflag:s17] =	ssyncadd.s32 $0xFFFFFF80  }
0x132: {  	_ =	swait.ge [sflag:s17], $0x80  }
0x133: {  	[sflag:s17] =	ssyncset.done $0x0  }
0x134: {  	[sflag:s17] =	ssyncadd.s32 $0xFFFFFF80  }
0x135: {  	_ =	swait.ge [sflag:s17], $0x80  }
0x136: {  	[sflag:s17] =	ssyncset.done $0x0  }
0x137: {  	[sflag:s17] =	ssyncadd.s32 $0xFFFFFF80  }
0x138: {  	_ =	swait.ge [sflag:s17], $0x80  }
0x139: {  	[sflag:s17] =	ssyncset.done $0x0  }
0x13a: {  	[sflag:s17] =	ssyncadd.s32 $0xFFFFFF80  }
0x13b: {  	_ =	swait.ge [sflag:s17], $0x80  }
0x13c: {  	[sflag:s17] =	ssyncset.done $0x0  }
0x13d: {  	[sflag:s17] =	ssyncadd.s32 $0xFFFFFF80  }
0x13e: {  	_ =	swait.ge [sflag:s17], $0x80  }
0x13f: {  	[sflag:s17] =	ssyncset.done $0x0  }
0x140: {  	[sflag:s17] =	ssyncadd.s32 $0xFFFFFF80  }
0x141: {  	_ =	swait.ge [sflag:s17], $0x80  }
0x142: {  	[sflag:s17] =	ssyncset.done $0x0  }
0x143: {  	[sflag:s17] =	ssyncadd.s32 $0xFFFFFF80  }
0x144: {  	_ =	swait.ge [sflag:s17], $0x80  }
0x145: {  	[sflag:s17] =	ssyncset.done $0x0  }
0x146: {  	[sflag:s17] =	ssyncadd.s32 $0xFFFFFF80  }
0x147: {  	_ =	swait.ge [sflag:s17], $0x80  }
0x148: {  	[sflag:s17] =	ssyncset.done $0x0  }
0x149: {  	[sflag:s17] =	ssyncadd.s32 $0xFFFFFF80  }
0x14a: {  	_ =	swait.ge [sflag:s17], $0x80  }
0x14b: {  	[sflag:s17] =	ssyncset.done $0x0  }
0x14c: {  	[sflag:s17] =	ssyncadd.s32 $0xFFFFFF80  }
0x14d: {  	_ =	swait.ge [sflag:s17], $0x80  }
0x14e: {  	[sflag:s17] =	ssyncset.done $0x0  }
0x14f: {  	[sflag:s17] =	ssyncadd.s32 $0xFFFFFF80  }
0x150: {  	_ =	swait.ge [sflag:s17], $0x80  }
0x151: {  	[sflag:s17] =	ssyncset.done $0x0  }
0x152: {  	[sflag:s17] =	ssyncadd.s32 $0xFFFFFF80  }
0x153: {  	_ =	swait.ge [sflag:s17], $0x80  }
0x154: {  	[sflag:s17] =	ssyncset.done $0x0  }
0x155: {  	[sflag:s17] =	ssyncadd.s32 $0xFFFFFF80  }
0x156: {  	_ =	swait.ge [sflag:s17], $0x80  }
0x157: {  	[sflag:s17] =	ssyncset.done $0x0  }
0x158: {  	[sflag:s17] =	ssyncadd.s32 $0xFFFFFF80  }
0x159: {  	_ =	swait.ge [sflag:s17], $0x80  }
0x15a: {  	[sflag:s17] =	ssyncset.done $0x0  }
0x15b: {  	[sflag:s17] =	ssyncadd.s32 $0xFFFFFF80  }
0x15c: {  	_ =	swait.ge [sflag:s17], $0x80  }
0x15d: {  	[sflag:s17] =	ssyncset.done $0x0  }
0x15e: {  	[sflag:s17] =	ssyncadd.s32 $0xFFFFFF80  }
0x15f: {  	_ =	swait.ge [sflag:s17], $0x80  }
0x160: {  	[sflag:s17] =	ssyncset.done $0x0  }
0x161: {  	[sflag:s17] =	ssyncadd.s32 $0xFFFFFF80  }
0x162: {  	_ =	swait.ge [sflag:s17], $0x80  }
0x163: {  	[sflag:s17] =	ssyncset.done $0x0  }
0x164: {  	s19 =	rddreg [dreg:$0x1c];
	[sflag:s17] =	ssyncadd.s32 $0xFFFFFF80  }
0x165: {  	[hbm4b:s19+s2] =	stream.linear.scatter [tilespmem:s20], [sflag:$0x2], $0x80, $0x38;
	[tilespmem:$0x2200] =	vst v63  }
0x166: {  	s18 =	sadd.s32 $0x80, s19  }
0x167: {  	[hbm4b:s18+s2] =	stream.linear.scatter [tilespmem:s21], [sflag:$0x2], $0x80, $0x38;
	[tilespmem:$0x2200] =	vst v63  }
0x168: {  	s18 =	sadd.s32 $0x100, s19  }
0x169: {  	[hbm4b:s18+s2] =	stream.linear.scatter [tilespmem:s22], [sflag:$0x2], $0x80, $0x38;
	[tilespmem:$0x2200] =	vst v63  }
0x16a: {  	s19 =	sadd.s32 $0x180, s19  }
0x16b: {  	[hbm4b:s19+s2] =	stream.linear.scatter [tilespmem:s23], [sflag:$0x2], $0x80, $0x38;
	[tilespmem:$0x2200] =	vst v63  }
0x16c: {  	_ =	swait.ge [sflag:s11], $0x200  }
0x16d: {  	[sflag:s11] =	ssyncset.done $0x0  }
0x16e: {  	s19 =	rddreg [dreg:$0x1d];
	[sflag:s11] =	ssyncadd.s32 $0xFFFFFE00  }
0x16f: {  	[hbm4b:s19+s2] =	stream.linear.scatter [tilespmem:s24], [sflag:$0x2], $0x80, $0x38;
	[tilespmem:$0x2200] =	vst v63  }
0x170: {  	s18 =	sadd.s32 $0x80, s19  }
0x171: {  	[hbm4b:s18+s2] =	stream.linear.scatter [tilespmem:s25], [sflag:$0x2], $0x80, $0x38;
	[tilespmem:$0x2200] =	vst v63  }
0x172: {  	s18 =	sadd.s32 $0x100, s19  }
0x173: {  	[hbm4b:s18+s2] =	stream.linear.scatter [tilespmem:s26], [sflag:$0x2], $0x80, $0x38;
	[tilespmem:$0x2200] =	vst v63  }
0x174: {  	s19 =	sadd.s32 $0x180, s19  }
0x175: {  	[hbm4b:s19+s2] =	stream.linear.scatter [tilespmem:s28], [sflag:$0x2], $0x80, $0x38;
	[tilespmem:$0x2200] =	vst v63  }
0x176: {  	_ =	swait.ge [sflag:s11], $0x200  }
0x177: {  	[sflag:s11] =	ssyncset.done $0x0  }
0x178: {  	s19 =	rddreg [dreg:$0x1e];
	[sflag:s11] =	ssyncadd.s32 $0xFFFFFE00  }
0x179: {  	[hbm4b:s19+s2] =	stream.linear.scatter [tilespmem:s29], [sflag:$0x2], $0x80, $0x38;
	[tilespmem:$0x2200] =	vst v63  }
0x17a: {  	s18 =	sadd.s32 $0x80, s19  }
0x17b: {  	[hbm4b:s18+s2] =	stream.linear.scatter [tilespmem:s30], [sflag:$0x2], $0x80, $0x38;
	[tilespmem:$0x2200] =	vst v63  }
0x17c: {  	s18 =	sadd.s32 $0x100, s19  }
0x17d: {  	[hbm4b:s18+s2] =	stream.linear.scatter [tilespmem:s31], [sflag:$0x2], $0x80, $0x38;
	[tilespmem:$0x2200] =	vst v63  }
0x17e: {  	s19 =	sadd.s32 $0x180, s19  }
0x17f: {  	[hbm4b:s19+s2] =	stream.linear.scatter [tilespmem:s1], [sflag:$0x2], $0x80, $0x38;
	[tilespmem:$0x2200] =	vst v63  }
0x180: {  	_ =	swait.ge [sflag:s11], $0x200  }
0x181: {  	[sflag:s11] =	ssyncset.done $0x0  }
0x182: {  	s1 =	rddreg [dreg:$0x1f];
	[sflag:s11] =	ssyncadd.s32 $0xFFFFFE00  }
0x183: {  	[hbm4b:s1+s2] =	stream.linear.scatter [tilespmem:s0], [sflag:$0x2], $0x80, $0x38;
	[tilespmem:$0x2200] =	vst v63  }
0x184: {  	s0 =	sadd.s32 $0x80, s1  }
0x185: {  	[hbm4b:s0+s2] =	stream.linear.scatter [tilespmem:s13], [sflag:$0x2], $0x80, $0x38;
	[tilespmem:$0x2200] =	vst v63  }
0x186: {  	s19 =	sadd.s32 $0x100, s1  }
0x187: {  	[hbm4b:s19+s2] =	stream.linear.scatter [tilespmem:s14], [sflag:$0x2], $0x80, $0x38;
	[tilespmem:$0x2200] =	vst v63  }
0x188: {  	s0 =	sadd.s32 $0x180, s1  }
0x189: {  	[hbm4b:s0+s2] =	stream.linear.scatter [tilespmem:s15], [sflag:$0x2], $0x80, $0x38;
	[tilespmem:$0x2200] =	vst v63  }
0x18a: {  	_ =	swait.ge [sflag:s11], $0x200  }
0x18b: {  	s0 =	sld [smem:$0x7FC]  }
0x18c: {  	[sflag:s11] =	ssyncset.done $0x0  }
0x18d: {  	[sflag:s11] =	ssyncadd.s32 $0xFFFFFE00  }
0x18e: {  	[hbm4b:s0+s2] =	stream.linear.scatter [tilespmem:s16], [sflag:$0x2], $0x80, $0x38;
	[tilespmem:$0x2200] =	vst v63  }
0x18f: {  	s1 =	sadd.s32 $0x80, s0  }
0x190: {  	[hbm4b:s1+s2] =	stream.linear.scatter [tilespmem:s4], [sflag:$0x2], $0x80, $0x38;
	[tilespmem:$0x2200] =	vst v63  }
0x191: {  	s19 =	sadd.s32 $0x100, s0  }
0x192: {  	[hbm4b:s19+s2] =	stream.linear.scatter [tilespmem:s5], [sflag:$0x2], $0x80, $0x38;
	[tilespmem:$0x2200] =	vst v63  }
0x193: {  	s0 =	sadd.s32 $0x180, s0  }
0x194: {  	[hbm4b:s0+s2] =	stream.linear.scatter [tilespmem:s6], [sflag:$0x2], $0x80, $0x38;
	[tilespmem:$0x2200] =	vst v63  }
0x195: {  	_ =	swait.ge [sflag:s11], $0x200  }
0x196: {  	s0 =	sld [smem:$0x7FD]  }
0x197: {  	[sflag:s11] =	ssyncset.done $0x0  }
0x198: {  	[sflag:s11] =	ssyncadd.s32 $0xFFFFFE00  }
0x199: {  	[hbm4b:s0+s2] =	stream.linear.scatter [tilespmem:s7], [sflag:$0x2], $0x80, $0x38;
	[tilespmem:$0x2200] =	vst v63  }
0x19a: {  	s1 =	sadd.s32 $0x80, s0  }
0x19b: {  	[hbm4b:s1+s2] =	stream.linear.scatter [tilespmem:s8], [sflag:$0x2], $0x80, $0x38;
	[tilespmem:$0x2200] =	vst v63  }
0x19c: {  	p0 =	sne.s32 s10, $0x1;
	s19 =	sadd.s32 $0x100, s0  }
0x19d: {  	[hbm4b:s19+s2] =	stream.linear.scatter [tilespmem:s9], [sflag:$0x2], $0x80, $0x38;
	[tilespmem:$0x2200] =	vst v63  }
.Ltmp0:
0x19e: {  	s1 =	sadd.s32 $0x180, s0;
	s19 =	simm.s32 $0x2080;
	(pc) =	sbr.rel @p0 .LBB2_1-.Ltmp0, $4  }
0x19f: {  	[hbm4b:s1+s2] =	stream.linear.scatter [tilespmem:s19], [sflag:$0x2], $0x80, $0x38;
	[tilespmem:$0x2200] =	vst v63  }
0x1a0: {  	_ =	swait.ge [sflag:s11], $0x200  }
0x1a1: {  	[sflag:s11] =	ssyncset.done $0x0  }
0x1a2: {  	s10 =	sadd.s32 $0xFFFFFFFF, s10;
	[sflag:s11] =	ssyncadd.s32 $0xFFFFFE00  }
0x1a3: {  	_ =	sfence.sel $0x180000  }
0x1a4: {  	[bflag:$0x0] =	sbarrier.arrive $0xFFFF  }
0x1a5: {  	_ =	strace $0x90000047  }
0x1a6: {  	s0 =	stileid.u32;
	[bflag:$0x2] =	sbarrier.arrive $0xFFFF  }
0x1a7: {  	p0 =	sne.s32 s0, $0x0;
	s0 =	rddreg [dreg:$0x2]  }
0x1a8: {  	s0 =	sadd.s32 @!p0 $0x100000, s0  }
0x1a9: {  	[sflag:s0] =	ssyncadd.tile.s32 @!p0 $0x1;
	_ =	shalt  }
.Lfunc_end2:
_tile_overlayer_lowered:
.L_overlay_start_2:
0x1aa: {  	(tag) =	ssettag $0x2  }
0x1ab: {  	s0 =	rddreg [dreg:$0x0];
	s2 =	stileid.u32  }
0x1ac: {  	s1 =	rddreg [dreg:$0x1];
	p0 =	sne.s32 s2, $0x0  }
0x1ad: {  	s3 =	rddreg [dreg:$0x2];
	[bflag:$0x3] =	sbarrier.arrive $0xFFFF;
	s2 =	simm.s32 @!p0 $0x1C02  }
0x1ae: {  	[timem:s3], [sflag:s2] =	dma.local @!p0 [hbm:s0], s1  }
0x1af: {  	s0 =	simm.s32 @!p0 $0x2  }
0x1b0: {  	_ =	swait.ge @!p0 [sflag:s0], s1  }
0x1b1: {  	s1 =	ssub.s32 @!p0 $0x0, s1;
	[sflag:s0] =	ssyncset.done @!p0 $0x0  }
0x1b2: {  	[sflag:s0] =	ssyncadd.s32 @!p0 s1  }
0x1b3: {  	[bflag:$0x3] =	sbarrier.arrive $0xFFFF  }
0x1b4: {  	_ =	shalt  }

</sc_bundles>
